<compile_context>
chip_gen: v7x
topology: tpu7x:2x2x1
jax: 0.10.2.dev20260603
libtpu: 0.0.44.dev20260713+nightly
codegen_flags: <defaults>
</compile_context>

<pallas_src>
import functools

import jax
import jax.numpy as jnp
from jax import lax
from jax.experimental import pallas as pl
from jax.experimental.pallas import tpu as pltpu
from jax.experimental.pallas import tpu_sc as plsc

_B, _N, _D = 8, 4096, 128
_S, _K = 1024, 32
_XP = 16
_M = _S * _K * (_D + 3)


def _fps_body(xyzT_ref, out_ref, nxyz_ref):
    x = xyzT_ref[0]
    y = xyzT_ref[1]
    z = xyzT_ref[2]
    lane = jax.lax.broadcasted_iota(jnp.int32, (_B, _N), 1)
    lane_s = jax.lax.broadcasted_iota(jnp.int32, (_B, _S), 1)
    out_ref[...] = jnp.zeros((_B, _S), jnp.int32)
    nxyz_ref[0] = jnp.zeros((_B, _S), jnp.float32)
    nxyz_ref[1] = jnp.zeros((_B, _S), jnp.float32)
    nxyz_ref[2] = jnp.zeros((_B, _S), jnp.float32)

    def step(i, carry):
        dist, far = carry
        out_ref[...] = out_ref[...] + jnp.where(lane_s == i, 1, 0) * far
        sel = lane == far
        cx = jnp.sum(jnp.where(sel, x, 0.0), axis=1, keepdims=True)
        cy = jnp.sum(jnp.where(sel, y, 0.0), axis=1, keepdims=True)
        cz = jnp.sum(jnp.where(sel, z, 0.0), axis=1, keepdims=True)
        hot = jnp.where(lane_s == i, 1.0, 0.0)
        nxyz_ref[0] = nxyz_ref[0] + hot * cx
        nxyz_ref[1] = nxyz_ref[1] + hot * cy
        nxyz_ref[2] = nxyz_ref[2] + hot * cz
        dx = x - cx
        dy = y - cy
        dz = z - cz
        d = (dx * dx + dy * dy) + dz * dz
        dist = jnp.minimum(dist, d)
        m = jnp.max(dist, axis=1, keepdims=True)
        far = jnp.min(jnp.where(dist == m, lane, _N), axis=1, keepdims=True)
        return dist, far.astype(jnp.int32)

    init = (
        jnp.full((_B, _N), 1e10, jnp.float32),
        jnp.zeros((_B, 1), jnp.int32),
    )
    jax.lax.fori_loop(0, _S, step, init)


def _fps(xyz):
    xyzT = jnp.transpose(xyz, (2, 0, 1))
    return pl.pallas_call(
        _fps_body,
        out_shape=(
            jax.ShapeDtypeStruct((_B, _S), jnp.int32),
            jax.ShapeDtypeStruct((3, _B, _S), jnp.float32),
        ),
    )(xyzT)


_SB = 128


def _knn_body(xyzT_ref, q_ref, idx_ref):
    px = xyzT_ref[0, 0]
    py = xyzT_ref[1, 0]
    pz = xyzT_ref[2, 0]
    qx = q_ref[0, 0, 0]
    qy = q_ref[1, 0, 0]
    qz = q_ref[2, 0, 0]
    bf = lambda v: v.astype(jnp.bfloat16).astype(jnp.float32)
    tx = bf(qx) * bf(px)
    ty = bf(qy) * bf(py)
    tz = bf(qz) * bf(pz)
    qn = (qx * qx + qy * qy) + qz * qz
    pn = (px * px + py * py) + pz * pz
    s1 = tx + ty
    bb = s1 - tx
    e1 = (tx - (s1 - bb)) + (ty - bb)
    s2 = s1 + tz
    bb2 = s2 - s1
    e2 = (s1 - (s2 - bb2)) + (tz - bb2)
    m3 = s2 + (e1 + e2)
    dist = (-2.0 * m3 + qn) + pn
    lane = jax.lax.broadcasted_iota(jnp.int32, (_SB, _N), 1)
    cols = []
    for _ in range(_K):
        m = jnp.min(dist, axis=1, keepdims=True)
        am = jnp.min(jnp.where(dist == m, lane, _N), axis=1, keepdims=True)
        cols.append(am)
        dist = jnp.where(lane == am, jnp.inf, dist)
    idx_ref[0, 0] = jnp.concatenate(cols, axis=1)


def _knn(xyz, nxyzT):
    xyzT = jnp.transpose(xyz, (2, 0, 1)).reshape(3, _B, 1, _N)
    q = nxyzT.reshape(3, _B, _S // _SB, _SB, 1)
    out = pl.pallas_call(
        _knn_body,
        grid=(_B, _S // _SB),
        in_specs=[
            pl.BlockSpec((3, 1, 1, _N), lambda b, s: (0, b, 0, 0)),
            pl.BlockSpec((3, 1, 1, _SB, 1), lambda b, s: (0, b, s, 0, 0)),
        ],
        out_specs=pl.BlockSpec((1, 1, _SB, _K), lambda b, s: (b, s, 0, 0)),
        out_shape=jax.ShapeDtypeStruct((_B, _S // _SB, _SB, _K), jnp.int32),
    )(xyzT, q)
    return out.reshape(_B, _S, _K)


_NW = 32
_SPW = _S * _B // _NW
_GS = 4
_NCH = _SPW // _GS


def _sc_gather(points, xyzp, idx, fps_idx):
    info = plsc.get_sparse_core_info()
    nc = info.num_cores

    mesh = plsc.VectorSubcoreMesh(core_axis_name="c", subcore_axis_name="s")

    @functools.partial(
        pl.kernel,
        mesh=mesh,
        compiler_params=pltpu.CompilerParams(use_tc_tiling_on_sc=False),
        out_type=(
            jax.ShapeDtypeStruct((_B, _S, _K, _D), jnp.float32),
            jax.ShapeDtypeStruct((_B, _S, _K, _XP), jnp.float32),
            jax.ShapeDtypeStruct((_B, _S, _D), jnp.float32),
            jax.ShapeDtypeStruct((_B, _S, _XP), jnp.float32),
        ),
        scratch_types=[
            pltpu.VMEM((_SPW, _K), jnp.int32),
            pltpu.VMEM((2, _SPW // 2), jnp.int32),
            pltpu.VMEM((_SPW, _D), jnp.float32),
            pltpu.VMEM((_SPW, _XP), jnp.float32),
            pltpu.VMEM((2, _GS, _K, _D), jnp.float32),
            pltpu.VMEM((2, _GS, _K, _XP), jnp.float32),
            pltpu.SemaphoreType.DMA,
            pltpu.SemaphoreType.DMA,
            pltpu.SemaphoreType.DMA,
            pltpu.SemaphoreType.DMA,
            pltpu.SemaphoreType.DMA,
        ],
    )
    def k(points_hbm, xyzp_hbm, idx_hbm, fps_hbm,
          rawp_hbm, rawx_hbm, meanp_hbm, meanx_hbm,
          idxbuf, fpsbuf, mpbuf, mxbuf, pbuf, xbuf,
          msem, gsem0, gsem1, wsem0, wsem1):
        wid = lax.axis_index("s") * nc + lax.axis_index("c")
        b = wid // (_NW // _B)
        s0 = (wid % (_NW // _B)) * _SPW

        pltpu.sync_copy(idx_hbm.at[b, pl.ds(s0, _SPW)], idxbuf)
        for h in range(2):
            pltpu.sync_copy(
                fps_hbm.at[b, pl.ds(s0 + h * (_SPW // 2), _SPW // 2)],
                fpsbuf.at[h],
            )
        for h in range(2):
            pltpu.make_async_copy(
                points_hbm.at[b].at[fpsbuf.at[h]],
                mpbuf.at[pl.ds(h * (_SPW // 2), _SPW // 2)],
                msem,
            ).start()
            pltpu.make_async_copy(
                xyzp_hbm.at[b].at[fpsbuf.at[h]],
                mxbuf.at[pl.ds(h * (_SPW // 2), _SPW // 2)],
                msem,
            ).start()
        for h in range(2):
            pltpu.make_async_copy(
                points_hbm.at[b].at[fpsbuf.at[h]],
                mpbuf.at[pl.ds(h * (_SPW // 2), _SPW // 2)],
                msem,
            ).wait()
            pltpu.make_async_copy(
                xyzp_hbm.at[b].at[fpsbuf.at[h]],
                mxbuf.at[pl.ds(h * (_SPW // 2), _SPW // 2)],
                msem,
            ).wait()
        pltpu.sync_copy(mpbuf, meanp_hbm.at[b, pl.ds(s0, _SPW)])
        pltpu.sync_copy(mxbuf, meanx_hbm.at[b, pl.ds(s0, _SPW)])

        gsem = (gsem0, gsem1)
        wsem = (wsem0, wsem1)

        def g_copies(c, par):
            cps = []
            for t in range(_GS):
                j = c * _GS + t
                cps.append(pltpu.make_async_copy(
                    points_hbm.at[b].at[idxbuf.at[j]], pbuf.at[par, t],
                    gsem[par]))
                cps.append(pltpu.make_async_copy(
                    xyzp_hbm.at[b].at[idxbuf.at[j]], xbuf.at[par, t],
                    gsem[par]))
            return cps

        def w_copies(c, par):
            cps = []
            for t in range(_GS):
                s = s0 + c * _GS + t
                cps.append(pltpu.make_async_copy(
                    pbuf.at[par, t], rawp_hbm.at[b, s], wsem[par]))
                cps.append(pltpu.make_async_copy(
                    xbuf.at[par, t], rawx_hbm.at[b, s], wsem[par]))
            return cps

        for cp in g_copies(0, 0):
            cp.start()
        for cp in g_copies(1, 1):
            cp.start()

        def body(c2, carry):
            for par in range(2):
                c = 2 * c2 + par
                for cp in g_copies(c, par):
                    cp.wait()
                for cp in w_copies(c, par):
                    cp.start()

                @pl.when(c + 2 < _NCH)
                def _():
                    for cp in w_copies(c, par):
                        cp.wait()
                    for cp in g_copies(c + 2, par):
                        cp.start()
            return carry

        lax.fori_loop(0, _NCH // 2, body, 0)
        for par in range(2):
            for cp in w_copies(_NCH - 2 + par, par):
                cp.wait()

    return k(points, xyzp, idx, fps_idx)


_SBC = 64


def _sums_body(rawp_ref, rawx_ref, mp_ref, mx_ref,
               svp_ref, sqp_ref, svx_ref, sqx_ref):
    s = pl.program_id(1)

    @pl.when(s == 0)
    def _():
        svp_ref[...] = jnp.zeros((1, 1, _D), jnp.float32)
        sqp_ref[...] = jnp.zeros((1, 1, _D), jnp.float32)
        svx_ref[...] = jnp.zeros((1, 1, _XP), jnp.float32)
        sqx_ref[...] = jnp.zeros((1, 1, _XP), jnp.float32)

    vp = rawp_ref[0] - mp_ref[0][:, None, :]
    vx = rawx_ref[0] - mx_ref[0][:, None, :]
    svp_ref[...] += jnp.sum(vp, axis=(0, 1)).reshape(1, 1, _D)
    sqp_ref[...] += jnp.sum(vp * vp, axis=(0, 1)).reshape(1, 1, _D)
    svx_ref[...] += jnp.sum(vx, axis=(0, 1)).reshape(1, 1, _XP)
    sqx_ref[...] += jnp.sum(vx * vx, axis=(0, 1)).reshape(1, 1, _XP)


def _sums(rawp, rawx, meanp, meanx):
    return pl.pallas_call(
        _sums_body,
        grid=(_B, _S // _SBC),
        in_specs=[
            pl.BlockSpec((1, _SBC, _K, _D), lambda b, s: (b, s, 0, 0)),
            pl.BlockSpec((1, _SBC, _K, _XP), lambda b, s: (b, s, 0, 0)),
            pl.BlockSpec((1, _SBC, _D), lambda b, s: (b, s, 0)),
            pl.BlockSpec((1, _SBC, _XP), lambda b, s: (b, s, 0)),
        ],
        out_specs=[
            pl.BlockSpec((1, 1, _D), lambda b, s: (b, 0, 0)),
            pl.BlockSpec((1, 1, _D), lambda b, s: (b, 0, 0)),
            pl.BlockSpec((1, 1, _XP), lambda b, s: (b, 0, 0)),
            pl.BlockSpec((1, 1, _XP), lambda b, s: (b, 0, 0)),
        ],
        out_shape=[
            jax.ShapeDtypeStruct((_B, 1, _D), jnp.float32),
            jax.ShapeDtypeStruct((_B, 1, _D), jnp.float32),
            jax.ShapeDtypeStruct((_B, 1, _XP), jnp.float32),
            jax.ShapeDtypeStruct((_B, 1, _XP), jnp.float32),
        ],
    )(rawp, rawx, meanp, meanx)


_SBN = 32


def _fin_body(rawp_ref, rawx_ref, mp_ref, mx_ref,
              svp_ref, sqp_ref, svx_ref, sqx_ref,
              ap_ref, ax_ref, bp_ref, bx_ref, out_ref):
    sv = jnp.sum(svp_ref[0]) + jnp.sum(svx_ref[0])
    sq = jnp.sum(sqp_ref[0]) + jnp.sum(sqx_ref[0])
    mf = jnp.float32(_M)
    var = (sq - sv * sv / mf) / (mf - 1.0)
    inv = 1.0 / (jnp.sqrt(var) + 1e-05)

    mp = mp_ref[0][:, None, :]
    vp = (rawp_ref[0] - mp) * inv
    p_part = ap_ref[0][None, None, :] * vp + bp_ref[0][None, None, :]
    vx = (rawx_ref[0] - mx_ref[0][:, None, :]) * inv
    x_part = ax_ref[0][None, None, :] * vx + bx_ref[0][None, None, :]
    rep = jnp.broadcast_to(mp, (_SBN, _K, _D))
    out_ref[0] = jnp.concatenate([p_part, x_part[:, :, :3], rep], axis=-1)


def _finalize(rawp, rawx, meanp, meanx, sums, alpha, beta):
    svp, sqp, svx, sqx = sums
    ap = alpha.reshape(-1)[: _D].reshape(1, _D)
    ax = jnp.pad(alpha.reshape(-1)[_D:], (0, _XP - 3)).reshape(1, _XP)
    bp = beta.reshape(-1)[: _D].reshape(1, _D)
    bx = jnp.pad(beta.reshape(-1)[_D:], (0, _XP - 3)).reshape(1, _XP)
    cst = lambda blk: pl.BlockSpec(blk, lambda b, s: (0,) * len(blk))
    per_b = lambda blk: pl.BlockSpec(blk, lambda b, s: (b, 0, 0))
    return pl.pallas_call(
        _fin_body,
        grid=(_B, _S // _SBN),
        in_specs=[
            pl.BlockSpec((1, _SBN, _K, _D), lambda b, s: (b, s, 0, 0)),
            pl.BlockSpec((1, _SBN, _K, _XP), lambda b, s: (b, s, 0, 0)),
            pl.BlockSpec((1, _SBN, _D), lambda b, s: (b, s, 0)),
            pl.BlockSpec((1, _SBN, _XP), lambda b, s: (b, s, 0)),
            per_b((1, 1, _D)), per_b((1, 1, _D)),
            per_b((1, 1, _XP)), per_b((1, 1, _XP)),
            cst((1, _D)), cst((1, _XP)), cst((1, _D)), cst((1, _XP)),
        ],
        out_specs=pl.BlockSpec((1, _SBN, _K, 2 * _D + 3),
                               lambda b, s: (b, s, 0, 0)),
        out_shape=jax.ShapeDtypeStruct((_B, _S, _K, 2 * _D + 3), jnp.float32),
    )(rawp, rawx, meanp, meanx, svp, sqp, svx, sqx, ap, ax, bp, bx)


def kernel(xyz, points, affine_alpha, affine_beta):
    fps_idx, nxyzT = _fps(xyz)
    new_xyz = jnp.transpose(nxyzT, (1, 2, 0))
    idx = _knn(xyz, nxyzT)
    xyzp = jnp.pad(xyz, ((0, 0), (0, 0), (0, _XP - 3)))
    rawp, rawx, meanp, meanx = _sc_gather(points, xyzp, idx, fps_idx)
    sums = _sums(rawp, rawx, meanp, meanx)
    out = _finalize(rawp, rawx, meanp, meanx, sums, affine_alpha, affine_beta)
    return (new_xyz, out)

# --- scband reference (transcript-rebuilt; emitter-appended) ---
"""Pipeline reference for scband-local-grouper-9242769621759 (READ-ONLY COPY).

The authoritative reference and input builder live on the scoring server;
editing this copy changes nothing except your own understanding.
"""

import jax, jax.numpy as jnp
import numpy as np

B, N, D = 8, 4096, 128
S, K = 1024, 32


def index_points(points, idx):
    # points: [B, N, C]; idx: [B, ...] -> [B, ..., C]
    return jax.vmap(lambda p, i: p[i])(points, idx)


def square_distance(src, dst):
    dist = -2.0 * jnp.matmul(src, jnp.swapaxes(dst, 1, 2))
    dist = dist + jnp.sum(src ** 2, -1)[:, :, None]
    dist = dist + jnp.sum(dst ** 2, -1)[:, None, :]
    return dist


def farthest_point_sample(xyz, npoint):
    b, n, _ = xyz.shape

    def body(i, state):
        centroids, distance, farthest = state
        centroids = centroids.at[:, i].set(farthest)
        centroid = jnp.take_along_axis(xyz, farthest[:, None, None], axis=1)  # [B,1,3]
        d = jnp.sum((xyz - centroid) ** 2, -1)
        distance = jnp.minimum(distance, d)
        farthest = jnp.argmax(distance, axis=-1).astype(jnp.int32)
        return (centroids, distance, farthest)

    init = (jnp.zeros((b, npoint), jnp.int32),
            jnp.full((b, n), 1e10, jnp.float32),
            jnp.zeros((b,), jnp.int32))
    centroids, _, _ = jax.lax.fori_loop(0, npoint, body, init)
    return centroids


def knn_point(nsample, xyz, new_xyz):
    sqrdists = square_distance(new_xyz, xyz)  # [B, S, N]
    _, group_idx = jax.lax.top_k(-sqrdists, nsample)
    return group_idx


def setup_inputs(seed: int = 0) -> dict:
    key = jax.random.key(seed)
    k1, k2 = jax.random.split(key)
    xyz = jax.random.normal(k1, (B, N, 3), dtype=jnp.float32)
    points = jax.random.normal(k2, (B, N, D), dtype=jnp.float32)
    affine_alpha = jnp.ones((1, 1, 1, D + 3), dtype=jnp.float32)
    affine_beta = jnp.zeros((1, 1, 1, D + 3), dtype=jnp.float32)
    return {"xyz": xyz, "points": points, "affine_alpha": affine_alpha, "affine_beta": affine_beta}


def reference(xyz, points, affine_alpha, affine_beta):
    b = xyz.shape[0]
    fps_idx = farthest_point_sample(jax.lax.stop_gradient(xyz), S)  # [B, S]
    new_xyz = index_points(xyz, fps_idx)        # [B, S, 3]
    new_points = index_points(points, fps_idx)  # [B, S, D]
    idx = knn_point(K, xyz, new_xyz)            # [B, S, K]
    grouped_xyz = index_points(xyz, idx)        # [B, S, K, 3]
    grouped_points = index_points(points, idx)  # [B, S, K, D]
    grouped_points = jnp.concatenate([grouped_points, grouped_xyz], axis=-1)  # use_xyz=True -> [B,S,K,D+3]
    # normalize == 'anchor'
    mean = jnp.concatenate([new_points, new_xyz], axis=-1)[:, :, None, :]  # [B,S,1,D+3]
    std = jnp.std((grouped_points - mean).reshape(b, -1), axis=-1, ddof=1)[:, None, None, None]
    grouped_points = (grouped_points - mean) / (std + 1e-05)
    grouped_points = affine_alpha * grouped_points + affine_beta
    rep = jnp.broadcast_to(new_points[:, :, None, :], (b, S, K, points.shape[-1]))
    new_points_out = jnp.concatenate([grouped_points, rep], axis=-1)  # [B,S,K,2D+3]
    return (new_xyz, new_points_out)

if __name__ == "__main__":
    import jax
    _d = setup_inputs()
    print(jax.jit(kernel)(*tuple(_d.values())))

</pallas_src>

<mosaic_0001>
#map = affine_map<(d0, d1) -> (0, 0, 0)>
#map1 = affine_map<(d0, d1) -> (0, 0)>
#map2 = affine_map<(d0, d1) -> (0, 0, 0, 0)>
module attributes {stable_mosaic.version = 14 : i64} {
  func.func @k(%arg0: i32, %arg1: i32, %arg2: memref<8x4096x128xf32, #tpu.memory_space<hbm>>, %arg3: memref<8x4096x16xf32, #tpu.memory_space<hbm>>, %arg4: memref<8x1024x32xi32, #tpu.memory_space<hbm>>, %arg5: memref<8x1024xi32, #tpu.memory_space<hbm>>, %arg6: memref<8x1024x32x128xf32, #tpu.memory_space<hbm>>, %arg7: memref<8x1024x32x16xf32, #tpu.memory_space<hbm>>, %arg8: memref<8x1024x128xf32, #tpu.memory_space<hbm>>, %arg9: memref<8x1024x16xf32, #tpu.memory_space<hbm>>, %arg10: memref<256x32xi32, #tpu.memory_space<vmem>>, %arg11: memref<2x128xi32, #tpu.memory_space<vmem>>, %arg12: memref<256x128xf32, #tpu.memory_space<vmem>>, %arg13: memref<256x16xf32, #tpu.memory_space<vmem>>, %arg14: memref<2x4x32x128xf32, #tpu.memory_space<vmem>>, %arg15: memref<2x4x32x16xf32, #tpu.memory_space<vmem>>, %arg16: memref<!tpu.dma_semaphore, #tpu.memory_space<semaphore_mem>>, %arg17: memref<!tpu.dma_semaphore, #tpu.memory_space<semaphore_mem>>, %arg18: memref<!tpu.dma_semaphore, #tpu.memory_space<semaphore_mem>>, %arg19: memref<!tpu.dma_semaphore, #tpu.memory_space<semaphore_mem>>, %arg20: memref<!tpu.dma_semaphore, #tpu.memory_space<semaphore_mem>>) attributes {dimension_semantics = [#tpu.dimension_semantics<core_parallel>, #tpu.dimension_semantics<subcore_parallel>], iteration_bounds = array<i64: 2, 16>, scalar_prefetch = 0 : i64, scratch_operands = 11 : i64, tpu.core_type = #tpu.core_type<sc_vector_subcore>, window_params = [{transform_indices = #map}, {transform_indices = #map}, {transform_indices = #map}, {transform_indices = #map1}, {transform_indices = #map2}, {transform_indices = #map2}, {transform_indices = #map}, {transform_indices = #map}]} {
    %mul3A = arith.constant 2 : i32
    %mul3A_0 = arith.muli %arg1, %mul3A : i32
    %add3A = arith.addi %mul3A_0, %arg0 : i32
    %jit3A = arith.constant 4 : i32
    %div3A = arith.divsi %add3A, %jit3A : i32
    %sign3A = arith.constant 0 : i32
    %sign3A_1 = arith.cmpi sgt, %add3A, %sign3A : i32
    %sign3A_2 = arith.extui %sign3A_1 : i1 to i32
    %sign3A_3 = arith.constant 0 : i32
    %sign3A_4 = arith.cmpi slt, %add3A, %sign3A_3 : i32
    %sign3A_5 = arith.extui %sign3A_4 : i1 to i32
    %sign3A_6 = arith.subi %sign3A_2, %sign3A_5 : i32
    %sign3A_7 = arith.constant 0 : i32
    %sign3A_8 = arith.cmpi sgt, %jit3A, %sign3A_7 : i32
    %sign3A_9 = arith.extui %sign3A_8 : i1 to i32
    %sign3A_10 = arith.constant 0 : i32
    %sign3A_11 = arith.cmpi slt, %jit3A, %sign3A_10 : i32
    %sign3A_12 = arith.extui %sign3A_11 : i1 to i32
    %sign3A_13 = arith.subi %sign3A_9, %sign3A_12 : i32
    %ne3A = arith.cmpi ne, %sign3A_6, %sign3A_13 : i32
    %rem3A = arith.remsi %add3A, %jit3A : i32
    %ne3A_14 = arith.constant 0 : i32
    %ne3A_15 = arith.cmpi ne, %rem3A, %ne3A_14 : i32
    %and3A = arith.andi %ne3A, %ne3A_15 : i1
    %sub3A = arith.constant 1 : i32
    %sub3A_16 = arith.subi %div3A, %sub3A : i32
    %select_n3A = arith.select %and3A, %sub3A_16, %div3A : i32
    %jit3A_17 = arith.constant 4 : i32
    %eq3A = arith.constant 0 : i32
    %eq3A_18 = arith.cmpi eq, %jit3A_17, %eq3A : i32
    %jit3A_19 = arith.constant 1 : i32
    %select_n3A_20 = arith.select %eq3A_18, %jit3A_19, %jit3A_17 : i32
    %rem3A_21 = arith.remsi %add3A, %select_n3A_20 : i32
    %ne3A_22 = arith.constant 0 : i32
    %ne3A_23 = arith.cmpi ne, %rem3A_21, %ne3A_22 : i32
    %lt3A = arith.constant 0 : i32
    %lt3A_24 = arith.cmpi slt, %rem3A_21, %lt3A : i32
    %lt3A_25 = arith.constant 0 : i32
    %lt3A_26 = arith.cmpi slt, %select_n3A_20, %lt3A_25 : i32
    %ne3A_27 = arith.xori %lt3A_24, %lt3A_26 : i1
    %and3A_28 = arith.andi %ne3A_27, %ne3A_23 : i1
    %add3A_29 = arith.addi %rem3A_21, %select_n3A_20 : i32
    %select_n3A_30 = arith.select %and3A_28, %add3A_29, %rem3A_21 : i32
    %mul3A_31 = arith.constant 256 : i32
    %mul3A_32 = arith.muli %select_n3A_30, %mul3A_31 : i32
    "tpu.region"() ({
      %run_scoped3A_745 = tpu.sem_alloc : memref<!tpu.dma_semaphore, #tpu.memory_space<semaphore_mem>>
      %dma_start3A_746 = arith.constant 0 : i32
      %dma_start3A_747 = tpu.memref_slice %arg4[%select_n3A, %mul3A_32, %dma_start3A_746] : memref<8x1024x32xi32, #tpu.memory_space<hbm>> -> memref<1x256x32xi32, #tpu.memory_space<hbm>>
      %dma_start3A_748 = tpu.memref_squeeze %dma_start3A_747 : memref<1x256x32xi32, #tpu.memory_space<hbm>> -> memref<256x32xi32, #tpu.memory_space<hbm>>
      %dma_start3A_749 = arith.constant 0 : i32
      %dma_start3A_750 = tpu.memref_slice %arg4[%select_n3A, %mul3A_32, %dma_start3A_749] : memref<8x1024x32xi32, #tpu.memory_space<hbm>> -> memref<1x256x32xi32, #tpu.memory_space<hbm>>
      %dma_start3A_751 = tpu.memref_squeeze %dma_start3A_750 : memref<1x256x32xi32, #tpu.memory_space<hbm>> -> memref<256x32xi32, #tpu.memory_space<hbm>>
      tpu.enqueue_dma source(%dma_start3A_751 : memref<256x32xi32, #tpu.memory_space<hbm>>) target(%arg10 : memref<256x32xi32, #tpu.memory_space<vmem>>) target_semaphore(%run_scoped3A_745 : memref<!tpu.dma_semaphore, #tpu.memory_space<semaphore_mem>>)
      %dma_wait3A_752 = arith.constant 0 : i32
      %dma_wait3A_753 = tpu.memref_slice %arg4[%select_n3A, %mul3A_32, %dma_wait3A_752] : memref<8x1024x32xi32, #tpu.memory_space<hbm>> -> memref<1x256x32xi32, #tpu.memory_space<hbm>>
      %dma_wait3A_754 = tpu.memref_squeeze %dma_wait3A_753 : memref<1x256x32xi32, #tpu.memory_space<hbm>> -> memref<256x32xi32, #tpu.memory_space<hbm>>
      %dma_wait3A_755 = arith.constant 0 : i32
      %dma_wait3A_756 = tpu.memref_slice %arg4[%select_n3A, %mul3A_32, %dma_wait3A_755] : memref<8x1024x32xi32, #tpu.memory_space<hbm>> -> memref<1x256x32xi32, #tpu.memory_space<hbm>>
      %dma_wait3A_757 = tpu.memref_squeeze %dma_wait3A_756 : memref<1x256x32xi32, #tpu.memory_space<hbm>> -> memref<256x32xi32, #tpu.memory_space<hbm>>
      tpu.wait_dma2 semaphore(%run_scoped3A_745 : memref<!tpu.dma_semaphore, #tpu.memory_space<semaphore_mem>>) src(%dma_wait3A_757 : memref<256x32xi32, #tpu.memory_space<hbm>>) dst(%arg10 : memref<256x32xi32, #tpu.memory_space<vmem>>)
      tpu.yield
    }) : () -> ()
    %add3A_33 = arith.constant 0 : i32
    %add3A_34 = arith.addi %mul3A_32, %add3A_33 : i32
    %run_scoped3A = arith.constant 0 : i32
    "tpu.region"() ({
      %run_scoped3A_745 = tpu.sem_alloc : memref<!tpu.dma_semaphore, #tpu.memory_space<semaphore_mem>>
      %dma_start3A_746 = arith.constant 0 : i32
      %dma_start3A_747 = tpu.memref_slice %arg11[%run_scoped3A, %dma_start3A_746] : memref<2x128xi32, #tpu.memory_space<vmem>> -> memref<1x128xi32, #tpu.memory_space<vmem>>
      %dma_start3A_748 = tpu.memref_squeeze %dma_start3A_747 : memref<1x128xi32, #tpu.memory_space<vmem>> -> memref<128xi32, #tpu.memory_space<vmem>>
      %dma_start3A_749 = tpu.memref_slice %arg5[%select_n3A, %add3A_34] : memref<8x1024xi32, #tpu.memory_space<hbm>> -> memref<1x128xi32, #tpu.memory_space<hbm>>
      %dma_start3A_750 = tpu.memref_squeeze %dma_start3A_749 : memref<1x128xi32, #tpu.memory_space<hbm>> -> memref<128xi32, #tpu.memory_space<hbm>>
      %dma_start3A_751 = arith.constant 0 : i32
      %dma_start3A_752 = tpu.memref_slice %arg11[%run_scoped3A, %dma_start3A_751] : memref<2x128xi32, #tpu.memory_space<vmem>> -> memref<1x128xi32, #tpu.memory_space<vmem>>
      %dma_start3A_753 = tpu.memref_squeeze %dma_start3A_752 : memref<1x128xi32, #tpu.memory_space<vmem>> -> memref<128xi32, #tpu.memory_space<vmem>>
      %dma_start3A_754 = tpu.memref_slice %arg5[%select_n3A, %add3A_34] : memref<8x1024xi32, #tpu.memory_space<hbm>> -> memref<1x128xi32, #tpu.memory_space<hbm>>
      %dma_start3A_755 = tpu.memref_squeeze %dma_start3A_754 : memref<1x128xi32, #tpu.memory_space<hbm>> -> memref<128xi32, #tpu.memory_space<hbm>>
      tpu.enqueue_dma source(%dma_start3A_755 : memref<128xi32, #tpu.memory_space<hbm>>) target(%dma_start3A_753 : memref<128xi32, #tpu.memory_space<vmem>>) target_semaphore(%run_scoped3A_745 : memref<!tpu.dma_semaphore, #tpu.memory_space<semaphore_mem>>)
      %dma_wait3A_756 = arith.constant 0 : i32
      %dma_wait3A_757 = tpu.memref_slice %arg11[%run_scoped3A, %dma_wait3A_756] : memref<2x128xi32, #tpu.memory_space<vmem>> -> memref<1x128xi32, #tpu.memory_space<vmem>>
      %dma_wait3A_758 = tpu.memref_squeeze %dma_wait3A_757 : memref<1x128xi32, #tpu.memory_space<vmem>> -> memref<128xi32, #tpu.memory_space<vmem>>
      %dma_wait3A_759 = tpu.memref_slice %arg5[%select_n3A, %add3A_34] : memref<8x1024xi32, #tpu.memory_space<hbm>> -> memref<1x128xi32, #tpu.memory_space<hbm>>
      %dma_wait3A_760 = tpu.memref_squeeze %dma_wait3A_759 : memref<1x128xi32, #tpu.memory_space<hbm>> -> memref<128xi32, #tpu.memory_space<hbm>>
      %dma_wait3A_761 = arith.constant 0 : i32
      %dma_wait3A_762 = tpu.memref_slice %arg11[%run_scoped3A, %dma_wait3A_761] : memref<2x128xi32, #tpu.memory_space<vmem>> -> memref<1x128xi32, #tpu.memory_space<vmem>>
      %dma_wait3A_763 = tpu.memref_squeeze %dma_wait3A_762 : memref<1x128xi32, #tpu.memory_space<vmem>> -> memref<128xi32, #tpu.memory_space<vmem>>
      %dma_wait3A_764 = tpu.memref_slice %arg5[%select_n3A, %add3A_34] : memref<8x1024xi32, #tpu.memory_space<hbm>> -> memref<1x128xi32, #tpu.memory_space<hbm>>
      %dma_wait3A_765 = tpu.memref_squeeze %dma_wait3A_764 : memref<1x128xi32, #tpu.memory_space<hbm>> -> memref<128xi32, #tpu.memory_space<hbm>>
      tpu.wait_dma2 semaphore(%run_scoped3A_745 : memref<!tpu.dma_semaphore, #tpu.memory_space<semaphore_mem>>) src(%dma_wait3A_765 : memref<128xi32, #tpu.memory_space<hbm>>) dst(%dma_wait3A_763 : memref<128xi32, #tpu.memory_space<vmem>>)
      tpu.yield
    }) : () -> ()
    %add3A_35 = arith.constant 128 : i32
    %add3A_36 = arith.addi %mul3A_32, %add3A_35 : i32
    %run_scoped3A_37 = arith.constant 1 : i32
    "tpu.region"() ({
      %run_scoped3A_745 = tpu.sem_alloc : memref<!tpu.dma_semaphore, #tpu.memory_space<semaphore_mem>>
      %dma_start3A_746 = arith.constant 0 : i32
      %dma_start3A_747 = tpu.memref_slice %arg11[%run_scoped3A_37, %dma_start3A_746] : memref<2x128xi32, #tpu.memory_space<vmem>> -> memref<1x128xi32, #tpu.memory_space<vmem>>
      %dma_start3A_748 = tpu.memref_squeeze %dma_start3A_747 : memref<1x128xi32, #tpu.memory_space<vmem>> -> memref<128xi32, #tpu.memory_space<vmem>>
      %dma_start3A_749 = tpu.memref_slice %arg5[%select_n3A, %add3A_36] : memref<8x1024xi32, #tpu.memory_space<hbm>> -> memref<1x128xi32, #tpu.memory_space<hbm>>
      %dma_start3A_750 = tpu.memref_squeeze %dma_start3A_749 : memref<1x128xi32, #tpu.memory_space<hbm>> -> memref<128xi32, #tpu.memory_space<hbm>>
      %dma_start3A_751 = arith.constant 0 : i32
      %dma_start3A_752 = tpu.memref_slice %arg11[%run_scoped3A_37, %dma_start3A_751] : memref<2x128xi32, #tpu.memory_space<vmem>> -> memref<1x128xi32, #tpu.memory_space<vmem>>
      %dma_start3A_753 = tpu.memref_squeeze %dma_start3A_752 : memref<1x128xi32, #tpu.memory_space<vmem>> -> memref<128xi32, #tpu.memory_space<vmem>>
      %dma_start3A_754 = tpu.memref_slice %arg5[%select_n3A, %add3A_36] : memref<8x1024xi32, #tpu.memory_space<hbm>> -> memref<1x128xi32, #tpu.memory_space<hbm>>
      %dma_start3A_755 = tpu.memref_squeeze %dma_start3A_754 : memref<1x128xi32, #tpu.memory_space<hbm>> -> memref<128xi32, #tpu.memory_space<hbm>>
      tpu.enqueue_dma source(%dma_start3A_755 : memref<128xi32, #tpu.memory_space<hbm>>) target(%dma_start3A_753 : memref<128xi32, #tpu.memory_space<vmem>>) target_semaphore(%run_scoped3A_745 : memref<!tpu.dma_semaphore, #tpu.memory_space<semaphore_mem>>)
      %dma_wait3A_756 = arith.constant 0 : i32
      %dma_wait3A_757 = tpu.memref_slice %arg11[%run_scoped3A_37, %dma_wait3A_756] : memref<2x128xi32, #tpu.memory_space<vmem>> -> memref<1x128xi32, #tpu.memory_space<vmem>>
      %dma_wait3A_758 = tpu.memref_squeeze %dma_wait3A_757 : memref<1x128xi32, #tpu.memory_space<vmem>> -> memref<128xi32, #tpu.memory_space<vmem>>
      %dma_wait3A_759 = tpu.memref_slice %arg5[%select_n3A, %add3A_36] : memref<8x1024xi32, #tpu.memory_space<hbm>> -> memref<1x128xi32, #tpu.memory_space<hbm>>
      %dma_wait3A_760 = tpu.memref_squeeze %dma_wait3A_759 : memref<1x128xi32, #tpu.memory_space<hbm>> -> memref<128xi32, #tpu.memory_space<hbm>>
      %dma_wait3A_761 = arith.constant 0 : i32
      %dma_wait3A_762 = tpu.memref_slice %arg11[%run_scoped3A_37, %dma_wait3A_761] : memref<2x128xi32, #tpu.memory_space<vmem>> -> memref<1x128xi32, #tpu.memory_space<vmem>>
      %dma_wait3A_763 = tpu.memref_squeeze %dma_wait3A_762 : memref<1x128xi32, #tpu.memory_space<vmem>> -> memref<128xi32, #tpu.memory_space<vmem>>
      %dma_wait3A_764 = tpu.memref_slice %arg5[%select_n3A, %add3A_36] : memref<8x1024xi32, #tpu.memory_space<hbm>> -> memref<1x128xi32, #tpu.memory_space<hbm>>
      %dma_wait3A_765 = tpu.memref_squeeze %dma_wait3A_764 : memref<1x128xi32, #tpu.memory_space<hbm>> -> memref<128xi32, #tpu.memory_space<hbm>>
      tpu.wait_dma2 semaphore(%run_scoped3A_745 : memref<!tpu.dma_semaphore, #tpu.memory_space<semaphore_mem>>) src(%dma_wait3A_765 : memref<128xi32, #tpu.memory_space<hbm>>) dst(%dma_wait3A_763 : memref<128xi32, #tpu.memory_space<vmem>>)
      tpu.yield
    }) : () -> ()
    %dma_start3A = arith.constant 0 : i32
    %dma_start3A_38 = arith.constant 0 : i32
    %dma_start3A_39 = arith.constant 0 : i32
    %dma_start3A_40 = tpu.memref_slice %arg12[%dma_start3A_38, %dma_start3A_39] : memref<256x128xf32, #tpu.memory_space<vmem>> -> memref<128x128xf32, #tpu.memory_space<vmem>>
    %dma_start3A_41 = arith.constant 0 : i32
    %dma_start3A_42 = tpu.memref_slice %arg11[%dma_start3A, %dma_start3A_41] : memref<2x128xi32, #tpu.memory_space<vmem>> -> memref<1x128xi32, #tpu.memory_space<vmem>>
    %dma_start3A_43 = tpu.memref_squeeze %dma_start3A_42 : memref<1x128xi32, #tpu.memory_space<vmem>> -> memref<128xi32, #tpu.memory_space<vmem>>
    %dma_start3A_44 = arith.constant 0 : i32
    %dma_start3A_45 = arith.constant 0 : i32
    %dma_start3A_46 = tpu.memref_slice %arg2[%select_n3A, %dma_start3A_44, %dma_start3A_45] : memref<8x4096x128xf32, #tpu.memory_space<hbm>> -> memref<1x4096x128xf32, #tpu.memory_space<hbm>>
    %dma_start3A_47 = tpu.memref_squeeze %dma_start3A_46 : memref<1x4096x128xf32, #tpu.memory_space<hbm>> -> memref<4096x128xf32, #tpu.memory_space<hbm>>
    %dma_start3A_48 = arith.constant 0 : i32
    %dma_start3A_49 = arith.constant 0 : i32
    %dma_start3A_50 = tpu.memref_slice %dma_start3A_47[%dma_start3A_48, %dma_start3A_49] : memref<4096x128xf32, #tpu.memory_space<hbm>> -> memref<4096x128xf32, #tpu.memory_space<hbm>>
    tpu.enqueue_indirect_dma source(%dma_start3A_50 : memref<4096x128xf32, #tpu.memory_space<hbm>>) target(%dma_start3A_40 : memref<128x128xf32, #tpu.memory_space<vmem>>) offsets(%dma_start3A_43 : memref<128xi32, #tpu.memory_space<vmem>>) semaphore(%arg16 : memref<!tpu.dma_semaphore, #tpu.memory_space<semaphore_mem>>)
    %dma_start3A_51 = arith.constant 0 : i32
    %dma_start3A_52 = arith.constant 0 : i32
    %dma_start3A_53 = arith.constant 0 : i32
    %dma_start3A_54 = tpu.memref_slice %arg13[%dma_start3A_52, %dma_start3A_53] : memref<256x16xf32, #tpu.memory_space<vmem>> -> memref<128x16xf32, #tpu.memory_space<vmem>>
    %dma_start3A_55 = arith.constant 0 : i32
    %dma_start3A_56 = tpu.memref_slice %arg11[%dma_start3A_51, %dma_start3A_55] : memref<2x128xi32, #tpu.memory_space<vmem>> -> memref<1x128xi32, #tpu.memory_space<vmem>>
    %dma_start3A_57 = tpu.memref_squeeze %dma_start3A_56 : memref<1x128xi32, #tpu.memory_space<vmem>> -> memref<128xi32, #tpu.memory_space<vmem>>
    %dma_start3A_58 = arith.constant 0 : i32
    %dma_start3A_59 = arith.constant 0 : i32
    %dma_start3A_60 = tpu.memref_slice %arg3[%select_n3A, %dma_start3A_58, %dma_start3A_59] : memref<8x4096x16xf32, #tpu.memory_space<hbm>> -> memref<1x4096x16xf32, #tpu.memory_space<hbm>>
    %dma_start3A_61 = tpu.memref_squeeze %dma_start3A_60 : memref<1x4096x16xf32, #tpu.memory_space<hbm>> -> memref<4096x16xf32, #tpu.memory_space<hbm>>
    %dma_start3A_62 = arith.constant 0 : i32
    %dma_start3A_63 = arith.constant 0 : i32
    %dma_start3A_64 = tpu.memref_slice %dma_start3A_61[%dma_start3A_62, %dma_start3A_63] : memref<4096x16xf32, #tpu.memory_space<hbm>> -> memref<4096x16xf32, #tpu.memory_space<hbm>>
    tpu.enqueue_indirect_dma source(%dma_start3A_64 : memref<4096x16xf32, #tpu.memory_space<hbm>>) target(%dma_start3A_54 : memref<128x16xf32, #tpu.memory_space<vmem>>) offsets(%dma_start3A_57 : memref<128xi32, #tpu.memory_space<vmem>>) semaphore(%arg16 : memref<!tpu.dma_semaphore, #tpu.memory_space<semaphore_mem>>)
    %dma_start3A_65 = arith.constant 1 : i32
    %dma_start3A_66 = arith.constant 128 : i32
    %dma_start3A_67 = arith.constant 0 : i32
    %dma_start3A_68 = tpu.memref_slice %arg12[%dma_start3A_66, %dma_start3A_67] : memref<256x128xf32, #tpu.memory_space<vmem>> -> memref<128x128xf32, #tpu.memory_space<vmem>>
    %dma_start3A_69 = arith.constant 0 : i32
    %dma_start3A_70 = tpu.memref_slice %arg11[%dma_start3A_65, %dma_start3A_69] : memref<2x128xi32, #tpu.memory_space<vmem>> -> memref<1x128xi32, #tpu.memory_space<vmem>>
    %dma_start3A_71 = tpu.memref_squeeze %dma_start3A_70 : memref<1x128xi32, #tpu.memory_space<vmem>> -> memref<128xi32, #tpu.memory_space<vmem>>
    %dma_start3A_72 = arith.constant 0 : i32
    %dma_start3A_73 = arith.constant 0 : i32
    %dma_start3A_74 = tpu.memref_slice %arg2[%select_n3A, %dma_start3A_72, %dma_start3A_73] : memref<8x4096x128xf32, #tpu.memory_space<hbm>> -> memref<1x4096x128xf32, #tpu.memory_space<hbm>>
    %dma_start3A_75 = tpu.memref_squeeze %dma_start3A_74 : memref<1x4096x128xf32, #tpu.memory_space<hbm>> -> memref<4096x128xf32, #tpu.memory_space<hbm>>
    %dma_start3A_76 = arith.constant 0 : i32
    %dma_start3A_77 = arith.constant 0 : i32
    %dma_start3A_78 = tpu.memref_slice %dma_start3A_75[%dma_start3A_76, %dma_start3A_77] : memref<4096x128xf32, #tpu.memory_space<hbm>> -> memref<4096x128xf32, #tpu.memory_space<hbm>>
    tpu.enqueue_indirect_dma source(%dma_start3A_78 : memref<4096x128xf32, #tpu.memory_space<hbm>>) target(%dma_start3A_68 : memref<128x128xf32, #tpu.memory_space<vmem>>) offsets(%dma_start3A_71 : memref<128xi32, #tpu.memory_space<vmem>>) semaphore(%arg16 : memref<!tpu.dma_semaphore, #tpu.memory_space<semaphore_mem>>)
    %dma_start3A_79 = arith.constant 1 : i32
    %dma_start3A_80 = arith.constant 128 : i32
    %dma_start3A_81 = arith.constant 0 : i32
    %dma_start3A_82 = tpu.memref_slice %arg13[%dma_start3A_80, %dma_start3A_81] : memref<256x16xf32, #tpu.memory_space<vmem>> -> memref<128x16xf32, #tpu.memory_space<vmem>>
    %dma_start3A_83 = arith.constant 0 : i32
    %dma_start3A_84 = tpu.memref_slice %arg11[%dma_start3A_79, %dma_start3A_83] : memref<2x128xi32, #tpu.memory_space<vmem>> -> memref<1x128xi32, #tpu.memory_space<vmem>>
    %dma_start3A_85 = tpu.memref_squeeze %dma_start3A_84 : memref<1x128xi32, #tpu.memory_space<vmem>> -> memref<128xi32, #tpu.memory_space<vmem>>
    %dma_start3A_86 = arith.constant 0 : i32
    %dma_start3A_87 = arith.constant 0 : i32
    %dma_start3A_88 = tpu.memref_slice %arg3[%select_n3A, %dma_start3A_86, %dma_start3A_87] : memref<8x4096x16xf32, #tpu.memory_space<hbm>> -> memref<1x4096x16xf32, #tpu.memory_space<hbm>>
    %dma_start3A_89 = tpu.memref_squeeze %dma_start3A_88 : memref<1x4096x16xf32, #tpu.memory_space<hbm>> -> memref<4096x16xf32, #tpu.memory_space<hbm>>
    %dma_start3A_90 = arith.constant 0 : i32
    %dma_start3A_91 = arith.constant 0 : i32
    %dma_start3A_92 = tpu.memref_slice %dma_start3A_89[%dma_start3A_90, %dma_start3A_91] : memref<4096x16xf32, #tpu.memory_space<hbm>> -> memref<4096x16xf32, #tpu.memory_space<hbm>>
    tpu.enqueue_indirect_dma source(%dma_start3A_92 : memref<4096x16xf32, #tpu.memory_space<hbm>>) target(%dma_start3A_82 : memref<128x16xf32, #tpu.memory_space<vmem>>) offsets(%dma_start3A_85 : memref<128xi32, #tpu.memory_space<vmem>>) semaphore(%arg16 : memref<!tpu.dma_semaphore, #tpu.memory_space<semaphore_mem>>)
    %dma_wait3A = arith.constant 0 : i32
    %dma_wait3A_93 = arith.constant 0 : i32
    %dma_wait3A_94 = arith.constant 0 : i32
    %dma_wait3A_95 = tpu.memref_slice %arg12[%dma_wait3A_93, %dma_wait3A_94] : memref<256x128xf32, #tpu.memory_space<vmem>> -> memref<128x128xf32, #tpu.memory_space<vmem>>
    %dma_wait3A_96 = arith.constant 0 : i32
    %dma_wait3A_97 = tpu.memref_slice %arg11[%dma_wait3A, %dma_wait3A_96] : memref<2x128xi32, #tpu.memory_space<vmem>> -> memref<1x128xi32, #tpu.memory_space<vmem>>
    %dma_wait3A_98 = tpu.memref_squeeze %dma_wait3A_97 : memref<1x128xi32, #tpu.memory_space<vmem>> -> memref<128xi32, #tpu.memory_space<vmem>>
    %dma_wait3A_99 = arith.constant 0 : i32
    %dma_wait3A_100 = arith.constant 0 : i32
    %dma_wait3A_101 = tpu.memref_slice %arg2[%select_n3A, %dma_wait3A_99, %dma_wait3A_100] : memref<8x4096x128xf32, #tpu.memory_space<hbm>> -> memref<1x4096x128xf32, #tpu.memory_space<hbm>>
    %dma_wait3A_102 = tpu.memref_squeeze %dma_wait3A_101 : memref<1x4096x128xf32, #tpu.memory_space<hbm>> -> memref<4096x128xf32, #tpu.memory_space<hbm>>
    %dma_wait3A_103 = arith.constant 0 : i32
    %dma_wait3A_104 = arith.constant 0 : i32
    %dma_wait3A_105 = tpu.memref_slice %dma_wait3A_102[%dma_wait3A_103, %dma_wait3A_104] : memref<4096x128xf32, #tpu.memory_space<hbm>> -> memref<4096x128xf32, #tpu.memory_space<hbm>>
    tpu.wait_indirect_dma semaphore(%arg16 : memref<!tpu.dma_semaphore, #tpu.memory_space<semaphore_mem>>) src(%dma_wait3A_105 : memref<4096x128xf32, #tpu.memory_space<hbm>>) dst(%dma_wait3A_95 : memref<128x128xf32, #tpu.memory_space<vmem>>)
    %dma_wait3A_106 = arith.constant 0 : i32
    %dma_wait3A_107 = arith.constant 0 : i32
    %dma_wait3A_108 = arith.constant 0 : i32
    %dma_wait3A_109 = tpu.memref_slice %arg13[%dma_wait3A_107, %dma_wait3A_108] : memref<256x16xf32, #tpu.memory_space<vmem>> -> memref<128x16xf32, #tpu.memory_space<vmem>>
    %dma_wait3A_110 = arith.constant 0 : i32
    %dma_wait3A_111 = tpu.memref_slice %arg11[%dma_wait3A_106, %dma_wait3A_110] : memref<2x128xi32, #tpu.memory_space<vmem>> -> memref<1x128xi32, #tpu.memory_space<vmem>>
    %dma_wait3A_112 = tpu.memref_squeeze %dma_wait3A_111 : memref<1x128xi32, #tpu.memory_space<vmem>> -> memref<128xi32, #tpu.memory_space<vmem>>
    %dma_wait3A_113 = arith.constant 0 : i32
    %dma_wait3A_114 = arith.constant 0 : i32
    %dma_wait3A_115 = tpu.memref_slice %arg3[%select_n3A, %dma_wait3A_113, %dma_wait3A_114] : memref<8x4096x16xf32, #tpu.memory_space<hbm>> -> memref<1x4096x16xf32, #tpu.memory_space<hbm>>
    %dma_wait3A_116 = tpu.memref_squeeze %dma_wait3A_115 : memref<1x4096x16xf32, #tpu.memory_space<hbm>> -> memref<4096x16xf32, #tpu.memory_space<hbm>>
    %dma_wait3A_117 = arith.constant 0 : i32
    %dma_wait3A_118 = arith.constant 0 : i32
    %dma_wait3A_119 = tpu.memref_slice %dma_wait3A_116[%dma_wait3A_117, %dma_wait3A_118] : memref<4096x16xf32, #tpu.memory_space<hbm>> -> memref<4096x16xf32, #tpu.memory_space<hbm>>
    tpu.wait_indirect_dma semaphore(%arg16 : memref<!tpu.dma_semaphore, #tpu.memory_space<semaphore_mem>>) src(%dma_wait3A_119 : memref<4096x16xf32, #tpu.memory_space<hbm>>) dst(%dma_wait3A_109 : memref<128x16xf32, #tpu.memory_space<vmem>>)
    %dma_wait3A_120 = arith.constant 1 : i32
    %dma_wait3A_121 = arith.constant 128 : i32
    %dma_wait3A_122 = arith.constant 0 : i32
    %dma_wait3A_123 = tpu.memref_slice %arg12[%dma_wait3A_121, %dma_wait3A_122] : memref<256x128xf32, #tpu.memory_space<vmem>> -> memref<128x128xf32, #tpu.memory_space<vmem>>
    %dma_wait3A_124 = arith.constant 0 : i32
    %dma_wait3A_125 = tpu.memref_slice %arg11[%dma_wait3A_120, %dma_wait3A_124] : memref<2x128xi32, #tpu.memory_space<vmem>> -> memref<1x128xi32, #tpu.memory_space<vmem>>
    %dma_wait3A_126 = tpu.memref_squeeze %dma_wait3A_125 : memref<1x128xi32, #tpu.memory_space<vmem>> -> memref<128xi32, #tpu.memory_space<vmem>>
    %dma_wait3A_127 = arith.constant 0 : i32
    %dma_wait3A_128 = arith.constant 0 : i32
    %dma_wait3A_129 = tpu.memref_slice %arg2[%select_n3A, %dma_wait3A_127, %dma_wait3A_128] : memref<8x4096x128xf32, #tpu.memory_space<hbm>> -> memref<1x4096x128xf32, #tpu.memory_space<hbm>>
    %dma_wait3A_130 = tpu.memref_squeeze %dma_wait3A_129 : memref<1x4096x128xf32, #tpu.memory_space<hbm>> -> memref<4096x128xf32, #tpu.memory_space<hbm>>
    %dma_wait3A_131 = arith.constant 0 : i32
    %dma_wait3A_132 = arith.constant 0 : i32
    %dma_wait3A_133 = tpu.memref_slice %dma_wait3A_130[%dma_wait3A_131, %dma_wait3A_132] : memref<4096x128xf32, #tpu.memory_space<hbm>> -> memref<4096x128xf32, #tpu.memory_space<hbm>>
    tpu.wait_indirect_dma semaphore(%arg16 : memref<!tpu.dma_semaphore, #tpu.memory_space<semaphore_mem>>) src(%dma_wait3A_133 : memref<4096x128xf32, #tpu.memory_space<hbm>>) dst(%dma_wait3A_123 : memref<128x128xf32, #tpu.memory_space<vmem>>)
    %dma_wait3A_134 = arith.constant 1 : i32
    %dma_wait3A_135 = arith.constant 128 : i32
    %dma_wait3A_136 = arith.constant 0 : i32
    %dma_wait3A_137 = tpu.memref_slice %arg13[%dma_wait3A_135, %dma_wait3A_136] : memref<256x16xf32, #tpu.memory_space<vmem>> -> memref<128x16xf32, #tpu.memory_space<vmem>>
    %dma_wait3A_138 = arith.constant 0 : i32
    %dma_wait3A_139 = tpu.memref_slice %arg11[%dma_wait3A_134, %dma_wait3A_138] : memref<2x128xi32, #tpu.memory_space<vmem>> -> memref<1x128xi32, #tpu.memory_space<vmem>>
    %dma_wait3A_140 = tpu.memref_squeeze %dma_wait3A_139 : memref<1x128xi32, #tpu.memory_space<vmem>> -> memref<128xi32, #tpu.memory_space<vmem>>
    %dma_wait3A_141 = arith.constant 0 : i32
    %dma_wait3A_142 = arith.constant 0 : i32
    %dma_wait3A_143 = tpu.memref_slice %arg3[%select_n3A, %dma_wait3A_141, %dma_wait3A_142] : memref<8x4096x16xf32, #tpu.memory_space<hbm>> -> memref<1x4096x16xf32, #tpu.memory_space<hbm>>
    %dma_wait3A_144 = tpu.memref_squeeze %dma_wait3A_143 : memref<1x4096x16xf32, #tpu.memory_space<hbm>> -> memref<4096x16xf32, #tpu.memory_space<hbm>>
    %dma_wait3A_145 = arith.constant 0 : i32
    %dma_wait3A_146 = arith.constant 0 : i32
    %dma_wait3A_147 = tpu.memref_slice %dma_wait3A_144[%dma_wait3A_145, %dma_wait3A_146] : memref<4096x16xf32, #tpu.memory_space<hbm>> -> memref<4096x16xf32, #tpu.memory_space<hbm>>
    tpu.wait_indirect_dma semaphore(%arg16 : memref<!tpu.dma_semaphore, #tpu.memory_space<semaphore_mem>>) src(%dma_wait3A_147 : memref<4096x16xf32, #tpu.memory_space<hbm>>) dst(%dma_wait3A_137 : memref<128x16xf32, #tpu.memory_space<vmem>>)
    "tpu.region"() ({
      %run_scoped3A_745 = tpu.sem_alloc : memref<!tpu.dma_semaphore, #tpu.memory_space<semaphore_mem>>
      %dma_start3A_746 = arith.constant 0 : i32
      %dma_start3A_747 = tpu.memref_slice %arg8[%select_n3A, %mul3A_32, %dma_start3A_746] : memref<8x1024x128xf32, #tpu.memory_space<hbm>> -> memref<1x256x128xf32, #tpu.memory_space<hbm>>
      %dma_start3A_748 = tpu.memref_squeeze %dma_start3A_747 : memref<1x256x128xf32, #tpu.memory_space<hbm>> -> memref<256x128xf32, #tpu.memory_space<hbm>>
      %dma_start3A_749 = arith.constant 0 : i32
      %dma_start3A_750 = tpu.memref_slice %arg8[%select_n3A, %mul3A_32, %dma_start3A_749] : memref<8x1024x128xf32, #tpu.memory_space<hbm>> -> memref<1x256x128xf32, #tpu.memory_space<hbm>>
      %dma_start3A_751 = tpu.memref_squeeze %dma_start3A_750 : memref<1x256x128xf32, #tpu.memory_space<hbm>> -> memref<256x128xf32, #tpu.memory_space<hbm>>
      tpu.enqueue_dma source(%arg12 : memref<256x128xf32, #tpu.memory_space<vmem>>) target(%dma_start3A_751 : memref<256x128xf32, #tpu.memory_space<hbm>>) target_semaphore(%run_scoped3A_745 : memref<!tpu.dma_semaphore, #tpu.memory_space<semaphore_mem>>)
      %dma_wait3A_752 = arith.constant 0 : i32
      %dma_wait3A_753 = tpu.memref_slice %arg8[%select_n3A, %mul3A_32, %dma_wait3A_752] : memref<8x1024x128xf32, #tpu.memory_space<hbm>> -> memref<1x256x128xf32, #tpu.memory_space<hbm>>
      %dma_wait3A_754 = tpu.memref_squeeze %dma_wait3A_753 : memref<1x256x128xf32, #tpu.memory_space<hbm>> -> memref<256x128xf32, #tpu.memory_space<hbm>>
      %dma_wait3A_755 = arith.constant 0 : i32
      %dma_wait3A_756 = tpu.memref_slice %arg8[%select_n3A, %mul3A_32, %dma_wait3A_755] : memref<8x1024x128xf32, #tpu.memory_space<hbm>> -> memref<1x256x128xf32, #tpu.memory_space<hbm>>
      %dma_wait3A_757 = tpu.memref_squeeze %dma_wait3A_756 : memref<1x256x128xf32, #tpu.memory_space<hbm>> -> memref<256x128xf32, #tpu.memory_space<hbm>>
      tpu.wait_dma2 semaphore(%run_scoped3A_745 : memref<!tpu.dma_semaphore, #tpu.memory_space<semaphore_mem>>) src(%arg12 : memref<256x128xf32, #tpu.memory_space<vmem>>) dst(%dma_wait3A_757 : memref<256x128xf32, #tpu.memory_space<hbm>>)
      tpu.yield
    }) : () -> ()
    "tpu.region"() ({
      %run_scoped3A_745 = tpu.sem_alloc : memref<!tpu.dma_semaphore, #tpu.memory_space<semaphore_mem>>
      %dma_start3A_746 = arith.constant 0 : i32
      %dma_start3A_747 = tpu.memref_slice %arg9[%select_n3A, %mul3A_32, %dma_start3A_746] : memref<8x1024x16xf32, #tpu.memory_space<hbm>> -> memref<1x256x16xf32, #tpu.memory_space<hbm>>
      %dma_start3A_748 = tpu.memref_squeeze %dma_start3A_747 : memref<1x256x16xf32, #tpu.memory_space<hbm>> -> memref<256x16xf32, #tpu.memory_space<hbm>>
      %dma_start3A_749 = arith.constant 0 : i32
      %dma_start3A_750 = tpu.memref_slice %arg9[%select_n3A, %mul3A_32, %dma_start3A_749] : memref<8x1024x16xf32, #tpu.memory_space<hbm>> -> memref<1x256x16xf32, #tpu.memory_space<hbm>>
      %dma_start3A_751 = tpu.memref_squeeze %dma_start3A_750 : memref<1x256x16xf32, #tpu.memory_space<hbm>> -> memref<256x16xf32, #tpu.memory_space<hbm>>
      tpu.enqueue_dma source(%arg13 : memref<256x16xf32, #tpu.memory_space<vmem>>) target(%dma_start3A_751 : memref<256x16xf32, #tpu.memory_space<hbm>>) target_semaphore(%run_scoped3A_745 : memref<!tpu.dma_semaphore, #tpu.memory_space<semaphore_mem>>)
      %dma_wait3A_752 = arith.constant 0 : i32
      %dma_wait3A_753 = tpu.memref_slice %arg9[%select_n3A, %mul3A_32, %dma_wait3A_752] : memref<8x1024x16xf32, #tpu.memory_space<hbm>> -> memref<1x256x16xf32, #tpu.memory_space<hbm>>
      %dma_wait3A_754 = tpu.memref_squeeze %dma_wait3A_753 : memref<1x256x16xf32, #tpu.memory_space<hbm>> -> memref<256x16xf32, #tpu.memory_space<hbm>>
      %dma_wait3A_755 = arith.constant 0 : i32
      %dma_wait3A_756 = tpu.memref_slice %arg9[%select_n3A, %mul3A_32, %dma_wait3A_755] : memref<8x1024x16xf32, #tpu.memory_space<hbm>> -> memref<1x256x16xf32, #tpu.memory_space<hbm>>
      %dma_wait3A_757 = tpu.memref_squeeze %dma_wait3A_756 : memref<1x256x16xf32, #tpu.memory_space<hbm>> -> memref<256x16xf32, #tpu.memory_space<hbm>>
      tpu.wait_dma2 semaphore(%run_scoped3A_745 : memref<!tpu.dma_semaphore, #tpu.memory_space<semaphore_mem>>) src(%arg13 : memref<256x16xf32, #tpu.memory_space<vmem>>) dst(%dma_wait3A_757 : memref<256x16xf32, #tpu.memory_space<hbm>>)
      tpu.yield
    }) : () -> ()
    %dma_start3A_148 = arith.constant 0 : i32
    %dma_start3A_149 = arith.constant 0 : i32
    %dma_start3A_150 = arith.constant 0 : i32
    %dma_start3A_151 = arith.constant 0 : i32
    %dma_start3A_152 = arith.constant 0 : i32
    %dma_start3A_153 = tpu.memref_slice %arg14[%dma_start3A_149, %dma_start3A_150, %dma_start3A_151, %dma_start3A_152] : memref<2x4x32x128xf32, #tpu.memory_space<vmem>> -> memref<1x1x32x128xf32, #tpu.memory_space<vmem>>
    %dma_start3A_154 = tpu.memref_squeeze %dma_start3A_153 : memref<1x1x32x128xf32, #tpu.memory_space<vmem>> -> memref<32x128xf32, #tpu.memory_space<vmem>>
    %dma_start3A_155 = arith.constant 0 : i32
    %dma_start3A_156 = tpu.memref_slice %arg10[%dma_start3A_148, %dma_start3A_155] : memref<256x32xi32, #tpu.memory_space<vmem>> -> memref<1x32xi32, #tpu.memory_space<vmem>>
    %dma_start3A_157 = tpu.memref_squeeze %dma_start3A_156 : memref<1x32xi32, #tpu.memory_space<vmem>> -> memref<32xi32, #tpu.memory_space<vmem>>
    %dma_start3A_158 = arith.constant 0 : i32
    %dma_start3A_159 = arith.constant 0 : i32
    %dma_start3A_160 = tpu.memref_slice %arg2[%select_n3A, %dma_start3A_158, %dma_start3A_159] : memref<8x4096x128xf32, #tpu.memory_space<hbm>> -> memref<1x4096x128xf32, #tpu.memory_space<hbm>>
    %dma_start3A_161 = tpu.memref_squeeze %dma_start3A_160 : memref<1x4096x128xf32, #tpu.memory_space<hbm>> -> memref<4096x128xf32, #tpu.memory_space<hbm>>
    %dma_start3A_162 = arith.constant 0 : i32
    %dma_start3A_163 = arith.constant 0 : i32
    %dma_start3A_164 = tpu.memref_slice %dma_start3A_161[%dma_start3A_162, %dma_start3A_163] : memref<4096x128xf32, #tpu.memory_space<hbm>> -> memref<4096x128xf32, #tpu.memory_space<hbm>>
    tpu.enqueue_indirect_dma source(%dma_start3A_164 : memref<4096x128xf32, #tpu.memory_space<hbm>>) target(%dma_start3A_154 : memref<32x128xf32, #tpu.memory_space<vmem>>) offsets(%dma_start3A_157 : memref<32xi32, #tpu.memory_space<vmem>>) semaphore(%arg17 : memref<!tpu.dma_semaphore, #tpu.memory_space<semaphore_mem>>)
    %dma_start3A_165 = arith.constant 0 : i32
    %dma_start3A_166 = arith.constant 0 : i32
    %dma_start3A_167 = arith.constant 0 : i32
    %dma_start3A_168 = arith.constant 0 : i32
    %dma_start3A_169 = arith.constant 0 : i32
    %dma_start3A_170 = tpu.memref_slice %arg15[%dma_start3A_166, %dma_start3A_167, %dma_start3A_168, %dma_start3A_169] : memref<2x4x32x16xf32, #tpu.memory_space<vmem>> -> memref<1x1x32x16xf32, #tpu.memory_space<vmem>>
    %dma_start3A_171 = tpu.memref_squeeze %dma_start3A_170 : memref<1x1x32x16xf32, #tpu.memory_space<vmem>> -> memref<32x16xf32, #tpu.memory_space<vmem>>
    %dma_start3A_172 = arith.constant 0 : i32
    %dma_start3A_173 = tpu.memref_slice %arg10[%dma_start3A_165, %dma_start3A_172] : memref<256x32xi32, #tpu.memory_space<vmem>> -> memref<1x32xi32, #tpu.memory_space<vmem>>
    %dma_start3A_174 = tpu.memref_squeeze %dma_start3A_173 : memref<1x32xi32, #tpu.memory_space<vmem>> -> memref<32xi32, #tpu.memory_space<vmem>>
    %dma_start3A_175 = arith.constant 0 : i32
    %dma_start3A_176 = arith.constant 0 : i32
    %dma_start3A_177 = tpu.memref_slice %arg3[%select_n3A, %dma_start3A_175, %dma_start3A_176] : memref<8x4096x16xf32, #tpu.memory_space<hbm>> -> memref<1x4096x16xf32, #tpu.memory_space<hbm>>
    %dma_start3A_178 = tpu.memref_squeeze %dma_start3A_177 : memref<1x4096x16xf32, #tpu.memory_space<hbm>> -> memref<4096x16xf32, #tpu.memory_space<hbm>>
    %dma_start3A_179 = arith.constant 0 : i32
    %dma_start3A_180 = arith.constant 0 : i32
    %dma_start3A_181 = tpu.memref_slice %dma_start3A_178[%dma_start3A_179, %dma_start3A_180] : memref<4096x16xf32, #tpu.memory_space<hbm>> -> memref<4096x16xf32, #tpu.memory_space<hbm>>
    tpu.enqueue_indirect_dma source(%dma_start3A_181 : memref<4096x16xf32, #tpu.memory_space<hbm>>) target(%dma_start3A_171 : memref<32x16xf32, #tpu.memory_space<vmem>>) offsets(%dma_start3A_174 : memref<32xi32, #tpu.memory_space<vmem>>) semaphore(%arg17 : memref<!tpu.dma_semaphore, #tpu.memory_space<semaphore_mem>>)
    %dma_start3A_182 = arith.constant 1 : i32
    %dma_start3A_183 = arith.constant 0 : i32
    %dma_start3A_184 = arith.constant 1 : i32
    %dma_start3A_185 = arith.constant 0 : i32
    %dma_start3A_186 = arith.constant 0 : i32
    %dma_start3A_187 = tpu.memref_slice %arg14[%dma_start3A_183, %dma_start3A_184, %dma_start3A_185, %dma_start3A_186] : memref<2x4x32x128xf32, #tpu.memory_space<vmem>> -> memref<1x1x32x128xf32, #tpu.memory_space<vmem>>
    %dma_start3A_188 = tpu.memref_squeeze %dma_start3A_187 : memref<1x1x32x128xf32, #tpu.memory_space<vmem>> -> memref<32x128xf32, #tpu.memory_space<vmem>>
    %dma_start3A_189 = arith.constant 0 : i32
    %dma_start3A_190 = tpu.memref_slice %arg10[%dma_start3A_182, %dma_start3A_189] : memref<256x32xi32, #tpu.memory_space<vmem>> -> memref<1x32xi32, #tpu.memory_space<vmem>>
    %dma_start3A_191 = tpu.memref_squeeze %dma_start3A_190 : memref<1x32xi32, #tpu.memory_space<vmem>> -> memref<32xi32, #tpu.memory_space<vmem>>
    %dma_start3A_192 = arith.constant 0 : i32
    %dma_start3A_193 = arith.constant 0 : i32
    %dma_start3A_194 = tpu.memref_slice %arg2[%select_n3A, %dma_start3A_192, %dma_start3A_193] : memref<8x4096x128xf32, #tpu.memory_space<hbm>> -> memref<1x4096x128xf32, #tpu.memory_space<hbm>>
    %dma_start3A_195 = tpu.memref_squeeze %dma_start3A_194 : memref<1x4096x128xf32, #tpu.memory_space<hbm>> -> memref<4096x128xf32, #tpu.memory_space<hbm>>
    %dma_start3A_196 = arith.constant 0 : i32
    %dma_start3A_197 = arith.constant 0 : i32
    %dma_start3A_198 = tpu.memref_slice %dma_start3A_195[%dma_start3A_196, %dma_start3A_197] : memref<4096x128xf32, #tpu.memory_space<hbm>> -> memref<4096x128xf32, #tpu.memory_space<hbm>>
    tpu.enqueue_indirect_dma source(%dma_start3A_198 : memref<4096x128xf32, #tpu.memory_space<hbm>>) target(%dma_start3A_188 : memref<32x128xf32, #tpu.memory_space<vmem>>) offsets(%dma_start3A_191 : memref<32xi32, #tpu.memory_space<vmem>>) semaphore(%arg17 : memref<!tpu.dma_semaphore, #tpu.memory_space<semaphore_mem>>)
    %dma_start3A_199 = arith.constant 1 : i32
    %dma_start3A_200 = arith.constant 0 : i32
    %dma_start3A_201 = arith.constant 1 : i32
    %dma_start3A_202 = arith.constant 0 : i32
    %dma_start3A_203 = arith.constant 0 : i32
    %dma_start3A_204 = tpu.memref_slice %arg15[%dma_start3A_200, %dma_start3A_201, %dma_start3A_202, %dma_start3A_203] : memref<2x4x32x16xf32, #tpu.memory_space<vmem>> -> memref<1x1x32x16xf32, #tpu.memory_space<vmem>>
    %dma_start3A_205 = tpu.memref_squeeze %dma_start3A_204 : memref<1x1x32x16xf32, #tpu.memory_space<vmem>> -> memref<32x16xf32, #tpu.memory_space<vmem>>
    %dma_start3A_206 = arith.constant 0 : i32
    %dma_start3A_207 = tpu.memref_slice %arg10[%dma_start3A_199, %dma_start3A_206] : memref<256x32xi32, #tpu.memory_space<vmem>> -> memref<1x32xi32, #tpu.memory_space<vmem>>
    %dma_start3A_208 = tpu.memref_squeeze %dma_start3A_207 : memref<1x32xi32, #tpu.memory_space<vmem>> -> memref<32xi32, #tpu.memory_space<vmem>>
    %dma_start3A_209 = arith.constant 0 : i32
    %dma_start3A_210 = arith.constant 0 : i32
    %dma_start3A_211 = tpu.memref_slice %arg3[%select_n3A, %dma_start3A_209, %dma_start3A_210] : memref<8x4096x16xf32, #tpu.memory_space<hbm>> -> memref<1x4096x16xf32, #tpu.memory_space<hbm>>
    %dma_start3A_212 = tpu.memref_squeeze %dma_start3A_211 : memref<1x4096x16xf32, #tpu.memory_space<hbm>> -> memref<4096x16xf32, #tpu.memory_space<hbm>>
    %dma_start3A_213 = arith.constant 0 : i32
    %dma_start3A_214 = arith.constant 0 : i32
    %dma_start3A_215 = tpu.memref_slice %dma_start3A_212[%dma_start3A_213, %dma_start3A_214] : memref<4096x16xf32, #tpu.memory_space<hbm>> -> memref<4096x16xf32, #tpu.memory_space<hbm>>
    tpu.enqueue_indirect_dma source(%dma_start3A_215 : memref<4096x16xf32, #tpu.memory_space<hbm>>) target(%dma_start3A_205 : memref<32x16xf32, #tpu.memory_space<vmem>>) offsets(%dma_start3A_208 : memref<32xi32, #tpu.memory_space<vmem>>) semaphore(%arg17 : memref<!tpu.dma_semaphore, #tpu.memory_space<semaphore_mem>>)
    %dma_start3A_216 = arith.constant 2 : i32
    %dma_start3A_217 = arith.constant 0 : i32
    %dma_start3A_218 = arith.constant 2 : i32
    %dma_start3A_219 = arith.constant 0 : i32
    %dma_start3A_220 = arith.constant 0 : i32
    %dma_start3A_221 = tpu.memref_slice %arg14[%dma_start3A_217, %dma_start3A_218, %dma_start3A_219, %dma_start3A_220] : memref<2x4x32x128xf32, #tpu.memory_space<vmem>> -> memref<1x1x32x128xf32, #tpu.memory_space<vmem>>
    %dma_start3A_222 = tpu.memref_squeeze %dma_start3A_221 : memref<1x1x32x128xf32, #tpu.memory_space<vmem>> -> memref<32x128xf32, #tpu.memory_space<vmem>>
    %dma_start3A_223 = arith.constant 0 : i32
    %dma_start3A_224 = tpu.memref_slice %arg10[%dma_start3A_216, %dma_start3A_223] : memref<256x32xi32, #tpu.memory_space<vmem>> -> memref<1x32xi32, #tpu.memory_space<vmem>>
    %dma_start3A_225 = tpu.memref_squeeze %dma_start3A_224 : memref<1x32xi32, #tpu.memory_space<vmem>> -> memref<32xi32, #tpu.memory_space<vmem>>
    %dma_start3A_226 = arith.constant 0 : i32
    %dma_start3A_227 = arith.constant 0 : i32
    %dma_start3A_228 = tpu.memref_slice %arg2[%select_n3A, %dma_start3A_226, %dma_start3A_227] : memref<8x4096x128xf32, #tpu.memory_space<hbm>> -> memref<1x4096x128xf32, #tpu.memory_space<hbm>>
    %dma_start3A_229 = tpu.memref_squeeze %dma_start3A_228 : memref<1x4096x128xf32, #tpu.memory_space<hbm>> -> memref<4096x128xf32, #tpu.memory_space<hbm>>
    %dma_start3A_230 = arith.constant 0 : i32
    %dma_start3A_231 = arith.constant 0 : i32
    %dma_start3A_232 = tpu.memref_slice %dma_start3A_229[%dma_start3A_230, %dma_start3A_231] : memref<4096x128xf32, #tpu.memory_space<hbm>> -> memref<4096x128xf32, #tpu.memory_space<hbm>>
    tpu.enqueue_indirect_dma source(%dma_start3A_232 : memref<4096x128xf32, #tpu.memory_space<hbm>>) target(%dma_start3A_222 : memref<32x128xf32, #tpu.memory_space<vmem>>) offsets(%dma_start3A_225 : memref<32xi32, #tpu.memory_space<vmem>>) semaphore(%arg17 : memref<!tpu.dma_semaphore, #tpu.memory_space<semaphore_mem>>)
    %dma_start3A_233 = arith.constant 2 : i32
    %dma_start3A_234 = arith.constant 0 : i32
    %dma_start3A_235 = arith.constant 2 : i32
    %dma_start3A_236 = arith.constant 0 : i32
    %dma_start3A_237 = arith.constant 0 : i32
    %dma_start3A_238 = tpu.memref_slice %arg15[%dma_start3A_234, %dma_start3A_235, %dma_start3A_236, %dma_start3A_237] : memref<2x4x32x16xf32, #tpu.memory_space<vmem>> -> memref<1x1x32x16xf32, #tpu.memory_space<vmem>>
    %dma_start3A_239 = tpu.memref_squeeze %dma_start3A_238 : memref<1x1x32x16xf32, #tpu.memory_space<vmem>> -> memref<32x16xf32, #tpu.memory_space<vmem>>
    %dma_start3A_240 = arith.constant 0 : i32
    %dma_start3A_241 = tpu.memref_slice %arg10[%dma_start3A_233, %dma_start3A_240] : memref<256x32xi32, #tpu.memory_space<vmem>> -> memref<1x32xi32, #tpu.memory_space<vmem>>
    %dma_start3A_242 = tpu.memref_squeeze %dma_start3A_241 : memref<1x32xi32, #tpu.memory_space<vmem>> -> memref<32xi32, #tpu.memory_space<vmem>>
    %dma_start3A_243 = arith.constant 0 : i32
    %dma_start3A_244 = arith.constant 0 : i32
    %dma_start3A_245 = tpu.memref_slice %arg3[%select_n3A, %dma_start3A_243, %dma_start3A_244] : memref<8x4096x16xf32, #tpu.memory_space<hbm>> -> memref<1x4096x16xf32, #tpu.memory_space<hbm>>
    %dma_start3A_246 = tpu.memref_squeeze %dma_start3A_245 : memref<1x4096x16xf32, #tpu.memory_space<hbm>> -> memref<4096x16xf32, #tpu.memory_space<hbm>>
    %dma_start3A_247 = arith.constant 0 : i32
    %dma_start3A_248 = arith.constant 0 : i32
    %dma_start3A_249 = tpu.memref_slice %dma_start3A_246[%dma_start3A_247, %dma_start3A_248] : memref<4096x16xf32, #tpu.memory_space<hbm>> -> memref<4096x16xf32, #tpu.memory_space<hbm>>
    tpu.enqueue_indirect_dma source(%dma_start3A_249 : memref<4096x16xf32, #tpu.memory_space<hbm>>) target(%dma_start3A_239 : memref<32x16xf32, #tpu.memory_space<vmem>>) offsets(%dma_start3A_242 : memref<32xi32, #tpu.memory_space<vmem>>) semaphore(%arg17 : memref<!tpu.dma_semaphore, #tpu.memory_space<semaphore_mem>>)
    %dma_start3A_250 = arith.constant 3 : i32
    %dma_start3A_251 = arith.constant 0 : i32
    %dma_start3A_252 = arith.constant 3 : i32
    %dma_start3A_253 = arith.constant 0 : i32
    %dma_start3A_254 = arith.constant 0 : i32
    %dma_start3A_255 = tpu.memref_slice %arg14[%dma_start3A_251, %dma_start3A_252, %dma_start3A_253, %dma_start3A_254] : memref<2x4x32x128xf32, #tpu.memory_space<vmem>> -> memref<1x1x32x128xf32, #tpu.memory_space<vmem>>
    %dma_start3A_256 = tpu.memref_squeeze %dma_start3A_255 : memref<1x1x32x128xf32, #tpu.memory_space<vmem>> -> memref<32x128xf32, #tpu.memory_space<vmem>>
    %dma_start3A_257 = arith.constant 0 : i32
    %dma_start3A_258 = tpu.memref_slice %arg10[%dma_start3A_250, %dma_start3A_257] : memref<256x32xi32, #tpu.memory_space<vmem>> -> memref<1x32xi32, #tpu.memory_space<vmem>>
    %dma_start3A_259 = tpu.memref_squeeze %dma_start3A_258 : memref<1x32xi32, #tpu.memory_space<vmem>> -> memref<32xi32, #tpu.memory_space<vmem>>
    %dma_start3A_260 = arith.constant 0 : i32
    %dma_start3A_261 = arith.constant 0 : i32
    %dma_start3A_262 = tpu.memref_slice %arg2[%select_n3A, %dma_start3A_260, %dma_start3A_261] : memref<8x4096x128xf32, #tpu.memory_space<hbm>> -> memref<1x4096x128xf32, #tpu.memory_space<hbm>>
    %dma_start3A_263 = tpu.memref_squeeze %dma_start3A_262 : memref<1x4096x128xf32, #tpu.memory_space<hbm>> -> memref<4096x128xf32, #tpu.memory_space<hbm>>
    %dma_start3A_264 = arith.constant 0 : i32
    %dma_start3A_265 = arith.constant 0 : i32
    %dma_start3A_266 = tpu.memref_slice %dma_start3A_263[%dma_start3A_264, %dma_start3A_265] : memref<4096x128xf32, #tpu.memory_space<hbm>> -> memref<4096x128xf32, #tpu.memory_space<hbm>>
    tpu.enqueue_indirect_dma source(%dma_start3A_266 : memref<4096x128xf32, #tpu.memory_space<hbm>>) target(%dma_start3A_256 : memref<32x128xf32, #tpu.memory_space<vmem>>) offsets(%dma_start3A_259 : memref<32xi32, #tpu.memory_space<vmem>>) semaphore(%arg17 : memref<!tpu.dma_semaphore, #tpu.memory_space<semaphore_mem>>)
    %dma_start3A_267 = arith.constant 3 : i32
    %dma_start3A_268 = arith.constant 0 : i32
    %dma_start3A_269 = arith.constant 3 : i32
    %dma_start3A_270 = arith.constant 0 : i32
    %dma_start3A_271 = arith.constant 0 : i32
    %dma_start3A_272 = tpu.memref_slice %arg15[%dma_start3A_268, %dma_start3A_269, %dma_start3A_270, %dma_start3A_271] : memref<2x4x32x16xf32, #tpu.memory_space<vmem>> -> memref<1x1x32x16xf32, #tpu.memory_space<vmem>>
    %dma_start3A_273 = tpu.memref_squeeze %dma_start3A_272 : memref<1x1x32x16xf32, #tpu.memory_space<vmem>> -> memref<32x16xf32, #tpu.memory_space<vmem>>
    %dma_start3A_274 = arith.constant 0 : i32
    %dma_start3A_275 = tpu.memref_slice %arg10[%dma_start3A_267, %dma_start3A_274] : memref<256x32xi32, #tpu.memory_space<vmem>> -> memref<1x32xi32, #tpu.memory_space<vmem>>
    %dma_start3A_276 = tpu.memref_squeeze %dma_start3A_275 : memref<1x32xi32, #tpu.memory_space<vmem>> -> memref<32xi32, #tpu.memory_space<vmem>>
    %dma_start3A_277 = arith.constant 0 : i32
    %dma_start3A_278 = arith.constant 0 : i32
    %dma_start3A_279 = tpu.memref_slice %arg3[%select_n3A, %dma_start3A_277, %dma_start3A_278] : memref<8x4096x16xf32, #tpu.memory_space<hbm>> -> memref<1x4096x16xf32, #tpu.memory_space<hbm>>
    %dma_start3A_280 = tpu.memref_squeeze %dma_start3A_279 : memref<1x4096x16xf32, #tpu.memory_space<hbm>> -> memref<4096x16xf32, #tpu.memory_space<hbm>>
    %dma_start3A_281 = arith.constant 0 : i32
    %dma_start3A_282 = arith.constant 0 : i32
    %dma_start3A_283 = tpu.memref_slice %dma_start3A_280[%dma_start3A_281, %dma_start3A_282] : memref<4096x16xf32, #tpu.memory_space<hbm>> -> memref<4096x16xf32, #tpu.memory_space<hbm>>
    tpu.enqueue_indirect_dma source(%dma_start3A_283 : memref<4096x16xf32, #tpu.memory_space<hbm>>) target(%dma_start3A_273 : memref<32x16xf32, #tpu.memory_space<vmem>>) offsets(%dma_start3A_276 : memref<32xi32, #tpu.memory_space<vmem>>) semaphore(%arg17 : memref<!tpu.dma_semaphore, #tpu.memory_space<semaphore_mem>>)
    %dma_start3A_284 = arith.constant 4 : i32
    %dma_start3A_285 = arith.constant 1 : i32
    %dma_start3A_286 = arith.constant 0 : i32
    %dma_start3A_287 = arith.constant 0 : i32
    %dma_start3A_288 = arith.constant 0 : i32
    %dma_start3A_289 = tpu.memref_slice %arg14[%dma_start3A_285, %dma_start3A_286, %dma_start3A_287, %dma_start3A_288] : memref<2x4x32x128xf32, #tpu.memory_space<vmem>> -> memref<1x1x32x128xf32, #tpu.memory_space<vmem>>
    %dma_start3A_290 = tpu.memref_squeeze %dma_start3A_289 : memref<1x1x32x128xf32, #tpu.memory_space<vmem>> -> memref<32x128xf32, #tpu.memory_space<vmem>>
    %dma_start3A_291 = arith.constant 0 : i32
    %dma_start3A_292 = tpu.memref_slice %arg10[%dma_start3A_284, %dma_start3A_291] : memref<256x32xi32, #tpu.memory_space<vmem>> -> memref<1x32xi32, #tpu.memory_space<vmem>>
    %dma_start3A_293 = tpu.memref_squeeze %dma_start3A_292 : memref<1x32xi32, #tpu.memory_space<vmem>> -> memref<32xi32, #tpu.memory_space<vmem>>
    %dma_start3A_294 = arith.constant 0 : i32
    %dma_start3A_295 = arith.constant 0 : i32
    %dma_start3A_296 = tpu.memref_slice %arg2[%select_n3A, %dma_start3A_294, %dma_start3A_295] : memref<8x4096x128xf32, #tpu.memory_space<hbm>> -> memref<1x4096x128xf32, #tpu.memory_space<hbm>>
    %dma_start3A_297 = tpu.memref_squeeze %dma_start3A_296 : memref<1x4096x128xf32, #tpu.memory_space<hbm>> -> memref<4096x128xf32, #tpu.memory_space<hbm>>
    %dma_start3A_298 = arith.constant 0 : i32
    %dma_start3A_299 = arith.constant 0 : i32
    %dma_start3A_300 = tpu.memref_slice %dma_start3A_297[%dma_start3A_298, %dma_start3A_299] : memref<4096x128xf32, #tpu.memory_space<hbm>> -> memref<4096x128xf32, #tpu.memory_space<hbm>>
    tpu.enqueue_indirect_dma source(%dma_start3A_300 : memref<4096x128xf32, #tpu.memory_space<hbm>>) target(%dma_start3A_290 : memref<32x128xf32, #tpu.memory_space<vmem>>) offsets(%dma_start3A_293 : memref<32xi32, #tpu.memory_space<vmem>>) semaphore(%arg18 : memref<!tpu.dma_semaphore, #tpu.memory_space<semaphore_mem>>)
    %dma_start3A_301 = arith.constant 4 : i32
    %dma_start3A_302 = arith.constant 1 : i32
    %dma_start3A_303 = arith.constant 0 : i32
    %dma_start3A_304 = arith.constant 0 : i32
    %dma_start3A_305 = arith.constant 0 : i32
    %dma_start3A_306 = tpu.memref_slice %arg15[%dma_start3A_302, %dma_start3A_303, %dma_start3A_304, %dma_start3A_305] : memref<2x4x32x16xf32, #tpu.memory_space<vmem>> -> memref<1x1x32x16xf32, #tpu.memory_space<vmem>>
    %dma_start3A_307 = tpu.memref_squeeze %dma_start3A_306 : memref<1x1x32x16xf32, #tpu.memory_space<vmem>> -> memref<32x16xf32, #tpu.memory_space<vmem>>
    %dma_start3A_308 = arith.constant 0 : i32
    %dma_start3A_309 = tpu.memref_slice %arg10[%dma_start3A_301, %dma_start3A_308] : memref<256x32xi32, #tpu.memory_space<vmem>> -> memref<1x32xi32, #tpu.memory_space<vmem>>
    %dma_start3A_310 = tpu.memref_squeeze %dma_start3A_309 : memref<1x32xi32, #tpu.memory_space<vmem>> -> memref<32xi32, #tpu.memory_space<vmem>>
    %dma_start3A_311 = arith.constant 0 : i32
    %dma_start3A_312 = arith.constant 0 : i32
    %dma_start3A_313 = tpu.memref_slice %arg3[%select_n3A, %dma_start3A_311, %dma_start3A_312] : memref<8x4096x16xf32, #tpu.memory_space<hbm>> -> memref<1x4096x16xf32, #tpu.memory_space<hbm>>
    %dma_start3A_314 = tpu.memref_squeeze %dma_start3A_313 : memref<1x4096x16xf32, #tpu.memory_space<hbm>> -> memref<4096x16xf32, #tpu.memory_space<hbm>>
    %dma_start3A_315 = arith.constant 0 : i32
    %dma_start3A_316 = arith.constant 0 : i32
    %dma_start3A_317 = tpu.memref_slice %dma_start3A_314[%dma_start3A_315, %dma_start3A_316] : memref<4096x16xf32, #tpu.memory_space<hbm>> -> memref<4096x16xf32, #tpu.memory_space<hbm>>
    tpu.enqueue_indirect_dma source(%dma_start3A_317 : memref<4096x16xf32, #tpu.memory_space<hbm>>) target(%dma_start3A_307 : memref<32x16xf32, #tpu.memory_space<vmem>>) offsets(%dma_start3A_310 : memref<32xi32, #tpu.memory_space<vmem>>) semaphore(%arg18 : memref<!tpu.dma_semaphore, #tpu.memory_space<semaphore_mem>>)
    %dma_start3A_318 = arith.constant 5 : i32
    %dma_start3A_319 = arith.constant 1 : i32
    %dma_start3A_320 = arith.constant 1 : i32
    %dma_start3A_321 = arith.constant 0 : i32
    %dma_start3A_322 = arith.constant 0 : i32
    %dma_start3A_323 = tpu.memref_slice %arg14[%dma_start3A_319, %dma_start3A_320, %dma_start3A_321, %dma_start3A_322] : memref<2x4x32x128xf32, #tpu.memory_space<vmem>> -> memref<1x1x32x128xf32, #tpu.memory_space<vmem>>
    %dma_start3A_324 = tpu.memref_squeeze %dma_start3A_323 : memref<1x1x32x128xf32, #tpu.memory_space<vmem>> -> memref<32x128xf32, #tpu.memory_space<vmem>>
    %dma_start3A_325 = arith.constant 0 : i32
    %dma_start3A_326 = tpu.memref_slice %arg10[%dma_start3A_318, %dma_start3A_325] : memref<256x32xi32, #tpu.memory_space<vmem>> -> memref<1x32xi32, #tpu.memory_space<vmem>>
    %dma_start3A_327 = tpu.memref_squeeze %dma_start3A_326 : memref<1x32xi32, #tpu.memory_space<vmem>> -> memref<32xi32, #tpu.memory_space<vmem>>
    %dma_start3A_328 = arith.constant 0 : i32
    %dma_start3A_329 = arith.constant 0 : i32
    %dma_start3A_330 = tpu.memref_slice %arg2[%select_n3A, %dma_start3A_328, %dma_start3A_329] : memref<8x4096x128xf32, #tpu.memory_space<hbm>> -> memref<1x4096x128xf32, #tpu.memory_space<hbm>>
    %dma_start3A_331 = tpu.memref_squeeze %dma_start3A_330 : memref<1x4096x128xf32, #tpu.memory_space<hbm>> -> memref<4096x128xf32, #tpu.memory_space<hbm>>
    %dma_start3A_332 = arith.constant 0 : i32
    %dma_start3A_333 = arith.constant 0 : i32
    %dma_start3A_334 = tpu.memref_slice %dma_start3A_331[%dma_start3A_332, %dma_start3A_333] : memref<4096x128xf32, #tpu.memory_space<hbm>> -> memref<4096x128xf32, #tpu.memory_space<hbm>>
    tpu.enqueue_indirect_dma source(%dma_start3A_334 : memref<4096x128xf32, #tpu.memory_space<hbm>>) target(%dma_start3A_324 : memref<32x128xf32, #tpu.memory_space<vmem>>) offsets(%dma_start3A_327 : memref<32xi32, #tpu.memory_space<vmem>>) semaphore(%arg18 : memref<!tpu.dma_semaphore, #tpu.memory_space<semaphore_mem>>)
    %dma_start3A_335 = arith.constant 5 : i32
    %dma_start3A_336 = arith.constant 1 : i32
    %dma_start3A_337 = arith.constant 1 : i32
    %dma_start3A_338 = arith.constant 0 : i32
    %dma_start3A_339 = arith.constant 0 : i32
    %dma_start3A_340 = tpu.memref_slice %arg15[%dma_start3A_336, %dma_start3A_337, %dma_start3A_338, %dma_start3A_339] : memref<2x4x32x16xf32, #tpu.memory_space<vmem>> -> memref<1x1x32x16xf32, #tpu.memory_space<vmem>>
    %dma_start3A_341 = tpu.memref_squeeze %dma_start3A_340 : memref<1x1x32x16xf32, #tpu.memory_space<vmem>> -> memref<32x16xf32, #tpu.memory_space<vmem>>
    %dma_start3A_342 = arith.constant 0 : i32
    %dma_start3A_343 = tpu.memref_slice %arg10[%dma_start3A_335, %dma_start3A_342] : memref<256x32xi32, #tpu.memory_space<vmem>> -> memref<1x32xi32, #tpu.memory_space<vmem>>
    %dma_start3A_344 = tpu.memref_squeeze %dma_start3A_343 : memref<1x32xi32, #tpu.memory_space<vmem>> -> memref<32xi32, #tpu.memory_space<vmem>>
    %dma_start3A_345 = arith.constant 0 : i32
    %dma_start3A_346 = arith.constant 0 : i32
    %dma_start3A_347 = tpu.memref_slice %arg3[%select_n3A, %dma_start3A_345, %dma_start3A_346] : memref<8x4096x16xf32, #tpu.memory_space<hbm>> -> memref<1x4096x16xf32, #tpu.memory_space<hbm>>
    %dma_start3A_348 = tpu.memref_squeeze %dma_start3A_347 : memref<1x4096x16xf32, #tpu.memory_space<hbm>> -> memref<4096x16xf32, #tpu.memory_space<hbm>>
    %dma_start3A_349 = arith.constant 0 : i32
    %dma_start3A_350 = arith.constant 0 : i32
    %dma_start3A_351 = tpu.memref_slice %dma_start3A_348[%dma_start3A_349, %dma_start3A_350] : memref<4096x16xf32, #tpu.memory_space<hbm>> -> memref<4096x16xf32, #tpu.memory_space<hbm>>
    tpu.enqueue_indirect_dma source(%dma_start3A_351 : memref<4096x16xf32, #tpu.memory_space<hbm>>) target(%dma_start3A_341 : memref<32x16xf32, #tpu.memory_space<vmem>>) offsets(%dma_start3A_344 : memref<32xi32, #tpu.memory_space<vmem>>) semaphore(%arg18 : memref<!tpu.dma_semaphore, #tpu.memory_space<semaphore_mem>>)
    %dma_start3A_352 = arith.constant 6 : i32
    %dma_start3A_353 = arith.constant 1 : i32
    %dma_start3A_354 = arith.constant 2 : i32
    %dma_start3A_355 = arith.constant 0 : i32
    %dma_start3A_356 = arith.constant 0 : i32
    %dma_start3A_357 = tpu.memref_slice %arg14[%dma_start3A_353, %dma_start3A_354, %dma_start3A_355, %dma_start3A_356] : memref<2x4x32x128xf32, #tpu.memory_space<vmem>> -> memref<1x1x32x128xf32, #tpu.memory_space<vmem>>
    %dma_start3A_358 = tpu.memref_squeeze %dma_start3A_357 : memref<1x1x32x128xf32, #tpu.memory_space<vmem>> -> memref<32x128xf32, #tpu.memory_space<vmem>>
    %dma_start3A_359 = arith.constant 0 : i32
    %dma_start3A_360 = tpu.memref_slice %arg10[%dma_start3A_352, %dma_start3A_359] : memref<256x32xi32, #tpu.memory_space<vmem>> -> memref<1x32xi32, #tpu.memory_space<vmem>>
    %dma_start3A_361 = tpu.memref_squeeze %dma_start3A_360 : memref<1x32xi32, #tpu.memory_space<vmem>> -> memref<32xi32, #tpu.memory_space<vmem>>
    %dma_start3A_362 = arith.constant 0 : i32
    %dma_start3A_363 = arith.constant 0 : i32
    %dma_start3A_364 = tpu.memref_slice %arg2[%select_n3A, %dma_start3A_362, %dma_start3A_363] : memref<8x4096x128xf32, #tpu.memory_space<hbm>> -> memref<1x4096x128xf32, #tpu.memory_space<hbm>>
    %dma_start3A_365 = tpu.memref_squeeze %dma_start3A_364 : memref<1x4096x128xf32, #tpu.memory_space<hbm>> -> memref<4096x128xf32, #tpu.memory_space<hbm>>
    %dma_start3A_366 = arith.constant 0 : i32
    %dma_start3A_367 = arith.constant 0 : i32
    %dma_start3A_368 = tpu.memref_slice %dma_start3A_365[%dma_start3A_366, %dma_start3A_367] : memref<4096x128xf32, #tpu.memory_space<hbm>> -> memref<4096x128xf32, #tpu.memory_space<hbm>>
    tpu.enqueue_indirect_dma source(%dma_start3A_368 : memref<4096x128xf32, #tpu.memory_space<hbm>>) target(%dma_start3A_358 : memref<32x128xf32, #tpu.memory_space<vmem>>) offsets(%dma_start3A_361 : memref<32xi32, #tpu.memory_space<vmem>>) semaphore(%arg18 : memref<!tpu.dma_semaphore, #tpu.memory_space<semaphore_mem>>)
    %dma_start3A_369 = arith.constant 6 : i32
    %dma_start3A_370 = arith.constant 1 : i32
    %dma_start3A_371 = arith.constant 2 : i32
    %dma_start3A_372 = arith.constant 0 : i32
    %dma_start3A_373 = arith.constant 0 : i32
    %dma_start3A_374 = tpu.memref_slice %arg15[%dma_start3A_370, %dma_start3A_371, %dma_start3A_372, %dma_start3A_373] : memref<2x4x32x16xf32, #tpu.memory_space<vmem>> -> memref<1x1x32x16xf32, #tpu.memory_space<vmem>>
    %dma_start3A_375 = tpu.memref_squeeze %dma_start3A_374 : memref<1x1x32x16xf32, #tpu.memory_space<vmem>> -> memref<32x16xf32, #tpu.memory_space<vmem>>
    %dma_start3A_376 = arith.constant 0 : i32
    %dma_start3A_377 = tpu.memref_slice %arg10[%dma_start3A_369, %dma_start3A_376] : memref<256x32xi32, #tpu.memory_space<vmem>> -> memref<1x32xi32, #tpu.memory_space<vmem>>
    %dma_start3A_378 = tpu.memref_squeeze %dma_start3A_377 : memref<1x32xi32, #tpu.memory_space<vmem>> -> memref<32xi32, #tpu.memory_space<vmem>>
    %dma_start3A_379 = arith.constant 0 : i32
    %dma_start3A_380 = arith.constant 0 : i32
    %dma_start3A_381 = tpu.memref_slice %arg3[%select_n3A, %dma_start3A_379, %dma_start3A_380] : memref<8x4096x16xf32, #tpu.memory_space<hbm>> -> memref<1x4096x16xf32, #tpu.memory_space<hbm>>
    %dma_start3A_382 = tpu.memref_squeeze %dma_start3A_381 : memref<1x4096x16xf32, #tpu.memory_space<hbm>> -> memref<4096x16xf32, #tpu.memory_space<hbm>>
    %dma_start3A_383 = arith.constant 0 : i32
    %dma_start3A_384 = arith.constant 0 : i32
    %dma_start3A_385 = tpu.memref_slice %dma_start3A_382[%dma_start3A_383, %dma_start3A_384] : memref<4096x16xf32, #tpu.memory_space<hbm>> -> memref<4096x16xf32, #tpu.memory_space<hbm>>
    tpu.enqueue_indirect_dma source(%dma_start3A_385 : memref<4096x16xf32, #tpu.memory_space<hbm>>) target(%dma_start3A_375 : memref<32x16xf32, #tpu.memory_space<vmem>>) offsets(%dma_start3A_378 : memref<32xi32, #tpu.memory_space<vmem>>) semaphore(%arg18 : memref<!tpu.dma_semaphore, #tpu.memory_space<semaphore_mem>>)
    %dma_start3A_386 = arith.constant 7 : i32
    %dma_start3A_387 = arith.constant 1 : i32
    %dma_start3A_388 = arith.constant 3 : i32
    %dma_start3A_389 = arith.constant 0 : i32
    %dma_start3A_390 = arith.constant 0 : i32
    %dma_start3A_391 = tpu.memref_slice %arg14[%dma_start3A_387, %dma_start3A_388, %dma_start3A_389, %dma_start3A_390] : memref<2x4x32x128xf32, #tpu.memory_space<vmem>> -> memref<1x1x32x128xf32, #tpu.memory_space<vmem>>
    %dma_start3A_392 = tpu.memref_squeeze %dma_start3A_391 : memref<1x1x32x128xf32, #tpu.memory_space<vmem>> -> memref<32x128xf32, #tpu.memory_space<vmem>>
    %dma_start3A_393 = arith.constant 0 : i32
    %dma_start3A_394 = tpu.memref_slice %arg10[%dma_start3A_386, %dma_start3A_393] : memref<256x32xi32, #tpu.memory_space<vmem>> -> memref<1x32xi32, #tpu.memory_space<vmem>>
    %dma_start3A_395 = tpu.memref_squeeze %dma_start3A_394 : memref<1x32xi32, #tpu.memory_space<vmem>> -> memref<32xi32, #tpu.memory_space<vmem>>
    %dma_start3A_396 = arith.constant 0 : i32
    %dma_start3A_397 = arith.constant 0 : i32
    %dma_start3A_398 = tpu.memref_slice %arg2[%select_n3A, %dma_start3A_396, %dma_start3A_397] : memref<8x4096x128xf32, #tpu.memory_space<hbm>> -> memref<1x4096x128xf32, #tpu.memory_space<hbm>>
    %dma_start3A_399 = tpu.memref_squeeze %dma_start3A_398 : memref<1x4096x128xf32, #tpu.memory_space<hbm>> -> memref<4096x128xf32, #tpu.memory_space<hbm>>
    %dma_start3A_400 = arith.constant 0 : i32
    %dma_start3A_401 = arith.constant 0 : i32
    %dma_start3A_402 = tpu.memref_slice %dma_start3A_399[%dma_start3A_400, %dma_start3A_401] : memref<4096x128xf32, #tpu.memory_space<hbm>> -> memref<4096x128xf32, #tpu.memory_space<hbm>>
    tpu.enqueue_indirect_dma source(%dma_start3A_402 : memref<4096x128xf32, #tpu.memory_space<hbm>>) target(%dma_start3A_392 : memref<32x128xf32, #tpu.memory_space<vmem>>) offsets(%dma_start3A_395 : memref<32xi32, #tpu.memory_space<vmem>>) semaphore(%arg18 : memref<!tpu.dma_semaphore, #tpu.memory_space<semaphore_mem>>)
    %dma_start3A_403 = arith.constant 7 : i32
    %dma_start3A_404 = arith.constant 1 : i32
    %dma_start3A_405 = arith.constant 3 : i32
    %dma_start3A_406 = arith.constant 0 : i32
    %dma_start3A_407 = arith.constant 0 : i32
    %dma_start3A_408 = tpu.memref_slice %arg15[%dma_start3A_404, %dma_start3A_405, %dma_start3A_406, %dma_start3A_407] : memref<2x4x32x16xf32, #tpu.memory_space<vmem>> -> memref<1x1x32x16xf32, #tpu.memory_space<vmem>>
    %dma_start3A_409 = tpu.memref_squeeze %dma_start3A_408 : memref<1x1x32x16xf32, #tpu.memory_space<vmem>> -> memref<32x16xf32, #tpu.memory_space<vmem>>
    %dma_start3A_410 = arith.constant 0 : i32
    %dma_start3A_411 = tpu.memref_slice %arg10[%dma_start3A_403, %dma_start3A_410] : memref<256x32xi32, #tpu.memory_space<vmem>> -> memref<1x32xi32, #tpu.memory_space<vmem>>
    %dma_start3A_412 = tpu.memref_squeeze %dma_start3A_411 : memref<1x32xi32, #tpu.memory_space<vmem>> -> memref<32xi32, #tpu.memory_space<vmem>>
    %dma_start3A_413 = arith.constant 0 : i32
    %dma_start3A_414 = arith.constant 0 : i32
    %dma_start3A_415 = tpu.memref_slice %arg3[%select_n3A, %dma_start3A_413, %dma_start3A_414] : memref<8x4096x16xf32, #tpu.memory_space<hbm>> -> memref<1x4096x16xf32, #tpu.memory_space<hbm>>
    %dma_start3A_416 = tpu.memref_squeeze %dma_start3A_415 : memref<1x4096x16xf32, #tpu.memory_space<hbm>> -> memref<4096x16xf32, #tpu.memory_space<hbm>>
    %dma_start3A_417 = arith.constant 0 : i32
    %dma_start3A_418 = arith.constant 0 : i32
    %dma_start3A_419 = tpu.memref_slice %dma_start3A_416[%dma_start3A_417, %dma_start3A_418] : memref<4096x16xf32, #tpu.memory_space<hbm>> -> memref<4096x16xf32, #tpu.memory_space<hbm>>
    tpu.enqueue_indirect_dma source(%dma_start3A_419 : memref<4096x16xf32, #tpu.memory_space<hbm>>) target(%dma_start3A_409 : memref<32x16xf32, #tpu.memory_space<vmem>>) offsets(%dma_start3A_412 : memref<32xi32, #tpu.memory_space<vmem>>) semaphore(%arg18 : memref<!tpu.dma_semaphore, #tpu.memory_space<semaphore_mem>>)
    %scan3A = arith.constant 0 : i32
    %scan3A_420 = arith.constant 0 : i32
    %scan3A_421 = arith.constant 32 : i32
    %scan3A_422 = arith.addi %scan3A_420, %scan3A_421 : i32
    %scan3A_423 = arith.constant 1 : i32
    scf.for %scan3A_745 = %scan3A_420 to %scan3A_422 step %scan3A_423  : i32 {
      %mul3A_746 = arith.constant 2 : i32
      %mul3A_747 = arith.muli %mul3A_746, %scan3A_745 : i32
      %add3A_748 = arith.constant 0 : i32
      %add3A_749 = arith.addi %mul3A_747, %add3A_748 : i32
      %mul3A_750 = arith.constant 4 : i32
      %mul3A_751 = arith.muli %add3A_749, %mul3A_750 : i32
      %add3A_752 = arith.constant 0 : i32
      %add3A_753 = arith.addi %mul3A_751, %add3A_752 : i32
      %mul3A_754 = arith.constant 4 : i32
      %mul3A_755 = arith.muli %add3A_749, %mul3A_754 : i32
      %add3A_756 = arith.constant 1 : i32
      %add3A_757 = arith.addi %mul3A_755, %add3A_756 : i32
      %mul3A_758 = arith.constant 4 : i32
      %mul3A_759 = arith.muli %add3A_749, %mul3A_758 : i32
      %add3A_760 = arith.constant 2 : i32
      %add3A_761 = arith.addi %mul3A_759, %add3A_760 : i32
      %mul3A_762 = arith.constant 4 : i32
      %mul3A_763 = arith.muli %add3A_749, %mul3A_762 : i32
      %add3A_764 = arith.constant 3 : i32
      %add3A_765 = arith.addi %mul3A_763, %add3A_764 : i32
      %dma_wait3A_766 = arith.constant 0 : i32
      %dma_wait3A_767 = arith.constant 0 : i32
      %dma_wait3A_768 = arith.constant 0 : i32
      %dma_wait3A_769 = arith.constant 0 : i32
      %dma_wait3A_770 = tpu.memref_slice %arg14[%dma_wait3A_766, %dma_wait3A_767, %dma_wait3A_768, %dma_wait3A_769] : memref<2x4x32x128xf32, #tpu.memory_space<vmem>> -> memref<1x1x32x128xf32, #tpu.memory_space<vmem>>
      %dma_wait3A_771 = tpu.memref_squeeze %dma_wait3A_770 : memref<1x1x32x128xf32, #tpu.memory_space<vmem>> -> memref<32x128xf32, #tpu.memory_space<vmem>>
      %dma_wait3A_772 = arith.constant 0 : i32
      %dma_wait3A_773 = tpu.memref_slice %arg10[%add3A_753, %dma_wait3A_772] : memref<256x32xi32, #tpu.memory_space<vmem>> -> memref<1x32xi32, #tpu.memory_space<vmem>>
      %dma_wait3A_774 = tpu.memref_squeeze %dma_wait3A_773 : memref<1x32xi32, #tpu.memory_space<vmem>> -> memref<32xi32, #tpu.memory_space<vmem>>
      %dma_wait3A_775 = arith.constant 0 : i32
      %dma_wait3A_776 = arith.constant 0 : i32
      %dma_wait3A_777 = tpu.memref_slice %arg2[%select_n3A, %dma_wait3A_775, %dma_wait3A_776] : memref<8x4096x128xf32, #tpu.memory_space<hbm>> -> memref<1x4096x128xf32, #tpu.memory_space<hbm>>
      %dma_wait3A_778 = tpu.memref_squeeze %dma_wait3A_777 : memref<1x4096x128xf32, #tpu.memory_space<hbm>> -> memref<4096x128xf32, #tpu.memory_space<hbm>>
      %dma_wait3A_779 = arith.constant 0 : i32
      %dma_wait3A_780 = arith.constant 0 : i32
      %dma_wait3A_781 = tpu.memref_slice %dma_wait3A_778[%dma_wait3A_779, %dma_wait3A_780] : memref<4096x128xf32, #tpu.memory_space<hbm>> -> memref<4096x128xf32, #tpu.memory_space<hbm>>
      tpu.wait_indirect_dma semaphore(%arg17 : memref<!tpu.dma_semaphore, #tpu.memory_space<semaphore_mem>>) src(%dma_wait3A_781 : memref<4096x128xf32, #tpu.memory_space<hbm>>) dst(%dma_wait3A_771 : memref<32x128xf32, #tpu.memory_space<vmem>>)
      %dma_wait3A_782 = arith.constant 0 : i32
      %dma_wait3A_783 = arith.constant 0 : i32
      %dma_wait3A_784 = arith.constant 0 : i32
      %dma_wait3A_785 = arith.constant 0 : i32
      %dma_wait3A_786 = tpu.memref_slice %arg15[%dma_wait3A_782, %dma_wait3A_783, %dma_wait3A_784, %dma_wait3A_785] : memref<2x4x32x16xf32, #tpu.memory_space<vmem>> -> memref<1x1x32x16xf32, #tpu.memory_space<vmem>>
      %dma_wait3A_787 = tpu.memref_squeeze %dma_wait3A_786 : memref<1x1x32x16xf32, #tpu.memory_space<vmem>> -> memref<32x16xf32, #tpu.memory_space<vmem>>
      %dma_wait3A_788 = arith.constant 0 : i32
      %dma_wait3A_789 = tpu.memref_slice %arg10[%add3A_753, %dma_wait3A_788] : memref<256x32xi32, #tpu.memory_space<vmem>> -> memref<1x32xi32, #tpu.memory_space<vmem>>
      %dma_wait3A_790 = tpu.memref_squeeze %dma_wait3A_789 : memref<1x32xi32, #tpu.memory_space<vmem>> -> memref<32xi32, #tpu.memory_space<vmem>>
      %dma_wait3A_791 = arith.constant 0 : i32
      %dma_wait3A_792 = arith.constant 0 : i32
      %dma_wait3A_793 = tpu.memref_slice %arg3[%select_n3A, %dma_wait3A_791, %dma_wait3A_792] : memref<8x4096x16xf32, #tpu.memory_space<hbm>> -> memref<1x4096x16xf32, #tpu.memory_space<hbm>>
      %dma_wait3A_794 = tpu.memref_squeeze %dma_wait3A_793 : memref<1x4096x16xf32, #tpu.memory_space<hbm>> -> memref<4096x16xf32, #tpu.memory_space<hbm>>
      %dma_wait3A_795 = arith.constant 0 : i32
      %dma_wait3A_796 = arith.constant 0 : i32
      %dma_wait3A_797 = tpu.memref_slice %dma_wait3A_794[%dma_wait3A_795, %dma_wait3A_796] : memref<4096x16xf32, #tpu.memory_space<hbm>> -> memref<4096x16xf32, #tpu.memory_space<hbm>>
      tpu.wait_indirect_dma semaphore(%arg17 : memref<!tpu.dma_semaphore, #tpu.memory_space<semaphore_mem>>) src(%dma_wait3A_797 : memref<4096x16xf32, #tpu.memory_space<hbm>>) dst(%dma_wait3A_787 : memref<32x16xf32, #tpu.memory_space<vmem>>)
      %dma_wait3A_798 = arith.constant 0 : i32
      %dma_wait3A_799 = arith.constant 1 : i32
      %dma_wait3A_800 = arith.constant 0 : i32
      %dma_wait3A_801 = arith.constant 0 : i32
      %dma_wait3A_802 = tpu.memref_slice %arg14[%dma_wait3A_798, %dma_wait3A_799, %dma_wait3A_800, %dma_wait3A_801] : memref<2x4x32x128xf32, #tpu.memory_space<vmem>> -> memref<1x1x32x128xf32, #tpu.memory_space<vmem>>
      %dma_wait3A_803 = tpu.memref_squeeze %dma_wait3A_802 : memref<1x1x32x128xf32, #tpu.memory_space<vmem>> -> memref<32x128xf32, #tpu.memory_space<vmem>>
      %dma_wait3A_804 = arith.constant 0 : i32
      %dma_wait3A_805 = tpu.memref_slice %arg10[%add3A_757, %dma_wait3A_804] : memref<256x32xi32, #tpu.memory_space<vmem>> -> memref<1x32xi32, #tpu.memory_space<vmem>>
      %dma_wait3A_806 = tpu.memref_squeeze %dma_wait3A_805 : memref<1x32xi32, #tpu.memory_space<vmem>> -> memref<32xi32, #tpu.memory_space<vmem>>
      %dma_wait3A_807 = arith.constant 0 : i32
      %dma_wait3A_808 = arith.constant 0 : i32
      %dma_wait3A_809 = tpu.memref_slice %arg2[%select_n3A, %dma_wait3A_807, %dma_wait3A_808] : memref<8x4096x128xf32, #tpu.memory_space<hbm>> -> memref<1x4096x128xf32, #tpu.memory_space<hbm>>
      %dma_wait3A_810 = tpu.memref_squeeze %dma_wait3A_809 : memref<1x4096x128xf32, #tpu.memory_space<hbm>> -> memref<4096x128xf32, #tpu.memory_space<hbm>>
      %dma_wait3A_811 = arith.constant 0 : i32
      %dma_wait3A_812 = arith.constant 0 : i32
      %dma_wait3A_813 = tpu.memref_slice %dma_wait3A_810[%dma_wait3A_811, %dma_wait3A_812] : memref<4096x128xf32, #tpu.memory_space<hbm>> -> memref<4096x128xf32, #tpu.memory_space<hbm>>
      tpu.wait_indirect_dma semaphore(%arg17 : memref<!tpu.dma_semaphore, #tpu.memory_space<semaphore_mem>>) src(%dma_wait3A_813 : memref<4096x128xf32, #tpu.memory_space<hbm>>) dst(%dma_wait3A_803 : memref<32x128xf32, #tpu.memory_space<vmem>>)
      %dma_wait3A_814 = arith.constant 0 : i32
      %dma_wait3A_815 = arith.constant 1 : i32
      %dma_wait3A_816 = arith.constant 0 : i32
      %dma_wait3A_817 = arith.constant 0 : i32
      %dma_wait3A_818 = tpu.memref_slice %arg15[%dma_wait3A_814, %dma_wait3A_815, %dma_wait3A_816, %dma_wait3A_817] : memref<2x4x32x16xf32, #tpu.memory_space<vmem>> -> memref<1x1x32x16xf32, #tpu.memory_space<vmem>>
      %dma_wait3A_819 = tpu.memref_squeeze %dma_wait3A_818 : memref<1x1x32x16xf32, #tpu.memory_space<vmem>> -> memref<32x16xf32, #tpu.memory_space<vmem>>
      %dma_wait3A_820 = arith.constant 0 : i32
      %dma_wait3A_821 = tpu.memref_slice %arg10[%add3A_757, %dma_wait3A_820] : memref<256x32xi32, #tpu.memory_space<vmem>> -> memref<1x32xi32, #tpu.memory_space<vmem>>
      %dma_wait3A_822 = tpu.memref_squeeze %dma_wait3A_821 : memref<1x32xi32, #tpu.memory_space<vmem>> -> memref<32xi32, #tpu.memory_space<vmem>>
      %dma_wait3A_823 = arith.constant 0 : i32
      %dma_wait3A_824 = arith.constant 0 : i32
      %dma_wait3A_825 = tpu.memref_slice %arg3[%select_n3A, %dma_wait3A_823, %dma_wait3A_824] : memref<8x4096x16xf32, #tpu.memory_space<hbm>> -> memref<1x4096x16xf32, #tpu.memory_space<hbm>>
      %dma_wait3A_826 = tpu.memref_squeeze %dma_wait3A_825 : memref<1x4096x16xf32, #tpu.memory_space<hbm>> -> memref<4096x16xf32, #tpu.memory_space<hbm>>
      %dma_wait3A_827 = arith.constant 0 : i32
      %dma_wait3A_828 = arith.constant 0 : i32
      %dma_wait3A_829 = tpu.memref_slice %dma_wait3A_826[%dma_wait3A_827, %dma_wait3A_828] : memref<4096x16xf32, #tpu.memory_space<hbm>> -> memref<4096x16xf32, #tpu.memory_space<hbm>>
      tpu.wait_indirect_dma semaphore(%arg17 : memref<!tpu.dma_semaphore, #tpu.memory_space<semaphore_mem>>) src(%dma_wait3A_829 : memref<4096x16xf32, #tpu.memory_space<hbm>>) dst(%dma_wait3A_819 : memref<32x16xf32, #tpu.memory_space<vmem>>)
      %dma_wait3A_830 = arith.constant 0 : i32
      %dma_wait3A_831 = arith.constant 2 : i32
      %dma_wait3A_832 = arith.constant 0 : i32
      %dma_wait3A_833 = arith.constant 0 : i32
      %dma_wait3A_834 = tpu.memref_slice %arg14[%dma_wait3A_830, %dma_wait3A_831, %dma_wait3A_832, %dma_wait3A_833] : memref<2x4x32x128xf32, #tpu.memory_space<vmem>> -> memref<1x1x32x128xf32, #tpu.memory_space<vmem>>
      %dma_wait3A_835 = tpu.memref_squeeze %dma_wait3A_834 : memref<1x1x32x128xf32, #tpu.memory_space<vmem>> -> memref<32x128xf32, #tpu.memory_space<vmem>>
      %dma_wait3A_836 = arith.constant 0 : i32
      %dma_wait3A_837 = tpu.memref_slice %arg10[%add3A_761, %dma_wait3A_836] : memref<256x32xi32, #tpu.memory_space<vmem>> -> memref<1x32xi32, #tpu.memory_space<vmem>>
      %dma_wait3A_838 = tpu.memref_squeeze %dma_wait3A_837 : memref<1x32xi32, #tpu.memory_space<vmem>> -> memref<32xi32, #tpu.memory_space<vmem>>
      %dma_wait3A_839 = arith.constant 0 : i32
      %dma_wait3A_840 = arith.constant 0 : i32
      %dma_wait3A_841 = tpu.memref_slice %arg2[%select_n3A, %dma_wait3A_839, %dma_wait3A_840] : memref<8x4096x128xf32, #tpu.memory_space<hbm>> -> memref<1x4096x128xf32, #tpu.memory_space<hbm>>
      %dma_wait3A_842 = tpu.memref_squeeze %dma_wait3A_841 : memref<1x4096x128xf32, #tpu.memory_space<hbm>> -> memref<4096x128xf32, #tpu.memory_space<hbm>>
      %dma_wait3A_843 = arith.constant 0 : i32
      %dma_wait3A_844 = arith.constant 0 : i32
      %dma_wait3A_845 = tpu.memref_slice %dma_wait3A_842[%dma_wait3A_843, %dma_wait3A_844] : memref<4096x128xf32, #tpu.memory_space<hbm>> -> memref<4096x128xf32, #tpu.memory_space<hbm>>
      tpu.wait_indirect_dma semaphore(%arg17 : memref<!tpu.dma_semaphore, #tpu.memory_space<semaphore_mem>>) src(%dma_wait3A_845 : memref<4096x128xf32, #tpu.memory_space<hbm>>) dst(%dma_wait3A_835 : memref<32x128xf32, #tpu.memory_space<vmem>>)
      %dma_wait3A_846 = arith.constant 0 : i32
      %dma_wait3A_847 = arith.constant 2 : i32
      %dma_wait3A_848 = arith.constant 0 : i32
      %dma_wait3A_849 = arith.constant 0 : i32
      %dma_wait3A_850 = tpu.memref_slice %arg15[%dma_wait3A_846, %dma_wait3A_847, %dma_wait3A_848, %dma_wait3A_849] : memref<2x4x32x16xf32, #tpu.memory_space<vmem>> -> memref<1x1x32x16xf32, #tpu.memory_space<vmem>>
      %dma_wait3A_851 = tpu.memref_squeeze %dma_wait3A_850 : memref<1x1x32x16xf32, #tpu.memory_space<vmem>> -> memref<32x16xf32, #tpu.memory_space<vmem>>
      %dma_wait3A_852 = arith.constant 0 : i32
      %dma_wait3A_853 = tpu.memref_slice %arg10[%add3A_761, %dma_wait3A_852] : memref<256x32xi32, #tpu.memory_space<vmem>> -> memref<1x32xi32, #tpu.memory_space<vmem>>
      %dma_wait3A_854 = tpu.memref_squeeze %dma_wait3A_853 : memref<1x32xi32, #tpu.memory_space<vmem>> -> memref<32xi32, #tpu.memory_space<vmem>>
      %dma_wait3A_855 = arith.constant 0 : i32
      %dma_wait3A_856 = arith.constant 0 : i32
      %dma_wait3A_857 = tpu.memref_slice %arg3[%select_n3A, %dma_wait3A_855, %dma_wait3A_856] : memref<8x4096x16xf32, #tpu.memory_space<hbm>> -> memref<1x4096x16xf32, #tpu.memory_space<hbm>>
      %dma_wait3A_858 = tpu.memref_squeeze %dma_wait3A_857 : memref<1x4096x16xf32, #tpu.memory_space<hbm>> -> memref<4096x16xf32, #tpu.memory_space<hbm>>
      %dma_wait3A_859 = arith.constant 0 : i32
      %dma_wait3A_860 = arith.constant 0 : i32
      %dma_wait3A_861 = tpu.memref_slice %dma_wait3A_858[%dma_wait3A_859, %dma_wait3A_860] : memref<4096x16xf32, #tpu.memory_space<hbm>> -> memref<4096x16xf32, #tpu.memory_space<hbm>>
      tpu.wait_indirect_dma semaphore(%arg17 : memref<!tpu.dma_semaphore, #tpu.memory_space<semaphore_mem>>) src(%dma_wait3A_861 : memref<4096x16xf32, #tpu.memory_space<hbm>>) dst(%dma_wait3A_851 : memref<32x16xf32, #tpu.memory_space<vmem>>)
      %dma_wait3A_862 = arith.constant 0 : i32
      %dma_wait3A_863 = arith.constant 3 : i32
      %dma_wait3A_864 = arith.constant 0 : i32
      %dma_wait3A_865 = arith.constant 0 : i32
      %dma_wait3A_866 = tpu.memref_slice %arg14[%dma_wait3A_862, %dma_wait3A_863, %dma_wait3A_864, %dma_wait3A_865] : memref<2x4x32x128xf32, #tpu.memory_space<vmem>> -> memref<1x1x32x128xf32, #tpu.memory_space<vmem>>
      %dma_wait3A_867 = tpu.memref_squeeze %dma_wait3A_866 : memref<1x1x32x128xf32, #tpu.memory_space<vmem>> -> memref<32x128xf32, #tpu.memory_space<vmem>>
      %dma_wait3A_868 = arith.constant 0 : i32
      %dma_wait3A_869 = tpu.memref_slice %arg10[%add3A_765, %dma_wait3A_868] : memref<256x32xi32, #tpu.memory_space<vmem>> -> memref<1x32xi32, #tpu.memory_space<vmem>>
      %dma_wait3A_870 = tpu.memref_squeeze %dma_wait3A_869 : memref<1x32xi32, #tpu.memory_space<vmem>> -> memref<32xi32, #tpu.memory_space<vmem>>
      %dma_wait3A_871 = arith.constant 0 : i32
      %dma_wait3A_872 = arith.constant 0 : i32
      %dma_wait3A_873 = tpu.memref_slice %arg2[%select_n3A, %dma_wait3A_871, %dma_wait3A_872] : memref<8x4096x128xf32, #tpu.memory_space<hbm>> -> memref<1x4096x128xf32, #tpu.memory_space<hbm>>
      %dma_wait3A_874 = tpu.memref_squeeze %dma_wait3A_873 : memref<1x4096x128xf32, #tpu.memory_space<hbm>> -> memref<4096x128xf32, #tpu.memory_space<hbm>>
      %dma_wait3A_875 = arith.constant 0 : i32
      %dma_wait3A_876 = arith.constant 0 : i32
      %dma_wait3A_877 = tpu.memref_slice %dma_wait3A_874[%dma_wait3A_875, %dma_wait3A_876] : memref<4096x128xf32, #tpu.memory_space<hbm>> -> memref<4096x128xf32, #tpu.memory_space<hbm>>
      tpu.wait_indirect_dma semaphore(%arg17 : memref<!tpu.dma_semaphore, #tpu.memory_space<semaphore_mem>>) src(%dma_wait3A_877 : memref<4096x128xf32, #tpu.memory_space<hbm>>) dst(%dma_wait3A_867 : memref<32x128xf32, #tpu.memory_space<vmem>>)
      %dma_wait3A_878 = arith.constant 0 : i32
      %dma_wait3A_879 = arith.constant 3 : i32
      %dma_wait3A_880 = arith.constant 0 : i32
      %dma_wait3A_881 = arith.constant 0 : i32
      %dma_wait3A_882 = tpu.memref_slice %arg15[%dma_wait3A_878, %dma_wait3A_879, %dma_wait3A_880, %dma_wait3A_881] : memref<2x4x32x16xf32, #tpu.memory_space<vmem>> -> memref<1x1x32x16xf32, #tpu.memory_space<vmem>>
      %dma_wait3A_883 = tpu.memref_squeeze %dma_wait3A_882 : memref<1x1x32x16xf32, #tpu.memory_space<vmem>> -> memref<32x16xf32, #tpu.memory_space<vmem>>
      %dma_wait3A_884 = arith.constant 0 : i32
      %dma_wait3A_885 = tpu.memref_slice %arg10[%add3A_765, %dma_wait3A_884] : memref<256x32xi32, #tpu.memory_space<vmem>> -> memref<1x32xi32, #tpu.memory_space<vmem>>
      %dma_wait3A_886 = tpu.memref_squeeze %dma_wait3A_885 : memref<1x32xi32, #tpu.memory_space<vmem>> -> memref<32xi32, #tpu.memory_space<vmem>>
      %dma_wait3A_887 = arith.constant 0 : i32
      %dma_wait3A_888 = arith.constant 0 : i32
      %dma_wait3A_889 = tpu.memref_slice %arg3[%select_n3A, %dma_wait3A_887, %dma_wait3A_888] : memref<8x4096x16xf32, #tpu.memory_space<hbm>> -> memref<1x4096x16xf32, #tpu.memory_space<hbm>>
      %dma_wait3A_890 = tpu.memref_squeeze %dma_wait3A_889 : memref<1x4096x16xf32, #tpu.memory_space<hbm>> -> memref<4096x16xf32, #tpu.memory_space<hbm>>
      %dma_wait3A_891 = arith.constant 0 : i32
      %dma_wait3A_892 = arith.constant 0 : i32
      %dma_wait3A_893 = tpu.memref_slice %dma_wait3A_890[%dma_wait3A_891, %dma_wait3A_892] : memref<4096x16xf32, #tpu.memory_space<hbm>> -> memref<4096x16xf32, #tpu.memory_space<hbm>>
      tpu.wait_indirect_dma semaphore(%arg17 : memref<!tpu.dma_semaphore, #tpu.memory_space<semaphore_mem>>) src(%dma_wait3A_893 : memref<4096x16xf32, #tpu.memory_space<hbm>>) dst(%dma_wait3A_883 : memref<32x16xf32, #tpu.memory_space<vmem>>)
      %mul3A_894 = arith.constant 4 : i32
      %mul3A_895 = arith.muli %add3A_749, %mul3A_894 : i32
      %add3A_896 = arith.addi %mul3A_32, %mul3A_895 : i32
      %add3A_897 = arith.constant 0 : i32
      %add3A_898 = arith.addi %add3A_896, %add3A_897 : i32
      %mul3A_899 = arith.constant 4 : i32
      %mul3A_900 = arith.muli %add3A_749, %mul3A_899 : i32
      %add3A_901 = arith.addi %mul3A_32, %mul3A_900 : i32
      %add3A_902 = arith.constant 1 : i32
      %add3A_903 = arith.addi %add3A_901, %add3A_902 : i32
      %mul3A_904 = arith.constant 4 : i32
      %mul3A_905 = arith.muli %add3A_749, %mul3A_904 : i32
      %add3A_906 = arith.addi %mul3A_32, %mul3A_905 : i32
      %add3A_907 = arith.constant 2 : i32
      %add3A_908 = arith.addi %add3A_906, %add3A_907 : i32
      %mul3A_909 = arith.constant 4 : i32
      %mul3A_910 = arith.muli %add3A_749, %mul3A_909 : i32
      %add3A_911 = arith.addi %mul3A_32, %mul3A_910 : i32
      %add3A_912 = arith.constant 3 : i32
      %add3A_913 = arith.addi %add3A_911, %add3A_912 : i32
      %dma_start3A_914 = arith.constant 0 : i32
      %dma_start3A_915 = arith.constant 0 : i32
      %dma_start3A_916 = arith.constant 0 : i32
      %dma_start3A_917 = arith.constant 0 : i32
      %dma_start3A_918 = tpu.memref_slice %arg14[%dma_start3A_914, %dma_start3A_915, %dma_start3A_916, %dma_start3A_917] : memref<2x4x32x128xf32, #tpu.memory_space<vmem>> -> memref<1x1x32x128xf32, #tpu.memory_space<vmem>>
      %dma_start3A_919 = tpu.memref_squeeze %dma_start3A_918 : memref<1x1x32x128xf32, #tpu.memory_space<vmem>> -> memref<32x128xf32, #tpu.memory_space<vmem>>
      %dma_start3A_920 = arith.constant 0 : i32
      %dma_start3A_921 = arith.constant 0 : i32
      %dma_start3A_922 = tpu.memref_slice %arg6[%select_n3A, %add3A_898, %dma_start3A_920, %dma_start3A_921] : memref<8x1024x32x128xf32, #tpu.memory_space<hbm>> -> memref<1x1x32x128xf32, #tpu.memory_space<hbm>>
      %dma_start3A_923 = tpu.memref_squeeze %dma_start3A_922 : memref<1x1x32x128xf32, #tpu.memory_space<hbm>> -> memref<32x128xf32, #tpu.memory_space<hbm>>
      %dma_start3A_924 = arith.constant 0 : i32
      %dma_start3A_925 = arith.constant 0 : i32
      %dma_start3A_926 = tpu.memref_slice %arg6[%select_n3A, %add3A_898, %dma_start3A_924, %dma_start3A_925] : memref<8x1024x32x128xf32, #tpu.memory_space<hbm>> -> memref<1x1x32x128xf32, #tpu.memory_space<hbm>>
      %dma_start3A_927 = tpu.memref_squeeze %dma_start3A_926 : memref<1x1x32x128xf32, #tpu.memory_space<hbm>> -> memref<32x128xf32, #tpu.memory_space<hbm>>
      %dma_start3A_928 = arith.constant 0 : i32
      %dma_start3A_929 = arith.constant 0 : i32
      %dma_start3A_930 = tpu.memref_slice %arg14[%dma_start3A_914, %dma_start3A_915, %dma_start3A_928, %dma_start3A_929] : memref<2x4x32x128xf32, #tpu.memory_space<vmem>> -> memref<1x1x32x128xf32, #tpu.memory_space<vmem>>
      %dma_start3A_931 = tpu.memref_squeeze %dma_start3A_930 : memref<1x1x32x128xf32, #tpu.memory_space<vmem>> -> memref<32x128xf32, #tpu.memory_space<vmem>>
      tpu.enqueue_dma source(%dma_start3A_931 : memref<32x128xf32, #tpu.memory_space<vmem>>) target(%dma_start3A_927 : memref<32x128xf32, #tpu.memory_space<hbm>>) target_semaphore(%arg19 : memref<!tpu.dma_semaphore, #tpu.memory_space<semaphore_mem>>)
      %dma_start3A_932 = arith.constant 0 : i32
      %dma_start3A_933 = arith.constant 0 : i32
      %dma_start3A_934 = arith.constant 0 : i32
      %dma_start3A_935 = arith.constant 0 : i32
      %dma_start3A_936 = tpu.memref_slice %arg15[%dma_start3A_932, %dma_start3A_933, %dma_start3A_934, %dma_start3A_935] : memref<2x4x32x16xf32, #tpu.memory_space<vmem>> -> memref<1x1x32x16xf32, #tpu.memory_space<vmem>>
      %dma_start3A_937 = tpu.memref_squeeze %dma_start3A_936 : memref<1x1x32x16xf32, #tpu.memory_space<vmem>> -> memref<32x16xf32, #tpu.memory_space<vmem>>
      %dma_start3A_938 = arith.constant 0 : i32
      %dma_start3A_939 = arith.constant 0 : i32
      %dma_start3A_940 = tpu.memref_slice %arg7[%select_n3A, %add3A_898, %dma_start3A_938, %dma_start3A_939] : memref<8x1024x32x16xf32, #tpu.memory_space<hbm>> -> memref<1x1x32x16xf32, #tpu.memory_space<hbm>>
      %dma_start3A_941 = tpu.memref_squeeze %dma_start3A_940 : memref<1x1x32x16xf32, #tpu.memory_space<hbm>> -> memref<32x16xf32, #tpu.memory_space<hbm>>
      %dma_start3A_942 = arith.constant 0 : i32
      %dma_start3A_943 = arith.constant 0 : i32
      %dma_start3A_944 = tpu.memref_slice %arg7[%select_n3A, %add3A_898, %dma_start3A_942, %dma_start3A_943] : memref<8x1024x32x16xf32, #tpu.memory_space<hbm>> -> memref<1x1x32x16xf32, #tpu.memory_space<hbm>>
      %dma_start3A_945 = tpu.memref_squeeze %dma_start3A_944 : memref<1x1x32x16xf32, #tpu.memory_space<hbm>> -> memref<32x16xf32, #tpu.memory_space<hbm>>
      %dma_start3A_946 = arith.constant 0 : i32
      %dma_start3A_947 = arith.constant 0 : i32
      %dma_start3A_948 = tpu.memref_slice %arg15[%dma_start3A_932, %dma_start3A_933, %dma_start3A_946, %dma_start3A_947] : memref<2x4x32x16xf32, #tpu.memory_space<vmem>> -> memref<1x1x32x16xf32, #tpu.memory_space<vmem>>
      %dma_start3A_949 = tpu.memref_squeeze %dma_start3A_948 : memref<1x1x32x16xf32, #tpu.memory_space<vmem>> -> memref<32x16xf32, #tpu.memory_space<vmem>>
      tpu.enqueue_dma source(%dma_start3A_949 : memref<32x16xf32, #tpu.memory_space<vmem>>) target(%dma_start3A_945 : memref<32x16xf32, #tpu.memory_space<hbm>>) target_semaphore(%arg19 : memref<!tpu.dma_semaphore, #tpu.memory_space<semaphore_mem>>)
      %dma_start3A_950 = arith.constant 0 : i32
      %dma_start3A_951 = arith.constant 1 : i32
      %dma_start3A_952 = arith.constant 0 : i32
      %dma_start3A_953 = arith.constant 0 : i32
      %dma_start3A_954 = tpu.memref_slice %arg14[%dma_start3A_950, %dma_start3A_951, %dma_start3A_952, %dma_start3A_953] : memref<2x4x32x128xf32, #tpu.memory_space<vmem>> -> memref<1x1x32x128xf32, #tpu.memory_space<vmem>>
      %dma_start3A_955 = tpu.memref_squeeze %dma_start3A_954 : memref<1x1x32x128xf32, #tpu.memory_space<vmem>> -> memref<32x128xf32, #tpu.memory_space<vmem>>
      %dma_start3A_956 = arith.constant 0 : i32
      %dma_start3A_957 = arith.constant 0 : i32
      %dma_start3A_958 = tpu.memref_slice %arg6[%select_n3A, %add3A_903, %dma_start3A_956, %dma_start3A_957] : memref<8x1024x32x128xf32, #tpu.memory_space<hbm>> -> memref<1x1x32x128xf32, #tpu.memory_space<hbm>>
      %dma_start3A_959 = tpu.memref_squeeze %dma_start3A_958 : memref<1x1x32x128xf32, #tpu.memory_space<hbm>> -> memref<32x128xf32, #tpu.memory_space<hbm>>
      %dma_start3A_960 = arith.constant 0 : i32
      %dma_start3A_961 = arith.constant 0 : i32
      %dma_start3A_962 = tpu.memref_slice %arg6[%select_n3A, %add3A_903, %dma_start3A_960, %dma_start3A_961] : memref<8x1024x32x128xf32, #tpu.memory_space<hbm>> -> memref<1x1x32x128xf32, #tpu.memory_space<hbm>>
      %dma_start3A_963 = tpu.memref_squeeze %dma_start3A_962 : memref<1x1x32x128xf32, #tpu.memory_space<hbm>> -> memref<32x128xf32, #tpu.memory_space<hbm>>
      %dma_start3A_964 = arith.constant 0 : i32
      %dma_start3A_965 = arith.constant 0 : i32
      %dma_start3A_966 = tpu.memref_slice %arg14[%dma_start3A_950, %dma_start3A_951, %dma_start3A_964, %dma_start3A_965] : memref<2x4x32x128xf32, #tpu.memory_space<vmem>> -> memref<1x1x32x128xf32, #tpu.memory_space<vmem>>
      %dma_start3A_967 = tpu.memref_squeeze %dma_start3A_966 : memref<1x1x32x128xf32, #tpu.memory_space<vmem>> -> memref<32x128xf32, #tpu.memory_space<vmem>>
      tpu.enqueue_dma source(%dma_start3A_967 : memref<32x128xf32, #tpu.memory_space<vmem>>) target(%dma_start3A_963 : memref<32x128xf32, #tpu.memory_space<hbm>>) target_semaphore(%arg19 : memref<!tpu.dma_semaphore, #tpu.memory_space<semaphore_mem>>)
      %dma_start3A_968 = arith.constant 0 : i32
      %dma_start3A_969 = arith.constant 1 : i32
      %dma_start3A_970 = arith.constant 0 : i32
      %dma_start3A_971 = arith.constant 0 : i32
      %dma_start3A_972 = tpu.memref_slice %arg15[%dma_start3A_968, %dma_start3A_969, %dma_start3A_970, %dma_start3A_971] : memref<2x4x32x16xf32, #tpu.memory_space<vmem>> -> memref<1x1x32x16xf32, #tpu.memory_space<vmem>>
      %dma_start3A_973 = tpu.memref_squeeze %dma_start3A_972 : memref<1x1x32x16xf32, #tpu.memory_space<vmem>> -> memref<32x16xf32, #tpu.memory_space<vmem>>
      %dma_start3A_974 = arith.constant 0 : i32
      %dma_start3A_975 = arith.constant 0 : i32
      %dma_start3A_976 = tpu.memref_slice %arg7[%select_n3A, %add3A_903, %dma_start3A_974, %dma_start3A_975] : memref<8x1024x32x16xf32, #tpu.memory_space<hbm>> -> memref<1x1x32x16xf32, #tpu.memory_space<hbm>>
      %dma_start3A_977 = tpu.memref_squeeze %dma_start3A_976 : memref<1x1x32x16xf32, #tpu.memory_space<hbm>> -> memref<32x16xf32, #tpu.memory_space<hbm>>
      %dma_start3A_978 = arith.constant 0 : i32
      %dma_start3A_979 = arith.constant 0 : i32
      %dma_start3A_980 = tpu.memref_slice %arg7[%select_n3A, %add3A_903, %dma_start3A_978, %dma_start3A_979] : memref<8x1024x32x16xf32, #tpu.memory_space<hbm>> -> memref<1x1x32x16xf32, #tpu.memory_space<hbm>>
      %dma_start3A_981 = tpu.memref_squeeze %dma_start3A_980 : memref<1x1x32x16xf32, #tpu.memory_space<hbm>> -> memref<32x16xf32, #tpu.memory_space<hbm>>
      %dma_start3A_982 = arith.constant 0 : i32
      %dma_start3A_983 = arith.constant 0 : i32
      %dma_start3A_984 = tpu.memref_slice %arg15[%dma_start3A_968, %dma_start3A_969, %dma_start3A_982, %dma_start3A_983] : memref<2x4x32x16xf32, #tpu.memory_space<vmem>> -> memref<1x1x32x16xf32, #tpu.memory_space<vmem>>
      %dma_start3A_985 = tpu.memref_squeeze %dma_start3A_984 : memref<1x1x32x16xf32, #tpu.memory_space<vmem>> -> memref<32x16xf32, #tpu.memory_space<vmem>>
      tpu.enqueue_dma source(%dma_start3A_985 : memref<32x16xf32, #tpu.memory_space<vmem>>) target(%dma_start3A_981 : memref<32x16xf32, #tpu.memory_space<hbm>>) target_semaphore(%arg19 : memref<!tpu.dma_semaphore, #tpu.memory_space<semaphore_mem>>)
      %dma_start3A_986 = arith.constant 0 : i32
      %dma_start3A_987 = arith.constant 2 : i32
      %dma_start3A_988 = arith.constant 0 : i32
      %dma_start3A_989 = arith.constant 0 : i32
      %dma_start3A_990 = tpu.memref_slice %arg14[%dma_start3A_986, %dma_start3A_987, %dma_start3A_988, %dma_start3A_989] : memref<2x4x32x128xf32, #tpu.memory_space<vmem>> -> memref<1x1x32x128xf32, #tpu.memory_space<vmem>>
      %dma_start3A_991 = tpu.memref_squeeze %dma_start3A_990 : memref<1x1x32x128xf32, #tpu.memory_space<vmem>> -> memref<32x128xf32, #tpu.memory_space<vmem>>
      %dma_start3A_992 = arith.constant 0 : i32
      %dma_start3A_993 = arith.constant 0 : i32
      %dma_start3A_994 = tpu.memref_slice %arg6[%select_n3A, %add3A_908, %dma_start3A_992, %dma_start3A_993] : memref<8x1024x32x128xf32, #tpu.memory_space<hbm>> -> memref<1x1x32x128xf32, #tpu.memory_space<hbm>>
      %dma_start3A_995 = tpu.memref_squeeze %dma_start3A_994 : memref<1x1x32x128xf32, #tpu.memory_space<hbm>> -> memref<32x128xf32, #tpu.memory_space<hbm>>
      %dma_start3A_996 = arith.constant 0 : i32
      %dma_start3A_997 = arith.constant 0 : i32
      %dma_start3A_998 = tpu.memref_slice %arg6[%select_n3A, %add3A_908, %dma_start3A_996, %dma_start3A_997] : memref<8x1024x32x128xf32, #tpu.memory_space<hbm>> -> memref<1x1x32x128xf32, #tpu.memory_space<hbm>>
      %dma_start3A_999 = tpu.memref_squeeze %dma_start3A_998 : memref<1x1x32x128xf32, #tpu.memory_space<hbm>> -> memref<32x128xf32, #tpu.memory_space<hbm>>
      %dma_start3A_1000 = arith.constant 0 : i32
      %dma_start3A_1001 = arith.constant 0 : i32
      %dma_start3A_1002 = tpu.memref_slice %arg14[%dma_start3A_986, %dma_start3A_987, %dma_start3A_1000, %dma_start3A_1001] : memref<2x4x32x128xf32, #tpu.memory_space<vmem>> -> memref<1x1x32x128xf32, #tpu.memory_space<vmem>>
      %dma_start3A_1003 = tpu.memref_squeeze %dma_start3A_1002 : memref<1x1x32x128xf32, #tpu.memory_space<vmem>> -> memref<32x128xf32, #tpu.memory_space<vmem>>
      tpu.enqueue_dma source(%dma_start3A_1003 : memref<32x128xf32, #tpu.memory_space<vmem>>) target(%dma_start3A_999 : memref<32x128xf32, #tpu.memory_space<hbm>>) target_semaphore(%arg19 : memref<!tpu.dma_semaphore, #tpu.memory_space<semaphore_mem>>)
      %dma_start3A_1004 = arith.constant 0 : i32
      %dma_start3A_1005 = arith.constant 2 : i32
      %dma_start3A_1006 = arith.constant 0 : i32
      %dma_start3A_1007 = arith.constant 0 : i32
      %dma_start3A_1008 = tpu.memref_slice %arg15[%dma_start3A_1004, %dma_start3A_1005, %dma_start3A_1006, %dma_start3A_1007] : memref<2x4x32x16xf32, #tpu.memory_space<vmem>> -> memref<1x1x32x16xf32, #tpu.memory_space<vmem>>
      %dma_start3A_1009 = tpu.memref_squeeze %dma_start3A_1008 : memref<1x1x32x16xf32, #tpu.memory_space<vmem>> -> memref<32x16xf32, #tpu.memory_space<vmem>>
      %dma_start3A_1010 = arith.constant 0 : i32
      %dma_start3A_1011 = arith.constant 0 : i32
      %dma_start3A_1012 = tpu.memref_slice %arg7[%select_n3A, %add3A_908, %dma_start3A_1010, %dma_start3A_1011] : memref<8x1024x32x16xf32, #tpu.memory_space<hbm>> -> memref<1x1x32x16xf32, #tpu.memory_space<hbm>>
      %dma_start3A_1013 = tpu.memref_squeeze %dma_start3A_1012 : memref<1x1x32x16xf32, #tpu.memory_space<hbm>> -> memref<32x16xf32, #tpu.memory_space<hbm>>
      %dma_start3A_1014 = arith.constant 0 : i32
      %dma_start3A_1015 = arith.constant 0 : i32
      %dma_start3A_1016 = tpu.memref_slice %arg7[%select_n3A, %add3A_908, %dma_start3A_1014, %dma_start3A_1015] : memref<8x1024x32x16xf32, #tpu.memory_space<hbm>> -> memref<1x1x32x16xf32, #tpu.memory_space<hbm>>
      %dma_start3A_1017 = tpu.memref_squeeze %dma_start3A_1016 : memref<1x1x32x16xf32, #tpu.memory_space<hbm>> -> memref<32x16xf32, #tpu.memory_space<hbm>>
      %dma_start3A_1018 = arith.constant 0 : i32
      %dma_start3A_1019 = arith.constant 0 : i32
      %dma_start3A_1020 = tpu.memref_slice %arg15[%dma_start3A_1004, %dma_start3A_1005, %dma_start3A_1018, %dma_start3A_1019] : memref<2x4x32x16xf32, #tpu.memory_space<vmem>> -> memref<1x1x32x16xf32, #tpu.memory_space<vmem>>
      %dma_start3A_1021 = tpu.memref_squeeze %dma_start3A_1020 : memref<1x1x32x16xf32, #tpu.memory_space<vmem>> -> memref<32x16xf32, #tpu.memory_space<vmem>>
      tpu.enqueue_dma source(%dma_start3A_1021 : memref<32x16xf32, #tpu.memory_space<vmem>>) target(%dma_start3A_1017 : memref<32x16xf32, #tpu.memory_space<hbm>>) target_semaphore(%arg19 : memref<!tpu.dma_semaphore, #tpu.memory_space<semaphore_mem>>)
      %dma_start3A_1022 = arith.constant 0 : i32
      %dma_start3A_1023 = arith.constant 3 : i32
      %dma_start3A_1024 = arith.constant 0 : i32
      %dma_start3A_1025 = arith.constant 0 : i32
      %dma_start3A_1026 = tpu.memref_slice %arg14[%dma_start3A_1022, %dma_start3A_1023, %dma_start3A_1024, %dma_start3A_1025] : memref<2x4x32x128xf32, #tpu.memory_space<vmem>> -> memref<1x1x32x128xf32, #tpu.memory_space<vmem>>
      %dma_start3A_1027 = tpu.memref_squeeze %dma_start3A_1026 : memref<1x1x32x128xf32, #tpu.memory_space<vmem>> -> memref<32x128xf32, #tpu.memory_space<vmem>>
      %dma_start3A_1028 = arith.constant 0 : i32
      %dma_start3A_1029 = arith.constant 0 : i32
      %dma_start3A_1030 = tpu.memref_slice %arg6[%select_n3A, %add3A_913, %dma_start3A_1028, %dma_start3A_1029] : memref<8x1024x32x128xf32, #tpu.memory_space<hbm>> -> memref<1x1x32x128xf32, #tpu.memory_space<hbm>>
      %dma_start3A_1031 = tpu.memref_squeeze %dma_start3A_1030 : memref<1x1x32x128xf32, #tpu.memory_space<hbm>> -> memref<32x128xf32, #tpu.memory_space<hbm>>
      %dma_start3A_1032 = arith.constant 0 : i32
      %dma_start3A_1033 = arith.constant 0 : i32
      %dma_start3A_1034 = tpu.memref_slice %arg6[%select_n3A, %add3A_913, %dma_start3A_1032, %dma_start3A_1033] : memref<8x1024x32x128xf32, #tpu.memory_space<hbm>> -> memref<1x1x32x128xf32, #tpu.memory_space<hbm>>
      %dma_start3A_1035 = tpu.memref_squeeze %dma_start3A_1034 : memref<1x1x32x128xf32, #tpu.memory_space<hbm>> -> memref<32x128xf32, #tpu.memory_space<hbm>>
      %dma_start3A_1036 = arith.constant 0 : i32
      %dma_start3A_1037 = arith.constant 0 : i32
      %dma_start3A_1038 = tpu.memref_slice %arg14[%dma_start3A_1022, %dma_start3A_1023, %dma_start3A_1036, %dma_start3A_1037] : memref<2x4x32x128xf32, #tpu.memory_space<vmem>> -> memref<1x1x32x128xf32, #tpu.memory_space<vmem>>
      %dma_start3A_1039 = tpu.memref_squeeze %dma_start3A_1038 : memref<1x1x32x128xf32, #tpu.memory_space<vmem>> -> memref<32x128xf32, #tpu.memory_space<vmem>>
      tpu.enqueue_dma source(%dma_start3A_1039 : memref<32x128xf32, #tpu.memory_space<vmem>>) target(%dma_start3A_1035 : memref<32x128xf32, #tpu.memory_space<hbm>>) target_semaphore(%arg19 : memref<!tpu.dma_semaphore, #tpu.memory_space<semaphore_mem>>)
      %dma_start3A_1040 = arith.constant 0 : i32
      %dma_start3A_1041 = arith.constant 3 : i32
      %dma_start3A_1042 = arith.constant 0 : i32
      %dma_start3A_1043 = arith.constant 0 : i32
      %dma_start3A_1044 = tpu.memref_slice %arg15[%dma_start3A_1040, %dma_start3A_1041, %dma_start3A_1042, %dma_start3A_1043] : memref<2x4x32x16xf32, #tpu.memory_space<vmem>> -> memref<1x1x32x16xf32, #tpu.memory_space<vmem>>
      %dma_start3A_1045 = tpu.memref_squeeze %dma_start3A_1044 : memref<1x1x32x16xf32, #tpu.memory_space<vmem>> -> memref<32x16xf32, #tpu.memory_space<vmem>>
      %dma_start3A_1046 = arith.constant 0 : i32
      %dma_start3A_1047 = arith.constant 0 : i32
      %dma_start3A_1048 = tpu.memref_slice %arg7[%select_n3A, %add3A_913, %dma_start3A_1046, %dma_start3A_1047] : memref<8x1024x32x16xf32, #tpu.memory_space<hbm>> -> memref<1x1x32x16xf32, #tpu.memory_space<hbm>>
      %dma_start3A_1049 = tpu.memref_squeeze %dma_start3A_1048 : memref<1x1x32x16xf32, #tpu.memory_space<hbm>> -> memref<32x16xf32, #tpu.memory_space<hbm>>
      %dma_start3A_1050 = arith.constant 0 : i32
      %dma_start3A_1051 = arith.constant 0 : i32
      %dma_start3A_1052 = tpu.memref_slice %arg7[%select_n3A, %add3A_913, %dma_start3A_1050, %dma_start3A_1051] : memref<8x1024x32x16xf32, #tpu.memory_space<hbm>> -> memref<1x1x32x16xf32, #tpu.memory_space<hbm>>
      %dma_start3A_1053 = tpu.memref_squeeze %dma_start3A_1052 : memref<1x1x32x16xf32, #tpu.memory_space<hbm>> -> memref<32x16xf32, #tpu.memory_space<hbm>>
      %dma_start3A_1054 = arith.constant 0 : i32
      %dma_start3A_1055 = arith.constant 0 : i32
      %dma_start3A_1056 = tpu.memref_slice %arg15[%dma_start3A_1040, %dma_start3A_1041, %dma_start3A_1054, %dma_start3A_1055] : memref<2x4x32x16xf32, #tpu.memory_space<vmem>> -> memref<1x1x32x16xf32, #tpu.memory_space<vmem>>
      %dma_start3A_1057 = tpu.memref_squeeze %dma_start3A_1056 : memref<1x1x32x16xf32, #tpu.memory_space<vmem>> -> memref<32x16xf32, #tpu.memory_space<vmem>>
      tpu.enqueue_dma source(%dma_start3A_1057 : memref<32x16xf32, #tpu.memory_space<vmem>>) target(%dma_start3A_1053 : memref<32x16xf32, #tpu.memory_space<hbm>>) target_semaphore(%arg19 : memref<!tpu.dma_semaphore, #tpu.memory_space<semaphore_mem>>)
      %add3A_1058 = arith.constant 2 : i32
      %add3A_1059 = arith.addi %add3A_749, %add3A_1058 : i32
      %lt3A_1060 = arith.constant 64 : i32
      %lt3A_1061 = arith.cmpi slt, %add3A_1059, %lt3A_1060 : i32
      %convert_element_type3A = arith.extui %lt3A_1061 : i1 to i32
      %cond3A = arith.constant 0 : i32
      %cond3A_1062 = arith.cmpi ne, %convert_element_type3A, %cond3A : i32
      scf.if %cond3A_1062 {
        %mul3A_1382 = arith.constant 4 : i32
        %mul3A_1383 = arith.muli %add3A_749, %mul3A_1382 : i32
        %add3A_1384 = arith.addi %mul3A_32, %mul3A_1383 : i32
        %add3A_1385 = arith.constant 0 : i32
        %add3A_1386 = arith.addi %add3A_1384, %add3A_1385 : i32
        %mul3A_1387 = arith.constant 4 : i32
        %mul3A_1388 = arith.muli %add3A_749, %mul3A_1387 : i32
        %add3A_1389 = arith.addi %mul3A_32, %mul3A_1388 : i32
        %add3A_1390 = arith.constant 1 : i32
        %add3A_1391 = arith.addi %add3A_1389, %add3A_1390 : i32
        %mul3A_1392 = arith.constant 4 : i32
        %mul3A_1393 = arith.muli %add3A_749, %mul3A_1392 : i32
        %add3A_1394 = arith.addi %mul3A_32, %mul3A_1393 : i32
        %add3A_1395 = arith.constant 2 : i32
        %add3A_1396 = arith.addi %add3A_1394, %add3A_1395 : i32
        %mul3A_1397 = arith.constant 4 : i32
        %mul3A_1398 = arith.muli %add3A_749, %mul3A_1397 : i32
        %add3A_1399 = arith.addi %mul3A_32, %mul3A_1398 : i32
        %add3A_1400 = arith.constant 3 : i32
        %add3A_1401 = arith.addi %add3A_1399, %add3A_1400 : i32
        %dma_wait3A_1402 = arith.constant 0 : i32
        %dma_wait3A_1403 = arith.constant 0 : i32
        %dma_wait3A_1404 = arith.constant 0 : i32
        %dma_wait3A_1405 = arith.constant 0 : i32
        %dma_wait3A_1406 = tpu.memref_slice %arg14[%dma_wait3A_1402, %dma_wait3A_1403, %dma_wait3A_1404, %dma_wait3A_1405] : memref<2x4x32x128xf32, #tpu.memory_space<vmem>> -> memref<1x1x32x128xf32, #tpu.memory_space<vmem>>
        %dma_wait3A_1407 = tpu.memref_squeeze %dma_wait3A_1406 : memref<1x1x32x128xf32, #tpu.memory_space<vmem>> -> memref<32x128xf32, #tpu.memory_space<vmem>>
        %dma_wait3A_1408 = arith.constant 0 : i32
        %dma_wait3A_1409 = arith.constant 0 : i32
        %dma_wait3A_1410 = tpu.memref_slice %arg6[%select_n3A, %add3A_1386, %dma_wait3A_1408, %dma_wait3A_1409] : memref<8x1024x32x128xf32, #tpu.memory_space<hbm>> -> memref<1x1x32x128xf32, #tpu.memory_space<hbm>>
        %dma_wait3A_1411 = tpu.memref_squeeze %dma_wait3A_1410 : memref<1x1x32x128xf32, #tpu.memory_space<hbm>> -> memref<32x128xf32, #tpu.memory_space<hbm>>
        %dma_wait3A_1412 = arith.constant 0 : i32
        %dma_wait3A_1413 = arith.constant 0 : i32
        %dma_wait3A_1414 = tpu.memref_slice %arg6[%select_n3A, %add3A_1386, %dma_wait3A_1412, %dma_wait3A_1413] : memref<8x1024x32x128xf32, #tpu.memory_space<hbm>> -> memref<1x1x32x128xf32, #tpu.memory_space<hbm>>
        %dma_wait3A_1415 = tpu.memref_squeeze %dma_wait3A_1414 : memref<1x1x32x128xf32, #tpu.memory_space<hbm>> -> memref<32x128xf32, #tpu.memory_space<hbm>>
        %dma_wait3A_1416 = arith.constant 0 : i32
        %dma_wait3A_1417 = arith.constant 0 : i32
        %dma_wait3A_1418 = tpu.memref_slice %arg14[%dma_wait3A_1402, %dma_wait3A_1403, %dma_wait3A_1416, %dma_wait3A_1417] : memref<2x4x32x128xf32, #tpu.memory_space<vmem>> -> memref<1x1x32x128xf32, #tpu.memory_space<vmem>>
        %dma_wait3A_1419 = tpu.memref_squeeze %dma_wait3A_1418 : memref<1x1x32x128xf32, #tpu.memory_space<vmem>> -> memref<32x128xf32, #tpu.memory_space<vmem>>
        tpu.wait_dma2 semaphore(%arg19 : memref<!tpu.dma_semaphore, #tpu.memory_space<semaphore_mem>>) src(%dma_wait3A_1419 : memref<32x128xf32, #tpu.memory_space<vmem>>) dst(%dma_wait3A_1415 : memref<32x128xf32, #tpu.memory_space<hbm>>)
        %dma_wait3A_1420 = arith.constant 0 : i32
        %dma_wait3A_1421 = arith.constant 0 : i32
        %dma_wait3A_1422 = arith.constant 0 : i32
        %dma_wait3A_1423 = arith.constant 0 : i32
        %dma_wait3A_1424 = tpu.memref_slice %arg15[%dma_wait3A_1420, %dma_wait3A_1421, %dma_wait3A_1422, %dma_wait3A_1423] : memref<2x4x32x16xf32, #tpu.memory_space<vmem>> -> memref<1x1x32x16xf32, #tpu.memory_space<vmem>>
        %dma_wait3A_1425 = tpu.memref_squeeze %dma_wait3A_1424 : memref<1x1x32x16xf32, #tpu.memory_space<vmem>> -> memref<32x16xf32, #tpu.memory_space<vmem>>
        %dma_wait3A_1426 = arith.constant 0 : i32
        %dma_wait3A_1427 = arith.constant 0 : i32
        %dma_wait3A_1428 = tpu.memref_slice %arg7[%select_n3A, %add3A_1386, %dma_wait3A_1426, %dma_wait3A_1427] : memref<8x1024x32x16xf32, #tpu.memory_space<hbm>> -> memref<1x1x32x16xf32, #tpu.memory_space<hbm>>
        %dma_wait3A_1429 = tpu.memref_squeeze %dma_wait3A_1428 : memref<1x1x32x16xf32, #tpu.memory_space<hbm>> -> memref<32x16xf32, #tpu.memory_space<hbm>>
        %dma_wait3A_1430 = arith.constant 0 : i32
        %dma_wait3A_1431 = arith.constant 0 : i32
        %dma_wait3A_1432 = tpu.memref_slice %arg7[%select_n3A, %add3A_1386, %dma_wait3A_1430, %dma_wait3A_1431] : memref<8x1024x32x16xf32, #tpu.memory_space<hbm>> -> memref<1x1x32x16xf32, #tpu.memory_space<hbm>>
        %dma_wait3A_1433 = tpu.memref_squeeze %dma_wait3A_1432 : memref<1x1x32x16xf32, #tpu.memory_space<hbm>> -> memref<32x16xf32, #tpu.memory_space<hbm>>
        %dma_wait3A_1434 = arith.constant 0 : i32
        %dma_wait3A_1435 = arith.constant 0 : i32
        %dma_wait3A_1436 = tpu.memref_slice %arg15[%dma_wait3A_1420, %dma_wait3A_1421, %dma_wait3A_1434, %dma_wait3A_1435] : memref<2x4x32x16xf32, #tpu.memory_space<vmem>> -> memref<1x1x32x16xf32, #tpu.memory_space<vmem>>
        %dma_wait3A_1437 = tpu.memref_squeeze %dma_wait3A_1436 : memref<1x1x32x16xf32, #tpu.memory_space<vmem>> -> memref<32x16xf32, #tpu.memory_space<vmem>>
        tpu.wait_dma2 semaphore(%arg19 : memref<!tpu.dma_semaphore, #tpu.memory_space<semaphore_mem>>) src(%dma_wait3A_1437 : memref<32x16xf32, #tpu.memory_space<vmem>>) dst(%dma_wait3A_1433 : memref<32x16xf32, #tpu.memory_space<hbm>>)
        %dma_wait3A_1438 = arith.constant 0 : i32
        %dma_wait3A_1439 = arith.constant 1 : i32
        %dma_wait3A_1440 = arith.constant 0 : i32
        %dma_wait3A_1441 = arith.constant 0 : i32
        %dma_wait3A_1442 = tpu.memref_slice %arg14[%dma_wait3A_1438, %dma_wait3A_1439, %dma_wait3A_1440, %dma_wait3A_1441] : memref<2x4x32x128xf32, #tpu.memory_space<vmem>> -> memref<1x1x32x128xf32, #tpu.memory_space<vmem>>
        %dma_wait3A_1443 = tpu.memref_squeeze %dma_wait3A_1442 : memref<1x1x32x128xf32, #tpu.memory_space<vmem>> -> memref<32x128xf32, #tpu.memory_space<vmem>>
        %dma_wait3A_1444 = arith.constant 0 : i32
        %dma_wait3A_1445 = arith.constant 0 : i32
        %dma_wait3A_1446 = tpu.memref_slice %arg6[%select_n3A, %add3A_1391, %dma_wait3A_1444, %dma_wait3A_1445] : memref<8x1024x32x128xf32, #tpu.memory_space<hbm>> -> memref<1x1x32x128xf32, #tpu.memory_space<hbm>>
        %dma_wait3A_1447 = tpu.memref_squeeze %dma_wait3A_1446 : memref<1x1x32x128xf32, #tpu.memory_space<hbm>> -> memref<32x128xf32, #tpu.memory_space<hbm>>
        %dma_wait3A_1448 = arith.constant 0 : i32
        %dma_wait3A_1449 = arith.constant 0 : i32
        %dma_wait3A_1450 = tpu.memref_slice %arg6[%select_n3A, %add3A_1391, %dma_wait3A_1448, %dma_wait3A_1449] : memref<8x1024x32x128xf32, #tpu.memory_space<hbm>> -> memref<1x1x32x128xf32, #tpu.memory_space<hbm>>
        %dma_wait3A_1451 = tpu.memref_squeeze %dma_wait3A_1450 : memref<1x1x32x128xf32, #tpu.memory_space<hbm>> -> memref<32x128xf32, #tpu.memory_space<hbm>>
        %dma_wait3A_1452 = arith.constant 0 : i32
        %dma_wait3A_1453 = arith.constant 0 : i32
        %dma_wait3A_1454 = tpu.memref_slice %arg14[%dma_wait3A_1438, %dma_wait3A_1439, %dma_wait3A_1452, %dma_wait3A_1453] : memref<2x4x32x128xf32, #tpu.memory_space<vmem>> -> memref<1x1x32x128xf32, #tpu.memory_space<vmem>>
        %dma_wait3A_1455 = tpu.memref_squeeze %dma_wait3A_1454 : memref<1x1x32x128xf32, #tpu.memory_space<vmem>> -> memref<32x128xf32, #tpu.memory_space<vmem>>
        tpu.wait_dma2 semaphore(%arg19 : memref<!tpu.dma_semaphore, #tpu.memory_space<semaphore_mem>>) src(%dma_wait3A_1455 : memref<32x128xf32, #tpu.memory_space<vmem>>) dst(%dma_wait3A_1451 : memref<32x128xf32, #tpu.memory_space<hbm>>)
        %dma_wait3A_1456 = arith.constant 0 : i32
        %dma_wait3A_1457 = arith.constant 1 : i32
        %dma_wait3A_1458 = arith.constant 0 : i32
        %dma_wait3A_1459 = arith.constant 0 : i32
        %dma_wait3A_1460 = tpu.memref_slice %arg15[%dma_wait3A_1456, %dma_wait3A_1457, %dma_wait3A_1458, %dma_wait3A_1459] : memref<2x4x32x16xf32, #tpu.memory_space<vmem>> -> memref<1x1x32x16xf32, #tpu.memory_space<vmem>>
        %dma_wait3A_1461 = tpu.memref_squeeze %dma_wait3A_1460 : memref<1x1x32x16xf32, #tpu.memory_space<vmem>> -> memref<32x16xf32, #tpu.memory_space<vmem>>
        %dma_wait3A_1462 = arith.constant 0 : i32
        %dma_wait3A_1463 = arith.constant 0 : i32
        %dma_wait3A_1464 = tpu.memref_slice %arg7[%select_n3A, %add3A_1391, %dma_wait3A_1462, %dma_wait3A_1463] : memref<8x1024x32x16xf32, #tpu.memory_space<hbm>> -> memref<1x1x32x16xf32, #tpu.memory_space<hbm>>
        %dma_wait3A_1465 = tpu.memref_squeeze %dma_wait3A_1464 : memref<1x1x32x16xf32, #tpu.memory_space<hbm>> -> memref<32x16xf32, #tpu.memory_space<hbm>>
        %dma_wait3A_1466 = arith.constant 0 : i32
        %dma_wait3A_1467 = arith.constant 0 : i32
        %dma_wait3A_1468 = tpu.memref_slice %arg7[%select_n3A, %add3A_1391, %dma_wait3A_1466, %dma_wait3A_1467] : memref<8x1024x32x16xf32, #tpu.memory_space<hbm>> -> memref<1x1x32x16xf32, #tpu.memory_space<hbm>>
        %dma_wait3A_1469 = tpu.memref_squeeze %dma_wait3A_1468 : memref<1x1x32x16xf32, #tpu.memory_space<hbm>> -> memref<32x16xf32, #tpu.memory_space<hbm>>
        %dma_wait3A_1470 = arith.constant 0 : i32
        %dma_wait3A_1471 = arith.constant 0 : i32
        %dma_wait3A_1472 = tpu.memref_slice %arg15[%dma_wait3A_1456, %dma_wait3A_1457, %dma_wait3A_1470, %dma_wait3A_1471] : memref<2x4x32x16xf32, #tpu.memory_space<vmem>> -> memref<1x1x32x16xf32, #tpu.memory_space<vmem>>
        %dma_wait3A_1473 = tpu.memref_squeeze %dma_wait3A_1472 : memref<1x1x32x16xf32, #tpu.memory_space<vmem>> -> memref<32x16xf32, #tpu.memory_space<vmem>>
        tpu.wait_dma2 semaphore(%arg19 : memref<!tpu.dma_semaphore, #tpu.memory_space<semaphore_mem>>) src(%dma_wait3A_1473 : memref<32x16xf32, #tpu.memory_space<vmem>>) dst(%dma_wait3A_1469 : memref<32x16xf32, #tpu.memory_space<hbm>>)
        %dma_wait3A_1474 = arith.constant 0 : i32
        %dma_wait3A_1475 = arith.constant 2 : i32
        %dma_wait3A_1476 = arith.constant 0 : i32
        %dma_wait3A_1477 = arith.constant 0 : i32
        %dma_wait3A_1478 = tpu.memref_slice %arg14[%dma_wait3A_1474, %dma_wait3A_1475, %dma_wait3A_1476, %dma_wait3A_1477] : memref<2x4x32x128xf32, #tpu.memory_space<vmem>> -> memref<1x1x32x128xf32, #tpu.memory_space<vmem>>
        %dma_wait3A_1479 = tpu.memref_squeeze %dma_wait3A_1478 : memref<1x1x32x128xf32, #tpu.memory_space<vmem>> -> memref<32x128xf32, #tpu.memory_space<vmem>>
        %dma_wait3A_1480 = arith.constant 0 : i32
        %dma_wait3A_1481 = arith.constant 0 : i32
        %dma_wait3A_1482 = tpu.memref_slice %arg6[%select_n3A, %add3A_1396, %dma_wait3A_1480, %dma_wait3A_1481] : memref<8x1024x32x128xf32, #tpu.memory_space<hbm>> -> memref<1x1x32x128xf32, #tpu.memory_space<hbm>>
        %dma_wait3A_1483 = tpu.memref_squeeze %dma_wait3A_1482 : memref<1x1x32x128xf32, #tpu.memory_space<hbm>> -> memref<32x128xf32, #tpu.memory_space<hbm>>
        %dma_wait3A_1484 = arith.constant 0 : i32
        %dma_wait3A_1485 = arith.constant 0 : i32
        %dma_wait3A_1486 = tpu.memref_slice %arg6[%select_n3A, %add3A_1396, %dma_wait3A_1484, %dma_wait3A_1485] : memref<8x1024x32x128xf32, #tpu.memory_space<hbm>> -> memref<1x1x32x128xf32, #tpu.memory_space<hbm>>
        %dma_wait3A_1487 = tpu.memref_squeeze %dma_wait3A_1486 : memref<1x1x32x128xf32, #tpu.memory_space<hbm>> -> memref<32x128xf32, #tpu.memory_space<hbm>>
        %dma_wait3A_1488 = arith.constant 0 : i32
        %dma_wait3A_1489 = arith.constant 0 : i32
        %dma_wait3A_1490 = tpu.memref_slice %arg14[%dma_wait3A_1474, %dma_wait3A_1475, %dma_wait3A_1488, %dma_wait3A_1489] : memref<2x4x32x128xf32, #tpu.memory_space<vmem>> -> memref<1x1x32x128xf32, #tpu.memory_space<vmem>>
        %dma_wait3A_1491 = tpu.memref_squeeze %dma_wait3A_1490 : memref<1x1x32x128xf32, #tpu.memory_space<vmem>> -> memref<32x128xf32, #tpu.memory_space<vmem>>
        tpu.wait_dma2 semaphore(%arg19 : memref<!tpu.dma_semaphore, #tpu.memory_space<semaphore_mem>>) src(%dma_wait3A_1491 : memref<32x128xf32, #tpu.memory_space<vmem>>) dst(%dma_wait3A_1487 : memref<32x128xf32, #tpu.memory_space<hbm>>)
        %dma_wait3A_1492 = arith.constant 0 : i32
        %dma_wait3A_1493 = arith.constant 2 : i32
        %dma_wait3A_1494 = arith.constant 0 : i32
        %dma_wait3A_1495 = arith.constant 0 : i32
        %dma_wait3A_1496 = tpu.memref_slice %arg15[%dma_wait3A_1492, %dma_wait3A_1493, %dma_wait3A_1494, %dma_wait3A_1495] : memref<2x4x32x16xf32, #tpu.memory_space<vmem>> -> memref<1x1x32x16xf32, #tpu.memory_space<vmem>>
        %dma_wait3A_1497 = tpu.memref_squeeze %dma_wait3A_1496 : memref<1x1x32x16xf32, #tpu.memory_space<vmem>> -> memref<32x16xf32, #tpu.memory_space<vmem>>
        %dma_wait3A_1498 = arith.constant 0 : i32
        %dma_wait3A_1499 = arith.constant 0 : i32
        %dma_wait3A_1500 = tpu.memref_slice %arg7[%select_n3A, %add3A_1396, %dma_wait3A_1498, %dma_wait3A_1499] : memref<8x1024x32x16xf32, #tpu.memory_space<hbm>> -> memref<1x1x32x16xf32, #tpu.memory_space<hbm>>
        %dma_wait3A_1501 = tpu.memref_squeeze %dma_wait3A_1500 : memref<1x1x32x16xf32, #tpu.memory_space<hbm>> -> memref<32x16xf32, #tpu.memory_space<hbm>>
        %dma_wait3A_1502 = arith.constant 0 : i32
        %dma_wait3A_1503 = arith.constant 0 : i32
        %dma_wait3A_1504 = tpu.memref_slice %arg7[%select_n3A, %add3A_1396, %dma_wait3A_1502, %dma_wait3A_1503] : memref<8x1024x32x16xf32, #tpu.memory_space<hbm>> -> memref<1x1x32x16xf32, #tpu.memory_space<hbm>>
        %dma_wait3A_1505 = tpu.memref_squeeze %dma_wait3A_1504 : memref<1x1x32x16xf32, #tpu.memory_space<hbm>> -> memref<32x16xf32, #tpu.memory_space<hbm>>
        %dma_wait3A_1506 = arith.constant 0 : i32
        %dma_wait3A_1507 = arith.constant 0 : i32
        %dma_wait3A_1508 = tpu.memref_slice %arg15[%dma_wait3A_1492, %dma_wait3A_1493, %dma_wait3A_1506, %dma_wait3A_1507] : memref<2x4x32x16xf32, #tpu.memory_space<vmem>> -> memref<1x1x32x16xf32, #tpu.memory_space<vmem>>
        %dma_wait3A_1509 = tpu.memref_squeeze %dma_wait3A_1508 : memref<1x1x32x16xf32, #tpu.memory_space<vmem>> -> memref<32x16xf32, #tpu.memory_space<vmem>>
        tpu.wait_dma2 semaphore(%arg19 : memref<!tpu.dma_semaphore, #tpu.memory_space<semaphore_mem>>) src(%dma_wait3A_1509 : memref<32x16xf32, #tpu.memory_space<vmem>>) dst(%dma_wait3A_1505 : memref<32x16xf32, #tpu.memory_space<hbm>>)
        %dma_wait3A_1510 = arith.constant 0 : i32
        %dma_wait3A_1511 = arith.constant 3 : i32
        %dma_wait3A_1512 = arith.constant 0 : i32
        %dma_wait3A_1513 = arith.constant 0 : i32
        %dma_wait3A_1514 = tpu.memref_slice %arg14[%dma_wait3A_1510, %dma_wait3A_1511, %dma_wait3A_1512, %dma_wait3A_1513] : memref<2x4x32x128xf32, #tpu.memory_space<vmem>> -> memref<1x1x32x128xf32, #tpu.memory_space<vmem>>
        %dma_wait3A_1515 = tpu.memref_squeeze %dma_wait3A_1514 : memref<1x1x32x128xf32, #tpu.memory_space<vmem>> -> memref<32x128xf32, #tpu.memory_space<vmem>>
        %dma_wait3A_1516 = arith.constant 0 : i32
        %dma_wait3A_1517 = arith.constant 0 : i32
        %dma_wait3A_1518 = tpu.memref_slice %arg6[%select_n3A, %add3A_1401, %dma_wait3A_1516, %dma_wait3A_1517] : memref<8x1024x32x128xf32, #tpu.memory_space<hbm>> -> memref<1x1x32x128xf32, #tpu.memory_space<hbm>>
        %dma_wait3A_1519 = tpu.memref_squeeze %dma_wait3A_1518 : memref<1x1x32x128xf32, #tpu.memory_space<hbm>> -> memref<32x128xf32, #tpu.memory_space<hbm>>
        %dma_wait3A_1520 = arith.constant 0 : i32
        %dma_wait3A_1521 = arith.constant 0 : i32
        %dma_wait3A_1522 = tpu.memref_slice %arg6[%select_n3A, %add3A_1401, %dma_wait3A_1520, %dma_wait3A_1521] : memref<8x1024x32x128xf32, #tpu.memory_space<hbm>> -> memref<1x1x32x128xf32, #tpu.memory_space<hbm>>
        %dma_wait3A_1523 = tpu.memref_squeeze %dma_wait3A_1522 : memref<1x1x32x128xf32, #tpu.memory_space<hbm>> -> memref<32x128xf32, #tpu.memory_space<hbm>>
        %dma_wait3A_1524 = arith.constant 0 : i32
        %dma_wait3A_1525 = arith.constant 0 : i32
        %dma_wait3A_1526 = tpu.memref_slice %arg14[%dma_wait3A_1510, %dma_wait3A_1511, %dma_wait3A_1524, %dma_wait3A_1525] : memref<2x4x32x128xf32, #tpu.memory_space<vmem>> -> memref<1x1x32x128xf32, #tpu.memory_space<vmem>>
        %dma_wait3A_1527 = tpu.memref_squeeze %dma_wait3A_1526 : memref<1x1x32x128xf32, #tpu.memory_space<vmem>> -> memref<32x128xf32, #tpu.memory_space<vmem>>
        tpu.wait_dma2 semaphore(%arg19 : memref<!tpu.dma_semaphore, #tpu.memory_space<semaphore_mem>>) src(%dma_wait3A_1527 : memref<32x128xf32, #tpu.memory_space<vmem>>) dst(%dma_wait3A_1523 : memref<32x128xf32, #tpu.memory_space<hbm>>)
        %dma_wait3A_1528 = arith.constant 0 : i32
        %dma_wait3A_1529 = arith.constant 3 : i32
        %dma_wait3A_1530 = arith.constant 0 : i32
        %dma_wait3A_1531 = arith.constant 0 : i32
        %dma_wait3A_1532 = tpu.memref_slice %arg15[%dma_wait3A_1528, %dma_wait3A_1529, %dma_wait3A_1530, %dma_wait3A_1531] : memref<2x4x32x16xf32, #tpu.memory_space<vmem>> -> memref<1x1x32x16xf32, #tpu.memory_space<vmem>>
        %dma_wait3A_1533 = tpu.memref_squeeze %dma_wait3A_1532 : memref<1x1x32x16xf32, #tpu.memory_space<vmem>> -> memref<32x16xf32, #tpu.memory_space<vmem>>
        %dma_wait3A_1534 = arith.constant 0 : i32
        %dma_wait3A_1535 = arith.constant 0 : i32
        %dma_wait3A_1536 = tpu.memref_slice %arg7[%select_n3A, %add3A_1401, %dma_wait3A_1534, %dma_wait3A_1535] : memref<8x1024x32x16xf32, #tpu.memory_space<hbm>> -> memref<1x1x32x16xf32, #tpu.memory_space<hbm>>
        %dma_wait3A_1537 = tpu.memref_squeeze %dma_wait3A_1536 : memref<1x1x32x16xf32, #tpu.memory_space<hbm>> -> memref<32x16xf32, #tpu.memory_space<hbm>>
        %dma_wait3A_1538 = arith.constant 0 : i32
        %dma_wait3A_1539 = arith.constant 0 : i32
        %dma_wait3A_1540 = tpu.memref_slice %arg7[%select_n3A, %add3A_1401, %dma_wait3A_1538, %dma_wait3A_1539] : memref<8x1024x32x16xf32, #tpu.memory_space<hbm>> -> memref<1x1x32x16xf32, #tpu.memory_space<hbm>>
        %dma_wait3A_1541 = tpu.memref_squeeze %dma_wait3A_1540 : memref<1x1x32x16xf32, #tpu.memory_space<hbm>> -> memref<32x16xf32, #tpu.memory_space<hbm>>
        %dma_wait3A_1542 = arith.constant 0 : i32
        %dma_wait3A_1543 = arith.constant 0 : i32
        %dma_wait3A_1544 = tpu.memref_slice %arg15[%dma_wait3A_1528, %dma_wait3A_1529, %dma_wait3A_1542, %dma_wait3A_1543] : memref<2x4x32x16xf32, #tpu.memory_space<vmem>> -> memref<1x1x32x16xf32, #tpu.memory_space<vmem>>
        %dma_wait3A_1545 = tpu.memref_squeeze %dma_wait3A_1544 : memref<1x1x32x16xf32, #tpu.memory_space<vmem>> -> memref<32x16xf32, #tpu.memory_space<vmem>>
        tpu.wait_dma2 semaphore(%arg19 : memref<!tpu.dma_semaphore, #tpu.memory_space<semaphore_mem>>) src(%dma_wait3A_1545 : memref<32x16xf32, #tpu.memory_space<vmem>>) dst(%dma_wait3A_1541 : memref<32x16xf32, #tpu.memory_space<hbm>>)
        %add3A_1546 = arith.constant 2 : i32
        %add3A_1547 = arith.addi %add3A_749, %add3A_1546 : i32
        %mul3A_1548 = arith.constant 4 : i32
        %mul3A_1549 = arith.muli %add3A_1547, %mul3A_1548 : i32
        %add3A_1550 = arith.constant 0 : i32
        %add3A_1551 = arith.addi %mul3A_1549, %add3A_1550 : i32
        %mul3A_1552 = arith.constant 4 : i32
        %mul3A_1553 = arith.muli %add3A_1547, %mul3A_1552 : i32
        %add3A_1554 = arith.constant 1 : i32
        %add3A_1555 = arith.addi %mul3A_1553, %add3A_1554 : i32
        %mul3A_1556 = arith.constant 4 : i32
        %mul3A_1557 = arith.muli %add3A_1547, %mul3A_1556 : i32
        %add3A_1558 = arith.constant 2 : i32
        %add3A_1559 = arith.addi %mul3A_1557, %add3A_1558 : i32
        %mul3A_1560 = arith.constant 4 : i32
        %mul3A_1561 = arith.muli %add3A_1547, %mul3A_1560 : i32
        %add3A_1562 = arith.constant 3 : i32
        %add3A_1563 = arith.addi %mul3A_1561, %add3A_1562 : i32
        %dma_start3A_1564 = arith.constant 0 : i32
        %dma_start3A_1565 = arith.constant 0 : i32
        %dma_start3A_1566 = arith.constant 0 : i32
        %dma_start3A_1567 = arith.constant 0 : i32
        %dma_start3A_1568 = tpu.memref_slice %arg14[%dma_start3A_1564, %dma_start3A_1565, %dma_start3A_1566, %dma_start3A_1567] : memref<2x4x32x128xf32, #tpu.memory_space<vmem>> -> memref<1x1x32x128xf32, #tpu.memory_space<vmem>>
        %dma_start3A_1569 = tpu.memref_squeeze %dma_start3A_1568 : memref<1x1x32x128xf32, #tpu.memory_space<vmem>> -> memref<32x128xf32, #tpu.memory_space<vmem>>
        %dma_start3A_1570 = arith.constant 0 : i32
        %dma_start3A_1571 = tpu.memref_slice %arg10[%add3A_1551, %dma_start3A_1570] : memref<256x32xi32, #tpu.memory_space<vmem>> -> memref<1x32xi32, #tpu.memory_space<vmem>>
        %dma_start3A_1572 = tpu.memref_squeeze %dma_start3A_1571 : memref<1x32xi32, #tpu.memory_space<vmem>> -> memref<32xi32, #tpu.memory_space<vmem>>
        %dma_start3A_1573 = arith.constant 0 : i32
        %dma_start3A_1574 = arith.constant 0 : i32
        %dma_start3A_1575 = tpu.memref_slice %arg2[%select_n3A, %dma_start3A_1573, %dma_start3A_1574] : memref<8x4096x128xf32, #tpu.memory_space<hbm>> -> memref<1x4096x128xf32, #tpu.memory_space<hbm>>
        %dma_start3A_1576 = tpu.memref_squeeze %dma_start3A_1575 : memref<1x4096x128xf32, #tpu.memory_space<hbm>> -> memref<4096x128xf32, #tpu.memory_space<hbm>>
        %dma_start3A_1577 = arith.constant 0 : i32
        %dma_start3A_1578 = arith.constant 0 : i32
        %dma_start3A_1579 = tpu.memref_slice %dma_start3A_1576[%dma_start3A_1577, %dma_start3A_1578] : memref<4096x128xf32, #tpu.memory_space<hbm>> -> memref<4096x128xf32, #tpu.memory_space<hbm>>
        tpu.enqueue_indirect_dma source(%dma_start3A_1579 : memref<4096x128xf32, #tpu.memory_space<hbm>>) target(%dma_start3A_1569 : memref<32x128xf32, #tpu.memory_space<vmem>>) offsets(%dma_start3A_1572 : memref<32xi32, #tpu.memory_space<vmem>>) semaphore(%arg17 : memref<!tpu.dma_semaphore, #tpu.memory_space<semaphore_mem>>)
        %dma_start3A_1580 = arith.constant 0 : i32
        %dma_start3A_1581 = arith.constant 0 : i32
        %dma_start3A_1582 = arith.constant 0 : i32
        %dma_start3A_1583 = arith.constant 0 : i32
        %dma_start3A_1584 = tpu.memref_slice %arg15[%dma_start3A_1580, %dma_start3A_1581, %dma_start3A_1582, %dma_start3A_1583] : memref<2x4x32x16xf32, #tpu.memory_space<vmem>> -> memref<1x1x32x16xf32, #tpu.memory_space<vmem>>
        %dma_start3A_1585 = tpu.memref_squeeze %dma_start3A_1584 : memref<1x1x32x16xf32, #tpu.memory_space<vmem>> -> memref<32x16xf32, #tpu.memory_space<vmem>>
        %dma_start3A_1586 = arith.constant 0 : i32
        %dma_start3A_1587 = tpu.memref_slice %arg10[%add3A_1551, %dma_start3A_1586] : memref<256x32xi32, #tpu.memory_space<vmem>> -> memref<1x32xi32, #tpu.memory_space<vmem>>
        %dma_start3A_1588 = tpu.memref_squeeze %dma_start3A_1587 : memref<1x32xi32, #tpu.memory_space<vmem>> -> memref<32xi32, #tpu.memory_space<vmem>>
        %dma_start3A_1589 = arith.constant 0 : i32
        %dma_start3A_1590 = arith.constant 0 : i32
        %dma_start3A_1591 = tpu.memref_slice %arg3[%select_n3A, %dma_start3A_1589, %dma_start3A_1590] : memref<8x4096x16xf32, #tpu.memory_space<hbm>> -> memref<1x4096x16xf32, #tpu.memory_space<hbm>>
        %dma_start3A_1592 = tpu.memref_squeeze %dma_start3A_1591 : memref<1x4096x16xf32, #tpu.memory_space<hbm>> -> memref<4096x16xf32, #tpu.memory_space<hbm>>
        %dma_start3A_1593 = arith.constant 0 : i32
        %dma_start3A_1594 = arith.constant 0 : i32
        %dma_start3A_1595 = tpu.memref_slice %dma_start3A_1592[%dma_start3A_1593, %dma_start3A_1594] : memref<4096x16xf32, #tpu.memory_space<hbm>> -> memref<4096x16xf32, #tpu.memory_space<hbm>>
        tpu.enqueue_indirect_dma source(%dma_start3A_1595 : memref<4096x16xf32, #tpu.memory_space<hbm>>) target(%dma_start3A_1585 : memref<32x16xf32, #tpu.memory_space<vmem>>) offsets(%dma_start3A_1588 : memref<32xi32, #tpu.memory_space<vmem>>) semaphore(%arg17 : memref<!tpu.dma_semaphore, #tpu.memory_space<semaphore_mem>>)
        %dma_start3A_1596 = arith.constant 0 : i32
        %dma_start3A_1597 = arith.constant 1 : i32
        %dma_start3A_1598 = arith.constant 0 : i32
        %dma_start3A_1599 = arith.constant 0 : i32
        %dma_start3A_1600 = tpu.memref_slice %arg14[%dma_start3A_1596, %dma_start3A_1597, %dma_start3A_1598, %dma_start3A_1599] : memref<2x4x32x128xf32, #tpu.memory_space<vmem>> -> memref<1x1x32x128xf32, #tpu.memory_space<vmem>>
        %dma_start3A_1601 = tpu.memref_squeeze %dma_start3A_1600 : memref<1x1x32x128xf32, #tpu.memory_space<vmem>> -> memref<32x128xf32, #tpu.memory_space<vmem>>
        %dma_start3A_1602 = arith.constant 0 : i32
        %dma_start3A_1603 = tpu.memref_slice %arg10[%add3A_1555, %dma_start3A_1602] : memref<256x32xi32, #tpu.memory_space<vmem>> -> memref<1x32xi32, #tpu.memory_space<vmem>>
        %dma_start3A_1604 = tpu.memref_squeeze %dma_start3A_1603 : memref<1x32xi32, #tpu.memory_space<vmem>> -> memref<32xi32, #tpu.memory_space<vmem>>
        %dma_start3A_1605 = arith.constant 0 : i32
        %dma_start3A_1606 = arith.constant 0 : i32
        %dma_start3A_1607 = tpu.memref_slice %arg2[%select_n3A, %dma_start3A_1605, %dma_start3A_1606] : memref<8x4096x128xf32, #tpu.memory_space<hbm>> -> memref<1x4096x128xf32, #tpu.memory_space<hbm>>
        %dma_start3A_1608 = tpu.memref_squeeze %dma_start3A_1607 : memref<1x4096x128xf32, #tpu.memory_space<hbm>> -> memref<4096x128xf32, #tpu.memory_space<hbm>>
        %dma_start3A_1609 = arith.constant 0 : i32
        %dma_start3A_1610 = arith.constant 0 : i32
        %dma_start3A_1611 = tpu.memref_slice %dma_start3A_1608[%dma_start3A_1609, %dma_start3A_1610] : memref<4096x128xf32, #tpu.memory_space<hbm>> -> memref<4096x128xf32, #tpu.memory_space<hbm>>
        tpu.enqueue_indirect_dma source(%dma_start3A_1611 : memref<4096x128xf32, #tpu.memory_space<hbm>>) target(%dma_start3A_1601 : memref<32x128xf32, #tpu.memory_space<vmem>>) offsets(%dma_start3A_1604 : memref<32xi32, #tpu.memory_space<vmem>>) semaphore(%arg17 : memref<!tpu.dma_semaphore, #tpu.memory_space<semaphore_mem>>)
        %dma_start3A_1612 = arith.constant 0 : i32
        %dma_start3A_1613 = arith.constant 1 : i32
        %dma_start3A_1614 = arith.constant 0 : i32
        %dma_start3A_1615 = arith.constant 0 : i32
        %dma_start3A_1616 = tpu.memref_slice %arg15[%dma_start3A_1612, %dma_start3A_1613, %dma_start3A_1614, %dma_start3A_1615] : memref<2x4x32x16xf32, #tpu.memory_space<vmem>> -> memref<1x1x32x16xf32, #tpu.memory_space<vmem>>
        %dma_start3A_1617 = tpu.memref_squeeze %dma_start3A_1616 : memref<1x1x32x16xf32, #tpu.memory_space<vmem>> -> memref<32x16xf32, #tpu.memory_space<vmem>>
        %dma_start3A_1618 = arith.constant 0 : i32
        %dma_start3A_1619 = tpu.memref_slice %arg10[%add3A_1555, %dma_start3A_1618] : memref<256x32xi32, #tpu.memory_space<vmem>> -> memref<1x32xi32, #tpu.memory_space<vmem>>
        %dma_start3A_1620 = tpu.memref_squeeze %dma_start3A_1619 : memref<1x32xi32, #tpu.memory_space<vmem>> -> memref<32xi32, #tpu.memory_space<vmem>>
        %dma_start3A_1621 = arith.constant 0 : i32
        %dma_start3A_1622 = arith.constant 0 : i32
        %dma_start3A_1623 = tpu.memref_slice %arg3[%select_n3A, %dma_start3A_1621, %dma_start3A_1622] : memref<8x4096x16xf32, #tpu.memory_space<hbm>> -> memref<1x4096x16xf32, #tpu.memory_space<hbm>>
        %dma_start3A_1624 = tpu.memref_squeeze %dma_start3A_1623 : memref<1x4096x16xf32, #tpu.memory_space<hbm>> -> memref<4096x16xf32, #tpu.memory_space<hbm>>
        %dma_start3A_1625 = arith.constant 0 : i32
        %dma_start3A_1626 = arith.constant 0 : i32
        %dma_start3A_1627 = tpu.memref_slice %dma_start3A_1624[%dma_start3A_1625, %dma_start3A_1626] : memref<4096x16xf32, #tpu.memory_space<hbm>> -> memref<4096x16xf32, #tpu.memory_space<hbm>>
        tpu.enqueue_indirect_dma source(%dma_start3A_1627 : memref<4096x16xf32, #tpu.memory_space<hbm>>) target(%dma_start3A_1617 : memref<32x16xf32, #tpu.memory_space<vmem>>) offsets(%dma_start3A_1620 : memref<32xi32, #tpu.memory_space<vmem>>) semaphore(%arg17 : memref<!tpu.dma_semaphore, #tpu.memory_space<semaphore_mem>>)
        %dma_start3A_1628 = arith.constant 0 : i32
        %dma_start3A_1629 = arith.constant 2 : i32
        %dma_start3A_1630 = arith.constant 0 : i32
        %dma_start3A_1631 = arith.constant 0 : i32
        %dma_start3A_1632 = tpu.memref_slice %arg14[%dma_start3A_1628, %dma_start3A_1629, %dma_start3A_1630, %dma_start3A_1631] : memref<2x4x32x128xf32, #tpu.memory_space<vmem>> -> memref<1x1x32x128xf32, #tpu.memory_space<vmem>>
        %dma_start3A_1633 = tpu.memref_squeeze %dma_start3A_1632 : memref<1x1x32x128xf32, #tpu.memory_space<vmem>> -> memref<32x128xf32, #tpu.memory_space<vmem>>
        %dma_start3A_1634 = arith.constant 0 : i32
        %dma_start3A_1635 = tpu.memref_slice %arg10[%add3A_1559, %dma_start3A_1634] : memref<256x32xi32, #tpu.memory_space<vmem>> -> memref<1x32xi32, #tpu.memory_space<vmem>>
        %dma_start3A_1636 = tpu.memref_squeeze %dma_start3A_1635 : memref<1x32xi32, #tpu.memory_space<vmem>> -> memref<32xi32, #tpu.memory_space<vmem>>
        %dma_start3A_1637 = arith.constant 0 : i32
        %dma_start3A_1638 = arith.constant 0 : i32
        %dma_start3A_1639 = tpu.memref_slice %arg2[%select_n3A, %dma_start3A_1637, %dma_start3A_1638] : memref<8x4096x128xf32, #tpu.memory_space<hbm>> -> memref<1x4096x128xf32, #tpu.memory_space<hbm>>
        %dma_start3A_1640 = tpu.memref_squeeze %dma_start3A_1639 : memref<1x4096x128xf32, #tpu.memory_space<hbm>> -> memref<4096x128xf32, #tpu.memory_space<hbm>>
        %dma_start3A_1641 = arith.constant 0 : i32
        %dma_start3A_1642 = arith.constant 0 : i32
        %dma_start3A_1643 = tpu.memref_slice %dma_start3A_1640[%dma_start3A_1641, %dma_start3A_1642] : memref<4096x128xf32, #tpu.memory_space<hbm>> -> memref<4096x128xf32, #tpu.memory_space<hbm>>
        tpu.enqueue_indirect_dma source(%dma_start3A_1643 : memref<4096x128xf32, #tpu.memory_space<hbm>>) target(%dma_start3A_1633 : memref<32x128xf32, #tpu.memory_space<vmem>>) offsets(%dma_start3A_1636 : memref<32xi32, #tpu.memory_space<vmem>>) semaphore(%arg17 : memref<!tpu.dma_semaphore, #tpu.memory_space<semaphore_mem>>)
        %dma_start3A_1644 = arith.constant 0 : i32
        %dma_start3A_1645 = arith.constant 2 : i32
        %dma_start3A_1646 = arith.constant 0 : i32
        %dma_start3A_1647 = arith.constant 0 : i32
        %dma_start3A_1648 = tpu.memref_slice %arg15[%dma_start3A_1644, %dma_start3A_1645, %dma_start3A_1646, %dma_start3A_1647] : memref<2x4x32x16xf32, #tpu.memory_space<vmem>> -> memref<1x1x32x16xf32, #tpu.memory_space<vmem>>
        %dma_start3A_1649 = tpu.memref_squeeze %dma_start3A_1648 : memref<1x1x32x16xf32, #tpu.memory_space<vmem>> -> memref<32x16xf32, #tpu.memory_space<vmem>>
        %dma_start3A_1650 = arith.constant 0 : i32
        %dma_start3A_1651 = tpu.memref_slice %arg10[%add3A_1559, %dma_start3A_1650] : memref<256x32xi32, #tpu.memory_space<vmem>> -> memref<1x32xi32, #tpu.memory_space<vmem>>
        %dma_start3A_1652 = tpu.memref_squeeze %dma_start3A_1651 : memref<1x32xi32, #tpu.memory_space<vmem>> -> memref<32xi32, #tpu.memory_space<vmem>>
        %dma_start3A_1653 = arith.constant 0 : i32
        %dma_start3A_1654 = arith.constant 0 : i32
        %dma_start3A_1655 = tpu.memref_slice %arg3[%select_n3A, %dma_start3A_1653, %dma_start3A_1654] : memref<8x4096x16xf32, #tpu.memory_space<hbm>> -> memref<1x4096x16xf32, #tpu.memory_space<hbm>>
        %dma_start3A_1656 = tpu.memref_squeeze %dma_start3A_1655 : memref<1x4096x16xf32, #tpu.memory_space<hbm>> -> memref<4096x16xf32, #tpu.memory_space<hbm>>
        %dma_start3A_1657 = arith.constant 0 : i32
        %dma_start3A_1658 = arith.constant 0 : i32
        %dma_start3A_1659 = tpu.memref_slice %dma_start3A_1656[%dma_start3A_1657, %dma_start3A_1658] : memref<4096x16xf32, #tpu.memory_space<hbm>> -> memref<4096x16xf32, #tpu.memory_space<hbm>>
        tpu.enqueue_indirect_dma source(%dma_start3A_1659 : memref<4096x16xf32, #tpu.memory_space<hbm>>) target(%dma_start3A_1649 : memref<32x16xf32, #tpu.memory_space<vmem>>) offsets(%dma_start3A_1652 : memref<32xi32, #tpu.memory_space<vmem>>) semaphore(%arg17 : memref<!tpu.dma_semaphore, #tpu.memory_space<semaphore_mem>>)
        %dma_start3A_1660 = arith.constant 0 : i32
        %dma_start3A_1661 = arith.constant 3 : i32
        %dma_start3A_1662 = arith.constant 0 : i32
        %dma_start3A_1663 = arith.constant 0 : i32
        %dma_start3A_1664 = tpu.memref_slice %arg14[%dma_start3A_1660, %dma_start3A_1661, %dma_start3A_1662, %dma_start3A_1663] : memref<2x4x32x128xf32, #tpu.memory_space<vmem>> -> memref<1x1x32x128xf32, #tpu.memory_space<vmem>>
        %dma_start3A_1665 = tpu.memref_squeeze %dma_start3A_1664 : memref<1x1x32x128xf32, #tpu.memory_space<vmem>> -> memref<32x128xf32, #tpu.memory_space<vmem>>
        %dma_start3A_1666 = arith.constant 0 : i32
        %dma_start3A_1667 = tpu.memref_slice %arg10[%add3A_1563, %dma_start3A_1666] : memref<256x32xi32, #tpu.memory_space<vmem>> -> memref<1x32xi32, #tpu.memory_space<vmem>>
        %dma_start3A_1668 = tpu.memref_squeeze %dma_start3A_1667 : memref<1x32xi32, #tpu.memory_space<vmem>> -> memref<32xi32, #tpu.memory_space<vmem>>
        %dma_start3A_1669 = arith.constant 0 : i32
        %dma_start3A_1670 = arith.constant 0 : i32
        %dma_start3A_1671 = tpu.memref_slice %arg2[%select_n3A, %dma_start3A_1669, %dma_start3A_1670] : memref<8x4096x128xf32, #tpu.memory_space<hbm>> -> memref<1x4096x128xf32, #tpu.memory_space<hbm>>
        %dma_start3A_1672 = tpu.memref_squeeze %dma_start3A_1671 : memref<1x4096x128xf32, #tpu.memory_space<hbm>> -> memref<4096x128xf32, #tpu.memory_space<hbm>>
        %dma_start3A_1673 = arith.constant 0 : i32
        %dma_start3A_1674 = arith.constant 0 : i32
        %dma_start3A_1675 = tpu.memref_slice %dma_start3A_1672[%dma_start3A_1673, %dma_start3A_1674] : memref<4096x128xf32, #tpu.memory_space<hbm>> -> memref<4096x128xf32, #tpu.memory_space<hbm>>
        tpu.enqueue_indirect_dma source(%dma_start3A_1675 : memref<4096x128xf32, #tpu.memory_space<hbm>>) target(%dma_start3A_1665 : memref<32x128xf32, #tpu.memory_space<vmem>>) offsets(%dma_start3A_1668 : memref<32xi32, #tpu.memory_space<vmem>>) semaphore(%arg17 : memref<!tpu.dma_semaphore, #tpu.memory_space<semaphore_mem>>)
        %dma_start3A_1676 = arith.constant 0 : i32
        %dma_start3A_1677 = arith.constant 3 : i32
        %dma_start3A_1678 = arith.constant 0 : i32
        %dma_start3A_1679 = arith.constant 0 : i32
        %dma_start3A_1680 = tpu.memref_slice %arg15[%dma_start3A_1676, %dma_start3A_1677, %dma_start3A_1678, %dma_start3A_1679] : memref<2x4x32x16xf32, #tpu.memory_space<vmem>> -> memref<1x1x32x16xf32, #tpu.memory_space<vmem>>
        %dma_start3A_1681 = tpu.memref_squeeze %dma_start3A_1680 : memref<1x1x32x16xf32, #tpu.memory_space<vmem>> -> memref<32x16xf32, #tpu.memory_space<vmem>>
        %dma_start3A_1682 = arith.constant 0 : i32
        %dma_start3A_1683 = tpu.memref_slice %arg10[%add3A_1563, %dma_start3A_1682] : memref<256x32xi32, #tpu.memory_space<vmem>> -> memref<1x32xi32, #tpu.memory_space<vmem>>
        %dma_start3A_1684 = tpu.memref_squeeze %dma_start3A_1683 : memref<1x32xi32, #tpu.memory_space<vmem>> -> memref<32xi32, #tpu.memory_space<vmem>>
        %dma_start3A_1685 = arith.constant 0 : i32
        %dma_start3A_1686 = arith.constant 0 : i32
        %dma_start3A_1687 = tpu.memref_slice %arg3[%select_n3A, %dma_start3A_1685, %dma_start3A_1686] : memref<8x4096x16xf32, #tpu.memory_space<hbm>> -> memref<1x4096x16xf32, #tpu.memory_space<hbm>>
        %dma_start3A_1688 = tpu.memref_squeeze %dma_start3A_1687 : memref<1x4096x16xf32, #tpu.memory_space<hbm>> -> memref<4096x16xf32, #tpu.memory_space<hbm>>
        %dma_start3A_1689 = arith.constant 0 : i32
        %dma_start3A_1690 = arith.constant 0 : i32
        %dma_start3A_1691 = tpu.memref_slice %dma_start3A_1688[%dma_start3A_1689, %dma_start3A_1690] : memref<4096x16xf32, #tpu.memory_space<hbm>> -> memref<4096x16xf32, #tpu.memory_space<hbm>>
        tpu.enqueue_indirect_dma source(%dma_start3A_1691 : memref<4096x16xf32, #tpu.memory_space<hbm>>) target(%dma_start3A_1681 : memref<32x16xf32, #tpu.memory_space<vmem>>) offsets(%dma_start3A_1684 : memref<32xi32, #tpu.memory_space<vmem>>) semaphore(%arg17 : memref<!tpu.dma_semaphore, #tpu.memory_space<semaphore_mem>>)
      } else {
      }
      %mul3A_1063 = arith.constant 2 : i32
      %mul3A_1064 = arith.muli %mul3A_1063, %scan3A_745 : i32
      %add3A_1065 = arith.constant 1 : i32
      %add3A_1066 = arith.addi %mul3A_1064, %add3A_1065 : i32
      %mul3A_1067 = arith.constant 4 : i32
      %mul3A_1068 = arith.muli %add3A_1066, %mul3A_1067 : i32
      %add3A_1069 = arith.constant 0 : i32
      %add3A_1070 = arith.addi %mul3A_1068, %add3A_1069 : i32
      %mul3A_1071 = arith.constant 4 : i32
      %mul3A_1072 = arith.muli %add3A_1066, %mul3A_1071 : i32
      %add3A_1073 = arith.constant 1 : i32
      %add3A_1074 = arith.addi %mul3A_1072, %add3A_1073 : i32
      %mul3A_1075 = arith.constant 4 : i32
      %mul3A_1076 = arith.muli %add3A_1066, %mul3A_1075 : i32
      %add3A_1077 = arith.constant 2 : i32
      %add3A_1078 = arith.addi %mul3A_1076, %add3A_1077 : i32
      %mul3A_1079 = arith.constant 4 : i32
      %mul3A_1080 = arith.muli %add3A_1066, %mul3A_1079 : i32
      %add3A_1081 = arith.constant 3 : i32
      %add3A_1082 = arith.addi %mul3A_1080, %add3A_1081 : i32
      %dma_wait3A_1083 = arith.constant 1 : i32
      %dma_wait3A_1084 = arith.constant 0 : i32
      %dma_wait3A_1085 = arith.constant 0 : i32
      %dma_wait3A_1086 = arith.constant 0 : i32
      %dma_wait3A_1087 = tpu.memref_slice %arg14[%dma_wait3A_1083, %dma_wait3A_1084, %dma_wait3A_1085, %dma_wait3A_1086] : memref<2x4x32x128xf32, #tpu.memory_space<vmem>> -> memref<1x1x32x128xf32, #tpu.memory_space<vmem>>
      %dma_wait3A_1088 = tpu.memref_squeeze %dma_wait3A_1087 : memref<1x1x32x128xf32, #tpu.memory_space<vmem>> -> memref<32x128xf32, #tpu.memory_space<vmem>>
      %dma_wait3A_1089 = arith.constant 0 : i32
      %dma_wait3A_1090 = tpu.memref_slice %arg10[%add3A_1070, %dma_wait3A_1089] : memref<256x32xi32, #tpu.memory_space<vmem>> -> memref<1x32xi32, #tpu.memory_space<vmem>>
      %dma_wait3A_1091 = tpu.memref_squeeze %dma_wait3A_1090 : memref<1x32xi32, #tpu.memory_space<vmem>> -> memref<32xi32, #tpu.memory_space<vmem>>
      %dma_wait3A_1092 = arith.constant 0 : i32
      %dma_wait3A_1093 = arith.constant 0 : i32
      %dma_wait3A_1094 = tpu.memref_slice %arg2[%select_n3A, %dma_wait3A_1092, %dma_wait3A_1093] : memref<8x4096x128xf32, #tpu.memory_space<hbm>> -> memref<1x4096x128xf32, #tpu.memory_space<hbm>>
      %dma_wait3A_1095 = tpu.memref_squeeze %dma_wait3A_1094 : memref<1x4096x128xf32, #tpu.memory_space<hbm>> -> memref<4096x128xf32, #tpu.memory_space<hbm>>
      %dma_wait3A_1096 = arith.constant 0 : i32
      %dma_wait3A_1097 = arith.constant 0 : i32
      %dma_wait3A_1098 = tpu.memref_slice %dma_wait3A_1095[%dma_wait3A_1096, %dma_wait3A_1097] : memref<4096x128xf32, #tpu.memory_space<hbm>> -> memref<4096x128xf32, #tpu.memory_space<hbm>>
      tpu.wait_indirect_dma semaphore(%arg18 : memref<!tpu.dma_semaphore, #tpu.memory_space<semaphore_mem>>) src(%dma_wait3A_1098 : memref<4096x128xf32, #tpu.memory_space<hbm>>) dst(%dma_wait3A_1088 : memref<32x128xf32, #tpu.memory_space<vmem>>)
      %dma_wait3A_1099 = arith.constant 1 : i32
      %dma_wait3A_1100 = arith.constant 0 : i32
      %dma_wait3A_1101 = arith.constant 0 : i32
      %dma_wait3A_1102 = arith.constant 0 : i32
      %dma_wait3A_1103 = tpu.memref_slice %arg15[%dma_wait3A_1099, %dma_wait3A_1100, %dma_wait3A_1101, %dma_wait3A_1102] : memref<2x4x32x16xf32, #tpu.memory_space<vmem>> -> memref<1x1x32x16xf32, #tpu.memory_space<vmem>>
      %dma_wait3A_1104 = tpu.memref_squeeze %dma_wait3A_1103 : memref<1x1x32x16xf32, #tpu.memory_space<vmem>> -> memref<32x16xf32, #tpu.memory_space<vmem>>
      %dma_wait3A_1105 = arith.constant 0 : i32
      %dma_wait3A_1106 = tpu.memref_slice %arg10[%add3A_1070, %dma_wait3A_1105] : memref<256x32xi32, #tpu.memory_space<vmem>> -> memref<1x32xi32, #tpu.memory_space<vmem>>
      %dma_wait3A_1107 = tpu.memref_squeeze %dma_wait3A_1106 : memref<1x32xi32, #tpu.memory_space<vmem>> -> memref<32xi32, #tpu.memory_space<vmem>>
      %dma_wait3A_1108 = arith.constant 0 : i32
      %dma_wait3A_1109 = arith.constant 0 : i32
      %dma_wait3A_1110 = tpu.memref_slice %arg3[%select_n3A, %dma_wait3A_1108, %dma_wait3A_1109] : memref<8x4096x16xf32, #tpu.memory_space<hbm>> -> memref<1x4096x16xf32, #tpu.memory_space<hbm>>
      %dma_wait3A_1111 = tpu.memref_squeeze %dma_wait3A_1110 : memref<1x4096x16xf32, #tpu.memory_space<hbm>> -> memref<4096x16xf32, #tpu.memory_space<hbm>>
      %dma_wait3A_1112 = arith.constant 0 : i32
      %dma_wait3A_1113 = arith.constant 0 : i32
      %dma_wait3A_1114 = tpu.memref_slice %dma_wait3A_1111[%dma_wait3A_1112, %dma_wait3A_1113] : memref<4096x16xf32, #tpu.memory_space<hbm>> -> memref<4096x16xf32, #tpu.memory_space<hbm>>
      tpu.wait_indirect_dma semaphore(%arg18 : memref<!tpu.dma_semaphore, #tpu.memory_space<semaphore_mem>>) src(%dma_wait3A_1114 : memref<4096x16xf32, #tpu.memory_space<hbm>>) dst(%dma_wait3A_1104 : memref<32x16xf32, #tpu.memory_space<vmem>>)
      %dma_wait3A_1115 = arith.constant 1 : i32
      %dma_wait3A_1116 = arith.constant 1 : i32
      %dma_wait3A_1117 = arith.constant 0 : i32
      %dma_wait3A_1118 = arith.constant 0 : i32
      %dma_wait3A_1119 = tpu.memref_slice %arg14[%dma_wait3A_1115, %dma_wait3A_1116, %dma_wait3A_1117, %dma_wait3A_1118] : memref<2x4x32x128xf32, #tpu.memory_space<vmem>> -> memref<1x1x32x128xf32, #tpu.memory_space<vmem>>
      %dma_wait3A_1120 = tpu.memref_squeeze %dma_wait3A_1119 : memref<1x1x32x128xf32, #tpu.memory_space<vmem>> -> memref<32x128xf32, #tpu.memory_space<vmem>>
      %dma_wait3A_1121 = arith.constant 0 : i32
      %dma_wait3A_1122 = tpu.memref_slice %arg10[%add3A_1074, %dma_wait3A_1121] : memref<256x32xi32, #tpu.memory_space<vmem>> -> memref<1x32xi32, #tpu.memory_space<vmem>>
      %dma_wait3A_1123 = tpu.memref_squeeze %dma_wait3A_1122 : memref<1x32xi32, #tpu.memory_space<vmem>> -> memref<32xi32, #tpu.memory_space<vmem>>
      %dma_wait3A_1124 = arith.constant 0 : i32
      %dma_wait3A_1125 = arith.constant 0 : i32
      %dma_wait3A_1126 = tpu.memref_slice %arg2[%select_n3A, %dma_wait3A_1124, %dma_wait3A_1125] : memref<8x4096x128xf32, #tpu.memory_space<hbm>> -> memref<1x4096x128xf32, #tpu.memory_space<hbm>>
      %dma_wait3A_1127 = tpu.memref_squeeze %dma_wait3A_1126 : memref<1x4096x128xf32, #tpu.memory_space<hbm>> -> memref<4096x128xf32, #tpu.memory_space<hbm>>
      %dma_wait3A_1128 = arith.constant 0 : i32
      %dma_wait3A_1129 = arith.constant 0 : i32
      %dma_wait3A_1130 = tpu.memref_slice %dma_wait3A_1127[%dma_wait3A_1128, %dma_wait3A_1129] : memref<4096x128xf32, #tpu.memory_space<hbm>> -> memref<4096x128xf32, #tpu.memory_space<hbm>>
      tpu.wait_indirect_dma semaphore(%arg18 : memref<!tpu.dma_semaphore, #tpu.memory_space<semaphore_mem>>) src(%dma_wait3A_1130 : memref<4096x128xf32, #tpu.memory_space<hbm>>) dst(%dma_wait3A_1120 : memref<32x128xf32, #tpu.memory_space<vmem>>)
      %dma_wait3A_1131 = arith.constant 1 : i32
      %dma_wait3A_1132 = arith.constant 1 : i32
      %dma_wait3A_1133 = arith.constant 0 : i32
      %dma_wait3A_1134 = arith.constant 0 : i32
      %dma_wait3A_1135 = tpu.memref_slice %arg15[%dma_wait3A_1131, %dma_wait3A_1132, %dma_wait3A_1133, %dma_wait3A_1134] : memref<2x4x32x16xf32, #tpu.memory_space<vmem>> -> memref<1x1x32x16xf32, #tpu.memory_space<vmem>>
      %dma_wait3A_1136 = tpu.memref_squeeze %dma_wait3A_1135 : memref<1x1x32x16xf32, #tpu.memory_space<vmem>> -> memref<32x16xf32, #tpu.memory_space<vmem>>
      %dma_wait3A_1137 = arith.constant 0 : i32
      %dma_wait3A_1138 = tpu.memref_slice %arg10[%add3A_1074, %dma_wait3A_1137] : memref<256x32xi32, #tpu.memory_space<vmem>> -> memref<1x32xi32, #tpu.memory_space<vmem>>
      %dma_wait3A_1139 = tpu.memref_squeeze %dma_wait3A_1138 : memref<1x32xi32, #tpu.memory_space<vmem>> -> memref<32xi32, #tpu.memory_space<vmem>>
      %dma_wait3A_1140 = arith.constant 0 : i32
      %dma_wait3A_1141 = arith.constant 0 : i32
      %dma_wait3A_1142 = tpu.memref_slice %arg3[%select_n3A, %dma_wait3A_1140, %dma_wait3A_1141] : memref<8x4096x16xf32, #tpu.memory_space<hbm>> -> memref<1x4096x16xf32, #tpu.memory_space<hbm>>
      %dma_wait3A_1143 = tpu.memref_squeeze %dma_wait3A_1142 : memref<1x4096x16xf32, #tpu.memory_space<hbm>> -> memref<4096x16xf32, #tpu.memory_space<hbm>>
      %dma_wait3A_1144 = arith.constant 0 : i32
      %dma_wait3A_1145 = arith.constant 0 : i32
      %dma_wait3A_1146 = tpu.memref_slice %dma_wait3A_1143[%dma_wait3A_1144, %dma_wait3A_1145] : memref<4096x16xf32, #tpu.memory_space<hbm>> -> memref<4096x16xf32, #tpu.memory_space<hbm>>
      tpu.wait_indirect_dma semaphore(%arg18 : memref<!tpu.dma_semaphore, #tpu.memory_space<semaphore_mem>>) src(%dma_wait3A_1146 : memref<4096x16xf32, #tpu.memory_space<hbm>>) dst(%dma_wait3A_1136 : memref<32x16xf32, #tpu.memory_space<vmem>>)
      %dma_wait3A_1147 = arith.constant 1 : i32
      %dma_wait3A_1148 = arith.constant 2 : i32
      %dma_wait3A_1149 = arith.constant 0 : i32
      %dma_wait3A_1150 = arith.constant 0 : i32
      %dma_wait3A_1151 = tpu.memref_slice %arg14[%dma_wait3A_1147, %dma_wait3A_1148, %dma_wait3A_1149, %dma_wait3A_1150] : memref<2x4x32x128xf32, #tpu.memory_space<vmem>> -> memref<1x1x32x128xf32, #tpu.memory_space<vmem>>
      %dma_wait3A_1152 = tpu.memref_squeeze %dma_wait3A_1151 : memref<1x1x32x128xf32, #tpu.memory_space<vmem>> -> memref<32x128xf32, #tpu.memory_space<vmem>>
      %dma_wait3A_1153 = arith.constant 0 : i32
      %dma_wait3A_1154 = tpu.memref_slice %arg10[%add3A_1078, %dma_wait3A_1153] : memref<256x32xi32, #tpu.memory_space<vmem>> -> memref<1x32xi32, #tpu.memory_space<vmem>>
      %dma_wait3A_1155 = tpu.memref_squeeze %dma_wait3A_1154 : memref<1x32xi32, #tpu.memory_space<vmem>> -> memref<32xi32, #tpu.memory_space<vmem>>
      %dma_wait3A_1156 = arith.constant 0 : i32
      %dma_wait3A_1157 = arith.constant 0 : i32
      %dma_wait3A_1158 = tpu.memref_slice %arg2[%select_n3A, %dma_wait3A_1156, %dma_wait3A_1157] : memref<8x4096x128xf32, #tpu.memory_space<hbm>> -> memref<1x4096x128xf32, #tpu.memory_space<hbm>>
      %dma_wait3A_1159 = tpu.memref_squeeze %dma_wait3A_1158 : memref<1x4096x128xf32, #tpu.memory_space<hbm>> -> memref<4096x128xf32, #tpu.memory_space<hbm>>
      %dma_wait3A_1160 = arith.constant 0 : i32
      %dma_wait3A_1161 = arith.constant 0 : i32
      %dma_wait3A_1162 = tpu.memref_slice %dma_wait3A_1159[%dma_wait3A_1160, %dma_wait3A_1161] : memref<4096x128xf32, #tpu.memory_space<hbm>> -> memref<4096x128xf32, #tpu.memory_space<hbm>>
      tpu.wait_indirect_dma semaphore(%arg18 : memref<!tpu.dma_semaphore, #tpu.memory_space<semaphore_mem>>) src(%dma_wait3A_1162 : memref<4096x128xf32, #tpu.memory_space<hbm>>) dst(%dma_wait3A_1152 : memref<32x128xf32, #tpu.memory_space<vmem>>)
      %dma_wait3A_1163 = arith.constant 1 : i32
      %dma_wait3A_1164 = arith.constant 2 : i32
      %dma_wait3A_1165 = arith.constant 0 : i32
      %dma_wait3A_1166 = arith.constant 0 : i32
      %dma_wait3A_1167 = tpu.memref_slice %arg15[%dma_wait3A_1163, %dma_wait3A_1164, %dma_wait3A_1165, %dma_wait3A_1166] : memref<2x4x32x16xf32, #tpu.memory_space<vmem>> -> memref<1x1x32x16xf32, #tpu.memory_space<vmem>>
      %dma_wait3A_1168 = tpu.memref_squeeze %dma_wait3A_1167 : memref<1x1x32x16xf32, #tpu.memory_space<vmem>> -> memref<32x16xf32, #tpu.memory_space<vmem>>
      %dma_wait3A_1169 = arith.constant 0 : i32
      %dma_wait3A_1170 = tpu.memref_slice %arg10[%add3A_1078, %dma_wait3A_1169] : memref<256x32xi32, #tpu.memory_space<vmem>> -> memref<1x32xi32, #tpu.memory_space<vmem>>
      %dma_wait3A_1171 = tpu.memref_squeeze %dma_wait3A_1170 : memref<1x32xi32, #tpu.memory_space<vmem>> -> memref<32xi32, #tpu.memory_space<vmem>>
      %dma_wait3A_1172 = arith.constant 0 : i32
      %dma_wait3A_1173 = arith.constant 0 : i32
      %dma_wait3A_1174 = tpu.memref_slice %arg3[%select_n3A, %dma_wait3A_1172, %dma_wait3A_1173] : memref<8x4096x16xf32, #tpu.memory_space<hbm>> -> memref<1x4096x16xf32, #tpu.memory_space<hbm>>
      %dma_wait3A_1175 = tpu.memref_squeeze %dma_wait3A_1174 : memref<1x4096x16xf32, #tpu.memory_space<hbm>> -> memref<4096x16xf32, #tpu.memory_space<hbm>>
      %dma_wait3A_1176 = arith.constant 0 : i32
      %dma_wait3A_1177 = arith.constant 0 : i32
      %dma_wait3A_1178 = tpu.memref_slice %dma_wait3A_1175[%dma_wait3A_1176, %dma_wait3A_1177] : memref<4096x16xf32, #tpu.memory_space<hbm>> -> memref<4096x16xf32, #tpu.memory_space<hbm>>
      tpu.wait_indirect_dma semaphore(%arg18 : memref<!tpu.dma_semaphore, #tpu.memory_space<semaphore_mem>>) src(%dma_wait3A_1178 : memref<4096x16xf32, #tpu.memory_space<hbm>>) dst(%dma_wait3A_1168 : memref<32x16xf32, #tpu.memory_space<vmem>>)
      %dma_wait3A_1179 = arith.constant 1 : i32
      %dma_wait3A_1180 = arith.constant 3 : i32
      %dma_wait3A_1181 = arith.constant 0 : i32
      %dma_wait3A_1182 = arith.constant 0 : i32
      %dma_wait3A_1183 = tpu.memref_slice %arg14[%dma_wait3A_1179, %dma_wait3A_1180, %dma_wait3A_1181, %dma_wait3A_1182] : memref<2x4x32x128xf32, #tpu.memory_space<vmem>> -> memref<1x1x32x128xf32, #tpu.memory_space<vmem>>
      %dma_wait3A_1184 = tpu.memref_squeeze %dma_wait3A_1183 : memref<1x1x32x128xf32, #tpu.memory_space<vmem>> -> memref<32x128xf32, #tpu.memory_space<vmem>>
      %dma_wait3A_1185 = arith.constant 0 : i32
      %dma_wait3A_1186 = tpu.memref_slice %arg10[%add3A_1082, %dma_wait3A_1185] : memref<256x32xi32, #tpu.memory_space<vmem>> -> memref<1x32xi32, #tpu.memory_space<vmem>>
      %dma_wait3A_1187 = tpu.memref_squeeze %dma_wait3A_1186 : memref<1x32xi32, #tpu.memory_space<vmem>> -> memref<32xi32, #tpu.memory_space<vmem>>
      %dma_wait3A_1188 = arith.constant 0 : i32
      %dma_wait3A_1189 = arith.constant 0 : i32
      %dma_wait3A_1190 = tpu.memref_slice %arg2[%select_n3A, %dma_wait3A_1188, %dma_wait3A_1189] : memref<8x4096x128xf32, #tpu.memory_space<hbm>> -> memref<1x4096x128xf32, #tpu.memory_space<hbm>>
      %dma_wait3A_1191 = tpu.memref_squeeze %dma_wait3A_1190 : memref<1x4096x128xf32, #tpu.memory_space<hbm>> -> memref<4096x128xf32, #tpu.memory_space<hbm>>
      %dma_wait3A_1192 = arith.constant 0 : i32
      %dma_wait3A_1193 = arith.constant 0 : i32
      %dma_wait3A_1194 = tpu.memref_slice %dma_wait3A_1191[%dma_wait3A_1192, %dma_wait3A_1193] : memref<4096x128xf32, #tpu.memory_space<hbm>> -> memref<4096x128xf32, #tpu.memory_space<hbm>>
      tpu.wait_indirect_dma semaphore(%arg18 : memref<!tpu.dma_semaphore, #tpu.memory_space<semaphore_mem>>) src(%dma_wait3A_1194 : memref<4096x128xf32, #tpu.memory_space<hbm>>) dst(%dma_wait3A_1184 : memref<32x128xf32, #tpu.memory_space<vmem>>)
      %dma_wait3A_1195 = arith.constant 1 : i32
      %dma_wait3A_1196 = arith.constant 3 : i32
      %dma_wait3A_1197 = arith.constant 0 : i32
      %dma_wait3A_1198 = arith.constant 0 : i32
      %dma_wait3A_1199 = tpu.memref_slice %arg15[%dma_wait3A_1195, %dma_wait3A_1196, %dma_wait3A_1197, %dma_wait3A_1198] : memref<2x4x32x16xf32, #tpu.memory_space<vmem>> -> memref<1x1x32x16xf32, #tpu.memory_space<vmem>>
      %dma_wait3A_1200 = tpu.memref_squeeze %dma_wait3A_1199 : memref<1x1x32x16xf32, #tpu.memory_space<vmem>> -> memref<32x16xf32, #tpu.memory_space<vmem>>
      %dma_wait3A_1201 = arith.constant 0 : i32
      %dma_wait3A_1202 = tpu.memref_slice %arg10[%add3A_1082, %dma_wait3A_1201] : memref<256x32xi32, #tpu.memory_space<vmem>> -> memref<1x32xi32, #tpu.memory_space<vmem>>
      %dma_wait3A_1203 = tpu.memref_squeeze %dma_wait3A_1202 : memref<1x32xi32, #tpu.memory_space<vmem>> -> memref<32xi32, #tpu.memory_space<vmem>>
      %dma_wait3A_1204 = arith.constant 0 : i32
      %dma_wait3A_1205 = arith.constant 0 : i32
      %dma_wait3A_1206 = tpu.memref_slice %arg3[%select_n3A, %dma_wait3A_1204, %dma_wait3A_1205] : memref<8x4096x16xf32, #tpu.memory_space<hbm>> -> memref<1x4096x16xf32, #tpu.memory_space<hbm>>
      %dma_wait3A_1207 = tpu.memref_squeeze %dma_wait3A_1206 : memref<1x4096x16xf32, #tpu.memory_space<hbm>> -> memref<4096x16xf32, #tpu.memory_space<hbm>>
      %dma_wait3A_1208 = arith.constant 0 : i32
      %dma_wait3A_1209 = arith.constant 0 : i32
      %dma_wait3A_1210 = tpu.memref_slice %dma_wait3A_1207[%dma_wait3A_1208, %dma_wait3A_1209] : memref<4096x16xf32, #tpu.memory_space<hbm>> -> memref<4096x16xf32, #tpu.memory_space<hbm>>
      tpu.wait_indirect_dma semaphore(%arg18 : memref<!tpu.dma_semaphore, #tpu.memory_space<semaphore_mem>>) src(%dma_wait3A_1210 : memref<4096x16xf32, #tpu.memory_space<hbm>>) dst(%dma_wait3A_1200 : memref<32x16xf32, #tpu.memory_space<vmem>>)
      %mul3A_1211 = arith.constant 4 : i32
      %mul3A_1212 = arith.muli %add3A_1066, %mul3A_1211 : i32
      %add3A_1213 = arith.addi %mul3A_32, %mul3A_1212 : i32
      %add3A_1214 = arith.constant 0 : i32
      %add3A_1215 = arith.addi %add3A_1213, %add3A_1214 : i32
      %mul3A_1216 = arith.constant 4 : i32
      %mul3A_1217 = arith.muli %add3A_1066, %mul3A_1216 : i32
      %add3A_1218 = arith.addi %mul3A_32, %mul3A_1217 : i32
      %add3A_1219 = arith.constant 1 : i32
      %add3A_1220 = arith.addi %add3A_1218, %add3A_1219 : i32
      %mul3A_1221 = arith.constant 4 : i32
      %mul3A_1222 = arith.muli %add3A_1066, %mul3A_1221 : i32
      %add3A_1223 = arith.addi %mul3A_32, %mul3A_1222 : i32
      %add3A_1224 = arith.constant 2 : i32
      %add3A_1225 = arith.addi %add3A_1223, %add3A_1224 : i32
      %mul3A_1226 = arith.constant 4 : i32
      %mul3A_1227 = arith.muli %add3A_1066, %mul3A_1226 : i32
      %add3A_1228 = arith.addi %mul3A_32, %mul3A_1227 : i32
      %add3A_1229 = arith.constant 3 : i32
      %add3A_1230 = arith.addi %add3A_1228, %add3A_1229 : i32
      %dma_start3A_1231 = arith.constant 1 : i32
      %dma_start3A_1232 = arith.constant 0 : i32
      %dma_start3A_1233 = arith.constant 0 : i32
      %dma_start3A_1234 = arith.constant 0 : i32
      %dma_start3A_1235 = tpu.memref_slice %arg14[%dma_start3A_1231, %dma_start3A_1232, %dma_start3A_1233, %dma_start3A_1234] : memref<2x4x32x128xf32, #tpu.memory_space<vmem>> -> memref<1x1x32x128xf32, #tpu.memory_space<vmem>>
      %dma_start3A_1236 = tpu.memref_squeeze %dma_start3A_1235 : memref<1x1x32x128xf32, #tpu.memory_space<vmem>> -> memref<32x128xf32, #tpu.memory_space<vmem>>
      %dma_start3A_1237 = arith.constant 0 : i32
      %dma_start3A_1238 = arith.constant 0 : i32
      %dma_start3A_1239 = tpu.memref_slice %arg6[%select_n3A, %add3A_1215, %dma_start3A_1237, %dma_start3A_1238] : memref<8x1024x32x128xf32, #tpu.memory_space<hbm>> -> memref<1x1x32x128xf32, #tpu.memory_space<hbm>>
      %dma_start3A_1240 = tpu.memref_squeeze %dma_start3A_1239 : memref<1x1x32x128xf32, #tpu.memory_space<hbm>> -> memref<32x128xf32, #tpu.memory_space<hbm>>
      %dma_start3A_1241 = arith.constant 0 : i32
      %dma_start3A_1242 = arith.constant 0 : i32
      %dma_start3A_1243 = tpu.memref_slice %arg6[%select_n3A, %add3A_1215, %dma_start3A_1241, %dma_start3A_1242] : memref<8x1024x32x128xf32, #tpu.memory_space<hbm>> -> memref<1x1x32x128xf32, #tpu.memory_space<hbm>>
      %dma_start3A_1244 = tpu.memref_squeeze %dma_start3A_1243 : memref<1x1x32x128xf32, #tpu.memory_space<hbm>> -> memref<32x128xf32, #tpu.memory_space<hbm>>
      %dma_start3A_1245 = arith.constant 0 : i32
      %dma_start3A_1246 = arith.constant 0 : i32
      %dma_start3A_1247 = tpu.memref_slice %arg14[%dma_start3A_1231, %dma_start3A_1232, %dma_start3A_1245, %dma_start3A_1246] : memref<2x4x32x128xf32, #tpu.memory_space<vmem>> -> memref<1x1x32x128xf32, #tpu.memory_space<vmem>>
      %dma_start3A_1248 = tpu.memref_squeeze %dma_start3A_1247 : memref<1x1x32x128xf32, #tpu.memory_space<vmem>> -> memref<32x128xf32, #tpu.memory_space<vmem>>
      tpu.enqueue_dma source(%dma_start3A_1248 : memref<32x128xf32, #tpu.memory_space<vmem>>) target(%dma_start3A_1244 : memref<32x128xf32, #tpu.memory_space<hbm>>) target_semaphore(%arg20 : memref<!tpu.dma_semaphore, #tpu.memory_space<semaphore_mem>>)
      %dma_start3A_1249 = arith.constant 1 : i32
      %dma_start3A_1250 = arith.constant 0 : i32
      %dma_start3A_1251 = arith.constant 0 : i32
      %dma_start3A_1252 = arith.constant 0 : i32
      %dma_start3A_1253 = tpu.memref_slice %arg15[%dma_start3A_1249, %dma_start3A_1250, %dma_start3A_1251, %dma_start3A_1252] : memref<2x4x32x16xf32, #tpu.memory_space<vmem>> -> memref<1x1x32x16xf32, #tpu.memory_space<vmem>>
      %dma_start3A_1254 = tpu.memref_squeeze %dma_start3A_1253 : memref<1x1x32x16xf32, #tpu.memory_space<vmem>> -> memref<32x16xf32, #tpu.memory_space<vmem>>
      %dma_start3A_1255 = arith.constant 0 : i32
      %dma_start3A_1256 = arith.constant 0 : i32
      %dma_start3A_1257 = tpu.memref_slice %arg7[%select_n3A, %add3A_1215, %dma_start3A_1255, %dma_start3A_1256] : memref<8x1024x32x16xf32, #tpu.memory_space<hbm>> -> memref<1x1x32x16xf32, #tpu.memory_space<hbm>>
      %dma_start3A_1258 = tpu.memref_squeeze %dma_start3A_1257 : memref<1x1x32x16xf32, #tpu.memory_space<hbm>> -> memref<32x16xf32, #tpu.memory_space<hbm>>
      %dma_start3A_1259 = arith.constant 0 : i32
      %dma_start3A_1260 = arith.constant 0 : i32
      %dma_start3A_1261 = tpu.memref_slice %arg7[%select_n3A, %add3A_1215, %dma_start3A_1259, %dma_start3A_1260] : memref<8x1024x32x16xf32, #tpu.memory_space<hbm>> -> memref<1x1x32x16xf32, #tpu.memory_space<hbm>>
      %dma_start3A_1262 = tpu.memref_squeeze %dma_start3A_1261 : memref<1x1x32x16xf32, #tpu.memory_space<hbm>> -> memref<32x16xf32, #tpu.memory_space<hbm>>
      %dma_start3A_1263 = arith.constant 0 : i32
      %dma_start3A_1264 = arith.constant 0 : i32
      %dma_start3A_1265 = tpu.memref_slice %arg15[%dma_start3A_1249, %dma_start3A_1250, %dma_start3A_1263, %dma_start3A_1264] : memref<2x4x32x16xf32, #tpu.memory_space<vmem>> -> memref<1x1x32x16xf32, #tpu.memory_space<vmem>>
      %dma_start3A_1266 = tpu.memref_squeeze %dma_start3A_1265 : memref<1x1x32x16xf32, #tpu.memory_space<vmem>> -> memref<32x16xf32, #tpu.memory_space<vmem>>
      tpu.enqueue_dma source(%dma_start3A_1266 : memref<32x16xf32, #tpu.memory_space<vmem>>) target(%dma_start3A_1262 : memref<32x16xf32, #tpu.memory_space<hbm>>) target_semaphore(%arg20 : memref<!tpu.dma_semaphore, #tpu.memory_space<semaphore_mem>>)
      %dma_start3A_1267 = arith.constant 1 : i32
      %dma_start3A_1268 = arith.constant 1 : i32
      %dma_start3A_1269 = arith.constant 0 : i32
      %dma_start3A_1270 = arith.constant 0 : i32
      %dma_start3A_1271 = tpu.memref_slice %arg14[%dma_start3A_1267, %dma_start3A_1268, %dma_start3A_1269, %dma_start3A_1270] : memref<2x4x32x128xf32, #tpu.memory_space<vmem>> -> memref<1x1x32x128xf32, #tpu.memory_space<vmem>>
      %dma_start3A_1272 = tpu.memref_squeeze %dma_start3A_1271 : memref<1x1x32x128xf32, #tpu.memory_space<vmem>> -> memref<32x128xf32, #tpu.memory_space<vmem>>
      %dma_start3A_1273 = arith.constant 0 : i32
      %dma_start3A_1274 = arith.constant 0 : i32
      %dma_start3A_1275 = tpu.memref_slice %arg6[%select_n3A, %add3A_1220, %dma_start3A_1273, %dma_start3A_1274] : memref<8x1024x32x128xf32, #tpu.memory_space<hbm>> -> memref<1x1x32x128xf32, #tpu.memory_space<hbm>>
      %dma_start3A_1276 = tpu.memref_squeeze %dma_start3A_1275 : memref<1x1x32x128xf32, #tpu.memory_space<hbm>> -> memref<32x128xf32, #tpu.memory_space<hbm>>
      %dma_start3A_1277 = arith.constant 0 : i32
      %dma_start3A_1278 = arith.constant 0 : i32
      %dma_start3A_1279 = tpu.memref_slice %arg6[%select_n3A, %add3A_1220, %dma_start3A_1277, %dma_start3A_1278] : memref<8x1024x32x128xf32, #tpu.memory_space<hbm>> -> memref<1x1x32x128xf32, #tpu.memory_space<hbm>>
      %dma_start3A_1280 = tpu.memref_squeeze %dma_start3A_1279 : memref<1x1x32x128xf32, #tpu.memory_space<hbm>> -> memref<32x128xf32, #tpu.memory_space<hbm>>
      %dma_start3A_1281 = arith.constant 0 : i32
      %dma_start3A_1282 = arith.constant 0 : i32
      %dma_start3A_1283 = tpu.memref_slice %arg14[%dma_start3A_1267, %dma_start3A_1268, %dma_start3A_1281, %dma_start3A_1282] : memref<2x4x32x128xf32, #tpu.memory_space<vmem>> -> memref<1x1x32x128xf32, #tpu.memory_space<vmem>>
      %dma_start3A_1284 = tpu.memref_squeeze %dma_start3A_1283 : memref<1x1x32x128xf32, #tpu.memory_space<vmem>> -> memref<32x128xf32, #tpu.memory_space<vmem>>
      tpu.enqueue_dma source(%dma_start3A_1284 : memref<32x128xf32, #tpu.memory_space<vmem>>) target(%dma_start3A_1280 : memref<32x128xf32, #tpu.memory_space<hbm>>) target_semaphore(%arg20 : memref<!tpu.dma_semaphore, #tpu.memory_space<semaphore_mem>>)
      %dma_start3A_1285 = arith.constant 1 : i32
      %dma_start3A_1286 = arith.constant 1 : i32
      %dma_start3A_1287 = arith.constant 0 : i32
      %dma_start3A_1288 = arith.constant 0 : i32
      %dma_start3A_1289 = tpu.memref_slice %arg15[%dma_start3A_1285, %dma_start3A_1286, %dma_start3A_1287, %dma_start3A_1288] : memref<2x4x32x16xf32, #tpu.memory_space<vmem>> -> memref<1x1x32x16xf32, #tpu.memory_space<vmem>>
      %dma_start3A_1290 = tpu.memref_squeeze %dma_start3A_1289 : memref<1x1x32x16xf32, #tpu.memory_space<vmem>> -> memref<32x16xf32, #tpu.memory_space<vmem>>
      %dma_start3A_1291 = arith.constant 0 : i32
      %dma_start3A_1292 = arith.constant 0 : i32
      %dma_start3A_1293 = tpu.memref_slice %arg7[%select_n3A, %add3A_1220, %dma_start3A_1291, %dma_start3A_1292] : memref<8x1024x32x16xf32, #tpu.memory_space<hbm>> -> memref<1x1x32x16xf32, #tpu.memory_space<hbm>>
      %dma_start3A_1294 = tpu.memref_squeeze %dma_start3A_1293 : memref<1x1x32x16xf32, #tpu.memory_space<hbm>> -> memref<32x16xf32, #tpu.memory_space<hbm>>
      %dma_start3A_1295 = arith.constant 0 : i32
      %dma_start3A_1296 = arith.constant 0 : i32
      %dma_start3A_1297 = tpu.memref_slice %arg7[%select_n3A, %add3A_1220, %dma_start3A_1295, %dma_start3A_1296] : memref<8x1024x32x16xf32, #tpu.memory_space<hbm>> -> memref<1x1x32x16xf32, #tpu.memory_space<hbm>>
      %dma_start3A_1298 = tpu.memref_squeeze %dma_start3A_1297 : memref<1x1x32x16xf32, #tpu.memory_space<hbm>> -> memref<32x16xf32, #tpu.memory_space<hbm>>
      %dma_start3A_1299 = arith.constant 0 : i32
      %dma_start3A_1300 = arith.constant 0 : i32
      %dma_start3A_1301 = tpu.memref_slice %arg15[%dma_start3A_1285, %dma_start3A_1286, %dma_start3A_1299, %dma_start3A_1300] : memref<2x4x32x16xf32, #tpu.memory_space<vmem>> -> memref<1x1x32x16xf32, #tpu.memory_space<vmem>>
      %dma_start3A_1302 = tpu.memref_squeeze %dma_start3A_1301 : memref<1x1x32x16xf32, #tpu.memory_space<vmem>> -> memref<32x16xf32, #tpu.memory_space<vmem>>
      tpu.enqueue_dma source(%dma_start3A_1302 : memref<32x16xf32, #tpu.memory_space<vmem>>) target(%dma_start3A_1298 : memref<32x16xf32, #tpu.memory_space<hbm>>) target_semaphore(%arg20 : memref<!tpu.dma_semaphore, #tpu.memory_space<semaphore_mem>>)
      %dma_start3A_1303 = arith.constant 1 : i32
      %dma_start3A_1304 = arith.constant 2 : i32
      %dma_start3A_1305 = arith.constant 0 : i32
      %dma_start3A_1306 = arith.constant 0 : i32
      %dma_start3A_1307 = tpu.memref_slice %arg14[%dma_start3A_1303, %dma_start3A_1304, %dma_start3A_1305, %dma_start3A_1306] : memref<2x4x32x128xf32, #tpu.memory_space<vmem>> -> memref<1x1x32x128xf32, #tpu.memory_space<vmem>>
      %dma_start3A_1308 = tpu.memref_squeeze %dma_start3A_1307 : memref<1x1x32x128xf32, #tpu.memory_space<vmem>> -> memref<32x128xf32, #tpu.memory_space<vmem>>
      %dma_start3A_1309 = arith.constant 0 : i32
      %dma_start3A_1310 = arith.constant 0 : i32
      %dma_start3A_1311 = tpu.memref_slice %arg6[%select_n3A, %add3A_1225, %dma_start3A_1309, %dma_start3A_1310] : memref<8x1024x32x128xf32, #tpu.memory_space<hbm>> -> memref<1x1x32x128xf32, #tpu.memory_space<hbm>>
      %dma_start3A_1312 = tpu.memref_squeeze %dma_start3A_1311 : memref<1x1x32x128xf32, #tpu.memory_space<hbm>> -> memref<32x128xf32, #tpu.memory_space<hbm>>
      %dma_start3A_1313 = arith.constant 0 : i32
      %dma_start3A_1314 = arith.constant 0 : i32
      %dma_start3A_1315 = tpu.memref_slice %arg6[%select_n3A, %add3A_1225, %dma_start3A_1313, %dma_start3A_1314] : memref<8x1024x32x128xf32, #tpu.memory_space<hbm>> -> memref<1x1x32x128xf32, #tpu.memory_space<hbm>>
      %dma_start3A_1316 = tpu.memref_squeeze %dma_start3A_1315 : memref<1x1x32x128xf32, #tpu.memory_space<hbm>> -> memref<32x128xf32, #tpu.memory_space<hbm>>
      %dma_start3A_1317 = arith.constant 0 : i32
      %dma_start3A_1318 = arith.constant 0 : i32
      %dma_start3A_1319 = tpu.memref_slice %arg14[%dma_start3A_1303, %dma_start3A_1304, %dma_start3A_1317, %dma_start3A_1318] : memref<2x4x32x128xf32, #tpu.memory_space<vmem>> -> memref<1x1x32x128xf32, #tpu.memory_space<vmem>>
      %dma_start3A_1320 = tpu.memref_squeeze %dma_start3A_1319 : memref<1x1x32x128xf32, #tpu.memory_space<vmem>> -> memref<32x128xf32, #tpu.memory_space<vmem>>
      tpu.enqueue_dma source(%dma_start3A_1320 : memref<32x128xf32, #tpu.memory_space<vmem>>) target(%dma_start3A_1316 : memref<32x128xf32, #tpu.memory_space<hbm>>) target_semaphore(%arg20 : memref<!tpu.dma_semaphore, #tpu.memory_space<semaphore_mem>>)
      %dma_start3A_1321 = arith.constant 1 : i32
      %dma_start3A_1322 = arith.constant 2 : i32
      %dma_start3A_1323 = arith.constant 0 : i32
      %dma_start3A_1324 = arith.constant 0 : i32
      %dma_start3A_1325 = tpu.memref_slice %arg15[%dma_start3A_1321, %dma_start3A_1322, %dma_start3A_1323, %dma_start3A_1324] : memref<2x4x32x16xf32, #tpu.memory_space<vmem>> -> memref<1x1x32x16xf32, #tpu.memory_space<vmem>>
      %dma_start3A_1326 = tpu.memref_squeeze %dma_start3A_1325 : memref<1x1x32x16xf32, #tpu.memory_space<vmem>> -> memref<32x16xf32, #tpu.memory_space<vmem>>
      %dma_start3A_1327 = arith.constant 0 : i32
      %dma_start3A_1328 = arith.constant 0 : i32
      %dma_start3A_1329 = tpu.memref_slice %arg7[%select_n3A, %add3A_1225, %dma_start3A_1327, %dma_start3A_1328] : memref<8x1024x32x16xf32, #tpu.memory_space<hbm>> -> memref<1x1x32x16xf32, #tpu.memory_space<hbm>>
      %dma_start3A_1330 = tpu.memref_squeeze %dma_start3A_1329 : memref<1x1x32x16xf32, #tpu.memory_space<hbm>> -> memref<32x16xf32, #tpu.memory_space<hbm>>
      %dma_start3A_1331 = arith.constant 0 : i32
      %dma_start3A_1332 = arith.constant 0 : i32
      %dma_start3A_1333 = tpu.memref_slice %arg7[%select_n3A, %add3A_1225, %dma_start3A_1331, %dma_start3A_1332] : memref<8x1024x32x16xf32, #tpu.memory_space<hbm>> -> memref<1x1x32x16xf32, #tpu.memory_space<hbm>>
      %dma_start3A_1334 = tpu.memref_squeeze %dma_start3A_1333 : memref<1x1x32x16xf32, #tpu.memory_space<hbm>> -> memref<32x16xf32, #tpu.memory_space<hbm>>
      %dma_start3A_1335 = arith.constant 0 : i32
      %dma_start3A_1336 = arith.constant 0 : i32
      %dma_start3A_1337 = tpu.memref_slice %arg15[%dma_start3A_1321, %dma_start3A_1322, %dma_start3A_1335, %dma_start3A_1336] : memref<2x4x32x16xf32, #tpu.memory_space<vmem>> -> memref<1x1x32x16xf32, #tpu.memory_space<vmem>>
      %dma_start3A_1338 = tpu.memref_squeeze %dma_start3A_1337 : memref<1x1x32x16xf32, #tpu.memory_space<vmem>> -> memref<32x16xf32, #tpu.memory_space<vmem>>
      tpu.enqueue_dma source(%dma_start3A_1338 : memref<32x16xf32, #tpu.memory_space<vmem>>) target(%dma_start3A_1334 : memref<32x16xf32, #tpu.memory_space<hbm>>) target_semaphore(%arg20 : memref<!tpu.dma_semaphore, #tpu.memory_space<semaphore_mem>>)
      %dma_start3A_1339 = arith.constant 1 : i32
      %dma_start3A_1340 = arith.constant 3 : i32
      %dma_start3A_1341 = arith.constant 0 : i32
      %dma_start3A_1342 = arith.constant 0 : i32
      %dma_start3A_1343 = tpu.memref_slice %arg14[%dma_start3A_1339, %dma_start3A_1340, %dma_start3A_1341, %dma_start3A_1342] : memref<2x4x32x128xf32, #tpu.memory_space<vmem>> -> memref<1x1x32x128xf32, #tpu.memory_space<vmem>>
      %dma_start3A_1344 = tpu.memref_squeeze %dma_start3A_1343 : memref<1x1x32x128xf32, #tpu.memory_space<vmem>> -> memref<32x128xf32, #tpu.memory_space<vmem>>
      %dma_start3A_1345 = arith.constant 0 : i32
      %dma_start3A_1346 = arith.constant 0 : i32
      %dma_start3A_1347 = tpu.memref_slice %arg6[%select_n3A, %add3A_1230, %dma_start3A_1345, %dma_start3A_1346] : memref<8x1024x32x128xf32, #tpu.memory_space<hbm>> -> memref<1x1x32x128xf32, #tpu.memory_space<hbm>>
      %dma_start3A_1348 = tpu.memref_squeeze %dma_start3A_1347 : memref<1x1x32x128xf32, #tpu.memory_space<hbm>> -> memref<32x128xf32, #tpu.memory_space<hbm>>
      %dma_start3A_1349 = arith.constant 0 : i32
      %dma_start3A_1350 = arith.constant 0 : i32
      %dma_start3A_1351 = tpu.memref_slice %arg6[%select_n3A, %add3A_1230, %dma_start3A_1349, %dma_start3A_1350] : memref<8x1024x32x128xf32, #tpu.memory_space<hbm>> -> memref<1x1x32x128xf32, #tpu.memory_space<hbm>>
      %dma_start3A_1352 = tpu.memref_squeeze %dma_start3A_1351 : memref<1x1x32x128xf32, #tpu.memory_space<hbm>> -> memref<32x128xf32, #tpu.memory_space<hbm>>
      %dma_start3A_1353 = arith.constant 0 : i32
      %dma_start3A_1354 = arith.constant 0 : i32
      %dma_start3A_1355 = tpu.memref_slice %arg14[%dma_start3A_1339, %dma_start3A_1340, %dma_start3A_1353, %dma_start3A_1354] : memref<2x4x32x128xf32, #tpu.memory_space<vmem>> -> memref<1x1x32x128xf32, #tpu.memory_space<vmem>>
      %dma_start3A_1356 = tpu.memref_squeeze %dma_start3A_1355 : memref<1x1x32x128xf32, #tpu.memory_space<vmem>> -> memref<32x128xf32, #tpu.memory_space<vmem>>
      tpu.enqueue_dma source(%dma_start3A_1356 : memref<32x128xf32, #tpu.memory_space<vmem>>) target(%dma_start3A_1352 : memref<32x128xf32, #tpu.memory_space<hbm>>) target_semaphore(%arg20 : memref<!tpu.dma_semaphore, #tpu.memory_space<semaphore_mem>>)
      %dma_start3A_1357 = arith.constant 1 : i32
      %dma_start3A_1358 = arith.constant 3 : i32
      %dma_start3A_1359 = arith.constant 0 : i32
      %dma_start3A_1360 = arith.constant 0 : i32
      %dma_start3A_1361 = tpu.memref_slice %arg15[%dma_start3A_1357, %dma_start3A_1358, %dma_start3A_1359, %dma_start3A_1360] : memref<2x4x32x16xf32, #tpu.memory_space<vmem>> -> memref<1x1x32x16xf32, #tpu.memory_space<vmem>>
      %dma_start3A_1362 = tpu.memref_squeeze %dma_start3A_1361 : memref<1x1x32x16xf32, #tpu.memory_space<vmem>> -> memref<32x16xf32, #tpu.memory_space<vmem>>
      %dma_start3A_1363 = arith.constant 0 : i32
      %dma_start3A_1364 = arith.constant 0 : i32
      %dma_start3A_1365 = tpu.memref_slice %arg7[%select_n3A, %add3A_1230, %dma_start3A_1363, %dma_start3A_1364] : memref<8x1024x32x16xf32, #tpu.memory_space<hbm>> -> memref<1x1x32x16xf32, #tpu.memory_space<hbm>>
      %dma_start3A_1366 = tpu.memref_squeeze %dma_start3A_1365 : memref<1x1x32x16xf32, #tpu.memory_space<hbm>> -> memref<32x16xf32, #tpu.memory_space<hbm>>
      %dma_start3A_1367 = arith.constant 0 : i32
      %dma_start3A_1368 = arith.constant 0 : i32
      %dma_start3A_1369 = tpu.memref_slice %arg7[%select_n3A, %add3A_1230, %dma_start3A_1367, %dma_start3A_1368] : memref<8x1024x32x16xf32, #tpu.memory_space<hbm>> -> memref<1x1x32x16xf32, #tpu.memory_space<hbm>>
      %dma_start3A_1370 = tpu.memref_squeeze %dma_start3A_1369 : memref<1x1x32x16xf32, #tpu.memory_space<hbm>> -> memref<32x16xf32, #tpu.memory_space<hbm>>
      %dma_start3A_1371 = arith.constant 0 : i32
      %dma_start3A_1372 = arith.constant 0 : i32
      %dma_start3A_1373 = tpu.memref_slice %arg15[%dma_start3A_1357, %dma_start3A_1358, %dma_start3A_1371, %dma_start3A_1372] : memref<2x4x32x16xf32, #tpu.memory_space<vmem>> -> memref<1x1x32x16xf32, #tpu.memory_space<vmem>>
      %dma_start3A_1374 = tpu.memref_squeeze %dma_start3A_1373 : memref<1x1x32x16xf32, #tpu.memory_space<vmem>> -> memref<32x16xf32, #tpu.memory_space<vmem>>
      tpu.enqueue_dma source(%dma_start3A_1374 : memref<32x16xf32, #tpu.memory_space<vmem>>) target(%dma_start3A_1370 : memref<32x16xf32, #tpu.memory_space<hbm>>) target_semaphore(%arg20 : memref<!tpu.dma_semaphore, #tpu.memory_space<semaphore_mem>>)
      %add3A_1375 = arith.constant 2 : i32
      %add3A_1376 = arith.addi %add3A_1066, %add3A_1375 : i32
      %lt3A_1377 = arith.constant 64 : i32
      %lt3A_1378 = arith.cmpi slt, %add3A_1376, %lt3A_1377 : i32
      %convert_element_type3A_1379 = arith.extui %lt3A_1378 : i1 to i32
      %cond3A_1380 = arith.constant 0 : i32
      %cond3A_1381 = arith.cmpi ne, %convert_element_type3A_1379, %cond3A_1380 : i32
      scf.if %cond3A_1381 {
        %mul3A_1382 = arith.constant 4 : i32
        %mul3A_1383 = arith.muli %add3A_1066, %mul3A_1382 : i32
        %add3A_1384 = arith.addi %mul3A_32, %mul3A_1383 : i32
        %add3A_1385 = arith.constant 0 : i32
        %add3A_1386 = arith.addi %add3A_1384, %add3A_1385 : i32
        %mul3A_1387 = arith.constant 4 : i32
        %mul3A_1388 = arith.muli %add3A_1066, %mul3A_1387 : i32
        %add3A_1389 = arith.addi %mul3A_32, %mul3A_1388 : i32
        %add3A_1390 = arith.constant 1 : i32
        %add3A_1391 = arith.addi %add3A_1389, %add3A_1390 : i32
        %mul3A_1392 = arith.constant 4 : i32
        %mul3A_1393 = arith.muli %add3A_1066, %mul3A_1392 : i32
        %add3A_1394 = arith.addi %mul3A_32, %mul3A_1393 : i32
        %add3A_1395 = arith.constant 2 : i32
        %add3A_1396 = arith.addi %add3A_1394, %add3A_1395 : i32
        %mul3A_1397 = arith.constant 4 : i32
        %mul3A_1398 = arith.muli %add3A_1066, %mul3A_1397 : i32
        %add3A_1399 = arith.addi %mul3A_32, %mul3A_1398 : i32
        %add3A_1400 = arith.constant 3 : i32
        %add3A_1401 = arith.addi %add3A_1399, %add3A_1400 : i32
        %dma_wait3A_1402 = arith.constant 1 : i32
        %dma_wait3A_1403 = arith.constant 0 : i32
        %dma_wait3A_1404 = arith.constant 0 : i32
        %dma_wait3A_1405 = arith.constant 0 : i32
        %dma_wait3A_1406 = tpu.memref_slice %arg14[%dma_wait3A_1402, %dma_wait3A_1403, %dma_wait3A_1404, %dma_wait3A_1405] : memref<2x4x32x128xf32, #tpu.memory_space<vmem>> -> memref<1x1x32x128xf32, #tpu.memory_space<vmem>>
        %dma_wait3A_1407 = tpu.memref_squeeze %dma_wait3A_1406 : memref<1x1x32x128xf32, #tpu.memory_space<vmem>> -> memref<32x128xf32, #tpu.memory_space<vmem>>
        %dma_wait3A_1408 = arith.constant 0 : i32
        %dma_wait3A_1409 = arith.constant 0 : i32
        %dma_wait3A_1410 = tpu.memref_slice %arg6[%select_n3A, %add3A_1386, %dma_wait3A_1408, %dma_wait3A_1409] : memref<8x1024x32x128xf32, #tpu.memory_space<hbm>> -> memref<1x1x32x128xf32, #tpu.memory_space<hbm>>
        %dma_wait3A_1411 = tpu.memref_squeeze %dma_wait3A_1410 : memref<1x1x32x128xf32, #tpu.memory_space<hbm>> -> memref<32x128xf32, #tpu.memory_space<hbm>>
        %dma_wait3A_1412 = arith.constant 0 : i32
        %dma_wait3A_1413 = arith.constant 0 : i32
        %dma_wait3A_1414 = tpu.memref_slice %arg6[%select_n3A, %add3A_1386, %dma_wait3A_1412, %dma_wait3A_1413] : memref<8x1024x32x128xf32, #tpu.memory_space<hbm>> -> memref<1x1x32x128xf32, #tpu.memory_space<hbm>>
        %dma_wait3A_1415 = tpu.memref_squeeze %dma_wait3A_1414 : memref<1x1x32x128xf32, #tpu.memory_space<hbm>> -> memref<32x128xf32, #tpu.memory_space<hbm>>
        %dma_wait3A_1416 = arith.constant 0 : i32
        %dma_wait3A_1417 = arith.constant 0 : i32
        %dma_wait3A_1418 = tpu.memref_slice %arg14[%dma_wait3A_1402, %dma_wait3A_1403, %dma_wait3A_1416, %dma_wait3A_1417] : memref<2x4x32x128xf32, #tpu.memory_space<vmem>> -> memref<1x1x32x128xf32, #tpu.memory_space<vmem>>
        %dma_wait3A_1419 = tpu.memref_squeeze %dma_wait3A_1418 : memref<1x1x32x128xf32, #tpu.memory_space<vmem>> -> memref<32x128xf32, #tpu.memory_space<vmem>>
        tpu.wait_dma2 semaphore(%arg20 : memref<!tpu.dma_semaphore, #tpu.memory_space<semaphore_mem>>) src(%dma_wait3A_1419 : memref<32x128xf32, #tpu.memory_space<vmem>>) dst(%dma_wait3A_1415 : memref<32x128xf32, #tpu.memory_space<hbm>>)
        %dma_wait3A_1420 = arith.constant 1 : i32
        %dma_wait3A_1421 = arith.constant 0 : i32
        %dma_wait3A_1422 = arith.constant 0 : i32
        %dma_wait3A_1423 = arith.constant 0 : i32
        %dma_wait3A_1424 = tpu.memref_slice %arg15[%dma_wait3A_1420, %dma_wait3A_1421, %dma_wait3A_1422, %dma_wait3A_1423] : memref<2x4x32x16xf32, #tpu.memory_space<vmem>> -> memref<1x1x32x16xf32, #tpu.memory_space<vmem>>
        %dma_wait3A_1425 = tpu.memref_squeeze %dma_wait3A_1424 : memref<1x1x32x16xf32, #tpu.memory_space<vmem>> -> memref<32x16xf32, #tpu.memory_space<vmem>>
        %dma_wait3A_1426 = arith.constant 0 : i32
        %dma_wait3A_1427 = arith.constant 0 : i32
        %dma_wait3A_1428 = tpu.memref_slice %arg7[%select_n3A, %add3A_1386, %dma_wait3A_1426, %dma_wait3A_1427] : memref<8x1024x32x16xf32, #tpu.memory_space<hbm>> -> memref<1x1x32x16xf32, #tpu.memory_space<hbm>>
        %dma_wait3A_1429 = tpu.memref_squeeze %dma_wait3A_1428 : memref<1x1x32x16xf32, #tpu.memory_space<hbm>> -> memref<32x16xf32, #tpu.memory_space<hbm>>
        %dma_wait3A_1430 = arith.constant 0 : i32
        %dma_wait3A_1431 = arith.constant 0 : i32
        %dma_wait3A_1432 = tpu.memref_slice %arg7[%select_n3A, %add3A_1386, %dma_wait3A_1430, %dma_wait3A_1431] : memref<8x1024x32x16xf32, #tpu.memory_space<hbm>> -> memref<1x1x32x16xf32, #tpu.memory_space<hbm>>
        %dma_wait3A_1433 = tpu.memref_squeeze %dma_wait3A_1432 : memref<1x1x32x16xf32, #tpu.memory_space<hbm>> -> memref<32x16xf32, #tpu.memory_space<hbm>>
        %dma_wait3A_1434 = arith.constant 0 : i32
        %dma_wait3A_1435 = arith.constant 0 : i32
        %dma_wait3A_1436 = tpu.memref_slice %arg15[%dma_wait3A_1420, %dma_wait3A_1421, %dma_wait3A_1434, %dma_wait3A_1435] : memref<2x4x32x16xf32, #tpu.memory_space<vmem>> -> memref<1x1x32x16xf32, #tpu.memory_space<vmem>>
        %dma_wait3A_1437 = tpu.memref_squeeze %dma_wait3A_1436 : memref<1x1x32x16xf32, #tpu.memory_space<vmem>> -> memref<32x16xf32, #tpu.memory_space<vmem>>
        tpu.wait_dma2 semaphore(%arg20 : memref<!tpu.dma_semaphore, #tpu.memory_space<semaphore_mem>>) src(%dma_wait3A_1437 : memref<32x16xf32, #tpu.memory_space<vmem>>) dst(%dma_wait3A_1433 : memref<32x16xf32, #tpu.memory_space<hbm>>)
        %dma_wait3A_1438 = arith.constant 1 : i32
        %dma_wait3A_1439 = arith.constant 1 : i32
        %dma_wait3A_1440 = arith.constant 0 : i32
        %dma_wait3A_1441 = arith.constant 0 : i32
        %dma_wait3A_1442 = tpu.memref_slice %arg14[%dma_wait3A_1438, %dma_wait3A_1439, %dma_wait3A_1440, %dma_wait3A_1441] : memref<2x4x32x128xf32, #tpu.memory_space<vmem>> -> memref<1x1x32x128xf32, #tpu.memory_space<vmem>>
        %dma_wait3A_1443 = tpu.memref_squeeze %dma_wait3A_1442 : memref<1x1x32x128xf32, #tpu.memory_space<vmem>> -> memref<32x128xf32, #tpu.memory_space<vmem>>
        %dma_wait3A_1444 = arith.constant 0 : i32
        %dma_wait3A_1445 = arith.constant 0 : i32
        %dma_wait3A_1446 = tpu.memref_slice %arg6[%select_n3A, %add3A_1391, %dma_wait3A_1444, %dma_wait3A_1445] : memref<8x1024x32x128xf32, #tpu.memory_space<hbm>> -> memref<1x1x32x128xf32, #tpu.memory_space<hbm>>
        %dma_wait3A_1447 = tpu.memref_squeeze %dma_wait3A_1446 : memref<1x1x32x128xf32, #tpu.memory_space<hbm>> -> memref<32x128xf32, #tpu.memory_space<hbm>>
        %dma_wait3A_1448 = arith.constant 0 : i32
        %dma_wait3A_1449 = arith.constant 0 : i32
        %dma_wait3A_1450 = tpu.memref_slice %arg6[%select_n3A, %add3A_1391, %dma_wait3A_1448, %dma_wait3A_1449] : memref<8x1024x32x128xf32, #tpu.memory_space<hbm>> -> memref<1x1x32x128xf32, #tpu.memory_space<hbm>>
        %dma_wait3A_1451 = tpu.memref_squeeze %dma_wait3A_1450 : memref<1x1x32x128xf32, #tpu.memory_space<hbm>> -> memref<32x128xf32, #tpu.memory_space<hbm>>
        %dma_wait3A_1452 = arith.constant 0 : i32
        %dma_wait3A_1453 = arith.constant 0 : i32
        %dma_wait3A_1454 = tpu.memref_slice %arg14[%dma_wait3A_1438, %dma_wait3A_1439, %dma_wait3A_1452, %dma_wait3A_1453] : memref<2x4x32x128xf32, #tpu.memory_space<vmem>> -> memref<1x1x32x128xf32, #tpu.memory_space<vmem>>
        %dma_wait3A_1455 = tpu.memref_squeeze %dma_wait3A_1454 : memref<1x1x32x128xf32, #tpu.memory_space<vmem>> -> memref<32x128xf32, #tpu.memory_space<vmem>>
        tpu.wait_dma2 semaphore(%arg20 : memref<!tpu.dma_semaphore, #tpu.memory_space<semaphore_mem>>) src(%dma_wait3A_1455 : memref<32x128xf32, #tpu.memory_space<vmem>>) dst(%dma_wait3A_1451 : memref<32x128xf32, #tpu.memory_space<hbm>>)
        %dma_wait3A_1456 = arith.constant 1 : i32
        %dma_wait3A_1457 = arith.constant 1 : i32
        %dma_wait3A_1458 = arith.constant 0 : i32
        %dma_wait3A_1459 = arith.constant 0 : i32
        %dma_wait3A_1460 = tpu.memref_slice %arg15[%dma_wait3A_1456, %dma_wait3A_1457, %dma_wait3A_1458, %dma_wait3A_1459] : memref<2x4x32x16xf32, #tpu.memory_space<vmem>> -> memref<1x1x32x16xf32, #tpu.memory_space<vmem>>
        %dma_wait3A_1461 = tpu.memref_squeeze %dma_wait3A_1460 : memref<1x1x32x16xf32, #tpu.memory_space<vmem>> -> memref<32x16xf32, #tpu.memory_space<vmem>>
        %dma_wait3A_1462 = arith.constant 0 : i32
        %dma_wait3A_1463 = arith.constant 0 : i32
        %dma_wait3A_1464 = tpu.memref_slice %arg7[%select_n3A, %add3A_1391, %dma_wait3A_1462, %dma_wait3A_1463] : memref<8x1024x32x16xf32, #tpu.memory_space<hbm>> -> memref<1x1x32x16xf32, #tpu.memory_space<hbm>>
        %dma_wait3A_1465 = tpu.memref_squeeze %dma_wait3A_1464 : memref<1x1x32x16xf32, #tpu.memory_space<hbm>> -> memref<32x16xf32, #tpu.memory_space<hbm>>
        %dma_wait3A_1466 = arith.constant 0 : i32
        %dma_wait3A_1467 = arith.constant 0 : i32
        %dma_wait3A_1468 = tpu.memref_slice %arg7[%select_n3A, %add3A_1391, %dma_wait3A_1466, %dma_wait3A_1467] : memref<8x1024x32x16xf32, #tpu.memory_space<hbm>> -> memref<1x1x32x16xf32, #tpu.memory_space<hbm>>
        %dma_wait3A_1469 = tpu.memref_squeeze %dma_wait3A_1468 : memref<1x1x32x16xf32, #tpu.memory_space<hbm>> -> memref<32x16xf32, #tpu.memory_space<hbm>>
        %dma_wait3A_1470 = arith.constant 0 : i32
        %dma_wait3A_1471 = arith.constant 0 : i32
        %dma_wait3A_1472 = tpu.memref_slice %arg15[%dma_wait3A_1456, %dma_wait3A_1457, %dma_wait3A_1470, %dma_wait3A_1471] : memref<2x4x32x16xf32, #tpu.memory_space<vmem>> -> memref<1x1x32x16xf32, #tpu.memory_space<vmem>>
        %dma_wait3A_1473 = tpu.memref_squeeze %dma_wait3A_1472 : memref<1x1x32x16xf32, #tpu.memory_space<vmem>> -> memref<32x16xf32, #tpu.memory_space<vmem>>
        tpu.wait_dma2 semaphore(%arg20 : memref<!tpu.dma_semaphore, #tpu.memory_space<semaphore_mem>>) src(%dma_wait3A_1473 : memref<32x16xf32, #tpu.memory_space<vmem>>) dst(%dma_wait3A_1469 : memref<32x16xf32, #tpu.memory_space<hbm>>)
        %dma_wait3A_1474 = arith.constant 1 : i32
        %dma_wait3A_1475 = arith.constant 2 : i32
        %dma_wait3A_1476 = arith.constant 0 : i32
        %dma_wait3A_1477 = arith.constant 0 : i32
        %dma_wait3A_1478 = tpu.memref_slice %arg14[%dma_wait3A_1474, %dma_wait3A_1475, %dma_wait3A_1476, %dma_wait3A_1477] : memref<2x4x32x128xf32, #tpu.memory_space<vmem>> -> memref<1x1x32x128xf32, #tpu.memory_space<vmem>>
        %dma_wait3A_1479 = tpu.memref_squeeze %dma_wait3A_1478 : memref<1x1x32x128xf32, #tpu.memory_space<vmem>> -> memref<32x128xf32, #tpu.memory_space<vmem>>
        %dma_wait3A_1480 = arith.constant 0 : i32
        %dma_wait3A_1481 = arith.constant 0 : i32
        %dma_wait3A_1482 = tpu.memref_slice %arg6[%select_n3A, %add3A_1396, %dma_wait3A_1480, %dma_wait3A_1481] : memref<8x1024x32x128xf32, #tpu.memory_space<hbm>> -> memref<1x1x32x128xf32, #tpu.memory_space<hbm>>
        %dma_wait3A_1483 = tpu.memref_squeeze %dma_wait3A_1482 : memref<1x1x32x128xf32, #tpu.memory_space<hbm>> -> memref<32x128xf32, #tpu.memory_space<hbm>>
        %dma_wait3A_1484 = arith.constant 0 : i32
        %dma_wait3A_1485 = arith.constant 0 : i32
        %dma_wait3A_1486 = tpu.memref_slice %arg6[%select_n3A, %add3A_1396, %dma_wait3A_1484, %dma_wait3A_1485] : memref<8x1024x32x128xf32, #tpu.memory_space<hbm>> -> memref<1x1x32x128xf32, #tpu.memory_space<hbm>>
        %dma_wait3A_1487 = tpu.memref_squeeze %dma_wait3A_1486 : memref<1x1x32x128xf32, #tpu.memory_space<hbm>> -> memref<32x128xf32, #tpu.memory_space<hbm>>
        %dma_wait3A_1488 = arith.constant 0 : i32
        %dma_wait3A_1489 = arith.constant 0 : i32
        %dma_wait3A_1490 = tpu.memref_slice %arg14[%dma_wait3A_1474, %dma_wait3A_1475, %dma_wait3A_1488, %dma_wait3A_1489] : memref<2x4x32x128xf32, #tpu.memory_space<vmem>> -> memref<1x1x32x128xf32, #tpu.memory_space<vmem>>
        %dma_wait3A_1491 = tpu.memref_squeeze %dma_wait3A_1490 : memref<1x1x32x128xf32, #tpu.memory_space<vmem>> -> memref<32x128xf32, #tpu.memory_space<vmem>>
        tpu.wait_dma2 semaphore(%arg20 : memref<!tpu.dma_semaphore, #tpu.memory_space<semaphore_mem>>) src(%dma_wait3A_1491 : memref<32x128xf32, #tpu.memory_space<vmem>>) dst(%dma_wait3A_1487 : memref<32x128xf32, #tpu.memory_space<hbm>>)
        %dma_wait3A_1492 = arith.constant 1 : i32
        %dma_wait3A_1493 = arith.constant 2 : i32
        %dma_wait3A_1494 = arith.constant 0 : i32
        %dma_wait3A_1495 = arith.constant 0 : i32
        %dma_wait3A_1496 = tpu.memref_slice %arg15[%dma_wait3A_1492, %dma_wait3A_1493, %dma_wait3A_1494, %dma_wait3A_1495] : memref<2x4x32x16xf32, #tpu.memory_space<vmem>> -> memref<1x1x32x16xf32, #tpu.memory_space<vmem>>
        %dma_wait3A_1497 = tpu.memref_squeeze %dma_wait3A_1496 : memref<1x1x32x16xf32, #tpu.memory_space<vmem>> -> memref<32x16xf32, #tpu.memory_space<vmem>>
        %dma_wait3A_1498 = arith.constant 0 : i32
        %dma_wait3A_1499 = arith.constant 0 : i32
        %dma_wait3A_1500 = tpu.memref_slice %arg7[%select_n3A, %add3A_1396, %dma_wait3A_1498, %dma_wait3A_1499] : memref<8x1024x32x16xf32, #tpu.memory_space<hbm>> -> memref<1x1x32x16xf32, #tpu.memory_space<hbm>>
        %dma_wait3A_1501 = tpu.memref_squeeze %dma_wait3A_1500 : memref<1x1x32x16xf32, #tpu.memory_space<hbm>> -> memref<32x16xf32, #tpu.memory_space<hbm>>
        %dma_wait3A_1502 = arith.constant 0 : i32
        %dma_wait3A_1503 = arith.constant 0 : i32
        %dma_wait3A_1504 = tpu.memref_slice %arg7[%select_n3A, %add3A_1396, %dma_wait3A_1502, %dma_wait3A_1503] : memref<8x1024x32x16xf32, #tpu.memory_space<hbm>> -> memref<1x1x32x16xf32, #tpu.memory_space<hbm>>
        %dma_wait3A_1505 = tpu.memref_squeeze %dma_wait3A_1504 : memref<1x1x32x16xf32, #tpu.memory_space<hbm>> -> memref<32x16xf32, #tpu.memory_space<hbm>>
        %dma_wait3A_1506 = arith.constant 0 : i32
        %dma_wait3A_1507 = arith.constant 0 : i32
        %dma_wait3A_1508 = tpu.memref_slice %arg15[%dma_wait3A_1492, %dma_wait3A_1493, %dma_wait3A_1506, %dma_wait3A_1507] : memref<2x4x32x16xf32, #tpu.memory_space<vmem>> -> memref<1x1x32x16xf32, #tpu.memory_space<vmem>>
        %dma_wait3A_1509 = tpu.memref_squeeze %dma_wait3A_1508 : memref<1x1x32x16xf32, #tpu.memory_space<vmem>> -> memref<32x16xf32, #tpu.memory_space<vmem>>
        tpu.wait_dma2 semaphore(%arg20 : memref<!tpu.dma_semaphore, #tpu.memory_space<semaphore_mem>>) src(%dma_wait3A_1509 : memref<32x16xf32, #tpu.memory_space<vmem>>) dst(%dma_wait3A_1505 : memref<32x16xf32, #tpu.memory_space<hbm>>)
        %dma_wait3A_1510 = arith.constant 1 : i32
        %dma_wait3A_1511 = arith.constant 3 : i32
        %dma_wait3A_1512 = arith.constant 0 : i32
        %dma_wait3A_1513 = arith.constant 0 : i32
        %dma_wait3A_1514 = tpu.memref_slice %arg14[%dma_wait3A_1510, %dma_wait3A_1511, %dma_wait3A_1512, %dma_wait3A_1513] : memref<2x4x32x128xf32, #tpu.memory_space<vmem>> -> memref<1x1x32x128xf32, #tpu.memory_space<vmem>>
        %dma_wait3A_1515 = tpu.memref_squeeze %dma_wait3A_1514 : memref<1x1x32x128xf32, #tpu.memory_space<vmem>> -> memref<32x128xf32, #tpu.memory_space<vmem>>
        %dma_wait3A_1516 = arith.constant 0 : i32
        %dma_wait3A_1517 = arith.constant 0 : i32
        %dma_wait3A_1518 = tpu.memref_slice %arg6[%select_n3A, %add3A_1401, %dma_wait3A_1516, %dma_wait3A_1517] : memref<8x1024x32x128xf32, #tpu.memory_space<hbm>> -> memref<1x1x32x128xf32, #tpu.memory_space<hbm>>
        %dma_wait3A_1519 = tpu.memref_squeeze %dma_wait3A_1518 : memref<1x1x32x128xf32, #tpu.memory_space<hbm>> -> memref<32x128xf32, #tpu.memory_space<hbm>>
        %dma_wait3A_1520 = arith.constant 0 : i32
        %dma_wait3A_1521 = arith.constant 0 : i32
        %dma_wait3A_1522 = tpu.memref_slice %arg6[%select_n3A, %add3A_1401, %dma_wait3A_1520, %dma_wait3A_1521] : memref<8x1024x32x128xf32, #tpu.memory_space<hbm>> -> memref<1x1x32x128xf32, #tpu.memory_space<hbm>>
        %dma_wait3A_1523 = tpu.memref_squeeze %dma_wait3A_1522 : memref<1x1x32x128xf32, #tpu.memory_space<hbm>> -> memref<32x128xf32, #tpu.memory_space<hbm>>
        %dma_wait3A_1524 = arith.constant 0 : i32
        %dma_wait3A_1525 = arith.constant 0 : i32
        %dma_wait3A_1526 = tpu.memref_slice %arg14[%dma_wait3A_1510, %dma_wait3A_1511, %dma_wait3A_1524, %dma_wait3A_1525] : memref<2x4x32x128xf32, #tpu.memory_space<vmem>> -> memref<1x1x32x128xf32, #tpu.memory_space<vmem>>
        %dma_wait3A_1527 = tpu.memref_squeeze %dma_wait3A_1526 : memref<1x1x32x128xf32, #tpu.memory_space<vmem>> -> memref<32x128xf32, #tpu.memory_space<vmem>>
        tpu.wait_dma2 semaphore(%arg20 : memref<!tpu.dma_semaphore, #tpu.memory_space<semaphore_mem>>) src(%dma_wait3A_1527 : memref<32x128xf32, #tpu.memory_space<vmem>>) dst(%dma_wait3A_1523 : memref<32x128xf32, #tpu.memory_space<hbm>>)
        %dma_wait3A_1528 = arith.constant 1 : i32
        %dma_wait3A_1529 = arith.constant 3 : i32
        %dma_wait3A_1530 = arith.constant 0 : i32
        %dma_wait3A_1531 = arith.constant 0 : i32
        %dma_wait3A_1532 = tpu.memref_slice %arg15[%dma_wait3A_1528, %dma_wait3A_1529, %dma_wait3A_1530, %dma_wait3A_1531] : memref<2x4x32x16xf32, #tpu.memory_space<vmem>> -> memref<1x1x32x16xf32, #tpu.memory_space<vmem>>
        %dma_wait3A_1533 = tpu.memref_squeeze %dma_wait3A_1532 : memref<1x1x32x16xf32, #tpu.memory_space<vmem>> -> memref<32x16xf32, #tpu.memory_space<vmem>>
        %dma_wait3A_1534 = arith.constant 0 : i32
        %dma_wait3A_1535 = arith.constant 0 : i32
        %dma_wait3A_1536 = tpu.memref_slice %arg7[%select_n3A, %add3A_1401, %dma_wait3A_1534, %dma_wait3A_1535] : memref<8x1024x32x16xf32, #tpu.memory_space<hbm>> -> memref<1x1x32x16xf32, #tpu.memory_space<hbm>>
        %dma_wait3A_1537 = tpu.memref_squeeze %dma_wait3A_1536 : memref<1x1x32x16xf32, #tpu.memory_space<hbm>> -> memref<32x16xf32, #tpu.memory_space<hbm>>
        %dma_wait3A_1538 = arith.constant 0 : i32
        %dma_wait3A_1539 = arith.constant 0 : i32
        %dma_wait3A_1540 = tpu.memref_slice %arg7[%select_n3A, %add3A_1401, %dma_wait3A_1538, %dma_wait3A_1539] : memref<8x1024x32x16xf32, #tpu.memory_space<hbm>> -> memref<1x1x32x16xf32, #tpu.memory_space<hbm>>
        %dma_wait3A_1541 = tpu.memref_squeeze %dma_wait3A_1540 : memref<1x1x32x16xf32, #tpu.memory_space<hbm>> -> memref<32x16xf32, #tpu.memory_space<hbm>>
        %dma_wait3A_1542 = arith.constant 0 : i32
        %dma_wait3A_1543 = arith.constant 0 : i32
        %dma_wait3A_1544 = tpu.memref_slice %arg15[%dma_wait3A_1528, %dma_wait3A_1529, %dma_wait3A_1542, %dma_wait3A_1543] : memref<2x4x32x16xf32, #tpu.memory_space<vmem>> -> memref<1x1x32x16xf32, #tpu.memory_space<vmem>>
        %dma_wait3A_1545 = tpu.memref_squeeze %dma_wait3A_1544 : memref<1x1x32x16xf32, #tpu.memory_space<vmem>> -> memref<32x16xf32, #tpu.memory_space<vmem>>
        tpu.wait_dma2 semaphore(%arg20 : memref<!tpu.dma_semaphore, #tpu.memory_space<semaphore_mem>>) src(%dma_wait3A_1545 : memref<32x16xf32, #tpu.memory_space<vmem>>) dst(%dma_wait3A_1541 : memref<32x16xf32, #tpu.memory_space<hbm>>)
        %add3A_1546 = arith.constant 2 : i32
        %add3A_1547 = arith.addi %add3A_1066, %add3A_1546 : i32
        %mul3A_1548 = arith.constant 4 : i32
        %mul3A_1549 = arith.muli %add3A_1547, %mul3A_1548 : i32
        %add3A_1550 = arith.constant 0 : i32
        %add3A_1551 = arith.addi %mul3A_1549, %add3A_1550 : i32
        %mul3A_1552 = arith.constant 4 : i32
        %mul3A_1553 = arith.muli %add3A_1547, %mul3A_1552 : i32
        %add3A_1554 = arith.constant 1 : i32
        %add3A_1555 = arith.addi %mul3A_1553, %add3A_1554 : i32
        %mul3A_1556 = arith.constant 4 : i32
        %mul3A_1557 = arith.muli %add3A_1547, %mul3A_1556 : i32
        %add3A_1558 = arith.constant 2 : i32
        %add3A_1559 = arith.addi %mul3A_1557, %add3A_1558 : i32
        %mul3A_1560 = arith.constant 4 : i32
        %mul3A_1561 = arith.muli %add3A_1547, %mul3A_1560 : i32
        %add3A_1562 = arith.constant 3 : i32
        %add3A_1563 = arith.addi %mul3A_1561, %add3A_1562 : i32
        %dma_start3A_1564 = arith.constant 1 : i32
        %dma_start3A_1565 = arith.constant 0 : i32
        %dma_start3A_1566 = arith.constant 0 : i32
        %dma_start3A_1567 = arith.constant 0 : i32
        %dma_start3A_1568 = tpu.memref_slice %arg14[%dma_start3A_1564, %dma_start3A_1565, %dma_start3A_1566, %dma_start3A_1567] : memref<2x4x32x128xf32, #tpu.memory_space<vmem>> -> memref<1x1x32x128xf32, #tpu.memory_space<vmem>>
        %dma_start3A_1569 = tpu.memref_squeeze %dma_start3A_1568 : memref<1x1x32x128xf32, #tpu.memory_space<vmem>> -> memref<32x128xf32, #tpu.memory_space<vmem>>
        %dma_start3A_1570 = arith.constant 0 : i32
        %dma_start3A_1571 = tpu.memref_slice %arg10[%add3A_1551, %dma_start3A_1570] : memref<256x32xi32, #tpu.memory_space<vmem>> -> memref<1x32xi32, #tpu.memory_space<vmem>>
        %dma_start3A_1572 = tpu.memref_squeeze %dma_start3A_1571 : memref<1x32xi32, #tpu.memory_space<vmem>> -> memref<32xi32, #tpu.memory_space<vmem>>
        %dma_start3A_1573 = arith.constant 0 : i32
        %dma_start3A_1574 = arith.constant 0 : i32
        %dma_start3A_1575 = tpu.memref_slice %arg2[%select_n3A, %dma_start3A_1573, %dma_start3A_1574] : memref<8x4096x128xf32, #tpu.memory_space<hbm>> -> memref<1x4096x128xf32, #tpu.memory_space<hbm>>
        %dma_start3A_1576 = tpu.memref_squeeze %dma_start3A_1575 : memref<1x4096x128xf32, #tpu.memory_space<hbm>> -> memref<4096x128xf32, #tpu.memory_space<hbm>>
        %dma_start3A_1577 = arith.constant 0 : i32
        %dma_start3A_1578 = arith.constant 0 : i32
        %dma_start3A_1579 = tpu.memref_slice %dma_start3A_1576[%dma_start3A_1577, %dma_start3A_1578] : memref<4096x128xf32, #tpu.memory_space<hbm>> -> memref<4096x128xf32, #tpu.memory_space<hbm>>
        tpu.enqueue_indirect_dma source(%dma_start3A_1579 : memref<4096x128xf32, #tpu.memory_space<hbm>>) target(%dma_start3A_1569 : memref<32x128xf32, #tpu.memory_space<vmem>>) offsets(%dma_start3A_1572 : memref<32xi32, #tpu.memory_space<vmem>>) semaphore(%arg18 : memref<!tpu.dma_semaphore, #tpu.memory_space<semaphore_mem>>)
        %dma_start3A_1580 = arith.constant 1 : i32
        %dma_start3A_1581 = arith.constant 0 : i32
        %dma_start3A_1582 = arith.constant 0 : i32
        %dma_start3A_1583 = arith.constant 0 : i32
        %dma_start3A_1584 = tpu.memref_slice %arg15[%dma_start3A_1580, %dma_start3A_1581, %dma_start3A_1582, %dma_start3A_1583] : memref<2x4x32x16xf32, #tpu.memory_space<vmem>> -> memref<1x1x32x16xf32, #tpu.memory_space<vmem>>
        %dma_start3A_1585 = tpu.memref_squeeze %dma_start3A_1584 : memref<1x1x32x16xf32, #tpu.memory_space<vmem>> -> memref<32x16xf32, #tpu.memory_space<vmem>>
        %dma_start3A_1586 = arith.constant 0 : i32
        %dma_start3A_1587 = tpu.memref_slice %arg10[%add3A_1551, %dma_start3A_1586] : memref<256x32xi32, #tpu.memory_space<vmem>> -> memref<1x32xi32, #tpu.memory_space<vmem>>
        %dma_start3A_1588 = tpu.memref_squeeze %dma_start3A_1587 : memref<1x32xi32, #tpu.memory_space<vmem>> -> memref<32xi32, #tpu.memory_space<vmem>>
        %dma_start3A_1589 = arith.constant 0 : i32
        %dma_start3A_1590 = arith.constant 0 : i32
        %dma_start3A_1591 = tpu.memref_slice %arg3[%select_n3A, %dma_start3A_1589, %dma_start3A_1590] : memref<8x4096x16xf32, #tpu.memory_space<hbm>> -> memref<1x4096x16xf32, #tpu.memory_space<hbm>>
        %dma_start3A_1592 = tpu.memref_squeeze %dma_start3A_1591 : memref<1x4096x16xf32, #tpu.memory_space<hbm>> -> memref<4096x16xf32, #tpu.memory_space<hbm>>
        %dma_start3A_1593 = arith.constant 0 : i32
        %dma_start3A_1594 = arith.constant 0 : i32
        %dma_start3A_1595 = tpu.memref_slice %dma_start3A_1592[%dma_start3A_1593, %dma_start3A_1594] : memref<4096x16xf32, #tpu.memory_space<hbm>> -> memref<4096x16xf32, #tpu.memory_space<hbm>>
        tpu.enqueue_indirect_dma source(%dma_start3A_1595 : memref<4096x16xf32, #tpu.memory_space<hbm>>) target(%dma_start3A_1585 : memref<32x16xf32, #tpu.memory_space<vmem>>) offsets(%dma_start3A_1588 : memref<32xi32, #tpu.memory_space<vmem>>) semaphore(%arg18 : memref<!tpu.dma_semaphore, #tpu.memory_space<semaphore_mem>>)
        %dma_start3A_1596 = arith.constant 1 : i32
        %dma_start3A_1597 = arith.constant 1 : i32
        %dma_start3A_1598 = arith.constant 0 : i32
        %dma_start3A_1599 = arith.constant 0 : i32
        %dma_start3A_1600 = tpu.memref_slice %arg14[%dma_start3A_1596, %dma_start3A_1597, %dma_start3A_1598, %dma_start3A_1599] : memref<2x4x32x128xf32, #tpu.memory_space<vmem>> -> memref<1x1x32x128xf32, #tpu.memory_space<vmem>>
        %dma_start3A_1601 = tpu.memref_squeeze %dma_start3A_1600 : memref<1x1x32x128xf32, #tpu.memory_space<vmem>> -> memref<32x128xf32, #tpu.memory_space<vmem>>
        %dma_start3A_1602 = arith.constant 0 : i32
        %dma_start3A_1603 = tpu.memref_slice %arg10[%add3A_1555, %dma_start3A_1602] : memref<256x32xi32, #tpu.memory_space<vmem>> -> memref<1x32xi32, #tpu.memory_space<vmem>>
        %dma_start3A_1604 = tpu.memref_squeeze %dma_start3A_1603 : memref<1x32xi32, #tpu.memory_space<vmem>> -> memref<32xi32, #tpu.memory_space<vmem>>
        %dma_start3A_1605 = arith.constant 0 : i32
        %dma_start3A_1606 = arith.constant 0 : i32
        %dma_start3A_1607 = tpu.memref_slice %arg2[%select_n3A, %dma_start3A_1605, %dma_start3A_1606] : memref<8x4096x128xf32, #tpu.memory_space<hbm>> -> memref<1x4096x128xf32, #tpu.memory_space<hbm>>
        %dma_start3A_1608 = tpu.memref_squeeze %dma_start3A_1607 : memref<1x4096x128xf32, #tpu.memory_space<hbm>> -> memref<4096x128xf32, #tpu.memory_space<hbm>>
        %dma_start3A_1609 = arith.constant 0 : i32
        %dma_start3A_1610 = arith.constant 0 : i32
        %dma_start3A_1611 = tpu.memref_slice %dma_start3A_1608[%dma_start3A_1609, %dma_start3A_1610] : memref<4096x128xf32, #tpu.memory_space<hbm>> -> memref<4096x128xf32, #tpu.memory_space<hbm>>
        tpu.enqueue_indirect_dma source(%dma_start3A_1611 : memref<4096x128xf32, #tpu.memory_space<hbm>>) target(%dma_start3A_1601 : memref<32x128xf32, #tpu.memory_space<vmem>>) offsets(%dma_start3A_1604 : memref<32xi32, #tpu.memory_space<vmem>>) semaphore(%arg18 : memref<!tpu.dma_semaphore, #tpu.memory_space<semaphore_mem>>)
        %dma_start3A_1612 = arith.constant 1 : i32
        %dma_start3A_1613 = arith.constant 1 : i32
        %dma_start3A_1614 = arith.constant 0 : i32
        %dma_start3A_1615 = arith.constant 0 : i32
        %dma_start3A_1616 = tpu.memref_slice %arg15[%dma_start3A_1612, %dma_start3A_1613, %dma_start3A_1614, %dma_start3A_1615] : memref<2x4x32x16xf32, #tpu.memory_space<vmem>> -> memref<1x1x32x16xf32, #tpu.memory_space<vmem>>
        %dma_start3A_1617 = tpu.memref_squeeze %dma_start3A_1616 : memref<1x1x32x16xf32, #tpu.memory_space<vmem>> -> memref<32x16xf32, #tpu.memory_space<vmem>>
        %dma_start3A_1618 = arith.constant 0 : i32
        %dma_start3A_1619 = tpu.memref_slice %arg10[%add3A_1555, %dma_start3A_1618] : memref<256x32xi32, #tpu.memory_space<vmem>> -> memref<1x32xi32, #tpu.memory_space<vmem>>
        %dma_start3A_1620 = tpu.memref_squeeze %dma_start3A_1619 : memref<1x32xi32, #tpu.memory_space<vmem>> -> memref<32xi32, #tpu.memory_space<vmem>>
        %dma_start3A_1621 = arith.constant 0 : i32
        %dma_start3A_1622 = arith.constant 0 : i32
        %dma_start3A_1623 = tpu.memref_slice %arg3[%select_n3A, %dma_start3A_1621, %dma_start3A_1622] : memref<8x4096x16xf32, #tpu.memory_space<hbm>> -> memref<1x4096x16xf32, #tpu.memory_space<hbm>>
        %dma_start3A_1624 = tpu.memref_squeeze %dma_start3A_1623 : memref<1x4096x16xf32, #tpu.memory_space<hbm>> -> memref<4096x16xf32, #tpu.memory_space<hbm>>
        %dma_start3A_1625 = arith.constant 0 : i32
        %dma_start3A_1626 = arith.constant 0 : i32
        %dma_start3A_1627 = tpu.memref_slice %dma_start3A_1624[%dma_start3A_1625, %dma_start3A_1626] : memref<4096x16xf32, #tpu.memory_space<hbm>> -> memref<4096x16xf32, #tpu.memory_space<hbm>>
        tpu.enqueue_indirect_dma source(%dma_start3A_1627 : memref<4096x16xf32, #tpu.memory_space<hbm>>) target(%dma_start3A_1617 : memref<32x16xf32, #tpu.memory_space<vmem>>) offsets(%dma_start3A_1620 : memref<32xi32, #tpu.memory_space<vmem>>) semaphore(%arg18 : memref<!tpu.dma_semaphore, #tpu.memory_space<semaphore_mem>>)
        %dma_start3A_1628 = arith.constant 1 : i32
        %dma_start3A_1629 = arith.constant 2 : i32
        %dma_start3A_1630 = arith.constant 0 : i32
        %dma_start3A_1631 = arith.constant 0 : i32
        %dma_start3A_1632 = tpu.memref_slice %arg14[%dma_start3A_1628, %dma_start3A_1629, %dma_start3A_1630, %dma_start3A_1631] : memref<2x4x32x128xf32, #tpu.memory_space<vmem>> -> memref<1x1x32x128xf32, #tpu.memory_space<vmem>>
        %dma_start3A_1633 = tpu.memref_squeeze %dma_start3A_1632 : memref<1x1x32x128xf32, #tpu.memory_space<vmem>> -> memref<32x128xf32, #tpu.memory_space<vmem>>
        %dma_start3A_1634 = arith.constant 0 : i32
        %dma_start3A_1635 = tpu.memref_slice %arg10[%add3A_1559, %dma_start3A_1634] : memref<256x32xi32, #tpu.memory_space<vmem>> -> memref<1x32xi32, #tpu.memory_space<vmem>>
        %dma_start3A_1636 = tpu.memref_squeeze %dma_start3A_1635 : memref<1x32xi32, #tpu.memory_space<vmem>> -> memref<32xi32, #tpu.memory_space<vmem>>
        %dma_start3A_1637 = arith.constant 0 : i32
        %dma_start3A_1638 = arith.constant 0 : i32
        %dma_start3A_1639 = tpu.memref_slice %arg2[%select_n3A, %dma_start3A_1637, %dma_start3A_1638] : memref<8x4096x128xf32, #tpu.memory_space<hbm>> -> memref<1x4096x128xf32, #tpu.memory_space<hbm>>
        %dma_start3A_1640 = tpu.memref_squeeze %dma_start3A_1639 : memref<1x4096x128xf32, #tpu.memory_space<hbm>> -> memref<4096x128xf32, #tpu.memory_space<hbm>>
        %dma_start3A_1641 = arith.constant 0 : i32
        %dma_start3A_1642 = arith.constant 0 : i32
        %dma_start3A_1643 = tpu.memref_slice %dma_start3A_1640[%dma_start3A_1641, %dma_start3A_1642] : memref<4096x128xf32, #tpu.memory_space<hbm>> -> memref<4096x128xf32, #tpu.memory_space<hbm>>
        tpu.enqueue_indirect_dma source(%dma_start3A_1643 : memref<4096x128xf32, #tpu.memory_space<hbm>>) target(%dma_start3A_1633 : memref<32x128xf32, #tpu.memory_space<vmem>>) offsets(%dma_start3A_1636 : memref<32xi32, #tpu.memory_space<vmem>>) semaphore(%arg18 : memref<!tpu.dma_semaphore, #tpu.memory_space<semaphore_mem>>)
        %dma_start3A_1644 = arith.constant 1 : i32
        %dma_start3A_1645 = arith.constant 2 : i32
        %dma_start3A_1646 = arith.constant 0 : i32
        %dma_start3A_1647 = arith.constant 0 : i32
        %dma_start3A_1648 = tpu.memref_slice %arg15[%dma_start3A_1644, %dma_start3A_1645, %dma_start3A_1646, %dma_start3A_1647] : memref<2x4x32x16xf32, #tpu.memory_space<vmem>> -> memref<1x1x32x16xf32, #tpu.memory_space<vmem>>
        %dma_start3A_1649 = tpu.memref_squeeze %dma_start3A_1648 : memref<1x1x32x16xf32, #tpu.memory_space<vmem>> -> memref<32x16xf32, #tpu.memory_space<vmem>>
        %dma_start3A_1650 = arith.constant 0 : i32
        %dma_start3A_1651 = tpu.memref_slice %arg10[%add3A_1559, %dma_start3A_1650] : memref<256x32xi32, #tpu.memory_space<vmem>> -> memref<1x32xi32, #tpu.memory_space<vmem>>
        %dma_start3A_1652 = tpu.memref_squeeze %dma_start3A_1651 : memref<1x32xi32, #tpu.memory_space<vmem>> -> memref<32xi32, #tpu.memory_space<vmem>>
        %dma_start3A_1653 = arith.constant 0 : i32
        %dma_start3A_1654 = arith.constant 0 : i32
        %dma_start3A_1655 = tpu.memref_slice %arg3[%select_n3A, %dma_start3A_1653, %dma_start3A_1654] : memref<8x4096x16xf32, #tpu.memory_space<hbm>> -> memref<1x4096x16xf32, #tpu.memory_space<hbm>>
        %dma_start3A_1656 = tpu.memref_squeeze %dma_start3A_1655 : memref<1x4096x16xf32, #tpu.memory_space<hbm>> -> memref<4096x16xf32, #tpu.memory_space<hbm>>
        %dma_start3A_1657 = arith.constant 0 : i32
        %dma_start3A_1658 = arith.constant 0 : i32
        %dma_start3A_1659 = tpu.memref_slice %dma_start3A_1656[%dma_start3A_1657, %dma_start3A_1658] : memref<4096x16xf32, #tpu.memory_space<hbm>> -> memref<4096x16xf32, #tpu.memory_space<hbm>>
        tpu.enqueue_indirect_dma source(%dma_start3A_1659 : memref<4096x16xf32, #tpu.memory_space<hbm>>) target(%dma_start3A_1649 : memref<32x16xf32, #tpu.memory_space<vmem>>) offsets(%dma_start3A_1652 : memref<32xi32, #tpu.memory_space<vmem>>) semaphore(%arg18 : memref<!tpu.dma_semaphore, #tpu.memory_space<semaphore_mem>>)
        %dma_start3A_1660 = arith.constant 1 : i32
        %dma_start3A_1661 = arith.constant 3 : i32
        %dma_start3A_1662 = arith.constant 0 : i32
        %dma_start3A_1663 = arith.constant 0 : i32
        %dma_start3A_1664 = tpu.memref_slice %arg14[%dma_start3A_1660, %dma_start3A_1661, %dma_start3A_1662, %dma_start3A_1663] : memref<2x4x32x128xf32, #tpu.memory_space<vmem>> -> memref<1x1x32x128xf32, #tpu.memory_space<vmem>>
        %dma_start3A_1665 = tpu.memref_squeeze %dma_start3A_1664 : memref<1x1x32x128xf32, #tpu.memory_space<vmem>> -> memref<32x128xf32, #tpu.memory_space<vmem>>
        %dma_start3A_1666 = arith.constant 0 : i32
        %dma_start3A_1667 = tpu.memref_slice %arg10[%add3A_1563, %dma_start3A_1666] : memref<256x32xi32, #tpu.memory_space<vmem>> -> memref<1x32xi32, #tpu.memory_space<vmem>>
        %dma_start3A_1668 = tpu.memref_squeeze %dma_start3A_1667 : memref<1x32xi32, #tpu.memory_space<vmem>> -> memref<32xi32, #tpu.memory_space<vmem>>
        %dma_start3A_1669 = arith.constant 0 : i32
        %dma_start3A_1670 = arith.constant 0 : i32
        %dma_start3A_1671 = tpu.memref_slice %arg2[%select_n3A, %dma_start3A_1669, %dma_start3A_1670] : memref<8x4096x128xf32, #tpu.memory_space<hbm>> -> memref<1x4096x128xf32, #tpu.memory_space<hbm>>
        %dma_start3A_1672 = tpu.memref_squeeze %dma_start3A_1671 : memref<1x4096x128xf32, #tpu.memory_space<hbm>> -> memref<4096x128xf32, #tpu.memory_space<hbm>>
        %dma_start3A_1673 = arith.constant 0 : i32
        %dma_start3A_1674 = arith.constant 0 : i32
        %dma_start3A_1675 = tpu.memref_slice %dma_start3A_1672[%dma_start3A_1673, %dma_start3A_1674] : memref<4096x128xf32, #tpu.memory_space<hbm>> -> memref<4096x128xf32, #tpu.memory_space<hbm>>
        tpu.enqueue_indirect_dma source(%dma_start3A_1675 : memref<4096x128xf32, #tpu.memory_space<hbm>>) target(%dma_start3A_1665 : memref<32x128xf32, #tpu.memory_space<vmem>>) offsets(%dma_start3A_1668 : memref<32xi32, #tpu.memory_space<vmem>>) semaphore(%arg18 : memref<!tpu.dma_semaphore, #tpu.memory_space<semaphore_mem>>)
        %dma_start3A_1676 = arith.constant 1 : i32
        %dma_start3A_1677 = arith.constant 3 : i32
        %dma_start3A_1678 = arith.constant 0 : i32
        %dma_start3A_1679 = arith.constant 0 : i32
        %dma_start3A_1680 = tpu.memref_slice %arg15[%dma_start3A_1676, %dma_start3A_1677, %dma_start3A_1678, %dma_start3A_1679] : memref<2x4x32x16xf32, #tpu.memory_space<vmem>> -> memref<1x1x32x16xf32, #tpu.memory_space<vmem>>
        %dma_start3A_1681 = tpu.memref_squeeze %dma_start3A_1680 : memref<1x1x32x16xf32, #tpu.memory_space<vmem>> -> memref<32x16xf32, #tpu.memory_space<vmem>>
        %dma_start3A_1682 = arith.constant 0 : i32
        %dma_start3A_1683 = tpu.memref_slice %arg10[%add3A_1563, %dma_start3A_1682] : memref<256x32xi32, #tpu.memory_space<vmem>> -> memref<1x32xi32, #tpu.memory_space<vmem>>
        %dma_start3A_1684 = tpu.memref_squeeze %dma_start3A_1683 : memref<1x32xi32, #tpu.memory_space<vmem>> -> memref<32xi32, #tpu.memory_space<vmem>>
        %dma_start3A_1685 = arith.constant 0 : i32
        %dma_start3A_1686 = arith.constant 0 : i32
        %dma_start3A_1687 = tpu.memref_slice %arg3[%select_n3A, %dma_start3A_1685, %dma_start3A_1686] : memref<8x4096x16xf32, #tpu.memory_space<hbm>> -> memref<1x4096x16xf32, #tpu.memory_space<hbm>>
        %dma_start3A_1688 = tpu.memref_squeeze %dma_start3A_1687 : memref<1x4096x16xf32, #tpu.memory_space<hbm>> -> memref<4096x16xf32, #tpu.memory_space<hbm>>
        %dma_start3A_1689 = arith.constant 0 : i32
        %dma_start3A_1690 = arith.constant 0 : i32
        %dma_start3A_1691 = tpu.memref_slice %dma_start3A_1688[%dma_start3A_1689, %dma_start3A_1690] : memref<4096x16xf32, #tpu.memory_space<hbm>> -> memref<4096x16xf32, #tpu.memory_space<hbm>>
        tpu.enqueue_indirect_dma source(%dma_start3A_1691 : memref<4096x16xf32, #tpu.memory_space<hbm>>) target(%dma_start3A_1681 : memref<32x16xf32, #tpu.memory_space<vmem>>) offsets(%dma_start3A_1684 : memref<32xi32, #tpu.memory_space<vmem>>) semaphore(%arg18 : memref<!tpu.dma_semaphore, #tpu.memory_space<semaphore_mem>>)
      } else {
      }
    }
    %scan3A_424 = arith.constant 32 : i32
    %add3A_425 = arith.constant 248 : i32
    %add3A_426 = arith.addi %mul3A_32, %add3A_425 : i32
    %add3A_427 = arith.constant 0 : i32
    %add3A_428 = arith.addi %add3A_426, %add3A_427 : i32
    %add3A_429 = arith.constant 248 : i32
    %add3A_430 = arith.addi %mul3A_32, %add3A_429 : i32
    %add3A_431 = arith.constant 1 : i32
    %add3A_432 = arith.addi %add3A_430, %add3A_431 : i32
    %add3A_433 = arith.constant 248 : i32
    %add3A_434 = arith.addi %mul3A_32, %add3A_433 : i32
    %add3A_435 = arith.constant 2 : i32
    %add3A_436 = arith.addi %add3A_434, %add3A_435 : i32
    %add3A_437 = arith.constant 248 : i32
    %add3A_438 = arith.addi %mul3A_32, %add3A_437 : i32
    %add3A_439 = arith.constant 3 : i32
    %add3A_440 = arith.addi %add3A_438, %add3A_439 : i32
    %dma_wait3A_441 = arith.constant 0 : i32
    %dma_wait3A_442 = arith.constant 0 : i32
    %dma_wait3A_443 = arith.constant 0 : i32
    %dma_wait3A_444 = arith.constant 0 : i32
    %dma_wait3A_445 = tpu.memref_slice %arg14[%dma_wait3A_441, %dma_wait3A_442, %dma_wait3A_443, %dma_wait3A_444] : memref<2x4x32x128xf32, #tpu.memory_space<vmem>> -> memref<1x1x32x128xf32, #tpu.memory_space<vmem>>
    %dma_wait3A_446 = tpu.memref_squeeze %dma_wait3A_445 : memref<1x1x32x128xf32, #tpu.memory_space<vmem>> -> memref<32x128xf32, #tpu.memory_space<vmem>>
    %dma_wait3A_447 = arith.constant 0 : i32
    %dma_wait3A_448 = arith.constant 0 : i32
    %dma_wait3A_449 = tpu.memref_slice %arg6[%select_n3A, %add3A_428, %dma_wait3A_447, %dma_wait3A_448] : memref<8x1024x32x128xf32, #tpu.memory_space<hbm>> -> memref<1x1x32x128xf32, #tpu.memory_space<hbm>>
    %dma_wait3A_450 = tpu.memref_squeeze %dma_wait3A_449 : memref<1x1x32x128xf32, #tpu.memory_space<hbm>> -> memref<32x128xf32, #tpu.memory_space<hbm>>
    %dma_wait3A_451 = arith.constant 0 : i32
    %dma_wait3A_452 = arith.constant 0 : i32
    %dma_wait3A_453 = tpu.memref_slice %arg6[%select_n3A, %add3A_428, %dma_wait3A_451, %dma_wait3A_452] : memref<8x1024x32x128xf32, #tpu.memory_space<hbm>> -> memref<1x1x32x128xf32, #tpu.memory_space<hbm>>
    %dma_wait3A_454 = tpu.memref_squeeze %dma_wait3A_453 : memref<1x1x32x128xf32, #tpu.memory_space<hbm>> -> memref<32x128xf32, #tpu.memory_space<hbm>>
    %dma_wait3A_455 = arith.constant 0 : i32
    %dma_wait3A_456 = arith.constant 0 : i32
    %dma_wait3A_457 = tpu.memref_slice %arg14[%dma_wait3A_441, %dma_wait3A_442, %dma_wait3A_455, %dma_wait3A_456] : memref<2x4x32x128xf32, #tpu.memory_space<vmem>> -> memref<1x1x32x128xf32, #tpu.memory_space<vmem>>
    %dma_wait3A_458 = tpu.memref_squeeze %dma_wait3A_457 : memref<1x1x32x128xf32, #tpu.memory_space<vmem>> -> memref<32x128xf32, #tpu.memory_space<vmem>>
    tpu.wait_dma2 semaphore(%arg19 : memref<!tpu.dma_semaphore, #tpu.memory_space<semaphore_mem>>) src(%dma_wait3A_458 : memref<32x128xf32, #tpu.memory_space<vmem>>) dst(%dma_wait3A_454 : memref<32x128xf32, #tpu.memory_space<hbm>>)
    %dma_wait3A_459 = arith.constant 0 : i32
    %dma_wait3A_460 = arith.constant 0 : i32
    %dma_wait3A_461 = arith.constant 0 : i32
    %dma_wait3A_462 = arith.constant 0 : i32
    %dma_wait3A_463 = tpu.memref_slice %arg15[%dma_wait3A_459, %dma_wait3A_460, %dma_wait3A_461, %dma_wait3A_462] : memref<2x4x32x16xf32, #tpu.memory_space<vmem>> -> memref<1x1x32x16xf32, #tpu.memory_space<vmem>>
    %dma_wait3A_464 = tpu.memref_squeeze %dma_wait3A_463 : memref<1x1x32x16xf32, #tpu.memory_space<vmem>> -> memref<32x16xf32, #tpu.memory_space<vmem>>
    %dma_wait3A_465 = arith.constant 0 : i32
    %dma_wait3A_466 = arith.constant 0 : i32
    %dma_wait3A_467 = tpu.memref_slice %arg7[%select_n3A, %add3A_428, %dma_wait3A_465, %dma_wait3A_466] : memref<8x1024x32x16xf32, #tpu.memory_space<hbm>> -> memref<1x1x32x16xf32, #tpu.memory_space<hbm>>
    %dma_wait3A_468 = tpu.memref_squeeze %dma_wait3A_467 : memref<1x1x32x16xf32, #tpu.memory_space<hbm>> -> memref<32x16xf32, #tpu.memory_space<hbm>>
    %dma_wait3A_469 = arith.constant 0 : i32
    %dma_wait3A_470 = arith.constant 0 : i32
    %dma_wait3A_471 = tpu.memref_slice %arg7[%select_n3A, %add3A_428, %dma_wait3A_469, %dma_wait3A_470] : memref<8x1024x32x16xf32, #tpu.memory_space<hbm>> -> memref<1x1x32x16xf32, #tpu.memory_space<hbm>>
    %dma_wait3A_472 = tpu.memref_squeeze %dma_wait3A_471 : memref<1x1x32x16xf32, #tpu.memory_space<hbm>> -> memref<32x16xf32, #tpu.memory_space<hbm>>
    %dma_wait3A_473 = arith.constant 0 : i32
    %dma_wait3A_474 = arith.constant 0 : i32
    %dma_wait3A_475 = tpu.memref_slice %arg15[%dma_wait3A_459, %dma_wait3A_460, %dma_wait3A_473, %dma_wait3A_474] : memref<2x4x32x16xf32, #tpu.memory_space<vmem>> -> memref<1x1x32x16xf32, #tpu.memory_space<vmem>>
    %dma_wait3A_476 = tpu.memref_squeeze %dma_wait3A_475 : memref<1x1x32x16xf32, #tpu.memory_space<vmem>> -> memref<32x16xf32, #tpu.memory_space<vmem>>
    tpu.wait_dma2 semaphore(%arg19 : memref<!tpu.dma_semaphore, #tpu.memory_space<semaphore_mem>>) src(%dma_wait3A_476 : memref<32x16xf32, #tpu.memory_space<vmem>>) dst(%dma_wait3A_472 : memref<32x16xf32, #tpu.memory_space<hbm>>)
    %dma_wait3A_477 = arith.constant 0 : i32
    %dma_wait3A_478 = arith.constant 1 : i32
    %dma_wait3A_479 = arith.constant 0 : i32
    %dma_wait3A_480 = arith.constant 0 : i32
    %dma_wait3A_481 = tpu.memref_slice %arg14[%dma_wait3A_477, %dma_wait3A_478, %dma_wait3A_479, %dma_wait3A_480] : memref<2x4x32x128xf32, #tpu.memory_space<vmem>> -> memref<1x1x32x128xf32, #tpu.memory_space<vmem>>
    %dma_wait3A_482 = tpu.memref_squeeze %dma_wait3A_481 : memref<1x1x32x128xf32, #tpu.memory_space<vmem>> -> memref<32x128xf32, #tpu.memory_space<vmem>>
    %dma_wait3A_483 = arith.constant 0 : i32
    %dma_wait3A_484 = arith.constant 0 : i32
    %dma_wait3A_485 = tpu.memref_slice %arg6[%select_n3A, %add3A_432, %dma_wait3A_483, %dma_wait3A_484] : memref<8x1024x32x128xf32, #tpu.memory_space<hbm>> -> memref<1x1x32x128xf32, #tpu.memory_space<hbm>>
    %dma_wait3A_486 = tpu.memref_squeeze %dma_wait3A_485 : memref<1x1x32x128xf32, #tpu.memory_space<hbm>> -> memref<32x128xf32, #tpu.memory_space<hbm>>
    %dma_wait3A_487 = arith.constant 0 : i32
    %dma_wait3A_488 = arith.constant 0 : i32
    %dma_wait3A_489 = tpu.memref_slice %arg6[%select_n3A, %add3A_432, %dma_wait3A_487, %dma_wait3A_488] : memref<8x1024x32x128xf32, #tpu.memory_space<hbm>> -> memref<1x1x32x128xf32, #tpu.memory_space<hbm>>
    %dma_wait3A_490 = tpu.memref_squeeze %dma_wait3A_489 : memref<1x1x32x128xf32, #tpu.memory_space<hbm>> -> memref<32x128xf32, #tpu.memory_space<hbm>>
    %dma_wait3A_491 = arith.constant 0 : i32
    %dma_wait3A_492 = arith.constant 0 : i32
    %dma_wait3A_493 = tpu.memref_slice %arg14[%dma_wait3A_477, %dma_wait3A_478, %dma_wait3A_491, %dma_wait3A_492] : memref<2x4x32x128xf32, #tpu.memory_space<vmem>> -> memref<1x1x32x128xf32, #tpu.memory_space<vmem>>
    %dma_wait3A_494 = tpu.memref_squeeze %dma_wait3A_493 : memref<1x1x32x128xf32, #tpu.memory_space<vmem>> -> memref<32x128xf32, #tpu.memory_space<vmem>>
    tpu.wait_dma2 semaphore(%arg19 : memref<!tpu.dma_semaphore, #tpu.memory_space<semaphore_mem>>) src(%dma_wait3A_494 : memref<32x128xf32, #tpu.memory_space<vmem>>) dst(%dma_wait3A_490 : memref<32x128xf32, #tpu.memory_space<hbm>>)
    %dma_wait3A_495 = arith.constant 0 : i32
    %dma_wait3A_496 = arith.constant 1 : i32
    %dma_wait3A_497 = arith.constant 0 : i32
    %dma_wait3A_498 = arith.constant 0 : i32
    %dma_wait3A_499 = tpu.memref_slice %arg15[%dma_wait3A_495, %dma_wait3A_496, %dma_wait3A_497, %dma_wait3A_498] : memref<2x4x32x16xf32, #tpu.memory_space<vmem>> -> memref<1x1x32x16xf32, #tpu.memory_space<vmem>>
    %dma_wait3A_500 = tpu.memref_squeeze %dma_wait3A_499 : memref<1x1x32x16xf32, #tpu.memory_space<vmem>> -> memref<32x16xf32, #tpu.memory_space<vmem>>
    %dma_wait3A_501 = arith.constant 0 : i32
    %dma_wait3A_502 = arith.constant 0 : i32
    %dma_wait3A_503 = tpu.memref_slice %arg7[%select_n3A, %add3A_432, %dma_wait3A_501, %dma_wait3A_502] : memref<8x1024x32x16xf32, #tpu.memory_space<hbm>> -> memref<1x1x32x16xf32, #tpu.memory_space<hbm>>
    %dma_wait3A_504 = tpu.memref_squeeze %dma_wait3A_503 : memref<1x1x32x16xf32, #tpu.memory_space<hbm>> -> memref<32x16xf32, #tpu.memory_space<hbm>>
    %dma_wait3A_505 = arith.constant 0 : i32
    %dma_wait3A_506 = arith.constant 0 : i32
    %dma_wait3A_507 = tpu.memref_slice %arg7[%select_n3A, %add3A_432, %dma_wait3A_505, %dma_wait3A_506] : memref<8x1024x32x16xf32, #tpu.memory_space<hbm>> -> memref<1x1x32x16xf32, #tpu.memory_space<hbm>>
    %dma_wait3A_508 = tpu.memref_squeeze %dma_wait3A_507 : memref<1x1x32x16xf32, #tpu.memory_space<hbm>> -> memref<32x16xf32, #tpu.memory_space<hbm>>
    %dma_wait3A_509 = arith.constant 0 : i32
    %dma_wait3A_510 = arith.constant 0 : i32
    %dma_wait3A_511 = tpu.memref_slice %arg15[%dma_wait3A_495, %dma_wait3A_496, %dma_wait3A_509, %dma_wait3A_510] : memref<2x4x32x16xf32, #tpu.memory_space<vmem>> -> memref<1x1x32x16xf32, #tpu.memory_space<vmem>>
    %dma_wait3A_512 = tpu.memref_squeeze %dma_wait3A_511 : memref<1x1x32x16xf32, #tpu.memory_space<vmem>> -> memref<32x16xf32, #tpu.memory_space<vmem>>
    tpu.wait_dma2 semaphore(%arg19 : memref<!tpu.dma_semaphore, #tpu.memory_space<semaphore_mem>>) src(%dma_wait3A_512 : memref<32x16xf32, #tpu.memory_space<vmem>>) dst(%dma_wait3A_508 : memref<32x16xf32, #tpu.memory_space<hbm>>)
    %dma_wait3A_513 = arith.constant 0 : i32
    %dma_wait3A_514 = arith.constant 2 : i32
    %dma_wait3A_515 = arith.constant 0 : i32
    %dma_wait3A_516 = arith.constant 0 : i32
    %dma_wait3A_517 = tpu.memref_slice %arg14[%dma_wait3A_513, %dma_wait3A_514, %dma_wait3A_515, %dma_wait3A_516] : memref<2x4x32x128xf32, #tpu.memory_space<vmem>> -> memref<1x1x32x128xf32, #tpu.memory_space<vmem>>
    %dma_wait3A_518 = tpu.memref_squeeze %dma_wait3A_517 : memref<1x1x32x128xf32, #tpu.memory_space<vmem>> -> memref<32x128xf32, #tpu.memory_space<vmem>>
    %dma_wait3A_519 = arith.constant 0 : i32
    %dma_wait3A_520 = arith.constant 0 : i32
    %dma_wait3A_521 = tpu.memref_slice %arg6[%select_n3A, %add3A_436, %dma_wait3A_519, %dma_wait3A_520] : memref<8x1024x32x128xf32, #tpu.memory_space<hbm>> -> memref<1x1x32x128xf32, #tpu.memory_space<hbm>>
    %dma_wait3A_522 = tpu.memref_squeeze %dma_wait3A_521 : memref<1x1x32x128xf32, #tpu.memory_space<hbm>> -> memref<32x128xf32, #tpu.memory_space<hbm>>
    %dma_wait3A_523 = arith.constant 0 : i32
    %dma_wait3A_524 = arith.constant 0 : i32
    %dma_wait3A_525 = tpu.memref_slice %arg6[%select_n3A, %add3A_436, %dma_wait3A_523, %dma_wait3A_524] : memref<8x1024x32x128xf32, #tpu.memory_space<hbm>> -> memref<1x1x32x128xf32, #tpu.memory_space<hbm>>
    %dma_wait3A_526 = tpu.memref_squeeze %dma_wait3A_525 : memref<1x1x32x128xf32, #tpu.memory_space<hbm>> -> memref<32x128xf32, #tpu.memory_space<hbm>>
    %dma_wait3A_527 = arith.constant 0 : i32
    %dma_wait3A_528 = arith.constant 0 : i32
    %dma_wait3A_529 = tpu.memref_slice %arg14[%dma_wait3A_513, %dma_wait3A_514, %dma_wait3A_527, %dma_wait3A_528] : memref<2x4x32x128xf32, #tpu.memory_space<vmem>> -> memref<1x1x32x128xf32, #tpu.memory_space<vmem>>
    %dma_wait3A_530 = tpu.memref_squeeze %dma_wait3A_529 : memref<1x1x32x128xf32, #tpu.memory_space<vmem>> -> memref<32x128xf32, #tpu.memory_space<vmem>>
    tpu.wait_dma2 semaphore(%arg19 : memref<!tpu.dma_semaphore, #tpu.memory_space<semaphore_mem>>) src(%dma_wait3A_530 : memref<32x128xf32, #tpu.memory_space<vmem>>) dst(%dma_wait3A_526 : memref<32x128xf32, #tpu.memory_space<hbm>>)
    %dma_wait3A_531 = arith.constant 0 : i32
    %dma_wait3A_532 = arith.constant 2 : i32
    %dma_wait3A_533 = arith.constant 0 : i32
    %dma_wait3A_534 = arith.constant 0 : i32
    %dma_wait3A_535 = tpu.memref_slice %arg15[%dma_wait3A_531, %dma_wait3A_532, %dma_wait3A_533, %dma_wait3A_534] : memref<2x4x32x16xf32, #tpu.memory_space<vmem>> -> memref<1x1x32x16xf32, #tpu.memory_space<vmem>>
    %dma_wait3A_536 = tpu.memref_squeeze %dma_wait3A_535 : memref<1x1x32x16xf32, #tpu.memory_space<vmem>> -> memref<32x16xf32, #tpu.memory_space<vmem>>
    %dma_wait3A_537 = arith.constant 0 : i32
    %dma_wait3A_538 = arith.constant 0 : i32
    %dma_wait3A_539 = tpu.memref_slice %arg7[%select_n3A, %add3A_436, %dma_wait3A_537, %dma_wait3A_538] : memref<8x1024x32x16xf32, #tpu.memory_space<hbm>> -> memref<1x1x32x16xf32, #tpu.memory_space<hbm>>
    %dma_wait3A_540 = tpu.memref_squeeze %dma_wait3A_539 : memref<1x1x32x16xf32, #tpu.memory_space<hbm>> -> memref<32x16xf32, #tpu.memory_space<hbm>>
    %dma_wait3A_541 = arith.constant 0 : i32
    %dma_wait3A_542 = arith.constant 0 : i32
    %dma_wait3A_543 = tpu.memref_slice %arg7[%select_n3A, %add3A_436, %dma_wait3A_541, %dma_wait3A_542] : memref<8x1024x32x16xf32, #tpu.memory_space<hbm>> -> memref<1x1x32x16xf32, #tpu.memory_space<hbm>>
    %dma_wait3A_544 = tpu.memref_squeeze %dma_wait3A_543 : memref<1x1x32x16xf32, #tpu.memory_space<hbm>> -> memref<32x16xf32, #tpu.memory_space<hbm>>
    %dma_wait3A_545 = arith.constant 0 : i32
    %dma_wait3A_546 = arith.constant 0 : i32
    %dma_wait3A_547 = tpu.memref_slice %arg15[%dma_wait3A_531, %dma_wait3A_532, %dma_wait3A_545, %dma_wait3A_546] : memref<2x4x32x16xf32, #tpu.memory_space<vmem>> -> memref<1x1x32x16xf32, #tpu.memory_space<vmem>>
    %dma_wait3A_548 = tpu.memref_squeeze %dma_wait3A_547 : memref<1x1x32x16xf32, #tpu.memory_space<vmem>> -> memref<32x16xf32, #tpu.memory_space<vmem>>
    tpu.wait_dma2 semaphore(%arg19 : memref<!tpu.dma_semaphore, #tpu.memory_space<semaphore_mem>>) src(%dma_wait3A_548 : memref<32x16xf32, #tpu.memory_space<vmem>>) dst(%dma_wait3A_544 : memref<32x16xf32, #tpu.memory_space<hbm>>)
    %dma_wait3A_549 = arith.constant 0 : i32
    %dma_wait3A_550 = arith.constant 3 : i32
    %dma_wait3A_551 = arith.constant 0 : i32
    %dma_wait3A_552 = arith.constant 0 : i32
    %dma_wait3A_553 = tpu.memref_slice %arg14[%dma_wait3A_549, %dma_wait3A_550, %dma_wait3A_551, %dma_wait3A_552] : memref<2x4x32x128xf32, #tpu.memory_space<vmem>> -> memref<1x1x32x128xf32, #tpu.memory_space<vmem>>
    %dma_wait3A_554 = tpu.memref_squeeze %dma_wait3A_553 : memref<1x1x32x128xf32, #tpu.memory_space<vmem>> -> memref<32x128xf32, #tpu.memory_space<vmem>>
    %dma_wait3A_555 = arith.constant 0 : i32
    %dma_wait3A_556 = arith.constant 0 : i32
    %dma_wait3A_557 = tpu.memref_slice %arg6[%select_n3A, %add3A_440, %dma_wait3A_555, %dma_wait3A_556] : memref<8x1024x32x128xf32, #tpu.memory_space<hbm>> -> memref<1x1x32x128xf32, #tpu.memory_space<hbm>>
    %dma_wait3A_558 = tpu.memref_squeeze %dma_wait3A_557 : memref<1x1x32x128xf32, #tpu.memory_space<hbm>> -> memref<32x128xf32, #tpu.memory_space<hbm>>
    %dma_wait3A_559 = arith.constant 0 : i32
    %dma_wait3A_560 = arith.constant 0 : i32
    %dma_wait3A_561 = tpu.memref_slice %arg6[%select_n3A, %add3A_440, %dma_wait3A_559, %dma_wait3A_560] : memref<8x1024x32x128xf32, #tpu.memory_space<hbm>> -> memref<1x1x32x128xf32, #tpu.memory_space<hbm>>
    %dma_wait3A_562 = tpu.memref_squeeze %dma_wait3A_561 : memref<1x1x32x128xf32, #tpu.memory_space<hbm>> -> memref<32x128xf32, #tpu.memory_space<hbm>>
    %dma_wait3A_563 = arith.constant 0 : i32
    %dma_wait3A_564 = arith.constant 0 : i32
    %dma_wait3A_565 = tpu.memref_slice %arg14[%dma_wait3A_549, %dma_wait3A_550, %dma_wait3A_563, %dma_wait3A_564] : memref<2x4x32x128xf32, #tpu.memory_space<vmem>> -> memref<1x1x32x128xf32, #tpu.memory_space<vmem>>
    %dma_wait3A_566 = tpu.memref_squeeze %dma_wait3A_565 : memref<1x1x32x128xf32, #tpu.memory_space<vmem>> -> memref<32x128xf32, #tpu.memory_space<vmem>>
    tpu.wait_dma2 semaphore(%arg19 : memref<!tpu.dma_semaphore, #tpu.memory_space<semaphore_mem>>) src(%dma_wait3A_566 : memref<32x128xf32, #tpu.memory_space<vmem>>) dst(%dma_wait3A_562 : memref<32x128xf32, #tpu.memory_space<hbm>>)
    %dma_wait3A_567 = arith.constant 0 : i32
    %dma_wait3A_568 = arith.constant 3 : i32
    %dma_wait3A_569 = arith.constant 0 : i32
    %dma_wait3A_570 = arith.constant 0 : i32
    %dma_wait3A_571 = tpu.memref_slice %arg15[%dma_wait3A_567, %dma_wait3A_568, %dma_wait3A_569, %dma_wait3A_570] : memref<2x4x32x16xf32, #tpu.memory_space<vmem>> -> memref<1x1x32x16xf32, #tpu.memory_space<vmem>>
    %dma_wait3A_572 = tpu.memref_squeeze %dma_wait3A_571 : memref<1x1x32x16xf32, #tpu.memory_space<vmem>> -> memref<32x16xf32, #tpu.memory_space<vmem>>
    %dma_wait3A_573 = arith.constant 0 : i32
    %dma_wait3A_574 = arith.constant 0 : i32
    %dma_wait3A_575 = tpu.memref_slice %arg7[%select_n3A, %add3A_440, %dma_wait3A_573, %dma_wait3A_574] : memref<8x1024x32x16xf32, #tpu.memory_space<hbm>> -> memref<1x1x32x16xf32, #tpu.memory_space<hbm>>
    %dma_wait3A_576 = tpu.memref_squeeze %dma_wait3A_575 : memref<1x1x32x16xf32, #tpu.memory_space<hbm>> -> memref<32x16xf32, #tpu.memory_space<hbm>>
    %dma_wait3A_577 = arith.constant 0 : i32
    %dma_wait3A_578 = arith.constant 0 : i32
    %dma_wait3A_579 = tpu.memref_slice %arg7[%select_n3A, %add3A_440, %dma_wait3A_577, %dma_wait3A_578] : memref<8x1024x32x16xf32, #tpu.memory_space<hbm>> -> memref<1x1x32x16xf32, #tpu.memory_space<hbm>>
    %dma_wait3A_580 = tpu.memref_squeeze %dma_wait3A_579 : memref<1x1x32x16xf32, #tpu.memory_space<hbm>> -> memref<32x16xf32, #tpu.memory_space<hbm>>
    %dma_wait3A_581 = arith.constant 0 : i32
    %dma_wait3A_582 = arith.constant 0 : i32
    %dma_wait3A_583 = tpu.memref_slice %arg15[%dma_wait3A_567, %dma_wait3A_568, %dma_wait3A_581, %dma_wait3A_582] : memref<2x4x32x16xf32, #tpu.memory_space<vmem>> -> memref<1x1x32x16xf32, #tpu.memory_space<vmem>>
    %dma_wait3A_584 = tpu.memref_squeeze %dma_wait3A_583 : memref<1x1x32x16xf32, #tpu.memory_space<vmem>> -> memref<32x16xf32, #tpu.memory_space<vmem>>
    tpu.wait_dma2 semaphore(%arg19 : memref<!tpu.dma_semaphore, #tpu.memory_space<semaphore_mem>>) src(%dma_wait3A_584 : memref<32x16xf32, #tpu.memory_space<vmem>>) dst(%dma_wait3A_580 : memref<32x16xf32, #tpu.memory_space<hbm>>)
    %add3A_585 = arith.constant 252 : i32
    %add3A_586 = arith.addi %mul3A_32, %add3A_585 : i32
    %add3A_587 = arith.constant 0 : i32
    %add3A_588 = arith.addi %add3A_586, %add3A_587 : i32
    %add3A_589 = arith.constant 252 : i32
    %add3A_590 = arith.addi %mul3A_32, %add3A_589 : i32
    %add3A_591 = arith.constant 1 : i32
    %add3A_592 = arith.addi %add3A_590, %add3A_591 : i32
    %add3A_593 = arith.constant 252 : i32
    %add3A_594 = arith.addi %mul3A_32, %add3A_593 : i32
    %add3A_595 = arith.constant 2 : i32
    %add3A_596 = arith.addi %add3A_594, %add3A_595 : i32
    %add3A_597 = arith.constant 252 : i32
    %add3A_598 = arith.addi %mul3A_32, %add3A_597 : i32
    %add3A_599 = arith.constant 3 : i32
    %add3A_600 = arith.addi %add3A_598, %add3A_599 : i32
    %dma_wait3A_601 = arith.constant 1 : i32
    %dma_wait3A_602 = arith.constant 0 : i32
    %dma_wait3A_603 = arith.constant 0 : i32
    %dma_wait3A_604 = arith.constant 0 : i32
    %dma_wait3A_605 = tpu.memref_slice %arg14[%dma_wait3A_601, %dma_wait3A_602, %dma_wait3A_603, %dma_wait3A_604] : memref<2x4x32x128xf32, #tpu.memory_space<vmem>> -> memref<1x1x32x128xf32, #tpu.memory_space<vmem>>
    %dma_wait3A_606 = tpu.memref_squeeze %dma_wait3A_605 : memref<1x1x32x128xf32, #tpu.memory_space<vmem>> -> memref<32x128xf32, #tpu.memory_space<vmem>>
    %dma_wait3A_607 = arith.constant 0 : i32
    %dma_wait3A_608 = arith.constant 0 : i32
    %dma_wait3A_609 = tpu.memref_slice %arg6[%select_n3A, %add3A_588, %dma_wait3A_607, %dma_wait3A_608] : memref<8x1024x32x128xf32, #tpu.memory_space<hbm>> -> memref<1x1x32x128xf32, #tpu.memory_space<hbm>>
    %dma_wait3A_610 = tpu.memref_squeeze %dma_wait3A_609 : memref<1x1x32x128xf32, #tpu.memory_space<hbm>> -> memref<32x128xf32, #tpu.memory_space<hbm>>
    %dma_wait3A_611 = arith.constant 0 : i32
    %dma_wait3A_612 = arith.constant 0 : i32
    %dma_wait3A_613 = tpu.memref_slice %arg6[%select_n3A, %add3A_588, %dma_wait3A_611, %dma_wait3A_612] : memref<8x1024x32x128xf32, #tpu.memory_space<hbm>> -> memref<1x1x32x128xf32, #tpu.memory_space<hbm>>
    %dma_wait3A_614 = tpu.memref_squeeze %dma_wait3A_613 : memref<1x1x32x128xf32, #tpu.memory_space<hbm>> -> memref<32x128xf32, #tpu.memory_space<hbm>>
    %dma_wait3A_615 = arith.constant 0 : i32
    %dma_wait3A_616 = arith.constant 0 : i32
    %dma_wait3A_617 = tpu.memref_slice %arg14[%dma_wait3A_601, %dma_wait3A_602, %dma_wait3A_615, %dma_wait3A_616] : memref<2x4x32x128xf32, #tpu.memory_space<vmem>> -> memref<1x1x32x128xf32, #tpu.memory_space<vmem>>
    %dma_wait3A_618 = tpu.memref_squeeze %dma_wait3A_617 : memref<1x1x32x128xf32, #tpu.memory_space<vmem>> -> memref<32x128xf32, #tpu.memory_space<vmem>>
    tpu.wait_dma2 semaphore(%arg20 : memref<!tpu.dma_semaphore, #tpu.memory_space<semaphore_mem>>) src(%dma_wait3A_618 : memref<32x128xf32, #tpu.memory_space<vmem>>) dst(%dma_wait3A_614 : memref<32x128xf32, #tpu.memory_space<hbm>>)
    %dma_wait3A_619 = arith.constant 1 : i32
    %dma_wait3A_620 = arith.constant 0 : i32
    %dma_wait3A_621 = arith.constant 0 : i32
    %dma_wait3A_622 = arith.constant 0 : i32
    %dma_wait3A_623 = tpu.memref_slice %arg15[%dma_wait3A_619, %dma_wait3A_620, %dma_wait3A_621, %dma_wait3A_622] : memref<2x4x32x16xf32, #tpu.memory_space<vmem>> -> memref<1x1x32x16xf32, #tpu.memory_space<vmem>>
    %dma_wait3A_624 = tpu.memref_squeeze %dma_wait3A_623 : memref<1x1x32x16xf32, #tpu.memory_space<vmem>> -> memref<32x16xf32, #tpu.memory_space<vmem>>
    %dma_wait3A_625 = arith.constant 0 : i32
    %dma_wait3A_626 = arith.constant 0 : i32
    %dma_wait3A_627 = tpu.memref_slice %arg7[%select_n3A, %add3A_588, %dma_wait3A_625, %dma_wait3A_626] : memref<8x1024x32x16xf32, #tpu.memory_space<hbm>> -> memref<1x1x32x16xf32, #tpu.memory_space<hbm>>
    %dma_wait3A_628 = tpu.memref_squeeze %dma_wait3A_627 : memref<1x1x32x16xf32, #tpu.memory_space<hbm>> -> memref<32x16xf32, #tpu.memory_space<hbm>>
    %dma_wait3A_629 = arith.constant 0 : i32
    %dma_wait3A_630 = arith.constant 0 : i32
    %dma_wait3A_631 = tpu.memref_slice %arg7[%select_n3A, %add3A_588, %dma_wait3A_629, %dma_wait3A_630] : memref<8x1024x32x16xf32, #tpu.memory_space<hbm>> -> memref<1x1x32x16xf32, #tpu.memory_space<hbm>>
    %dma_wait3A_632 = tpu.memref_squeeze %dma_wait3A_631 : memref<1x1x32x16xf32, #tpu.memory_space<hbm>> -> memref<32x16xf32, #tpu.memory_space<hbm>>
    %dma_wait3A_633 = arith.constant 0 : i32
    %dma_wait3A_634 = arith.constant 0 : i32
    %dma_wait3A_635 = tpu.memref_slice %arg15[%dma_wait3A_619, %dma_wait3A_620, %dma_wait3A_633, %dma_wait3A_634] : memref<2x4x32x16xf32, #tpu.memory_space<vmem>> -> memref<1x1x32x16xf32, #tpu.memory_space<vmem>>
    %dma_wait3A_636 = tpu.memref_squeeze %dma_wait3A_635 : memref<1x1x32x16xf32, #tpu.memory_space<vmem>> -> memref<32x16xf32, #tpu.memory_space<vmem>>
    tpu.wait_dma2 semaphore(%arg20 : memref<!tpu.dma_semaphore, #tpu.memory_space<semaphore_mem>>) src(%dma_wait3A_636 : memref<32x16xf32, #tpu.memory_space<vmem>>) dst(%dma_wait3A_632 : memref<32x16xf32, #tpu.memory_space<hbm>>)
    %dma_wait3A_637 = arith.constant 1 : i32
    %dma_wait3A_638 = arith.constant 1 : i32
    %dma_wait3A_639 = arith.constant 0 : i32
    %dma_wait3A_640 = arith.constant 0 : i32
    %dma_wait3A_641 = tpu.memref_slice %arg14[%dma_wait3A_637, %dma_wait3A_638, %dma_wait3A_639, %dma_wait3A_640] : memref<2x4x32x128xf32, #tpu.memory_space<vmem>> -> memref<1x1x32x128xf32, #tpu.memory_space<vmem>>
    %dma_wait3A_642 = tpu.memref_squeeze %dma_wait3A_641 : memref<1x1x32x128xf32, #tpu.memory_space<vmem>> -> memref<32x128xf32, #tpu.memory_space<vmem>>
    %dma_wait3A_643 = arith.constant 0 : i32
    %dma_wait3A_644 = arith.constant 0 : i32
    %dma_wait3A_645 = tpu.memref_slice %arg6[%select_n3A, %add3A_592, %dma_wait3A_643, %dma_wait3A_644] : memref<8x1024x32x128xf32, #tpu.memory_space<hbm>> -> memref<1x1x32x128xf32, #tpu.memory_space<hbm>>
    %dma_wait3A_646 = tpu.memref_squeeze %dma_wait3A_645 : memref<1x1x32x128xf32, #tpu.memory_space<hbm>> -> memref<32x128xf32, #tpu.memory_space<hbm>>
    %dma_wait3A_647 = arith.constant 0 : i32
    %dma_wait3A_648 = arith.constant 0 : i32
    %dma_wait3A_649 = tpu.memref_slice %arg6[%select_n3A, %add3A_592, %dma_wait3A_647, %dma_wait3A_648] : memref<8x1024x32x128xf32, #tpu.memory_space<hbm>> -> memref<1x1x32x128xf32, #tpu.memory_space<hbm>>
    %dma_wait3A_650 = tpu.memref_squeeze %dma_wait3A_649 : memref<1x1x32x128xf32, #tpu.memory_space<hbm>> -> memref<32x128xf32, #tpu.memory_space<hbm>>
    %dma_wait3A_651 = arith.constant 0 : i32
    %dma_wait3A_652 = arith.constant 0 : i32
    %dma_wait3A_653 = tpu.memref_slice %arg14[%dma_wait3A_637, %dma_wait3A_638, %dma_wait3A_651, %dma_wait3A_652] : memref<2x4x32x128xf32, #tpu.memory_space<vmem>> -> memref<1x1x32x128xf32, #tpu.memory_space<vmem>>
    %dma_wait3A_654 = tpu.memref_squeeze %dma_wait3A_653 : memref<1x1x32x128xf32, #tpu.memory_space<vmem>> -> memref<32x128xf32, #tpu.memory_space<vmem>>
    tpu.wait_dma2 semaphore(%arg20 : memref<!tpu.dma_semaphore, #tpu.memory_space<semaphore_mem>>) src(%dma_wait3A_654 : memref<32x128xf32, #tpu.memory_space<vmem>>) dst(%dma_wait3A_650 : memref<32x128xf32, #tpu.memory_space<hbm>>)
    %dma_wait3A_655 = arith.constant 1 : i32
    %dma_wait3A_656 = arith.constant 1 : i32
    %dma_wait3A_657 = arith.constant 0 : i32
    %dma_wait3A_658 = arith.constant 0 : i32
    %dma_wait3A_659 = tpu.memref_slice %arg15[%dma_wait3A_655, %dma_wait3A_656, %dma_wait3A_657, %dma_wait3A_658] : memref<2x4x32x16xf32, #tpu.memory_space<vmem>> -> memref<1x1x32x16xf32, #tpu.memory_space<vmem>>
    %dma_wait3A_660 = tpu.memref_squeeze %dma_wait3A_659 : memref<1x1x32x16xf32, #tpu.memory_space<vmem>> -> memref<32x16xf32, #tpu.memory_space<vmem>>
    %dma_wait3A_661 = arith.constant 0 : i32
    %dma_wait3A_662 = arith.constant 0 : i32
    %dma_wait3A_663 = tpu.memref_slice %arg7[%select_n3A, %add3A_592, %dma_wait3A_661, %dma_wait3A_662] : memref<8x1024x32x16xf32, #tpu.memory_space<hbm>> -> memref<1x1x32x16xf32, #tpu.memory_space<hbm>>
    %dma_wait3A_664 = tpu.memref_squeeze %dma_wait3A_663 : memref<1x1x32x16xf32, #tpu.memory_space<hbm>> -> memref<32x16xf32, #tpu.memory_space<hbm>>
    %dma_wait3A_665 = arith.constant 0 : i32
    %dma_wait3A_666 = arith.constant 0 : i32
    %dma_wait3A_667 = tpu.memref_slice %arg7[%select_n3A, %add3A_592, %dma_wait3A_665, %dma_wait3A_666] : memref<8x1024x32x16xf32, #tpu.memory_space<hbm>> -> memref<1x1x32x16xf32, #tpu.memory_space<hbm>>
    %dma_wait3A_668 = tpu.memref_squeeze %dma_wait3A_667 : memref<1x1x32x16xf32, #tpu.memory_space<hbm>> -> memref<32x16xf32, #tpu.memory_space<hbm>>
    %dma_wait3A_669 = arith.constant 0 : i32
    %dma_wait3A_670 = arith.constant 0 : i32
    %dma_wait3A_671 = tpu.memref_slice %arg15[%dma_wait3A_655, %dma_wait3A_656, %dma_wait3A_669, %dma_wait3A_670] : memref<2x4x32x16xf32, #tpu.memory_space<vmem>> -> memref<1x1x32x16xf32, #tpu.memory_space<vmem>>
    %dma_wait3A_672 = tpu.memref_squeeze %dma_wait3A_671 : memref<1x1x32x16xf32, #tpu.memory_space<vmem>> -> memref<32x16xf32, #tpu.memory_space<vmem>>
    tpu.wait_dma2 semaphore(%arg20 : memref<!tpu.dma_semaphore, #tpu.memory_space<semaphore_mem>>) src(%dma_wait3A_672 : memref<32x16xf32, #tpu.memory_space<vmem>>) dst(%dma_wait3A_668 : memref<32x16xf32, #tpu.memory_space<hbm>>)
    %dma_wait3A_673 = arith.constant 1 : i32
    %dma_wait3A_674 = arith.constant 2 : i32
    %dma_wait3A_675 = arith.constant 0 : i32
    %dma_wait3A_676 = arith.constant 0 : i32
    %dma_wait3A_677 = tpu.memref_slice %arg14[%dma_wait3A_673, %dma_wait3A_674, %dma_wait3A_675, %dma_wait3A_676] : memref<2x4x32x128xf32, #tpu.memory_space<vmem>> -> memref<1x1x32x128xf32, #tpu.memory_space<vmem>>
    %dma_wait3A_678 = tpu.memref_squeeze %dma_wait3A_677 : memref<1x1x32x128xf32, #tpu.memory_space<vmem>> -> memref<32x128xf32, #tpu.memory_space<vmem>>
    %dma_wait3A_679 = arith.constant 0 : i32
    %dma_wait3A_680 = arith.constant 0 : i32
    %dma_wait3A_681 = tpu.memref_slice %arg6[%select_n3A, %add3A_596, %dma_wait3A_679, %dma_wait3A_680] : memref<8x1024x32x128xf32, #tpu.memory_space<hbm>> -> memref<1x1x32x128xf32, #tpu.memory_space<hbm>>
    %dma_wait3A_682 = tpu.memref_squeeze %dma_wait3A_681 : memref<1x1x32x128xf32, #tpu.memory_space<hbm>> -> memref<32x128xf32, #tpu.memory_space<hbm>>
    %dma_wait3A_683 = arith.constant 0 : i32
    %dma_wait3A_684 = arith.constant 0 : i32
    %dma_wait3A_685 = tpu.memref_slice %arg6[%select_n3A, %add3A_596, %dma_wait3A_683, %dma_wait3A_684] : memref<8x1024x32x128xf32, #tpu.memory_space<hbm>> -> memref<1x1x32x128xf32, #tpu.memory_space<hbm>>
    %dma_wait3A_686 = tpu.memref_squeeze %dma_wait3A_685 : memref<1x1x32x128xf32, #tpu.memory_space<hbm>> -> memref<32x128xf32, #tpu.memory_space<hbm>>
    %dma_wait3A_687 = arith.constant 0 : i32
    %dma_wait3A_688 = arith.constant 0 : i32
    %dma_wait3A_689 = tpu.memref_slice %arg14[%dma_wait3A_673, %dma_wait3A_674, %dma_wait3A_687, %dma_wait3A_688] : memref<2x4x32x128xf32, #tpu.memory_space<vmem>> -> memref<1x1x32x128xf32, #tpu.memory_space<vmem>>
    %dma_wait3A_690 = tpu.memref_squeeze %dma_wait3A_689 : memref<1x1x32x128xf32, #tpu.memory_space<vmem>> -> memref<32x128xf32, #tpu.memory_space<vmem>>
    tpu.wait_dma2 semaphore(%arg20 : memref<!tpu.dma_semaphore, #tpu.memory_space<semaphore_mem>>) src(%dma_wait3A_690 : memref<32x128xf32, #tpu.memory_space<vmem>>) dst(%dma_wait3A_686 : memref<32x128xf32, #tpu.memory_space<hbm>>)
    %dma_wait3A_691 = arith.constant 1 : i32
    %dma_wait3A_692 = arith.constant 2 : i32
    %dma_wait3A_693 = arith.constant 0 : i32
    %dma_wait3A_694 = arith.constant 0 : i32
    %dma_wait3A_695 = tpu.memref_slice %arg15[%dma_wait3A_691, %dma_wait3A_692, %dma_wait3A_693, %dma_wait3A_694] : memref<2x4x32x16xf32, #tpu.memory_space<vmem>> -> memref<1x1x32x16xf32, #tpu.memory_space<vmem>>
    %dma_wait3A_696 = tpu.memref_squeeze %dma_wait3A_695 : memref<1x1x32x16xf32, #tpu.memory_space<vmem>> -> memref<32x16xf32, #tpu.memory_space<vmem>>
    %dma_wait3A_697 = arith.constant 0 : i32
    %dma_wait3A_698 = arith.constant 0 : i32
    %dma_wait3A_699 = tpu.memref_slice %arg7[%select_n3A, %add3A_596, %dma_wait3A_697, %dma_wait3A_698] : memref<8x1024x32x16xf32, #tpu.memory_space<hbm>> -> memref<1x1x32x16xf32, #tpu.memory_space<hbm>>
    %dma_wait3A_700 = tpu.memref_squeeze %dma_wait3A_699 : memref<1x1x32x16xf32, #tpu.memory_space<hbm>> -> memref<32x16xf32, #tpu.memory_space<hbm>>
    %dma_wait3A_701 = arith.constant 0 : i32
    %dma_wait3A_702 = arith.constant 0 : i32
    %dma_wait3A_703 = tpu.memref_slice %arg7[%select_n3A, %add3A_596, %dma_wait3A_701, %dma_wait3A_702] : memref<8x1024x32x16xf32, #tpu.memory_space<hbm>> -> memref<1x1x32x16xf32, #tpu.memory_space<hbm>>
    %dma_wait3A_704 = tpu.memref_squeeze %dma_wait3A_703 : memref<1x1x32x16xf32, #tpu.memory_space<hbm>> -> memref<32x16xf32, #tpu.memory_space<hbm>>
    %dma_wait3A_705 = arith.constant 0 : i32
    %dma_wait3A_706 = arith.constant 0 : i32
    %dma_wait3A_707 = tpu.memref_slice %arg15[%dma_wait3A_691, %dma_wait3A_692, %dma_wait3A_705, %dma_wait3A_706] : memref<2x4x32x16xf32, #tpu.memory_space<vmem>> -> memref<1x1x32x16xf32, #tpu.memory_space<vmem>>
    %dma_wait3A_708 = tpu.memref_squeeze %dma_wait3A_707 : memref<1x1x32x16xf32, #tpu.memory_space<vmem>> -> memref<32x16xf32, #tpu.memory_space<vmem>>
    tpu.wait_dma2 semaphore(%arg20 : memref<!tpu.dma_semaphore, #tpu.memory_space<semaphore_mem>>) src(%dma_wait3A_708 : memref<32x16xf32, #tpu.memory_space<vmem>>) dst(%dma_wait3A_704 : memref<32x16xf32, #tpu.memory_space<hbm>>)
    %dma_wait3A_709 = arith.constant 1 : i32
    %dma_wait3A_710 = arith.constant 3 : i32
    %dma_wait3A_711 = arith.constant 0 : i32
    %dma_wait3A_712 = arith.constant 0 : i32
    %dma_wait3A_713 = tpu.memref_slice %arg14[%dma_wait3A_709, %dma_wait3A_710, %dma_wait3A_711, %dma_wait3A_712] : memref<2x4x32x128xf32, #tpu.memory_space<vmem>> -> memref<1x1x32x128xf32, #tpu.memory_space<vmem>>
    %dma_wait3A_714 = tpu.memref_squeeze %dma_wait3A_713 : memref<1x1x32x128xf32, #tpu.memory_space<vmem>> -> memref<32x128xf32, #tpu.memory_space<vmem>>
    %dma_wait3A_715 = arith.constant 0 : i32
    %dma_wait3A_716 = arith.constant 0 : i32
    %dma_wait3A_717 = tpu.memref_slice %arg6[%select_n3A, %add3A_600, %dma_wait3A_715, %dma_wait3A_716] : memref<8x1024x32x128xf32, #tpu.memory_space<hbm>> -> memref<1x1x32x128xf32, #tpu.memory_space<hbm>>
    %dma_wait3A_718 = tpu.memref_squeeze %dma_wait3A_717 : memref<1x1x32x128xf32, #tpu.memory_space<hbm>> -> memref<32x128xf32, #tpu.memory_space<hbm>>
    %dma_wait3A_719 = arith.constant 0 : i32
    %dma_wait3A_720 = arith.constant 0 : i32
    %dma_wait3A_721 = tpu.memref_slice %arg6[%select_n3A, %add3A_600, %dma_wait3A_719, %dma_wait3A_720] : memref<8x1024x32x128xf32, #tpu.memory_space<hbm>> -> memref<1x1x32x128xf32, #tpu.memory_space<hbm>>
    %dma_wait3A_722 = tpu.memref_squeeze %dma_wait3A_721 : memref<1x1x32x128xf32, #tpu.memory_space<hbm>> -> memref<32x128xf32, #tpu.memory_space<hbm>>
    %dma_wait3A_723 = arith.constant 0 : i32
    %dma_wait3A_724 = arith.constant 0 : i32
    %dma_wait3A_725 = tpu.memref_slice %arg14[%dma_wait3A_709, %dma_wait3A_710, %dma_wait3A_723, %dma_wait3A_724] : memref<2x4x32x128xf32, #tpu.memory_space<vmem>> -> memref<1x1x32x128xf32, #tpu.memory_space<vmem>>
    %dma_wait3A_726 = tpu.memref_squeeze %dma_wait3A_725 : memref<1x1x32x128xf32, #tpu.memory_space<vmem>> -> memref<32x128xf32, #tpu.memory_space<vmem>>
    tpu.wait_dma2 semaphore(%arg20 : memref<!tpu.dma_semaphore, #tpu.memory_space<semaphore_mem>>) src(%dma_wait3A_726 : memref<32x128xf32, #tpu.memory_space<vmem>>) dst(%dma_wait3A_722 : memref<32x128xf32, #tpu.memory_space<hbm>>)
    %dma_wait3A_727 = arith.constant 1 : i32
    %dma_wait3A_728 = arith.constant 3 : i32
    %dma_wait3A_729 = arith.constant 0 : i32
    %dma_wait3A_730 = arith.constant 0 : i32
    %dma_wait3A_731 = tpu.memref_slice %arg15[%dma_wait3A_727, %dma_wait3A_728, %dma_wait3A_729, %dma_wait3A_730] : memref<2x4x32x16xf32, #tpu.memory_space<vmem>> -> memref<1x1x32x16xf32, #tpu.memory_space<vmem>>
    %dma_wait3A_732 = tpu.memref_squeeze %dma_wait3A_731 : memref<1x1x32x16xf32, #tpu.memory_space<vmem>> -> memref<32x16xf32, #tpu.memory_space<vmem>>
    %dma_wait3A_733 = arith.constant 0 : i32
    %dma_wait3A_734 = arith.constant 0 : i32
    %dma_wait3A_735 = tpu.memref_slice %arg7[%select_n3A, %add3A_600, %dma_wait3A_733, %dma_wait3A_734] : memref<8x1024x32x16xf32, #tpu.memory_space<hbm>> -> memref<1x1x32x16xf32, #tpu.memory_space<hbm>>
    %dma_wait3A_736 = tpu.memref_squeeze %dma_wait3A_735 : memref<1x1x32x16xf32, #tpu.memory_space<hbm>> -> memref<32x16xf32, #tpu.memory_space<hbm>>
    %dma_wait3A_737 = arith.constant 0 : i32
    %dma_wait3A_738 = arith.constant 0 : i32
    %dma_wait3A_739 = tpu.memref_slice %arg7[%select_n3A, %add3A_600, %dma_wait3A_737, %dma_wait3A_738] : memref<8x1024x32x16xf32, #tpu.memory_space<hbm>> -> memref<1x1x32x16xf32, #tpu.memory_space<hbm>>
    %dma_wait3A_740 = tpu.memref_squeeze %dma_wait3A_739 : memref<1x1x32x16xf32, #tpu.memory_space<hbm>> -> memref<32x16xf32, #tpu.memory_space<hbm>>
    %dma_wait3A_741 = arith.constant 0 : i32
    %dma_wait3A_742 = arith.constant 0 : i32
    %dma_wait3A_743 = tpu.memref_slice %arg15[%dma_wait3A_727, %dma_wait3A_728, %dma_wait3A_741, %dma_wait3A_742] : memref<2x4x32x16xf32, #tpu.memory_space<vmem>> -> memref<1x1x32x16xf32, #tpu.memory_space<vmem>>
    %dma_wait3A_744 = tpu.memref_squeeze %dma_wait3A_743 : memref<1x1x32x16xf32, #tpu.memory_space<vmem>> -> memref<32x16xf32, #tpu.memory_space<vmem>>
    tpu.wait_dma2 semaphore(%arg20 : memref<!tpu.dma_semaphore, #tpu.memory_space<semaphore_mem>>) src(%dma_wait3A_744 : memref<32x16xf32, #tpu.memory_space<vmem>>) dst(%dma_wait3A_740 : memref<32x16xf32, #tpu.memory_space<hbm>>)
    return
  }
}

module attributes {stable_mosaic.version = 14 : i64} {
  func.func @_fps_body(%arg0: memref<3x8x4096xf32, #tpu.memory_space<vmem>>, %arg1: memref<8x1024xi32, #tpu.memory_space<vmem>>, %arg2: memref<3x8x1024xf32, #tpu.memory_space<vmem>>) attributes {dimension_semantics = [], scalar_prefetch = 0 : i64, scratch_operands = 0 : i64, tpu.core_type = #tpu.core_type<tc>} {
    %get3A = arith.constant 0 : index
    %get3A_0 = arith.constant 0 : index
    %get3A_1 = arith.constant 0 : index
    %get3A_2 = vector.load %arg0[%get3A, %get3A_0, %get3A_1] : memref<3x8x4096xf32, #tpu.memory_space<vmem>>, vector<1x8x4096xf32>
    %get3A_3 = vector.shape_cast %get3A_2 : vector<1x8x4096xf32> to vector<8x4096xf32>
    %get3A_4 = arith.constant 1 : index
    %get3A_5 = arith.constant 0 : index
    %get3A_6 = arith.constant 0 : index
    %get3A_7 = vector.load %arg0[%get3A_4, %get3A_5, %get3A_6] : memref<3x8x4096xf32, #tpu.memory_space<vmem>>, vector<1x8x4096xf32>
    %get3A_8 = vector.shape_cast %get3A_7 : vector<1x8x4096xf32> to vector<8x4096xf32>
    %get3A_9 = arith.constant 2 : index
    %get3A_10 = arith.constant 0 : index
    %get3A_11 = arith.constant 0 : index
    %get3A_12 = vector.load %arg0[%get3A_9, %get3A_10, %get3A_11] : memref<3x8x4096xf32, #tpu.memory_space<vmem>>, vector<1x8x4096xf32>
    %get3A_13 = vector.shape_cast %get3A_12 : vector<1x8x4096xf32> to vector<8x4096xf32>
    %iota3A = tpu.iota {dimensions = array<i32: 1>} : vector<8x4096xi32>
    %iota3A_14 = tpu.iota {dimensions = array<i32: 1>} : vector<8x1024xi32>
    %broadcast_in_dim3A = arith.constant 0 : i32
    %broadcast_in_dim3A_15 = vector.broadcast %broadcast_in_dim3A : i32 to vector<8x1024xi32>
    %swap3A = arith.constant 0 : index
    %swap3A_16 = arith.constant 0 : index
    %swap3A_17 = vector.load %arg1[%swap3A, %swap3A_16] : memref<8x1024xi32, #tpu.memory_space<vmem>>, vector<8x1024xi32>
    tpu.vector_store %arg1[%swap3A, %swap3A_16], %broadcast_in_dim3A_15 {strides = array<i32>} : memref<8x1024xi32, #tpu.memory_space<vmem>>, vector<8x1024xi32>,
    %broadcast_in_dim3A_18 = arith.constant 0.000000e+00 : f32
    %broadcast_in_dim3A_19 = vector.broadcast %broadcast_in_dim3A_18 : f32 to vector<8x1024xf32>
    %swap3A_20 = arith.constant 0 : index
    %swap3A_21 = arith.constant 0 : index
    %swap3A_22 = arith.constant 0 : index
    %swap3A_23 = vector.load %arg2[%swap3A_20, %swap3A_21, %swap3A_22] : memref<3x8x1024xf32, #tpu.memory_space<vmem>>, vector<1x8x1024xf32>
    %swap3A_24 = vector.shape_cast %swap3A_23 : vector<1x8x1024xf32> to vector<8x1024xf32>
    %swap3A_25 = vector.shape_cast %broadcast_in_dim3A_19 : vector<8x1024xf32> to vector<1x8x1024xf32>
    tpu.vector_store %arg2[%swap3A_20, %swap3A_21, %swap3A_22], %swap3A_25 {strides = array<i32>} : memref<3x8x1024xf32, #tpu.memory_space<vmem>>, vector<1x8x1024xf32>,
    %broadcast_in_dim3A_26 = arith.constant 0.000000e+00 : f32
    %broadcast_in_dim3A_27 = vector.broadcast %broadcast_in_dim3A_26 : f32 to vector<8x1024xf32>
    %swap3A_28 = arith.constant 1 : index
    %swap3A_29 = arith.constant 0 : index
    %swap3A_30 = arith.constant 0 : index
    %swap3A_31 = vector.load %arg2[%swap3A_28, %swap3A_29, %swap3A_30] : memref<3x8x1024xf32, #tpu.memory_space<vmem>>, vector<1x8x1024xf32>
    %swap3A_32 = vector.shape_cast %swap3A_31 : vector<1x8x1024xf32> to vector<8x1024xf32>
    %swap3A_33 = vector.shape_cast %broadcast_in_dim3A_27 : vector<8x1024xf32> to vector<1x8x1024xf32>
    tpu.vector_store %arg2[%swap3A_28, %swap3A_29, %swap3A_30], %swap3A_33 {strides = array<i32>} : memref<3x8x1024xf32, #tpu.memory_space<vmem>>, vector<1x8x1024xf32>,
    %broadcast_in_dim3A_34 = arith.constant 0.000000e+00 : f32
    %broadcast_in_dim3A_35 = vector.broadcast %broadcast_in_dim3A_34 : f32 to vector<8x1024xf32>
    %swap3A_36 = arith.constant 2 : index
    %swap3A_37 = arith.constant 0 : index
    %swap3A_38 = arith.constant 0 : index
    %swap3A_39 = vector.load %arg2[%swap3A_36, %swap3A_37, %swap3A_38] : memref<3x8x1024xf32, #tpu.memory_space<vmem>>, vector<1x8x1024xf32>
    %swap3A_40 = vector.shape_cast %swap3A_39 : vector<1x8x1024xf32> to vector<8x1024xf32>
    %swap3A_41 = vector.shape_cast %broadcast_in_dim3A_35 : vector<8x1024xf32> to vector<1x8x1024xf32>
    tpu.vector_store %arg2[%swap3A_36, %swap3A_37, %swap3A_38], %swap3A_41 {strides = array<i32>} : memref<3x8x1024xf32, #tpu.memory_space<vmem>>, vector<1x8x1024xf32>,
    %broadcast_in_dim3A_42 = arith.constant 1.000000e+10 : f32
    %broadcast_in_dim3A_43 = vector.broadcast %broadcast_in_dim3A_42 : f32 to vector<8x4096xf32>
    %broadcast_in_dim3A_44 = arith.constant 0 : i32
    %broadcast_in_dim3A_45 = vector.broadcast %broadcast_in_dim3A_44 : i32 to vector<8x1xi32>
    %scan3A = arith.constant 0 : i32
    %scan3A_46 = arith.constant 1024 : i32
    %scan3A_47 = arith.addi %scan3A, %scan3A_46 : i32
    %scan3A_48 = arith.constant 1 : i32
    %scan3A_49:2 = scf.for %scan3A_51 = %scan3A to %scan3A_47 step %scan3A_48 iter_args(%scan3A_52 = %broadcast_in_dim3A_43, %scan3A_53 = %broadcast_in_dim3A_45) -> (vector<8x4096xf32>, vector<8x1xi32>)  : i32 {
      %get3A_54 = arith.constant 0 : index
      %get3A_55 = arith.constant 0 : index
      %get3A_56 = vector.load %arg1[%get3A_54, %get3A_55] : memref<8x1024xi32, #tpu.memory_space<vmem>>, vector<8x1024xi32>
      %eq3A = vector.broadcast %scan3A_51 : i32 to vector<8x1024xi32>
      %eq3A_57 = arith.cmpi eq, %iota3A_14, %eq3A : vector<8x1024xi32>
      %jit3A = arith.constant 1 : i32
      %jit3A_58 = arith.constant 0 : i32
      %broadcast_in_dim3A_59 = vector.broadcast %jit3A : i32 to vector<8x1024xi32>
      %broadcast_in_dim3A_60 = vector.broadcast %jit3A_58 : i32 to vector<8x1024xi32>
      %select_n3A = arith.select %eq3A_57, %broadcast_in_dim3A_59, %broadcast_in_dim3A_60 : vector<8x1024xi1>, vector<8x1024xi32>
      %mul3A = vector.broadcast %scan3A_53 : vector<8x1xi32> to vector<8x1024xi32>
      %mul3A_61 = arith.muli %select_n3A, %mul3A : vector<8x1024xi32>
      %add3A = arith.addi %get3A_56, %mul3A_61 : vector<8x1024xi32>
      %swap3A_62 = arith.constant 0 : index
      %swap3A_63 = arith.constant 0 : index
      %swap3A_64 = vector.load %arg1[%swap3A_62, %swap3A_63] : memref<8x1024xi32, #tpu.memory_space<vmem>>, vector<8x1024xi32>
      tpu.vector_store %arg1[%swap3A_62, %swap3A_63], %add3A {strides = array<i32>} : memref<8x1024xi32, #tpu.memory_space<vmem>>, vector<8x1024xi32>,
      %eq3A_65 = vector.broadcast %scan3A_53 : vector<8x1xi32> to vector<8x4096xi32>
      %eq3A_66 = arith.cmpi eq, %iota3A, %eq3A_65 : vector<8x4096xi32>
      %jit3A_67 = arith.constant 0.000000e+00 : f32
      %broadcast_in_dim3A_68 = vector.broadcast %jit3A_67 : f32 to vector<8x4096xf32>
      %select_n3A_69 = arith.select %eq3A_66, %get3A_3, %broadcast_in_dim3A_68 : vector<8x4096xi1>, vector<8x4096xf32>
      %reduce_sum3A = arith.constant dense<0.000000e+00> : vector<8xf32>
      %reduce_sum3A_70 = vector.multi_reduction <add>, %select_n3A_69, %reduce_sum3A [1] : vector<8x4096xf32> to vector<8xf32>
      %broadcast_in_dim3A_71 = vector.shape_cast %reduce_sum3A_70 : vector<8xf32> to vector<8x1xf32>
      %jit3A_72 = arith.constant 0.000000e+00 : f32
      %broadcast_in_dim3A_73 = vector.broadcast %jit3A_72 : f32 to vector<8x4096xf32>
      %select_n3A_74 = arith.select %eq3A_66, %get3A_8, %broadcast_in_dim3A_73 : vector<8x4096xi1>, vector<8x4096xf32>
      %reduce_sum3A_75 = arith.constant dense<0.000000e+00> : vector<8xf32>
      %reduce_sum3A_76 = vector.multi_reduction <add>, %select_n3A_74, %reduce_sum3A_75 [1] : vector<8x4096xf32> to vector<8xf32>
      %broadcast_in_dim3A_77 = vector.shape_cast %reduce_sum3A_76 : vector<8xf32> to vector<8x1xf32>
      %jit3A_78 = arith.constant 0.000000e+00 : f32
      %broadcast_in_dim3A_79 = vector.broadcast %jit3A_78 : f32 to vector<8x4096xf32>
      %select_n3A_80 = arith.select %eq3A_66, %get3A_13, %broadcast_in_dim3A_79 : vector<8x4096xi1>, vector<8x4096xf32>
      %reduce_sum3A_81 = arith.constant dense<0.000000e+00> : vector<8xf32>
      %reduce_sum3A_82 = vector.multi_reduction <add>, %select_n3A_80, %reduce_sum3A_81 [1] : vector<8x4096xf32> to vector<8xf32>
      %broadcast_in_dim3A_83 = vector.shape_cast %reduce_sum3A_82 : vector<8xf32> to vector<8x1xf32>
      %eq3A_84 = vector.broadcast %scan3A_51 : i32 to vector<8x1024xi32>
      %eq3A_85 = arith.cmpi eq, %iota3A_14, %eq3A_84 : vector<8x1024xi32>
      %jit3A_86 = arith.constant 1.000000e+00 : f32
      %jit3A_87 = arith.constant 0.000000e+00 : f32
      %broadcast_in_dim3A_88 = vector.broadcast %jit3A_86 : f32 to vector<8x1024xf32>
      %broadcast_in_dim3A_89 = vector.broadcast %jit3A_87 : f32 to vector<8x1024xf32>
      %select_n3A_90 = arith.select %eq3A_85, %broadcast_in_dim3A_88, %broadcast_in_dim3A_89 : vector<8x1024xi1>, vector<8x1024xf32>
      %get3A_91 = arith.constant 0 : index
      %get3A_92 = arith.constant 0 : index
      %get3A_93 = arith.constant 0 : index
      %get3A_94 = vector.load %arg2[%get3A_91, %get3A_92, %get3A_93] : memref<3x8x1024xf32, #tpu.memory_space<vmem>>, vector<1x8x1024xf32>
      %get3A_95 = vector.shape_cast %get3A_94 : vector<1x8x1024xf32> to vector<8x1024xf32>
      %mul3A_96 = vector.broadcast %broadcast_in_dim3A_71 : vector<8x1xf32> to vector<8x1024xf32>
      %mul3A_97 = arith.mulf %select_n3A_90, %mul3A_96 : vector<8x1024xf32>
      %add3A_98 = arith.addf %get3A_95, %mul3A_97 : vector<8x1024xf32>
      %swap3A_99 = arith.constant 0 : index
      %swap3A_100 = arith.constant 0 : index
      %swap3A_101 = arith.constant 0 : index
      %swap3A_102 = vector.load %arg2[%swap3A_99, %swap3A_100, %swap3A_101] : memref<3x8x1024xf32, #tpu.memory_space<vmem>>, vector<1x8x1024xf32>
      %swap3A_103 = vector.shape_cast %swap3A_102 : vector<1x8x1024xf32> to vector<8x1024xf32>
      %swap3A_104 = vector.shape_cast %add3A_98 : vector<8x1024xf32> to vector<1x8x1024xf32>
      tpu.vector_store %arg2[%swap3A_99, %swap3A_100, %swap3A_101], %swap3A_104 {strides = array<i32>} : memref<3x8x1024xf32, #tpu.memory_space<vmem>>, vector<1x8x1024xf32>,
      %get3A_105 = arith.constant 1 : index
      %get3A_106 = arith.constant 0 : index
      %get3A_107 = arith.constant 0 : index
      %get3A_108 = vector.load %arg2[%get3A_105, %get3A_106, %get3A_107] : memref<3x8x1024xf32, #tpu.memory_space<vmem>>, vector<1x8x1024xf32>
      %get3A_109 = vector.shape_cast %get3A_108 : vector<1x8x1024xf32> to vector<8x1024xf32>
      %mul3A_110 = vector.broadcast %broadcast_in_dim3A_77 : vector<8x1xf32> to vector<8x1024xf32>
      %mul3A_111 = arith.mulf %select_n3A_90, %mul3A_110 : vector<8x1024xf32>
      %add3A_112 = arith.addf %get3A_109, %mul3A_111 : vector<8x1024xf32>
      %swap3A_113 = arith.constant 1 : index
      %swap3A_114 = arith.constant 0 : index
      %swap3A_115 = arith.constant 0 : index
      %swap3A_116 = vector.load %arg2[%swap3A_113, %swap3A_114, %swap3A_115] : memref<3x8x1024xf32, #tpu.memory_space<vmem>>, vector<1x8x1024xf32>
      %swap3A_117 = vector.shape_cast %swap3A_116 : vector<1x8x1024xf32> to vector<8x1024xf32>
      %swap3A_118 = vector.shape_cast %add3A_112 : vector<8x1024xf32> to vector<1x8x1024xf32>
      tpu.vector_store %arg2[%swap3A_113, %swap3A_114, %swap3A_115], %swap3A_118 {strides = array<i32>} : memref<3x8x1024xf32, #tpu.memory_space<vmem>>, vector<1x8x1024xf32>,
      %get3A_119 = arith.constant 2 : index
      %get3A_120 = arith.constant 0 : index
      %get3A_121 = arith.constant 0 : index
      %get3A_122 = vector.load %arg2[%get3A_119, %get3A_120, %get3A_121] : memref<3x8x1024xf32, #tpu.memory_space<vmem>>, vector<1x8x1024xf32>
      %get3A_123 = vector.shape_cast %get3A_122 : vector<1x8x1024xf32> to vector<8x1024xf32>
      %mul3A_124 = vector.broadcast %broadcast_in_dim3A_83 : vector<8x1xf32> to vector<8x1024xf32>
      %mul3A_125 = arith.mulf %select_n3A_90, %mul3A_124 : vector<8x1024xf32>
      %add3A_126 = arith.addf %get3A_123, %mul3A_125 : vector<8x1024xf32>
      %swap3A_127 = arith.constant 2 : index
      %swap3A_128 = arith.constant 0 : index
      %swap3A_129 = arith.constant 0 : index
      %swap3A_130 = vector.load %arg2[%swap3A_127, %swap3A_128, %swap3A_129] : memref<3x8x1024xf32, #tpu.memory_space<vmem>>, vector<1x8x1024xf32>
      %swap3A_131 = vector.shape_cast %swap3A_130 : vector<1x8x1024xf32> to vector<8x1024xf32>
      %swap3A_132 = vector.shape_cast %add3A_126 : vector<8x1024xf32> to vector<1x8x1024xf32>
      tpu.vector_store %arg2[%swap3A_127, %swap3A_128, %swap3A_129], %swap3A_132 {strides = array<i32>} : memref<3x8x1024xf32, #tpu.memory_space<vmem>>, vector<1x8x1024xf32>,
      %sub3A = vector.broadcast %broadcast_in_dim3A_71 : vector<8x1xf32> to vector<8x4096xf32>
      %sub3A_133 = arith.subf %get3A_3, %sub3A : vector<8x4096xf32>
      %sub3A_134 = vector.broadcast %broadcast_in_dim3A_77 : vector<8x1xf32> to vector<8x4096xf32>
      %sub3A_135 = arith.subf %get3A_8, %sub3A_134 : vector<8x4096xf32>
      %sub3A_136 = vector.broadcast %broadcast_in_dim3A_83 : vector<8x1xf32> to vector<8x4096xf32>
      %sub3A_137 = arith.subf %get3A_13, %sub3A_136 : vector<8x4096xf32>
      %mul3A_138 = arith.mulf %sub3A_133, %sub3A_133 : vector<8x4096xf32>
      %mul3A_139 = arith.mulf %sub3A_135, %sub3A_135 : vector<8x4096xf32>
      %add3A_140 = arith.addf %mul3A_138, %mul3A_139 : vector<8x4096xf32>
      %mul3A_141 = arith.mulf %sub3A_137, %sub3A_137 : vector<8x4096xf32>
      %add3A_142 = arith.addf %add3A_140, %mul3A_141 : vector<8x4096xf32>
      %min3A = arith.minimumf %scan3A_52, %add3A_142 : vector<8x4096xf32>
      %reduce_max3A = arith.constant dense<0xFF800000> : vector<8xf32>
      %reduce_max3A_143 = vector.multi_reduction <maximumf>, %min3A, %reduce_max3A [1] : vector<8x4096xf32> to vector<8xf32>
      %broadcast_in_dim3A_144 = vector.shape_cast %reduce_max3A_143 : vector<8xf32> to vector<8x1xf32>
      %eq3A_145 = vector.broadcast %broadcast_in_dim3A_144 : vector<8x1xf32> to vector<8x4096xf32>
      %eq3A_146 = arith.cmpf oeq, %min3A, %eq3A_145 : vector<8x4096xf32>
      %jit3A_147 = arith.constant 4096 : i32
      %broadcast_in_dim3A_148 = vector.broadcast %jit3A_147 : i32 to vector<8x4096xi32>
      %select_n3A_149 = arith.select %eq3A_146, %iota3A, %broadcast_in_dim3A_148 : vector<8x4096xi1>, vector<8x4096xi32>
      %reduce_min3A = arith.constant dense<2147483647> : vector<8xi32>
      %reduce_min3A_150 = vector.multi_reduction <minsi>, %select_n3A_149, %reduce_min3A [1] : vector<8x4096xi32> to vector<8xi32>
      %broadcast_in_dim3A_151 = vector.shape_cast %reduce_min3A_150 : vector<8xi32> to vector<8x1xi32>
      scf.yield %min3A, %broadcast_in_dim3A_151 : vector<8x4096xf32>, vector<8x1xi32>
    }
    %scan3A_50 = arith.constant 1024 : i32
    return
  }
}

module attributes {stable_mosaic.version = 14 : i64} {
  func.func @_knn_body(%arg0: i32, %arg1: i32, %arg2: memref<3x1x1x4096xf32, #tpu.memory_space<vmem>>, %arg3: memref<3x1x1x128x1xf32, #tpu.memory_space<vmem>>, %arg4: memref<1x1x128x32xi32, #tpu.memory_space<vmem>>) attributes {dimension_semantics = [#tpu.dimension_semantics<arbitrary>, #tpu.dimension_semantics<arbitrary>], iteration_bounds = array<i64: 8, 8>, scalar_prefetch = 0 : i64, scratch_operands = 0 : i64, tpu.core_type = #tpu.core_type<tc>, window_params = [{transform_indices = @transform_0, window_bounds = array<i64: 3, 1, 1, 4096>}, {transform_indices = @transform_1, window_bounds = array<i64: 3, 1, 1, 128, 1>}, {transform_indices = @transform_2, window_bounds = array<i64: 1, 1, 128, 32>}]} {
    %get3A = arith.constant 0 : index
    %get3A_0 = arith.constant 0 : index
    %get3A_1 = arith.constant 0 : index
    %get3A_2 = arith.constant 0 : index
    %get3A_3 = vector.load %arg2[%get3A, %get3A_0, %get3A_1, %get3A_2] : memref<3x1x1x4096xf32, #tpu.memory_space<vmem>>, vector<1x1x1x4096xf32>
    %get3A_4 = vector.shape_cast %get3A_3 : vector<1x1x1x4096xf32> to vector<1x4096xf32>
    %get3A_5 = arith.constant 1 : index
    %get3A_6 = arith.constant 0 : index
    %get3A_7 = arith.constant 0 : index
    %get3A_8 = arith.constant 0 : index
    %get3A_9 = vector.load %arg2[%get3A_5, %get3A_6, %get3A_7, %get3A_8] : memref<3x1x1x4096xf32, #tpu.memory_space<vmem>>, vector<1x1x1x4096xf32>
    %get3A_10 = vector.shape_cast %get3A_9 : vector<1x1x1x4096xf32> to vector<1x4096xf32>
    %get3A_11 = arith.constant 2 : index
    %get3A_12 = arith.constant 0 : index
    %get3A_13 = arith.constant 0 : index
    %get3A_14 = arith.constant 0 : index
    %get3A_15 = vector.load %arg2[%get3A_11, %get3A_12, %get3A_13, %get3A_14] : memref<3x1x1x4096xf32, #tpu.memory_space<vmem>>, vector<1x1x1x4096xf32>
    %get3A_16 = vector.shape_cast %get3A_15 : vector<1x1x1x4096xf32> to vector<1x4096xf32>
    %get3A_17 = arith.constant 0 : index
    %get3A_18 = arith.constant 0 : index
    %get3A_19 = arith.constant 0 : index
    %get3A_20 = arith.constant 0 : index
    %get3A_21 = arith.constant 0 : index
    %get3A_22 = vector.load %arg3[%get3A_17, %get3A_18, %get3A_19, %get3A_20, %get3A_21] : memref<3x1x1x128x1xf32, #tpu.memory_space<vmem>>, vector<1x1x1x128x1xf32>
    %get3A_23 = vector.shape_cast %get3A_22 : vector<1x1x1x128x1xf32> to vector<128x1xf32>
    %get3A_24 = arith.constant 1 : index
    %get3A_25 = arith.constant 0 : index
    %get3A_26 = arith.constant 0 : index
    %get3A_27 = arith.constant 0 : index
    %get3A_28 = arith.constant 0 : index
    %get3A_29 = vector.load %arg3[%get3A_24, %get3A_25, %get3A_26, %get3A_27, %get3A_28] : memref<3x1x1x128x1xf32, #tpu.memory_space<vmem>>, vector<1x1x1x128x1xf32>
    %get3A_30 = vector.shape_cast %get3A_29 : vector<1x1x1x128x1xf32> to vector<128x1xf32>
    %get3A_31 = arith.constant 2 : index
    %get3A_32 = arith.constant 0 : index
    %get3A_33 = arith.constant 0 : index
    %get3A_34 = arith.constant 0 : index
    %get3A_35 = arith.constant 0 : index
    %get3A_36 = vector.load %arg3[%get3A_31, %get3A_32, %get3A_33, %get3A_34, %get3A_35] : memref<3x1x1x128x1xf32, #tpu.memory_space<vmem>>, vector<1x1x1x128x1xf32>
    %get3A_37 = vector.shape_cast %get3A_36 : vector<1x1x1x128x1xf32> to vector<128x1xf32>
    %convert_element_type3A = arith.truncf %get3A_23 : vector<128x1xf32> to vector<128x1xbf16>
    %convert_element_type3A_38 = arith.extf %convert_element_type3A : vector<128x1xbf16> to vector<128x1xf32>
    %convert_element_type3A_39 = arith.truncf %get3A_4 : vector<1x4096xf32> to vector<1x4096xbf16>
    %convert_element_type3A_40 = arith.extf %convert_element_type3A_39 : vector<1x4096xbf16> to vector<1x4096xf32>
    %mul3A = vector.broadcast %convert_element_type3A_38 : vector<128x1xf32> to vector<128x4096xf32>
    %mul3A_41 = vector.broadcast %convert_element_type3A_40 : vector<1x4096xf32> to vector<128x4096xf32>
    %mul3A_42 = arith.mulf %mul3A, %mul3A_41 : vector<128x4096xf32>
    %convert_element_type3A_43 = arith.truncf %get3A_30 : vector<128x1xf32> to vector<128x1xbf16>
    %convert_element_type3A_44 = arith.extf %convert_element_type3A_43 : vector<128x1xbf16> to vector<128x1xf32>
    %convert_element_type3A_45 = arith.truncf %get3A_10 : vector<1x4096xf32> to vector<1x4096xbf16>
    %convert_element_type3A_46 = arith.extf %convert_element_type3A_45 : vector<1x4096xbf16> to vector<1x4096xf32>
    %mul3A_47 = vector.broadcast %convert_element_type3A_44 : vector<128x1xf32> to vector<128x4096xf32>
    %mul3A_48 = vector.broadcast %convert_element_type3A_46 : vector<1x4096xf32> to vector<128x4096xf32>
    %mul3A_49 = arith.mulf %mul3A_47, %mul3A_48 : vector<128x4096xf32>
    %convert_element_type3A_50 = arith.truncf %get3A_37 : vector<128x1xf32> to vector<128x1xbf16>
    %convert_element_type3A_51 = arith.extf %convert_element_type3A_50 : vector<128x1xbf16> to vector<128x1xf32>
    %convert_element_type3A_52 = arith.truncf %get3A_16 : vector<1x4096xf32> to vector<1x4096xbf16>
    %convert_element_type3A_53 = arith.extf %convert_element_type3A_52 : vector<1x4096xbf16> to vector<1x4096xf32>
    %mul3A_54 = vector.broadcast %convert_element_type3A_51 : vector<128x1xf32> to vector<128x4096xf32>
    %mul3A_55 = vector.broadcast %convert_element_type3A_53 : vector<1x4096xf32> to vector<128x4096xf32>
    %mul3A_56 = arith.mulf %mul3A_54, %mul3A_55 : vector<128x4096xf32>
    %mul3A_57 = arith.mulf %get3A_23, %get3A_23 : vector<128x1xf32>
    %mul3A_58 = arith.mulf %get3A_30, %get3A_30 : vector<128x1xf32>
    %add3A = arith.addf %mul3A_57, %mul3A_58 : vector<128x1xf32>
    %mul3A_59 = arith.mulf %get3A_37, %get3A_37 : vector<128x1xf32>
    %add3A_60 = arith.addf %add3A, %mul3A_59 : vector<128x1xf32>
    %mul3A_61 = arith.mulf %get3A_4, %get3A_4 : vector<1x4096xf32>
    %mul3A_62 = arith.mulf %get3A_10, %get3A_10 : vector<1x4096xf32>
    %add3A_63 = arith.addf %mul3A_61, %mul3A_62 : vector<1x4096xf32>
    %mul3A_64 = arith.mulf %get3A_16, %get3A_16 : vector<1x4096xf32>
    %add3A_65 = arith.addf %add3A_63, %mul3A_64 : vector<1x4096xf32>
    %add3A_66 = arith.addf %mul3A_42, %mul3A_49 : vector<128x4096xf32>
    %sub3A = arith.subf %add3A_66, %mul3A_42 : vector<128x4096xf32>
    %sub3A_67 = arith.subf %add3A_66, %sub3A : vector<128x4096xf32>
    %sub3A_68 = arith.subf %mul3A_42, %sub3A_67 : vector<128x4096xf32>
    %sub3A_69 = arith.subf %mul3A_49, %sub3A : vector<128x4096xf32>
    %add3A_70 = arith.addf %sub3A_68, %sub3A_69 : vector<128x4096xf32>
    %add3A_71 = arith.addf %add3A_66, %mul3A_56 : vector<128x4096xf32>
    %sub3A_72 = arith.subf %add3A_71, %add3A_66 : vector<128x4096xf32>
    %sub3A_73 = arith.subf %add3A_71, %sub3A_72 : vector<128x4096xf32>
    %sub3A_74 = arith.subf %add3A_66, %sub3A_73 : vector<128x4096xf32>
    %sub3A_75 = arith.subf %mul3A_56, %sub3A_72 : vector<128x4096xf32>
    %add3A_76 = arith.addf %sub3A_74, %sub3A_75 : vector<128x4096xf32>
    %add3A_77 = arith.addf %add3A_70, %add3A_76 : vector<128x4096xf32>
    %add3A_78 = arith.addf %add3A_71, %add3A_77 : vector<128x4096xf32>
    %mul3A_79 = arith.constant -2.000000e+00 : f32
    %mul3A_80 = vector.broadcast %mul3A_79 : f32 to vector<128x4096xf32>
    %mul3A_81 = arith.mulf %mul3A_80, %add3A_78 : vector<128x4096xf32>
    %add3A_82 = vector.broadcast %add3A_60 : vector<128x1xf32> to vector<128x4096xf32>
    %add3A_83 = arith.addf %mul3A_81, %add3A_82 : vector<128x4096xf32>
    %add3A_84 = vector.broadcast %add3A_65 : vector<1x4096xf32> to vector<128x4096xf32>
    %add3A_85 = arith.addf %add3A_83, %add3A_84 : vector<128x4096xf32>
    %iota3A = tpu.iota {dimensions = array<i32: 1>} : vector<128x4096xi32>
    %reduce_min3A = arith.constant dense<0x7F800000> : vector<128xf32>
    %reduce_min3A_86 = vector.multi_reduction <minimumf>, %add3A_85, %reduce_min3A [1] : vector<128x4096xf32> to vector<128xf32>
    %broadcast_in_dim3A = vector.shape_cast %reduce_min3A_86 : vector<128xf32> to vector<128x1xf32>
    %eq3A = vector.broadcast %broadcast_in_dim3A : vector<128x1xf32> to vector<128x4096xf32>
    %eq3A_87 = arith.cmpf oeq, %add3A_85, %eq3A : vector<128x4096xf32>
    %jit3A = arith.constant 4096 : i32
    %broadcast_in_dim3A_88 = vector.broadcast %jit3A : i32 to vector<128x4096xi32>
    %select_n3A = arith.select %eq3A_87, %iota3A, %broadcast_in_dim3A_88 : vector<128x4096xi1>, vector<128x4096xi32>
    %reduce_min3A_89 = arith.constant dense<2147483647> : vector<128xi32>
    %reduce_min3A_90 = vector.multi_reduction <minsi>, %select_n3A, %reduce_min3A_89 [1] : vector<128x4096xi32> to vector<128xi32>
    %broadcast_in_dim3A_91 = vector.shape_cast %reduce_min3A_90 : vector<128xi32> to vector<128x1xi32>
    %eq3A_92 = vector.broadcast %broadcast_in_dim3A_91 : vector<128x1xi32> to vector<128x4096xi32>
    %eq3A_93 = arith.cmpi eq, %iota3A, %eq3A_92 : vector<128x4096xi32>
    %jit3A_94 = arith.constant 0x7F800000 : f32
    %broadcast_in_dim3A_95 = vector.broadcast %jit3A_94 : f32 to vector<128x4096xf32>
    %select_n3A_96 = arith.select %eq3A_93, %broadcast_in_dim3A_95, %add3A_85 : vector<128x4096xi1>, vector<128x4096xf32>
    %reduce_min3A_97 = arith.constant dense<0x7F800000> : vector<128xf32>
    %reduce_min3A_98 = vector.multi_reduction <minimumf>, %select_n3A_96, %reduce_min3A_97 [1] : vector<128x4096xf32> to vector<128xf32>
    %broadcast_in_dim3A_99 = vector.shape_cast %reduce_min3A_98 : vector<128xf32> to vector<128x1xf32>
    %eq3A_100 = vector.broadcast %broadcast_in_dim3A_99 : vector<128x1xf32> to vector<128x4096xf32>
    %eq3A_101 = arith.cmpf oeq, %select_n3A_96, %eq3A_100 : vector<128x4096xf32>
    %jit3A_102 = arith.constant 4096 : i32
    %broadcast_in_dim3A_103 = vector.broadcast %jit3A_102 : i32 to vector<128x4096xi32>
    %select_n3A_104 = arith.select %eq3A_101, %iota3A, %broadcast_in_dim3A_103 : vector<128x4096xi1>, vector<128x4096xi32>
    %reduce_min3A_105 = arith.constant dense<2147483647> : vector<128xi32>
    %reduce_min3A_106 = vector.multi_reduction <minsi>, %select_n3A_104, %reduce_min3A_105 [1] : vector<128x4096xi32> to vector<128xi32>
    %broadcast_in_dim3A_107 = vector.shape_cast %reduce_min3A_106 : vector<128xi32> to vector<128x1xi32>
    %eq3A_108 = vector.broadcast %broadcast_in_dim3A_107 : vector<128x1xi32> to vector<128x4096xi32>
    %eq3A_109 = arith.cmpi eq, %iota3A, %eq3A_108 : vector<128x4096xi32>
    %jit3A_110 = arith.constant 0x7F800000 : f32
    %broadcast_in_dim3A_111 = vector.broadcast %jit3A_110 : f32 to vector<128x4096xf32>
    %select_n3A_112 = arith.select %eq3A_109, %broadcast_in_dim3A_111, %select_n3A_96 : vector<128x4096xi1>, vector<128x4096xf32>
    %reduce_min3A_113 = arith.constant dense<0x7F800000> : vector<128xf32>
    %reduce_min3A_114 = vector.multi_reduction <minimumf>, %select_n3A_112, %reduce_min3A_113 [1] : vector<128x4096xf32> to vector<128xf32>
    %broadcast_in_dim3A_115 = vector.shape_cast %reduce_min3A_114 : vector<128xf32> to vector<128x1xf32>
    %eq3A_116 = vector.broadcast %broadcast_in_dim3A_115 : vector<128x1xf32> to vector<128x4096xf32>
    %eq3A_117 = arith.cmpf oeq, %select_n3A_112, %eq3A_116 : vector<128x4096xf32>
    %jit3A_118 = arith.constant 4096 : i32
    %broadcast_in_dim3A_119 = vector.broadcast %jit3A_118 : i32 to vector<128x4096xi32>
    %select_n3A_120 = arith.select %eq3A_117, %iota3A, %broadcast_in_dim3A_119 : vector<128x4096xi1>, vector<128x4096xi32>
    %reduce_min3A_121 = arith.constant dense<2147483647> : vector<128xi32>
    %reduce_min3A_122 = vector.multi_reduction <minsi>, %select_n3A_120, %reduce_min3A_121 [1] : vector<128x4096xi32> to vector<128xi32>
    %broadcast_in_dim3A_123 = vector.shape_cast %reduce_min3A_122 : vector<128xi32> to vector<128x1xi32>
    %eq3A_124 = vector.broadcast %broadcast_in_dim3A_123 : vector<128x1xi32> to vector<128x4096xi32>
    %eq3A_125 = arith.cmpi eq, %iota3A, %eq3A_124 : vector<128x4096xi32>
    %jit3A_126 = arith.constant 0x7F800000 : f32
    %broadcast_in_dim3A_127 = vector.broadcast %jit3A_126 : f32 to vector<128x4096xf32>
    %select_n3A_128 = arith.select %eq3A_125, %broadcast_in_dim3A_127, %select_n3A_112 : vector<128x4096xi1>, vector<128x4096xf32>
    %reduce_min3A_129 = arith.constant dense<0x7F800000> : vector<128xf32>
    %reduce_min3A_130 = vector.multi_reduction <minimumf>, %select_n3A_128, %reduce_min3A_129 [1] : vector<128x4096xf32> to vector<128xf32>
    %broadcast_in_dim3A_131 = vector.shape_cast %reduce_min3A_130 : vector<128xf32> to vector<128x1xf32>
    %eq3A_132 = vector.broadcast %broadcast_in_dim3A_131 : vector<128x1xf32> to vector<128x4096xf32>
    %eq3A_133 = arith.cmpf oeq, %select_n3A_128, %eq3A_132 : vector<128x4096xf32>
    %jit3A_134 = arith.constant 4096 : i32
    %broadcast_in_dim3A_135 = vector.broadcast %jit3A_134 : i32 to vector<128x4096xi32>
    %select_n3A_136 = arith.select %eq3A_133, %iota3A, %broadcast_in_dim3A_135 : vector<128x4096xi1>, vector<128x4096xi32>
    %reduce_min3A_137 = arith.constant dense<2147483647> : vector<128xi32>
    %reduce_min3A_138 = vector.multi_reduction <minsi>, %select_n3A_136, %reduce_min3A_137 [1] : vector<128x4096xi32> to vector<128xi32>
    %broadcast_in_dim3A_139 = vector.shape_cast %reduce_min3A_138 : vector<128xi32> to vector<128x1xi32>
    %eq3A_140 = vector.broadcast %broadcast_in_dim3A_139 : vector<128x1xi32> to vector<128x4096xi32>
    %eq3A_141 = arith.cmpi eq, %iota3A, %eq3A_140 : vector<128x4096xi32>
    %jit3A_142 = arith.constant 0x7F800000 : f32
    %broadcast_in_dim3A_143 = vector.broadcast %jit3A_142 : f32 to vector<128x4096xf32>
    %select_n3A_144 = arith.select %eq3A_141, %broadcast_in_dim3A_143, %select_n3A_128 : vector<128x4096xi1>, vector<128x4096xf32>
    %reduce_min3A_145 = arith.constant dense<0x7F800000> : vector<128xf32>
    %reduce_min3A_146 = vector.multi_reduction <minimumf>, %select_n3A_144, %reduce_min3A_145 [1] : vector<128x4096xf32> to vector<128xf32>
    %broadcast_in_dim3A_147 = vector.shape_cast %reduce_min3A_146 : vector<128xf32> to vector<128x1xf32>
    %eq3A_148 = vector.broadcast %broadcast_in_dim3A_147 : vector<128x1xf32> to vector<128x4096xf32>
    %eq3A_149 = arith.cmpf oeq, %select_n3A_144, %eq3A_148 : vector<128x4096xf32>
    %jit3A_150 = arith.constant 4096 : i32
    %broadcast_in_dim3A_151 = vector.broadcast %jit3A_150 : i32 to vector<128x4096xi32>
    %select_n3A_152 = arith.select %eq3A_149, %iota3A, %broadcast_in_dim3A_151 : vector<128x4096xi1>, vector<128x4096xi32>
    %reduce_min3A_153 = arith.constant dense<2147483647> : vector<128xi32>
    %reduce_min3A_154 = vector.multi_reduction <minsi>, %select_n3A_152, %reduce_min3A_153 [1] : vector<128x4096xi32> to vector<128xi32>
    %broadcast_in_dim3A_155 = vector.shape_cast %reduce_min3A_154 : vector<128xi32> to vector<128x1xi32>
    %eq3A_156 = vector.broadcast %broadcast_in_dim3A_155 : vector<128x1xi32> to vector<128x4096xi32>
    %eq3A_157 = arith.cmpi eq, %iota3A, %eq3A_156 : vector<128x4096xi32>
    %jit3A_158 = arith.constant 0x7F800000 : f32
    %broadcast_in_dim3A_159 = vector.broadcast %jit3A_158 : f32 to vector<128x4096xf32>
    %select_n3A_160 = arith.select %eq3A_157, %broadcast_in_dim3A_159, %select_n3A_144 : vector<128x4096xi1>, vector<128x4096xf32>
    %reduce_min3A_161 = arith.constant dense<0x7F800000> : vector<128xf32>
    %reduce_min3A_162 = vector.multi_reduction <minimumf>, %select_n3A_160, %reduce_min3A_161 [1] : vector<128x4096xf32> to vector<128xf32>
    %broadcast_in_dim3A_163 = vector.shape_cast %reduce_min3A_162 : vector<128xf32> to vector<128x1xf32>
    %eq3A_164 = vector.broadcast %broadcast_in_dim3A_163 : vector<128x1xf32> to vector<128x4096xf32>
    %eq3A_165 = arith.cmpf oeq, %select_n3A_160, %eq3A_164 : vector<128x4096xf32>
    %jit3A_166 = arith.constant 4096 : i32
    %broadcast_in_dim3A_167 = vector.broadcast %jit3A_166 : i32 to vector<128x4096xi32>
    %select_n3A_168 = arith.select %eq3A_165, %iota3A, %broadcast_in_dim3A_167 : vector<128x4096xi1>, vector<128x4096xi32>
    %reduce_min3A_169 = arith.constant dense<2147483647> : vector<128xi32>
    %reduce_min3A_170 = vector.multi_reduction <minsi>, %select_n3A_168, %reduce_min3A_169 [1] : vector<128x4096xi32> to vector<128xi32>
    %broadcast_in_dim3A_171 = vector.shape_cast %reduce_min3A_170 : vector<128xi32> to vector<128x1xi32>
    %eq3A_172 = vector.broadcast %broadcast_in_dim3A_171 : vector<128x1xi32> to vector<128x4096xi32>
    %eq3A_173 = arith.cmpi eq, %iota3A, %eq3A_172 : vector<128x4096xi32>
    %jit3A_174 = arith.constant 0x7F800000 : f32
    %broadcast_in_dim3A_175 = vector.broadcast %jit3A_174 : f32 to vector<128x4096xf32>
    %select_n3A_176 = arith.select %eq3A_173, %broadcast_in_dim3A_175, %select_n3A_160 : vector<128x4096xi1>, vector<128x4096xf32>
    %reduce_min3A_177 = arith.constant dense<0x7F800000> : vector<128xf32>
    %reduce_min3A_178 = vector.multi_reduction <minimumf>, %select_n3A_176, %reduce_min3A_177 [1] : vector<128x4096xf32> to vector<128xf32>
    %broadcast_in_dim3A_179 = vector.shape_cast %reduce_min3A_178 : vector<128xf32> to vector<128x1xf32>
    %eq3A_180 = vector.broadcast %broadcast_in_dim3A_179 : vector<128x1xf32> to vector<128x4096xf32>
    %eq3A_181 = arith.cmpf oeq, %select_n3A_176, %eq3A_180 : vector<128x4096xf32>
    %jit3A_182 = arith.constant 4096 : i32
    %broadcast_in_dim3A_183 = vector.broadcast %jit3A_182 : i32 to vector<128x4096xi32>
    %select_n3A_184 = arith.select %eq3A_181, %iota3A, %broadcast_in_dim3A_183 : vector<128x4096xi1>, vector<128x4096xi32>
    %reduce_min3A_185 = arith.constant dense<2147483647> : vector<128xi32>
    %reduce_min3A_186 = vector.multi_reduction <minsi>, %select_n3A_184, %reduce_min3A_185 [1] : vector<128x4096xi32> to vector<128xi32>
    %broadcast_in_dim3A_187 = vector.shape_cast %reduce_min3A_186 : vector<128xi32> to vector<128x1xi32>
    %eq3A_188 = vector.broadcast %broadcast_in_dim3A_187 : vector<128x1xi32> to vector<128x4096xi32>
    %eq3A_189 = arith.cmpi eq, %iota3A, %eq3A_188 : vector<128x4096xi32>
    %jit3A_190 = arith.constant 0x7F800000 : f32
    %broadcast_in_dim3A_191 = vector.broadcast %jit3A_190 : f32 to vector<128x4096xf32>
    %select_n3A_192 = arith.select %eq3A_189, %broadcast_in_dim3A_191, %select_n3A_176 : vector<128x4096xi1>, vector<128x4096xf32>
    %reduce_min3A_193 = arith.constant dense<0x7F800000> : vector<128xf32>
    %reduce_min3A_194 = vector.multi_reduction <minimumf>, %select_n3A_192, %reduce_min3A_193 [1] : vector<128x4096xf32> to vector<128xf32>
    %broadcast_in_dim3A_195 = vector.shape_cast %reduce_min3A_194 : vector<128xf32> to vector<128x1xf32>
    %eq3A_196 = vector.broadcast %broadcast_in_dim3A_195 : vector<128x1xf32> to vector<128x4096xf32>
    %eq3A_197 = arith.cmpf oeq, %select_n3A_192, %eq3A_196 : vector<128x4096xf32>
    %jit3A_198 = arith.constant 4096 : i32
    %broadcast_in_dim3A_199 = vector.broadcast %jit3A_198 : i32 to vector<128x4096xi32>
    %select_n3A_200 = arith.select %eq3A_197, %iota3A, %broadcast_in_dim3A_199 : vector<128x4096xi1>, vector<128x4096xi32>
    %reduce_min3A_201 = arith.constant dense<2147483647> : vector<128xi32>
    %reduce_min3A_202 = vector.multi_reduction <minsi>, %select_n3A_200, %reduce_min3A_201 [1] : vector<128x4096xi32> to vector<128xi32>
    %broadcast_in_dim3A_203 = vector.shape_cast %reduce_min3A_202 : vector<128xi32> to vector<128x1xi32>
    %eq3A_204 = vector.broadcast %broadcast_in_dim3A_203 : vector<128x1xi32> to vector<128x4096xi32>
    %eq3A_205 = arith.cmpi eq, %iota3A, %eq3A_204 : vector<128x4096xi32>
    %jit3A_206 = arith.constant 0x7F800000 : f32
    %broadcast_in_dim3A_207 = vector.broadcast %jit3A_206 : f32 to vector<128x4096xf32>
    %select_n3A_208 = arith.select %eq3A_205, %broadcast_in_dim3A_207, %select_n3A_192 : vector<128x4096xi1>, vector<128x4096xf32>
    %reduce_min3A_209 = arith.constant dense<0x7F800000> : vector<128xf32>
    %reduce_min3A_210 = vector.multi_reduction <minimumf>, %select_n3A_208, %reduce_min3A_209 [1] : vector<128x4096xf32> to vector<128xf32>
    %broadcast_in_dim3A_211 = vector.shape_cast %reduce_min3A_210 : vector<128xf32> to vector<128x1xf32>
    %eq3A_212 = vector.broadcast %broadcast_in_dim3A_211 : vector<128x1xf32> to vector<128x4096xf32>
    %eq3A_213 = arith.cmpf oeq, %select_n3A_208, %eq3A_212 : vector<128x4096xf32>
    %jit3A_214 = arith.constant 4096 : i32
    %broadcast_in_dim3A_215 = vector.broadcast %jit3A_214 : i32 to vector<128x4096xi32>
    %select_n3A_216 = arith.select %eq3A_213, %iota3A, %broadcast_in_dim3A_215 : vector<128x4096xi1>, vector<128x4096xi32>
    %reduce_min3A_217 = arith.constant dense<2147483647> : vector<128xi32>
    %reduce_min3A_218 = vector.multi_reduction <minsi>, %select_n3A_216, %reduce_min3A_217 [1] : vector<128x4096xi32> to vector<128xi32>
    %broadcast_in_dim3A_219 = vector.shape_cast %reduce_min3A_218 : vector<128xi32> to vector<128x1xi32>
    %eq3A_220 = vector.broadcast %broadcast_in_dim3A_219 : vector<128x1xi32> to vector<128x4096xi32>
    %eq3A_221 = arith.cmpi eq, %iota3A, %eq3A_220 : vector<128x4096xi32>
    %jit3A_222 = arith.constant 0x7F800000 : f32
    %broadcast_in_dim3A_223 = vector.broadcast %jit3A_222 : f32 to vector<128x4096xf32>
    %select_n3A_224 = arith.select %eq3A_221, %broadcast_in_dim3A_223, %select_n3A_208 : vector<128x4096xi1>, vector<128x4096xf32>
    %reduce_min3A_225 = arith.constant dense<0x7F800000> : vector<128xf32>
    %reduce_min3A_226 = vector.multi_reduction <minimumf>, %select_n3A_224, %reduce_min3A_225 [1] : vector<128x4096xf32> to vector<128xf32>
    %broadcast_in_dim3A_227 = vector.shape_cast %reduce_min3A_226 : vector<128xf32> to vector<128x1xf32>
    %eq3A_228 = vector.broadcast %broadcast_in_dim3A_227 : vector<128x1xf32> to vector<128x4096xf32>
    %eq3A_229 = arith.cmpf oeq, %select_n3A_224, %eq3A_228 : vector<128x4096xf32>
    %jit3A_230 = arith.constant 4096 : i32
    %broadcast_in_dim3A_231 = vector.broadcast %jit3A_230 : i32 to vector<128x4096xi32>
    %select_n3A_232 = arith.select %eq3A_229, %iota3A, %broadcast_in_dim3A_231 : vector<128x4096xi1>, vector<128x4096xi32>
    %reduce_min3A_233 = arith.constant dense<2147483647> : vector<128xi32>
    %reduce_min3A_234 = vector.multi_reduction <minsi>, %select_n3A_232, %reduce_min3A_233 [1] : vector<128x4096xi32> to vector<128xi32>
    %broadcast_in_dim3A_235 = vector.shape_cast %reduce_min3A_234 : vector<128xi32> to vector<128x1xi32>
    %eq3A_236 = vector.broadcast %broadcast_in_dim3A_235 : vector<128x1xi32> to vector<128x4096xi32>
    %eq3A_237 = arith.cmpi eq, %iota3A, %eq3A_236 : vector<128x4096xi32>
    %jit3A_238 = arith.constant 0x7F800000 : f32
    %broadcast_in_dim3A_239 = vector.broadcast %jit3A_238 : f32 to vector<128x4096xf32>
    %select_n3A_240 = arith.select %eq3A_237, %broadcast_in_dim3A_239, %select_n3A_224 : vector<128x4096xi1>, vector<128x4096xf32>
    %reduce_min3A_241 = arith.constant dense<0x7F800000> : vector<128xf32>
    %reduce_min3A_242 = vector.multi_reduction <minimumf>, %select_n3A_240, %reduce_min3A_241 [1] : vector<128x4096xf32> to vector<128xf32>
    %broadcast_in_dim3A_243 = vector.shape_cast %reduce_min3A_242 : vector<128xf32> to vector<128x1xf32>
    %eq3A_244 = vector.broadcast %broadcast_in_dim3A_243 : vector<128x1xf32> to vector<128x4096xf32>
    %eq3A_245 = arith.cmpf oeq, %select_n3A_240, %eq3A_244 : vector<128x4096xf32>
    %jit3A_246 = arith.constant 4096 : i32
    %broadcast_in_dim3A_247 = vector.broadcast %jit3A_246 : i32 to vector<128x4096xi32>
    %select_n3A_248 = arith.select %eq3A_245, %iota3A, %broadcast_in_dim3A_247 : vector<128x4096xi1>, vector<128x4096xi32>
    %reduce_min3A_249 = arith.constant dense<2147483647> : vector<128xi32>
    %reduce_min3A_250 = vector.multi_reduction <minsi>, %select_n3A_248, %reduce_min3A_249 [1] : vector<128x4096xi32> to vector<128xi32>
    %broadcast_in_dim3A_251 = vector.shape_cast %reduce_min3A_250 : vector<128xi32> to vector<128x1xi32>
    %eq3A_252 = vector.broadcast %broadcast_in_dim3A_251 : vector<128x1xi32> to vector<128x4096xi32>
    %eq3A_253 = arith.cmpi eq, %iota3A, %eq3A_252 : vector<128x4096xi32>
    %jit3A_254 = arith.constant 0x7F800000 : f32
    %broadcast_in_dim3A_255 = vector.broadcast %jit3A_254 : f32 to vector<128x4096xf32>
    %select_n3A_256 = arith.select %eq3A_253, %broadcast_in_dim3A_255, %select_n3A_240 : vector<128x4096xi1>, vector<128x4096xf32>
    %reduce_min3A_257 = arith.constant dense<0x7F800000> : vector<128xf32>
    %reduce_min3A_258 = vector.multi_reduction <minimumf>, %select_n3A_256, %reduce_min3A_257 [1] : vector<128x4096xf32> to vector<128xf32>
    %broadcast_in_dim3A_259 = vector.shape_cast %reduce_min3A_258 : vector<128xf32> to vector<128x1xf32>
    %eq3A_260 = vector.broadcast %broadcast_in_dim3A_259 : vector<128x1xf32> to vector<128x4096xf32>
    %eq3A_261 = arith.cmpf oeq, %select_n3A_256, %eq3A_260 : vector<128x4096xf32>
    %jit3A_262 = arith.constant 4096 : i32
    %broadcast_in_dim3A_263 = vector.broadcast %jit3A_262 : i32 to vector<128x4096xi32>
    %select_n3A_264 = arith.select %eq3A_261, %iota3A, %broadcast_in_dim3A_263 : vector<128x4096xi1>, vector<128x4096xi32>
    %reduce_min3A_265 = arith.constant dense<2147483647> : vector<128xi32>
    %reduce_min3A_266 = vector.multi_reduction <minsi>, %select_n3A_264, %reduce_min3A_265 [1] : vector<128x4096xi32> to vector<128xi32>
    %broadcast_in_dim3A_267 = vector.shape_cast %reduce_min3A_266 : vector<128xi32> to vector<128x1xi32>
    %eq3A_268 = vector.broadcast %broadcast_in_dim3A_267 : vector<128x1xi32> to vector<128x4096xi32>
    %eq3A_269 = arith.cmpi eq, %iota3A, %eq3A_268 : vector<128x4096xi32>
    %jit3A_270 = arith.constant 0x7F800000 : f32
    %broadcast_in_dim3A_271 = vector.broadcast %jit3A_270 : f32 to vector<128x4096xf32>
    %select_n3A_272 = arith.select %eq3A_269, %broadcast_in_dim3A_271, %select_n3A_256 : vector<128x4096xi1>, vector<128x4096xf32>
    %reduce_min3A_273 = arith.constant dense<0x7F800000> : vector<128xf32>
    %reduce_min3A_274 = vector.multi_reduction <minimumf>, %select_n3A_272, %reduce_min3A_273 [1] : vector<128x4096xf32> to vector<128xf32>
    %broadcast_in_dim3A_275 = vector.shape_cast %reduce_min3A_274 : vector<128xf32> to vector<128x1xf32>
    %eq3A_276 = vector.broadcast %broadcast_in_dim3A_275 : vector<128x1xf32> to vector<128x4096xf32>
    %eq3A_277 = arith.cmpf oeq, %select_n3A_272, %eq3A_276 : vector<128x4096xf32>
    %jit3A_278 = arith.constant 4096 : i32
    %broadcast_in_dim3A_279 = vector.broadcast %jit3A_278 : i32 to vector<128x4096xi32>
    %select_n3A_280 = arith.select %eq3A_277, %iota3A, %broadcast_in_dim3A_279 : vector<128x4096xi1>, vector<128x4096xi32>
    %reduce_min3A_281 = arith.constant dense<2147483647> : vector<128xi32>
    %reduce_min3A_282 = vector.multi_reduction <minsi>, %select_n3A_280, %reduce_min3A_281 [1] : vector<128x4096xi32> to vector<128xi32>
    %broadcast_in_dim3A_283 = vector.shape_cast %reduce_min3A_282 : vector<128xi32> to vector<128x1xi32>
    %eq3A_284 = vector.broadcast %broadcast_in_dim3A_283 : vector<128x1xi32> to vector<128x4096xi32>
    %eq3A_285 = arith.cmpi eq, %iota3A, %eq3A_284 : vector<128x4096xi32>
    %jit3A_286 = arith.constant 0x7F800000 : f32
    %broadcast_in_dim3A_287 = vector.broadcast %jit3A_286 : f32 to vector<128x4096xf32>
    %select_n3A_288 = arith.select %eq3A_285, %broadcast_in_dim3A_287, %select_n3A_272 : vector<128x4096xi1>, vector<128x4096xf32>
    %reduce_min3A_289 = arith.constant dense<0x7F800000> : vector<128xf32>
    %reduce_min3A_290 = vector.multi_reduction <minimumf>, %select_n3A_288, %reduce_min3A_289 [1] : vector<128x4096xf32> to vector<128xf32>
    %broadcast_in_dim3A_291 = vector.shape_cast %reduce_min3A_290 : vector<128xf32> to vector<128x1xf32>
    %eq3A_292 = vector.broadcast %broadcast_in_dim3A_291 : vector<128x1xf32> to vector<128x4096xf32>
    %eq3A_293 = arith.cmpf oeq, %select_n3A_288, %eq3A_292 : vector<128x4096xf32>
    %jit3A_294 = arith.constant 4096 : i32
    %broadcast_in_dim3A_295 = vector.broadcast %jit3A_294 : i32 to vector<128x4096xi32>
    %select_n3A_296 = arith.select %eq3A_293, %iota3A, %broadcast_in_dim3A_295 : vector<128x4096xi1>, vector<128x4096xi32>
    %reduce_min3A_297 = arith.constant dense<2147483647> : vector<128xi32>
    %reduce_min3A_298 = vector.multi_reduction <minsi>, %select_n3A_296, %reduce_min3A_297 [1] : vector<128x4096xi32> to vector<128xi32>
    %broadcast_in_dim3A_299 = vector.shape_cast %reduce_min3A_298 : vector<128xi32> to vector<128x1xi32>
    %eq3A_300 = vector.broadcast %broadcast_in_dim3A_299 : vector<128x1xi32> to vector<128x4096xi32>
    %eq3A_301 = arith.cmpi eq, %iota3A, %eq3A_300 : vector<128x4096xi32>
    %jit3A_302 = arith.constant 0x7F800000 : f32
    %broadcast_in_dim3A_303 = vector.broadcast %jit3A_302 : f32 to vector<128x4096xf32>
    %select_n3A_304 = arith.select %eq3A_301, %broadcast_in_dim3A_303, %select_n3A_288 : vector<128x4096xi1>, vector<128x4096xf32>
    %reduce_min3A_305 = arith.constant dense<0x7F800000> : vector<128xf32>
    %reduce_min3A_306 = vector.multi_reduction <minimumf>, %select_n3A_304, %reduce_min3A_305 [1] : vector<128x4096xf32> to vector<128xf32>
    %broadcast_in_dim3A_307 = vector.shape_cast %reduce_min3A_306 : vector<128xf32> to vector<128x1xf32>
    %eq3A_308 = vector.broadcast %broadcast_in_dim3A_307 : vector<128x1xf32> to vector<128x4096xf32>
    %eq3A_309 = arith.cmpf oeq, %select_n3A_304, %eq3A_308 : vector<128x4096xf32>
    %jit3A_310 = arith.constant 4096 : i32
    %broadcast_in_dim3A_311 = vector.broadcast %jit3A_310 : i32 to vector<128x4096xi32>
    %select_n3A_312 = arith.select %eq3A_309, %iota3A, %broadcast_in_dim3A_311 : vector<128x4096xi1>, vector<128x4096xi32>
    %reduce_min3A_313 = arith.constant dense<2147483647> : vector<128xi32>
    %reduce_min3A_314 = vector.multi_reduction <minsi>, %select_n3A_312, %reduce_min3A_313 [1] : vector<128x4096xi32> to vector<128xi32>
    %broadcast_in_dim3A_315 = vector.shape_cast %reduce_min3A_314 : vector<128xi32> to vector<128x1xi32>
    %eq3A_316 = vector.broadcast %broadcast_in_dim3A_315 : vector<128x1xi32> to vector<128x4096xi32>
    %eq3A_317 = arith.cmpi eq, %iota3A, %eq3A_316 : vector<128x4096xi32>
    %jit3A_318 = arith.constant 0x7F800000 : f32
    %broadcast_in_dim3A_319 = vector.broadcast %jit3A_318 : f32 to vector<128x4096xf32>
    %select_n3A_320 = arith.select %eq3A_317, %broadcast_in_dim3A_319, %select_n3A_304 : vector<128x4096xi1>, vector<128x4096xf32>
    %reduce_min3A_321 = arith.constant dense<0x7F800000> : vector<128xf32>
    %reduce_min3A_322 = vector.multi_reduction <minimumf>, %select_n3A_320, %reduce_min3A_321 [1] : vector<128x4096xf32> to vector<128xf32>
    %broadcast_in_dim3A_323 = vector.shape_cast %reduce_min3A_322 : vector<128xf32> to vector<128x1xf32>
    %eq3A_324 = vector.broadcast %broadcast_in_dim3A_323 : vector<128x1xf32> to vector<128x4096xf32>
    %eq3A_325 = arith.cmpf oeq, %select_n3A_320, %eq3A_324 : vector<128x4096xf32>
    %jit3A_326 = arith.constant 4096 : i32
    %broadcast_in_dim3A_327 = vector.broadcast %jit3A_326 : i32 to vector<128x4096xi32>
    %select_n3A_328 = arith.select %eq3A_325, %iota3A, %broadcast_in_dim3A_327 : vector<128x4096xi1>, vector<128x4096xi32>
    %reduce_min3A_329 = arith.constant dense<2147483647> : vector<128xi32>
    %reduce_min3A_330 = vector.multi_reduction <minsi>, %select_n3A_328, %reduce_min3A_329 [1] : vector<128x4096xi32> to vector<128xi32>
    %broadcast_in_dim3A_331 = vector.shape_cast %reduce_min3A_330 : vector<128xi32> to vector<128x1xi32>
    %eq3A_332 = vector.broadcast %broadcast_in_dim3A_331 : vector<128x1xi32> to vector<128x4096xi32>
    %eq3A_333 = arith.cmpi eq, %iota3A, %eq3A_332 : vector<128x4096xi32>
    %jit3A_334 = arith.constant 0x7F800000 : f32
    %broadcast_in_dim3A_335 = vector.broadcast %jit3A_334 : f32 to vector<128x4096xf32>
    %select_n3A_336 = arith.select %eq3A_333, %broadcast_in_dim3A_335, %select_n3A_320 : vector<128x4096xi1>, vector<128x4096xf32>
    %reduce_min3A_337 = arith.constant dense<0x7F800000> : vector<128xf32>
    %reduce_min3A_338 = vector.multi_reduction <minimumf>, %select_n3A_336, %reduce_min3A_337 [1] : vector<128x4096xf32> to vector<128xf32>
    %broadcast_in_dim3A_339 = vector.shape_cast %reduce_min3A_338 : vector<128xf32> to vector<128x1xf32>
    %eq3A_340 = vector.broadcast %broadcast_in_dim3A_339 : vector<128x1xf32> to vector<128x4096xf32>
    %eq3A_341 = arith.cmpf oeq, %select_n3A_336, %eq3A_340 : vector<128x4096xf32>
    %jit3A_342 = arith.constant 4096 : i32
    %broadcast_in_dim3A_343 = vector.broadcast %jit3A_342 : i32 to vector<128x4096xi32>
    %select_n3A_344 = arith.select %eq3A_341, %iota3A, %broadcast_in_dim3A_343 : vector<128x4096xi1>, vector<128x4096xi32>
    %reduce_min3A_345 = arith.constant dense<2147483647> : vector<128xi32>
    %reduce_min3A_346 = vector.multi_reduction <minsi>, %select_n3A_344, %reduce_min3A_345 [1] : vector<128x4096xi32> to vector<128xi32>
    %broadcast_in_dim3A_347 = vector.shape_cast %reduce_min3A_346 : vector<128xi32> to vector<128x1xi32>
    %eq3A_348 = vector.broadcast %broadcast_in_dim3A_347 : vector<128x1xi32> to vector<128x4096xi32>
    %eq3A_349 = arith.cmpi eq, %iota3A, %eq3A_348 : vector<128x4096xi32>
    %jit3A_350 = arith.constant 0x7F800000 : f32
    %broadcast_in_dim3A_351 = vector.broadcast %jit3A_350 : f32 to vector<128x4096xf32>
    %select_n3A_352 = arith.select %eq3A_349, %broadcast_in_dim3A_351, %select_n3A_336 : vector<128x4096xi1>, vector<128x4096xf32>
    %reduce_min3A_353 = arith.constant dense<0x7F800000> : vector<128xf32>
    %reduce_min3A_354 = vector.multi_reduction <minimumf>, %select_n3A_352, %reduce_min3A_353 [1] : vector<128x4096xf32> to vector<128xf32>
    %broadcast_in_dim3A_355 = vector.shape_cast %reduce_min3A_354 : vector<128xf32> to vector<128x1xf32>
    %eq3A_356 = vector.broadcast %broadcast_in_dim3A_355 : vector<128x1xf32> to vector<128x4096xf32>
    %eq3A_357 = arith.cmpf oeq, %select_n3A_352, %eq3A_356 : vector<128x4096xf32>
    %jit3A_358 = arith.constant 4096 : i32
    %broadcast_in_dim3A_359 = vector.broadcast %jit3A_358 : i32 to vector<128x4096xi32>
    %select_n3A_360 = arith.select %eq3A_357, %iota3A, %broadcast_in_dim3A_359 : vector<128x4096xi1>, vector<128x4096xi32>
    %reduce_min3A_361 = arith.constant dense<2147483647> : vector<128xi32>
    %reduce_min3A_362 = vector.multi_reduction <minsi>, %select_n3A_360, %reduce_min3A_361 [1] : vector<128x4096xi32> to vector<128xi32>
    %broadcast_in_dim3A_363 = vector.shape_cast %reduce_min3A_362 : vector<128xi32> to vector<128x1xi32>
    %eq3A_364 = vector.broadcast %broadcast_in_dim3A_363 : vector<128x1xi32> to vector<128x4096xi32>
    %eq3A_365 = arith.cmpi eq, %iota3A, %eq3A_364 : vector<128x4096xi32>
    %jit3A_366 = arith.constant 0x7F800000 : f32
    %broadcast_in_dim3A_367 = vector.broadcast %jit3A_366 : f32 to vector<128x4096xf32>
    %select_n3A_368 = arith.select %eq3A_365, %broadcast_in_dim3A_367, %select_n3A_352 : vector<128x4096xi1>, vector<128x4096xf32>
    %reduce_min3A_369 = arith.constant dense<0x7F800000> : vector<128xf32>
    %reduce_min3A_370 = vector.multi_reduction <minimumf>, %select_n3A_368, %reduce_min3A_369 [1] : vector<128x4096xf32> to vector<128xf32>
    %broadcast_in_dim3A_371 = vector.shape_cast %reduce_min3A_370 : vector<128xf32> to vector<128x1xf32>
    %eq3A_372 = vector.broadcast %broadcast_in_dim3A_371 : vector<128x1xf32> to vector<128x4096xf32>
    %eq3A_373 = arith.cmpf oeq, %select_n3A_368, %eq3A_372 : vector<128x4096xf32>
    %jit3A_374 = arith.constant 4096 : i32
    %broadcast_in_dim3A_375 = vector.broadcast %jit3A_374 : i32 to vector<128x4096xi32>
    %select_n3A_376 = arith.select %eq3A_373, %iota3A, %broadcast_in_dim3A_375 : vector<128x4096xi1>, vector<128x4096xi32>
    %reduce_min3A_377 = arith.constant dense<2147483647> : vector<128xi32>
    %reduce_min3A_378 = vector.multi_reduction <minsi>, %select_n3A_376, %reduce_min3A_377 [1] : vector<128x4096xi32> to vector<128xi32>
    %broadcast_in_dim3A_379 = vector.shape_cast %reduce_min3A_378 : vector<128xi32> to vector<128x1xi32>
    %eq3A_380 = vector.broadcast %broadcast_in_dim3A_379 : vector<128x1xi32> to vector<128x4096xi32>
    %eq3A_381 = arith.cmpi eq, %iota3A, %eq3A_380 : vector<128x4096xi32>
    %jit3A_382 = arith.constant 0x7F800000 : f32
    %broadcast_in_dim3A_383 = vector.broadcast %jit3A_382 : f32 to vector<128x4096xf32>
    %select_n3A_384 = arith.select %eq3A_381, %broadcast_in_dim3A_383, %select_n3A_368 : vector<128x4096xi1>, vector<128x4096xf32>
    %reduce_min3A_385 = arith.constant dense<0x7F800000> : vector<128xf32>
    %reduce_min3A_386 = vector.multi_reduction <minimumf>, %select_n3A_384, %reduce_min3A_385 [1] : vector<128x4096xf32> to vector<128xf32>
    %broadcast_in_dim3A_387 = vector.shape_cast %reduce_min3A_386 : vector<128xf32> to vector<128x1xf32>
    %eq3A_388 = vector.broadcast %broadcast_in_dim3A_387 : vector<128x1xf32> to vector<128x4096xf32>
    %eq3A_389 = arith.cmpf oeq, %select_n3A_384, %eq3A_388 : vector<128x4096xf32>
    %jit3A_390 = arith.constant 4096 : i32
    %broadcast_in_dim3A_391 = vector.broadcast %jit3A_390 : i32 to vector<128x4096xi32>
    %select_n3A_392 = arith.select %eq3A_389, %iota3A, %broadcast_in_dim3A_391 : vector<128x4096xi1>, vector<128x4096xi32>
    %reduce_min3A_393 = arith.constant dense<2147483647> : vector<128xi32>
    %reduce_min3A_394 = vector.multi_reduction <minsi>, %select_n3A_392, %reduce_min3A_393 [1] : vector<128x4096xi32> to vector<128xi32>
    %broadcast_in_dim3A_395 = vector.shape_cast %reduce_min3A_394 : vector<128xi32> to vector<128x1xi32>
    %eq3A_396 = vector.broadcast %broadcast_in_dim3A_395 : vector<128x1xi32> to vector<128x4096xi32>
    %eq3A_397 = arith.cmpi eq, %iota3A, %eq3A_396 : vector<128x4096xi32>
    %jit3A_398 = arith.constant 0x7F800000 : f32
    %broadcast_in_dim3A_399 = vector.broadcast %jit3A_398 : f32 to vector<128x4096xf32>
    %select_n3A_400 = arith.select %eq3A_397, %broadcast_in_dim3A_399, %select_n3A_384 : vector<128x4096xi1>, vector<128x4096xf32>
    %reduce_min3A_401 = arith.constant dense<0x7F800000> : vector<128xf32>
    %reduce_min3A_402 = vector.multi_reduction <minimumf>, %select_n3A_400, %reduce_min3A_401 [1] : vector<128x4096xf32> to vector<128xf32>
    %broadcast_in_dim3A_403 = vector.shape_cast %reduce_min3A_402 : vector<128xf32> to vector<128x1xf32>
    %eq3A_404 = vector.broadcast %broadcast_in_dim3A_403 : vector<128x1xf32> to vector<128x4096xf32>
    %eq3A_405 = arith.cmpf oeq, %select_n3A_400, %eq3A_404 : vector<128x4096xf32>
    %jit3A_406 = arith.constant 4096 : i32
    %broadcast_in_dim3A_407 = vector.broadcast %jit3A_406 : i32 to vector<128x4096xi32>
    %select_n3A_408 = arith.select %eq3A_405, %iota3A, %broadcast_in_dim3A_407 : vector<128x4096xi1>, vector<128x4096xi32>
    %reduce_min3A_409 = arith.constant dense<2147483647> : vector<128xi32>
    %reduce_min3A_410 = vector.multi_reduction <minsi>, %select_n3A_408, %reduce_min3A_409 [1] : vector<128x4096xi32> to vector<128xi32>
    %broadcast_in_dim3A_411 = vector.shape_cast %reduce_min3A_410 : vector<128xi32> to vector<128x1xi32>
    %eq3A_412 = vector.broadcast %broadcast_in_dim3A_411 : vector<128x1xi32> to vector<128x4096xi32>
    %eq3A_413 = arith.cmpi eq, %iota3A, %eq3A_412 : vector<128x4096xi32>
    %jit3A_414 = arith.constant 0x7F800000 : f32
    %broadcast_in_dim3A_415 = vector.broadcast %jit3A_414 : f32 to vector<128x4096xf32>
    %select_n3A_416 = arith.select %eq3A_413, %broadcast_in_dim3A_415, %select_n3A_400 : vector<128x4096xi1>, vector<128x4096xf32>
    %reduce_min3A_417 = arith.constant dense<0x7F800000> : vector<128xf32>
    %reduce_min3A_418 = vector.multi_reduction <minimumf>, %select_n3A_416, %reduce_min3A_417 [1] : vector<128x4096xf32> to vector<128xf32>
    %broadcast_in_dim3A_419 = vector.shape_cast %reduce_min3A_418 : vector<128xf32> to vector<128x1xf32>
    %eq3A_420 = vector.broadcast %broadcast_in_dim3A_419 : vector<128x1xf32> to vector<128x4096xf32>
    %eq3A_421 = arith.cmpf oeq, %select_n3A_416, %eq3A_420 : vector<128x4096xf32>
    %jit3A_422 = arith.constant 4096 : i32
    %broadcast_in_dim3A_423 = vector.broadcast %jit3A_422 : i32 to vector<128x4096xi32>
    %select_n3A_424 = arith.select %eq3A_421, %iota3A, %broadcast_in_dim3A_423 : vector<128x4096xi1>, vector<128x4096xi32>
    %reduce_min3A_425 = arith.constant dense<2147483647> : vector<128xi32>
    %reduce_min3A_426 = vector.multi_reduction <minsi>, %select_n3A_424, %reduce_min3A_425 [1] : vector<128x4096xi32> to vector<128xi32>
    %broadcast_in_dim3A_427 = vector.shape_cast %reduce_min3A_426 : vector<128xi32> to vector<128x1xi32>
    %eq3A_428 = vector.broadcast %broadcast_in_dim3A_427 : vector<128x1xi32> to vector<128x4096xi32>
    %eq3A_429 = arith.cmpi eq, %iota3A, %eq3A_428 : vector<128x4096xi32>
    %jit3A_430 = arith.constant 0x7F800000 : f32
    %broadcast_in_dim3A_431 = vector.broadcast %jit3A_430 : f32 to vector<128x4096xf32>
    %select_n3A_432 = arith.select %eq3A_429, %broadcast_in_dim3A_431, %select_n3A_416 : vector<128x4096xi1>, vector<128x4096xf32>
    %reduce_min3A_433 = arith.constant dense<0x7F800000> : vector<128xf32>
    %reduce_min3A_434 = vector.multi_reduction <minimumf>, %select_n3A_432, %reduce_min3A_433 [1] : vector<128x4096xf32> to vector<128xf32>
    %broadcast_in_dim3A_435 = vector.shape_cast %reduce_min3A_434 : vector<128xf32> to vector<128x1xf32>
    %eq3A_436 = vector.broadcast %broadcast_in_dim3A_435 : vector<128x1xf32> to vector<128x4096xf32>
    %eq3A_437 = arith.cmpf oeq, %select_n3A_432, %eq3A_436 : vector<128x4096xf32>
    %jit3A_438 = arith.constant 4096 : i32
    %broadcast_in_dim3A_439 = vector.broadcast %jit3A_438 : i32 to vector<128x4096xi32>
    %select_n3A_440 = arith.select %eq3A_437, %iota3A, %broadcast_in_dim3A_439 : vector<128x4096xi1>, vector<128x4096xi32>
    %reduce_min3A_441 = arith.constant dense<2147483647> : vector<128xi32>
    %reduce_min3A_442 = vector.multi_reduction <minsi>, %select_n3A_440, %reduce_min3A_441 [1] : vector<128x4096xi32> to vector<128xi32>
    %broadcast_in_dim3A_443 = vector.shape_cast %reduce_min3A_442 : vector<128xi32> to vector<128x1xi32>
    %eq3A_444 = vector.broadcast %broadcast_in_dim3A_443 : vector<128x1xi32> to vector<128x4096xi32>
    %eq3A_445 = arith.cmpi eq, %iota3A, %eq3A_444 : vector<128x4096xi32>
    %jit3A_446 = arith.constant 0x7F800000 : f32
    %broadcast_in_dim3A_447 = vector.broadcast %jit3A_446 : f32 to vector<128x4096xf32>
    %select_n3A_448 = arith.select %eq3A_445, %broadcast_in_dim3A_447, %select_n3A_432 : vector<128x4096xi1>, vector<128x4096xf32>
    %reduce_min3A_449 = arith.constant dense<0x7F800000> : vector<128xf32>
    %reduce_min3A_450 = vector.multi_reduction <minimumf>, %select_n3A_448, %reduce_min3A_449 [1] : vector<128x4096xf32> to vector<128xf32>
    %broadcast_in_dim3A_451 = vector.shape_cast %reduce_min3A_450 : vector<128xf32> to vector<128x1xf32>
    %eq3A_452 = vector.broadcast %broadcast_in_dim3A_451 : vector<128x1xf32> to vector<128x4096xf32>
    %eq3A_453 = arith.cmpf oeq, %select_n3A_448, %eq3A_452 : vector<128x4096xf32>
    %jit3A_454 = arith.constant 4096 : i32
    %broadcast_in_dim3A_455 = vector.broadcast %jit3A_454 : i32 to vector<128x4096xi32>
    %select_n3A_456 = arith.select %eq3A_453, %iota3A, %broadcast_in_dim3A_455 : vector<128x4096xi1>, vector<128x4096xi32>
    %reduce_min3A_457 = arith.constant dense<2147483647> : vector<128xi32>
    %reduce_min3A_458 = vector.multi_reduction <minsi>, %select_n3A_456, %reduce_min3A_457 [1] : vector<128x4096xi32> to vector<128xi32>
    %broadcast_in_dim3A_459 = vector.shape_cast %reduce_min3A_458 : vector<128xi32> to vector<128x1xi32>
    %eq3A_460 = vector.broadcast %broadcast_in_dim3A_459 : vector<128x1xi32> to vector<128x4096xi32>
    %eq3A_461 = arith.cmpi eq, %iota3A, %eq3A_460 : vector<128x4096xi32>
    %jit3A_462 = arith.constant 0x7F800000 : f32
    %broadcast_in_dim3A_463 = vector.broadcast %jit3A_462 : f32 to vector<128x4096xf32>
    %select_n3A_464 = arith.select %eq3A_461, %broadcast_in_dim3A_463, %select_n3A_448 : vector<128x4096xi1>, vector<128x4096xf32>
    %reduce_min3A_465 = arith.constant dense<0x7F800000> : vector<128xf32>
    %reduce_min3A_466 = vector.multi_reduction <minimumf>, %select_n3A_464, %reduce_min3A_465 [1] : vector<128x4096xf32> to vector<128xf32>
    %broadcast_in_dim3A_467 = vector.shape_cast %reduce_min3A_466 : vector<128xf32> to vector<128x1xf32>
    %eq3A_468 = vector.broadcast %broadcast_in_dim3A_467 : vector<128x1xf32> to vector<128x4096xf32>
    %eq3A_469 = arith.cmpf oeq, %select_n3A_464, %eq3A_468 : vector<128x4096xf32>
    %jit3A_470 = arith.constant 4096 : i32
    %broadcast_in_dim3A_471 = vector.broadcast %jit3A_470 : i32 to vector<128x4096xi32>
    %select_n3A_472 = arith.select %eq3A_469, %iota3A, %broadcast_in_dim3A_471 : vector<128x4096xi1>, vector<128x4096xi32>
    %reduce_min3A_473 = arith.constant dense<2147483647> : vector<128xi32>
    %reduce_min3A_474 = vector.multi_reduction <minsi>, %select_n3A_472, %reduce_min3A_473 [1] : vector<128x4096xi32> to vector<128xi32>
    %broadcast_in_dim3A_475 = vector.shape_cast %reduce_min3A_474 : vector<128xi32> to vector<128x1xi32>
    %eq3A_476 = vector.broadcast %broadcast_in_dim3A_475 : vector<128x1xi32> to vector<128x4096xi32>
    %eq3A_477 = arith.cmpi eq, %iota3A, %eq3A_476 : vector<128x4096xi32>
    %jit3A_478 = arith.constant 0x7F800000 : f32
    %broadcast_in_dim3A_479 = vector.broadcast %jit3A_478 : f32 to vector<128x4096xf32>
    %select_n3A_480 = arith.select %eq3A_477, %broadcast_in_dim3A_479, %select_n3A_464 : vector<128x4096xi1>, vector<128x4096xf32>
    %reduce_min3A_481 = arith.constant dense<0x7F800000> : vector<128xf32>
    %reduce_min3A_482 = vector.multi_reduction <minimumf>, %select_n3A_480, %reduce_min3A_481 [1] : vector<128x4096xf32> to vector<128xf32>
    %broadcast_in_dim3A_483 = vector.shape_cast %reduce_min3A_482 : vector<128xf32> to vector<128x1xf32>
    %eq3A_484 = vector.broadcast %broadcast_in_dim3A_483 : vector<128x1xf32> to vector<128x4096xf32>
    %eq3A_485 = arith.cmpf oeq, %select_n3A_480, %eq3A_484 : vector<128x4096xf32>
    %jit3A_486 = arith.constant 4096 : i32
    %broadcast_in_dim3A_487 = vector.broadcast %jit3A_486 : i32 to vector<128x4096xi32>
    %select_n3A_488 = arith.select %eq3A_485, %iota3A, %broadcast_in_dim3A_487 : vector<128x4096xi1>, vector<128x4096xi32>
    %reduce_min3A_489 = arith.constant dense<2147483647> : vector<128xi32>
    %reduce_min3A_490 = vector.multi_reduction <minsi>, %select_n3A_488, %reduce_min3A_489 [1] : vector<128x4096xi32> to vector<128xi32>
    %broadcast_in_dim3A_491 = vector.shape_cast %reduce_min3A_490 : vector<128xi32> to vector<128x1xi32>
    %eq3A_492 = vector.broadcast %broadcast_in_dim3A_491 : vector<128x1xi32> to vector<128x4096xi32>
    %eq3A_493 = arith.cmpi eq, %iota3A, %eq3A_492 : vector<128x4096xi32>
    %jit3A_494 = arith.constant 0x7F800000 : f32
    %broadcast_in_dim3A_495 = vector.broadcast %jit3A_494 : f32 to vector<128x4096xf32>
    %select_n3A_496 = arith.select %eq3A_493, %broadcast_in_dim3A_495, %select_n3A_480 : vector<128x4096xi1>, vector<128x4096xf32>
    %reduce_min3A_497 = arith.constant dense<0x7F800000> : vector<128xf32>
    %reduce_min3A_498 = vector.multi_reduction <minimumf>, %select_n3A_496, %reduce_min3A_497 [1] : vector<128x4096xf32> to vector<128xf32>
    %broadcast_in_dim3A_499 = vector.shape_cast %reduce_min3A_498 : vector<128xf32> to vector<128x1xf32>
    %eq3A_500 = vector.broadcast %broadcast_in_dim3A_499 : vector<128x1xf32> to vector<128x4096xf32>
    %eq3A_501 = arith.cmpf oeq, %select_n3A_496, %eq3A_500 : vector<128x4096xf32>
    %jit3A_502 = arith.constant 4096 : i32
    %broadcast_in_dim3A_503 = vector.broadcast %jit3A_502 : i32 to vector<128x4096xi32>
    %select_n3A_504 = arith.select %eq3A_501, %iota3A, %broadcast_in_dim3A_503 : vector<128x4096xi1>, vector<128x4096xi32>
    %reduce_min3A_505 = arith.constant dense<2147483647> : vector<128xi32>
    %reduce_min3A_506 = vector.multi_reduction <minsi>, %select_n3A_504, %reduce_min3A_505 [1] : vector<128x4096xi32> to vector<128xi32>
    %broadcast_in_dim3A_507 = vector.shape_cast %reduce_min3A_506 : vector<128xi32> to vector<128x1xi32>
    %eq3A_508 = vector.broadcast %broadcast_in_dim3A_507 : vector<128x1xi32> to vector<128x4096xi32>
    %eq3A_509 = arith.cmpi eq, %iota3A, %eq3A_508 : vector<128x4096xi32>
    %jit3A_510 = arith.constant 0x7F800000 : f32
    %broadcast_in_dim3A_511 = vector.broadcast %jit3A_510 : f32 to vector<128x4096xf32>
    %select_n3A_512 = arith.select %eq3A_509, %broadcast_in_dim3A_511, %select_n3A_496 : vector<128x4096xi1>, vector<128x4096xf32>
    %reduce_min3A_513 = arith.constant dense<0x7F800000> : vector<128xf32>
    %reduce_min3A_514 = vector.multi_reduction <minimumf>, %select_n3A_512, %reduce_min3A_513 [1] : vector<128x4096xf32> to vector<128xf32>
    %broadcast_in_dim3A_515 = vector.shape_cast %reduce_min3A_514 : vector<128xf32> to vector<128x1xf32>
    %eq3A_516 = vector.broadcast %broadcast_in_dim3A_515 : vector<128x1xf32> to vector<128x4096xf32>
    %eq3A_517 = arith.cmpf oeq, %select_n3A_512, %eq3A_516 : vector<128x4096xf32>
    %jit3A_518 = arith.constant 4096 : i32
    %broadcast_in_dim3A_519 = vector.broadcast %jit3A_518 : i32 to vector<128x4096xi32>
    %select_n3A_520 = arith.select %eq3A_517, %iota3A, %broadcast_in_dim3A_519 : vector<128x4096xi1>, vector<128x4096xi32>
    %reduce_min3A_521 = arith.constant dense<2147483647> : vector<128xi32>
    %reduce_min3A_522 = vector.multi_reduction <minsi>, %select_n3A_520, %reduce_min3A_521 [1] : vector<128x4096xi32> to vector<128xi32>
    %broadcast_in_dim3A_523 = vector.shape_cast %reduce_min3A_522 : vector<128xi32> to vector<128x1xi32>
    %eq3A_524 = vector.broadcast %broadcast_in_dim3A_523 : vector<128x1xi32> to vector<128x4096xi32>
    %eq3A_525 = arith.cmpi eq, %iota3A, %eq3A_524 : vector<128x4096xi32>
    %jit3A_526 = arith.constant 0x7F800000 : f32
    %broadcast_in_dim3A_527 = vector.broadcast %jit3A_526 : f32 to vector<128x4096xf32>
    %select_n3A_528 = arith.select %eq3A_525, %broadcast_in_dim3A_527, %select_n3A_512 : vector<128x4096xi1>, vector<128x4096xf32>
    %reduce_min3A_529 = arith.constant dense<0x7F800000> : vector<128xf32>
    %reduce_min3A_530 = vector.multi_reduction <minimumf>, %select_n3A_528, %reduce_min3A_529 [1] : vector<128x4096xf32> to vector<128xf32>
    %broadcast_in_dim3A_531 = vector.shape_cast %reduce_min3A_530 : vector<128xf32> to vector<128x1xf32>
    %eq3A_532 = vector.broadcast %broadcast_in_dim3A_531 : vector<128x1xf32> to vector<128x4096xf32>
    %eq3A_533 = arith.cmpf oeq, %select_n3A_528, %eq3A_532 : vector<128x4096xf32>
    %jit3A_534 = arith.constant 4096 : i32
    %broadcast_in_dim3A_535 = vector.broadcast %jit3A_534 : i32 to vector<128x4096xi32>
    %select_n3A_536 = arith.select %eq3A_533, %iota3A, %broadcast_in_dim3A_535 : vector<128x4096xi1>, vector<128x4096xi32>
    %reduce_min3A_537 = arith.constant dense<2147483647> : vector<128xi32>
    %reduce_min3A_538 = vector.multi_reduction <minsi>, %select_n3A_536, %reduce_min3A_537 [1] : vector<128x4096xi32> to vector<128xi32>
    %broadcast_in_dim3A_539 = vector.shape_cast %reduce_min3A_538 : vector<128xi32> to vector<128x1xi32>
    %eq3A_540 = vector.broadcast %broadcast_in_dim3A_539 : vector<128x1xi32> to vector<128x4096xi32>
    %eq3A_541 = arith.cmpi eq, %iota3A, %eq3A_540 : vector<128x4096xi32>
    %jit3A_542 = arith.constant 0x7F800000 : f32
    %broadcast_in_dim3A_543 = vector.broadcast %jit3A_542 : f32 to vector<128x4096xf32>
    %select_n3A_544 = arith.select %eq3A_541, %broadcast_in_dim3A_543, %select_n3A_528 : vector<128x4096xi1>, vector<128x4096xf32>
    %reduce_min3A_545 = arith.constant dense<0x7F800000> : vector<128xf32>
    %reduce_min3A_546 = vector.multi_reduction <minimumf>, %select_n3A_544, %reduce_min3A_545 [1] : vector<128x4096xf32> to vector<128xf32>
    %broadcast_in_dim3A_547 = vector.shape_cast %reduce_min3A_546 : vector<128xf32> to vector<128x1xf32>
    %eq3A_548 = vector.broadcast %broadcast_in_dim3A_547 : vector<128x1xf32> to vector<128x4096xf32>
    %eq3A_549 = arith.cmpf oeq, %select_n3A_544, %eq3A_548 : vector<128x4096xf32>
    %jit3A_550 = arith.constant 4096 : i32
    %broadcast_in_dim3A_551 = vector.broadcast %jit3A_550 : i32 to vector<128x4096xi32>
    %select_n3A_552 = arith.select %eq3A_549, %iota3A, %broadcast_in_dim3A_551 : vector<128x4096xi1>, vector<128x4096xi32>
    %reduce_min3A_553 = arith.constant dense<2147483647> : vector<128xi32>
    %reduce_min3A_554 = vector.multi_reduction <minsi>, %select_n3A_552, %reduce_min3A_553 [1] : vector<128x4096xi32> to vector<128xi32>
    %broadcast_in_dim3A_555 = vector.shape_cast %reduce_min3A_554 : vector<128xi32> to vector<128x1xi32>
    %eq3A_556 = vector.broadcast %broadcast_in_dim3A_555 : vector<128x1xi32> to vector<128x4096xi32>
    %eq3A_557 = arith.cmpi eq, %iota3A, %eq3A_556 : vector<128x4096xi32>
    %jit3A_558 = arith.constant 0x7F800000 : f32
    %broadcast_in_dim3A_559 = vector.broadcast %jit3A_558 : f32 to vector<128x4096xf32>
    %select_n3A_560 = arith.select %eq3A_557, %broadcast_in_dim3A_559, %select_n3A_544 : vector<128x4096xi1>, vector<128x4096xf32>
    %reduce_min3A_561 = arith.constant dense<0x7F800000> : vector<128xf32>
    %reduce_min3A_562 = vector.multi_reduction <minimumf>, %select_n3A_560, %reduce_min3A_561 [1] : vector<128x4096xf32> to vector<128xf32>
    %broadcast_in_dim3A_563 = vector.shape_cast %reduce_min3A_562 : vector<128xf32> to vector<128x1xf32>
    %eq3A_564 = vector.broadcast %broadcast_in_dim3A_563 : vector<128x1xf32> to vector<128x4096xf32>
    %eq3A_565 = arith.cmpf oeq, %select_n3A_560, %eq3A_564 : vector<128x4096xf32>
    %jit3A_566 = arith.constant 4096 : i32
    %broadcast_in_dim3A_567 = vector.broadcast %jit3A_566 : i32 to vector<128x4096xi32>
    %select_n3A_568 = arith.select %eq3A_565, %iota3A, %broadcast_in_dim3A_567 : vector<128x4096xi1>, vector<128x4096xi32>
    %reduce_min3A_569 = arith.constant dense<2147483647> : vector<128xi32>
    %reduce_min3A_570 = vector.multi_reduction <minsi>, %select_n3A_568, %reduce_min3A_569 [1] : vector<128x4096xi32> to vector<128xi32>
    %broadcast_in_dim3A_571 = vector.shape_cast %reduce_min3A_570 : vector<128xi32> to vector<128x1xi32>
    %eq3A_572 = vector.broadcast %broadcast_in_dim3A_571 : vector<128x1xi32> to vector<128x4096xi32>
    %eq3A_573 = arith.cmpi eq, %iota3A, %eq3A_572 : vector<128x4096xi32>
    %jit3A_574 = arith.constant 0x7F800000 : f32
    %broadcast_in_dim3A_575 = vector.broadcast %jit3A_574 : f32 to vector<128x4096xf32>
    %select_n3A_576 = arith.select %eq3A_573, %broadcast_in_dim3A_575, %select_n3A_560 : vector<128x4096xi1>, vector<128x4096xf32>
    %reduce_min3A_577 = arith.constant dense<0x7F800000> : vector<128xf32>
    %reduce_min3A_578 = vector.multi_reduction <minimumf>, %select_n3A_576, %reduce_min3A_577 [1] : vector<128x4096xf32> to vector<128xf32>
    %broadcast_in_dim3A_579 = vector.shape_cast %reduce_min3A_578 : vector<128xf32> to vector<128x1xf32>
    %eq3A_580 = vector.broadcast %broadcast_in_dim3A_579 : vector<128x1xf32> to vector<128x4096xf32>
    %eq3A_581 = arith.cmpf oeq, %select_n3A_576, %eq3A_580 : vector<128x4096xf32>
    %jit3A_582 = arith.constant 4096 : i32
    %broadcast_in_dim3A_583 = vector.broadcast %jit3A_582 : i32 to vector<128x4096xi32>
    %select_n3A_584 = arith.select %eq3A_581, %iota3A, %broadcast_in_dim3A_583 : vector<128x4096xi1>, vector<128x4096xi32>
    %reduce_min3A_585 = arith.constant dense<2147483647> : vector<128xi32>
    %reduce_min3A_586 = vector.multi_reduction <minsi>, %select_n3A_584, %reduce_min3A_585 [1] : vector<128x4096xi32> to vector<128xi32>
    %broadcast_in_dim3A_587 = vector.shape_cast %reduce_min3A_586 : vector<128xi32> to vector<128x1xi32>
    %concatenate3A = tpu.concatenate %broadcast_in_dim3A_91, %broadcast_in_dim3A_107, %broadcast_in_dim3A_123, %broadcast_in_dim3A_139, %broadcast_in_dim3A_155, %broadcast_in_dim3A_171, %broadcast_in_dim3A_187, %broadcast_in_dim3A_203, %broadcast_in_dim3A_219, %broadcast_in_dim3A_235, %broadcast_in_dim3A_251, %broadcast_in_dim3A_267, %broadcast_in_dim3A_283, %broadcast_in_dim3A_299, %broadcast_in_dim3A_315, %broadcast_in_dim3A_331, %broadcast_in_dim3A_347, %broadcast_in_dim3A_363, %broadcast_in_dim3A_379, %broadcast_in_dim3A_395, %broadcast_in_dim3A_411, %broadcast_in_dim3A_427, %broadcast_in_dim3A_443, %broadcast_in_dim3A_459, %broadcast_in_dim3A_475, %broadcast_in_dim3A_491, %broadcast_in_dim3A_507, %broadcast_in_dim3A_523, %broadcast_in_dim3A_539, %broadcast_in_dim3A_555, %broadcast_in_dim3A_571, %broadcast_in_dim3A_587 in 1 : vector<128x1xi32>, vector<128x1xi32>, vector<128x1xi32>, vector<128x1xi32>, vector<128x1xi32>, vector<128x1xi32>, vector<128x1xi32>, vector<128x1xi32>, vector<128x1xi32>, vector<128x1xi32>, vector<128x1xi32>, vector<128x1xi32>, vector<128x1xi32>, vector<128x1xi32>, vector<128x1xi32>, vector<128x1xi32>, vector<128x1xi32>, vector<128x1xi32>, vector<128x1xi32>, vector<128x1xi32>, vector<128x1xi32>, vector<128x1xi32>, vector<128x1xi32>, vector<128x1xi32>, vector<128x1xi32>, vector<128x1xi32>, vector<128x1xi32>, vector<128x1xi32>, vector<128x1xi32>, vector<128x1xi32>, vector<128x1xi32>, vector<128x1xi32> -> vector<128x32xi32>
    %swap3A = arith.constant 0 : index
    %swap3A_588 = arith.constant 0 : index
    %swap3A_589 = arith.constant 0 : index
    %swap3A_590 = arith.constant 0 : index
    %swap3A_591 = vector.load %arg4[%swap3A, %swap3A_588, %swap3A_589, %swap3A_590] : memref<1x1x128x32xi32, #tpu.memory_space<vmem>>, vector<1x1x128x32xi32>
    %swap3A_592 = vector.shape_cast %swap3A_591 : vector<1x1x128x32xi32> to vector<128x32xi32>
    %swap3A_593 = vector.shape_cast %concatenate3A : vector<128x32xi32> to vector<1x1x128x32xi32>
    tpu.vector_store %arg4[%swap3A, %swap3A_588, %swap3A_589, %swap3A_590], %swap3A_593 {strides = array<i32>} : memref<1x1x128x32xi32, #tpu.memory_space<vmem>>, vector<1x1x128x32xi32>,
    return
  }
  func.func @transform_0(%arg0: i32, %arg1: i32) -> (i32, i32, i32, i32) {
    %c0_i32 = arith.constant 0 : i32
    %c0_i32_0 = arith.constant 0 : i32
    %c0_i32_1 = arith.constant 0 : i32
    %c0_i32_2 = arith.constant 0 : i32
    return %c0_i32, %arg0, %c0_i32_0, %c0_i32_1 : i32, i32, i32, i32
  }
  func.func @transform_1(%arg0: i32, %arg1: i32) -> (i32, i32, i32, i32, i32) {
    %c0_i32 = arith.constant 0 : i32
    %c0_i32_0 = arith.constant 0 : i32
    %c0_i32_1 = arith.constant 0 : i32
    %c0_i32_2 = arith.constant 0 : i32
    return %c0_i32, %arg0, %arg1, %c0_i32_0, %c0_i32_1 : i32, i32, i32, i32, i32
  }
  func.func @transform_2(%arg0: i32, %arg1: i32) -> (i32, i32, i32, i32) {
    %c0_i32 = arith.constant 0 : i32
    %c0_i32_0 = arith.constant 0 : i32
    %c0_i32_1 = arith.constant 0 : i32
    return %arg0, %arg1, %c0_i32, %c0_i32_0 : i32, i32, i32, i32
  }
}

module attributes {stable_mosaic.version = 14 : i64} {
  func.func @_sums_body(%arg0: i32, %arg1: i32, %arg2: memref<1x64x32x128xf32, #tpu.memory_space<vmem>>, %arg3: memref<1x64x32x16xf32, #tpu.memory_space<vmem>>, %arg4: memref<1x64x128xf32, #tpu.memory_space<vmem>>, %arg5: memref<1x64x16xf32, #tpu.memory_space<vmem>>, %arg6: memref<1x1x128xf32, #tpu.memory_space<vmem>>, %arg7: memref<1x1x128xf32, #tpu.memory_space<vmem>>, %arg8: memref<1x1x16xf32, #tpu.memory_space<vmem>>, %arg9: memref<1x1x16xf32, #tpu.memory_space<vmem>>) attributes {dimension_semantics = [#tpu.dimension_semantics<arbitrary>, #tpu.dimension_semantics<arbitrary>], iteration_bounds = array<i64: 8, 16>, scalar_prefetch = 0 : i64, scratch_operands = 0 : i64, tpu.core_type = #tpu.core_type<tc>, window_params = [{transform_indices = @transform_0, window_bounds = array<i64: 1, 64, 32, 128>}, {transform_indices = @transform_1, window_bounds = array<i64: 1, 64, 32, 16>}, {transform_indices = @transform_2, window_bounds = array<i64: 1, 64, 128>}, {transform_indices = @transform_3, window_bounds = array<i64: 1, 64, 16>}, {transform_indices = @transform_4, window_bounds = array<i64: 1, 1, 128>}, {transform_indices = @transform_5, window_bounds = array<i64: 1, 1, 128>}, {transform_indices = @transform_6, window_bounds = array<i64: 1, 1, 16>}, {transform_indices = @transform_7, window_bounds = array<i64: 1, 1, 16>}]} {
    %eq3A = arith.constant 0 : i32
    %eq3A_0 = arith.cmpi eq, %arg1, %eq3A : i32
    %convert_element_type3A = arith.extui %eq3A_0 : i1 to i32
    %cond3A = arith.constant 0 : i32
    %cond3A_1 = arith.cmpi ne, %convert_element_type3A, %cond3A : i32
    scf.if %cond3A_1 {
      %broadcast_in_dim3A_72 = arith.constant 0.000000e+00 : f32
      %broadcast_in_dim3A_73 = vector.broadcast %broadcast_in_dim3A_72 : f32 to vector<1x1x128xf32>
      %swap3A_74 = arith.constant 0 : index
      %swap3A_75 = arith.constant 0 : index
      %swap3A_76 = arith.constant 0 : index
      %swap3A_77 = vector.load %arg6[%swap3A_74, %swap3A_75, %swap3A_76] : memref<1x1x128xf32, #tpu.memory_space<vmem>>, vector<1x1x128xf32>
      tpu.vector_store %arg6[%swap3A_74, %swap3A_75, %swap3A_76], %broadcast_in_dim3A_73 {strides = array<i32>} : memref<1x1x128xf32, #tpu.memory_space<vmem>>, vector<1x1x128xf32>,
      %broadcast_in_dim3A_78 = arith.constant 0.000000e+00 : f32
      %broadcast_in_dim3A_79 = vector.broadcast %broadcast_in_dim3A_78 : f32 to vector<1x1x128xf32>
      %swap3A_80 = arith.constant 0 : index
      %swap3A_81 = arith.constant 0 : index
      %swap3A_82 = arith.constant 0 : index
      %swap3A_83 = vector.load %arg7[%swap3A_80, %swap3A_81, %swap3A_82] : memref<1x1x128xf32, #tpu.memory_space<vmem>>, vector<1x1x128xf32>
      tpu.vector_store %arg7[%swap3A_80, %swap3A_81, %swap3A_82], %broadcast_in_dim3A_79 {strides = array<i32>} : memref<1x1x128xf32, #tpu.memory_space<vmem>>, vector<1x1x128xf32>,
      %broadcast_in_dim3A_84 = arith.constant 0.000000e+00 : f32
      %broadcast_in_dim3A_85 = vector.broadcast %broadcast_in_dim3A_84 : f32 to vector<1x1x16xf32>
      %swap3A_86 = arith.constant 0 : index
      %swap3A_87 = arith.constant 0 : index
      %swap3A_88 = arith.constant 0 : index
      %swap3A_89 = vector.load %arg8[%swap3A_86, %swap3A_87, %swap3A_88] : memref<1x1x16xf32, #tpu.memory_space<vmem>>, vector<1x1x16xf32>
      tpu.vector_store %arg8[%swap3A_86, %swap3A_87, %swap3A_88], %broadcast_in_dim3A_85 {strides = array<i32>} : memref<1x1x16xf32, #tpu.memory_space<vmem>>, vector<1x1x16xf32>,
      %broadcast_in_dim3A_90 = arith.constant 0.000000e+00 : f32
      %broadcast_in_dim3A_91 = vector.broadcast %broadcast_in_dim3A_90 : f32 to vector<1x1x16xf32>
      %swap3A_92 = arith.constant 0 : index
      %swap3A_93 = arith.constant 0 : index
      %swap3A_94 = arith.constant 0 : index
      %swap3A_95 = vector.load %arg9[%swap3A_92, %swap3A_93, %swap3A_94] : memref<1x1x16xf32, #tpu.memory_space<vmem>>, vector<1x1x16xf32>
      tpu.vector_store %arg9[%swap3A_92, %swap3A_93, %swap3A_94], %broadcast_in_dim3A_91 {strides = array<i32>} : memref<1x1x16xf32, #tpu.memory_space<vmem>>, vector<1x1x16xf32>,
    } else {
    }
    %get3A = arith.constant 0 : index
    %get3A_2 = arith.constant 0 : index
    %get3A_3 = arith.constant 0 : index
    %get3A_4 = arith.constant 0 : index
    %get3A_5 = vector.load %arg2[%get3A, %get3A_2, %get3A_3, %get3A_4] : memref<1x64x32x128xf32, #tpu.memory_space<vmem>>, vector<1x64x32x128xf32>
    %get3A_6 = vector.shape_cast %get3A_5 : vector<1x64x32x128xf32> to vector<64x32x128xf32>
    %get3A_7 = arith.constant 0 : index
    %get3A_8 = arith.constant 0 : index
    %get3A_9 = arith.constant 0 : index
    %get3A_10 = vector.load %arg4[%get3A_7, %get3A_8, %get3A_9] : memref<1x64x128xf32, #tpu.memory_space<vmem>>, vector<1x64x128xf32>
    %get3A_11 = vector.shape_cast %get3A_10 : vector<1x64x128xf32> to vector<64x128xf32>
    %broadcast_in_dim3A = vector.shape_cast %get3A_11 : vector<64x128xf32> to vector<64x1x128xf32>
    %sub3A = vector.broadcast %broadcast_in_dim3A : vector<64x1x128xf32> to vector<64x32x128xf32>
    %sub3A_12 = arith.subf %get3A_6, %sub3A : vector<64x32x128xf32>
    %get3A_13 = arith.constant 0 : index
    %get3A_14 = arith.constant 0 : index
    %get3A_15 = arith.constant 0 : index
    %get3A_16 = arith.constant 0 : index
    %get3A_17 = vector.load %arg3[%get3A_13, %get3A_14, %get3A_15, %get3A_16] : memref<1x64x32x16xf32, #tpu.memory_space<vmem>>, vector<1x64x32x16xf32>
    %get3A_18 = vector.shape_cast %get3A_17 : vector<1x64x32x16xf32> to vector<64x32x16xf32>
    %get3A_19 = arith.constant 0 : index
    %get3A_20 = arith.constant 0 : index
    %get3A_21 = arith.constant 0 : index
    %get3A_22 = vector.load %arg5[%get3A_19, %get3A_20, %get3A_21] : memref<1x64x16xf32, #tpu.memory_space<vmem>>, vector<1x64x16xf32>
    %get3A_23 = vector.shape_cast %get3A_22 : vector<1x64x16xf32> to vector<64x16xf32>
    %broadcast_in_dim3A_24 = vector.shape_cast %get3A_23 : vector<64x16xf32> to vector<64x1x16xf32>
    %sub3A_25 = vector.broadcast %broadcast_in_dim3A_24 : vector<64x1x16xf32> to vector<64x32x16xf32>
    %sub3A_26 = arith.subf %get3A_18, %sub3A_25 : vector<64x32x16xf32>
    %get3A_27 = arith.constant 0 : index
    %get3A_28 = arith.constant 0 : index
    %get3A_29 = arith.constant 0 : index
    %get3A_30 = vector.load %arg6[%get3A_27, %get3A_28, %get3A_29] : memref<1x1x128xf32, #tpu.memory_space<vmem>>, vector<1x1x128xf32>
    %reduce_sum3A = arith.constant dense<0.000000e+00> : vector<128xf32>
    %reduce_sum3A_31 = vector.multi_reduction <add>, %sub3A_12, %reduce_sum3A [0, 1] : vector<64x32x128xf32> to vector<128xf32>
    %reshape3A = vector.shape_cast %reduce_sum3A_31 : vector<128xf32> to vector<1x1x128xf32>
    %add3A = arith.addf %get3A_30, %reshape3A : vector<1x1x128xf32>
    %swap3A = arith.constant 0 : index
    %swap3A_32 = arith.constant 0 : index
    %swap3A_33 = arith.constant 0 : index
    %swap3A_34 = vector.load %arg6[%swap3A, %swap3A_32, %swap3A_33] : memref<1x1x128xf32, #tpu.memory_space<vmem>>, vector<1x1x128xf32>
    tpu.vector_store %arg6[%swap3A, %swap3A_32, %swap3A_33], %add3A {strides = array<i32>} : memref<1x1x128xf32, #tpu.memory_space<vmem>>, vector<1x1x128xf32>,
    %get3A_35 = arith.constant 0 : index
    %get3A_36 = arith.constant 0 : index
    %get3A_37 = arith.constant 0 : index
    %get3A_38 = vector.load %arg7[%get3A_35, %get3A_36, %get3A_37] : memref<1x1x128xf32, #tpu.memory_space<vmem>>, vector<1x1x128xf32>
    %mul3A = arith.mulf %sub3A_12, %sub3A_12 : vector<64x32x128xf32>
    %reduce_sum3A_39 = arith.constant dense<0.000000e+00> : vector<128xf32>
    %reduce_sum3A_40 = vector.multi_reduction <add>, %mul3A, %reduce_sum3A_39 [0, 1] : vector<64x32x128xf32> to vector<128xf32>
    %reshape3A_41 = vector.shape_cast %reduce_sum3A_40 : vector<128xf32> to vector<1x1x128xf32>
    %add3A_42 = arith.addf %get3A_38, %reshape3A_41 : vector<1x1x128xf32>
    %swap3A_43 = arith.constant 0 : index
    %swap3A_44 = arith.constant 0 : index
    %swap3A_45 = arith.constant 0 : index
    %swap3A_46 = vector.load %arg7[%swap3A_43, %swap3A_44, %swap3A_45] : memref<1x1x128xf32, #tpu.memory_space<vmem>>, vector<1x1x128xf32>
    tpu.vector_store %arg7[%swap3A_43, %swap3A_44, %swap3A_45], %add3A_42 {strides = array<i32>} : memref<1x1x128xf32, #tpu.memory_space<vmem>>, vector<1x1x128xf32>,
    %get3A_47 = arith.constant 0 : index
    %get3A_48 = arith.constant 0 : index
    %get3A_49 = arith.constant 0 : index
    %get3A_50 = vector.load %arg8[%get3A_47, %get3A_48, %get3A_49] : memref<1x1x16xf32, #tpu.memory_space<vmem>>, vector<1x1x16xf32>
    %reduce_sum3A_51 = arith.constant dense<0.000000e+00> : vector<16xf32>
    %reduce_sum3A_52 = vector.multi_reduction <add>, %sub3A_26, %reduce_sum3A_51 [0, 1] : vector<64x32x16xf32> to vector<16xf32>
    %reshape3A_53 = vector.shape_cast %reduce_sum3A_52 : vector<16xf32> to vector<1x1x16xf32>
    %add3A_54 = arith.addf %get3A_50, %reshape3A_53 : vector<1x1x16xf32>
    %swap3A_55 = arith.constant 0 : index
    %swap3A_56 = arith.constant 0 : index
    %swap3A_57 = arith.constant 0 : index
    %swap3A_58 = vector.load %arg8[%swap3A_55, %swap3A_56, %swap3A_57] : memref<1x1x16xf32, #tpu.memory_space<vmem>>, vector<1x1x16xf32>
    tpu.vector_store %arg8[%swap3A_55, %swap3A_56, %swap3A_57], %add3A_54 {strides = array<i32>} : memref<1x1x16xf32, #tpu.memory_space<vmem>>, vector<1x1x16xf32>,
    %get3A_59 = arith.constant 0 : index
    %get3A_60 = arith.constant 0 : index
    %get3A_61 = arith.constant 0 : index
    %get3A_62 = vector.load %arg9[%get3A_59, %get3A_60, %get3A_61] : memref<1x1x16xf32, #tpu.memory_space<vmem>>, vector<1x1x16xf32>
    %mul3A_63 = arith.mulf %sub3A_26, %sub3A_26 : vector<64x32x16xf32>
    %reduce_sum3A_64 = arith.constant dense<0.000000e+00> : vector<16xf32>
    %reduce_sum3A_65 = vector.multi_reduction <add>, %mul3A_63, %reduce_sum3A_64 [0, 1] : vector<64x32x16xf32> to vector<16xf32>
    %reshape3A_66 = vector.shape_cast %reduce_sum3A_65 : vector<16xf32> to vector<1x1x16xf32>
    %add3A_67 = arith.addf %get3A_62, %reshape3A_66 : vector<1x1x16xf32>
    %swap3A_68 = arith.constant 0 : index
    %swap3A_69 = arith.constant 0 : index
    %swap3A_70 = arith.constant 0 : index
    %swap3A_71 = vector.load %arg9[%swap3A_68, %swap3A_69, %swap3A_70] : memref<1x1x16xf32, #tpu.memory_space<vmem>>, vector<1x1x16xf32>
    tpu.vector_store %arg9[%swap3A_68, %swap3A_69, %swap3A_70], %add3A_67 {strides = array<i32>} : memref<1x1x16xf32, #tpu.memory_space<vmem>>, vector<1x1x16xf32>,
    return
  }
  func.func @transform_0(%arg0: i32, %arg1: i32) -> (i32, i32, i32, i32) {
    %c0_i32 = arith.constant 0 : i32
    %c0_i32_0 = arith.constant 0 : i32
    %c0_i32_1 = arith.constant 0 : i32
    return %arg0, %arg1, %c0_i32, %c0_i32_0 : i32, i32, i32, i32
  }
  func.func @transform_1(%arg0: i32, %arg1: i32) -> (i32, i32, i32, i32) {
    %c0_i32 = arith.constant 0 : i32
    %c0_i32_0 = arith.constant 0 : i32
    %c0_i32_1 = arith.constant 0 : i32
    return %arg0, %arg1, %c0_i32, %c0_i32_0 : i32, i32, i32, i32
  }
  func.func @transform_2(%arg0: i32, %arg1: i32) -> (i32, i32, i32) {
    %c0_i32 = arith.constant 0 : i32
    %c0_i32_0 = arith.constant 0 : i32
    return %arg0, %arg1, %c0_i32 : i32, i32, i32
  }
  func.func @transform_3(%arg0: i32, %arg1: i32) -> (i32, i32, i32) {
    %c0_i32 = arith.constant 0 : i32
    %c0_i32_0 = arith.constant 0 : i32
    return %arg0, %arg1, %c0_i32 : i32, i32, i32
  }
  func.func @transform_4(%arg0: i32, %arg1: i32) -> (i32, i32, i32) {
    %c0_i32 = arith.constant 0 : i32
    %c0_i32_0 = arith.constant 0 : i32
    %c0_i32_1 = arith.constant 0 : i32
    return %arg0, %c0_i32, %c0_i32_0 : i32, i32, i32
  }
  func.func @transform_5(%arg0: i32, %arg1: i32) -> (i32, i32, i32) {
    %c0_i32 = arith.constant 0 : i32
    %c0_i32_0 = arith.constant 0 : i32
    %c0_i32_1 = arith.constant 0 : i32
    return %arg0, %c0_i32, %c0_i32_0 : i32, i32, i32
  }
  func.func @transform_6(%arg0: i32, %arg1: i32) -> (i32, i32, i32) {
    %c0_i32 = arith.constant 0 : i32
    %c0_i32_0 = arith.constant 0 : i32
    %c0_i32_1 = arith.constant 0 : i32
    return %arg0, %c0_i32, %c0_i32_0 : i32, i32, i32
  }
  func.func @transform_7(%arg0: i32, %arg1: i32) -> (i32, i32, i32) {
    %c0_i32 = arith.constant 0 : i32
    %c0_i32_0 = arith.constant 0 : i32
    %c0_i32_1 = arith.constant 0 : i32
    return %arg0, %c0_i32, %c0_i32_0 : i32, i32, i32
  }
}

module attributes {stable_mosaic.version = 14 : i64} {
  func.func @_fin_body(%arg0: i32, %arg1: i32, %arg2: memref<1x32x32x128xf32, #tpu.memory_space<vmem>>, %arg3: memref<1x32x32x16xf32, #tpu.memory_space<vmem>>, %arg4: memref<1x32x128xf32, #tpu.memory_space<vmem>>, %arg5: memref<1x32x16xf32, #tpu.memory_space<vmem>>, %arg6: memref<1x1x128xf32, #tpu.memory_space<vmem>>, %arg7: memref<1x1x128xf32, #tpu.memory_space<vmem>>, %arg8: memref<1x1x16xf32, #tpu.memory_space<vmem>>, %arg9: memref<1x1x16xf32, #tpu.memory_space<vmem>>, %arg10: memref<1x128xf32, #tpu.memory_space<vmem>>, %arg11: memref<1x16xf32, #tpu.memory_space<vmem>>, %arg12: memref<1x128xf32, #tpu.memory_space<vmem>>, %arg13: memref<1x16xf32, #tpu.memory_space<vmem>>, %arg14: memref<1x32x32x259xf32, #tpu.memory_space<vmem>>) attributes {dimension_semantics = [#tpu.dimension_semantics<arbitrary>, #tpu.dimension_semantics<arbitrary>], iteration_bounds = array<i64: 8, 32>, scalar_prefetch = 0 : i64, scratch_operands = 0 : i64, tpu.core_type = #tpu.core_type<tc>, window_params = [{transform_indices = @transform_0, window_bounds = array<i64: 1, 32, 32, 128>}, {transform_indices = @transform_1, window_bounds = array<i64: 1, 32, 32, 16>}, {transform_indices = @transform_2, window_bounds = array<i64: 1, 32, 128>}, {transform_indices = @transform_3, window_bounds = array<i64: 1, 32, 16>}, {transform_indices = @transform_4, window_bounds = array<i64: 1, 1, 128>}, {transform_indices = @transform_5, window_bounds = array<i64: 1, 1, 128>}, {transform_indices = @transform_6, window_bounds = array<i64: 1, 1, 16>}, {transform_indices = @transform_7, window_bounds = array<i64: 1, 1, 16>}, {pipeline_mode = #tpu.pipeline_mode<synchronous>, transform_indices = @transform_8, window_bounds = array<i64: 1, 128>}, {pipeline_mode = #tpu.pipeline_mode<synchronous>, transform_indices = @transform_9, window_bounds = array<i64: 1, 16>}, {pipeline_mode = #tpu.pipeline_mode<synchronous>, transform_indices = @transform_10, window_bounds = array<i64: 1, 128>}, {pipeline_mode = #tpu.pipeline_mode<synchronous>, transform_indices = @transform_11, window_bounds = array<i64: 1, 16>}, {transform_indices = @transform_12, window_bounds = array<i64: 1, 32, 32, 259>}]} {
    %get3A = arith.constant 0 : index
    %get3A_0 = arith.constant 0 : index
    %get3A_1 = arith.constant 0 : index
    %get3A_2 = vector.load %arg6[%get3A, %get3A_0, %get3A_1] : memref<1x1x128xf32, #tpu.memory_space<vmem>>, vector<1x1x128xf32>
    %get3A_3 = vector.shape_cast %get3A_2 : vector<1x1x128xf32> to vector<1x128xf32>
    %reduce_sum3A = vector.shape_cast %get3A_3 : vector<1x128xf32> to vector<1x1x128xf32>
    %reduce_sum3A_4 = arith.constant dense<0.000000e+00> : vector<1xf32>
    %reduce_sum3A_5 = vector.multi_reduction <add>, %reduce_sum3A, %reduce_sum3A_4 [1, 2] : vector<1x1x128xf32> to vector<1xf32>
    %reduce_sum3A_6 = vector.shape_cast %reduce_sum3A_5 : vector<1xf32> to vector<1x1x1xf32>
    %reduce_sum3A_7 = vector.extract %reduce_sum3A_6[0, 0, 0] : f32 from vector<1x1x1xf32>
    %get3A_8 = arith.constant 0 : index
    %get3A_9 = arith.constant 0 : index
    %get3A_10 = arith.constant 0 : index
    %get3A_11 = vector.load %arg8[%get3A_8, %get3A_9, %get3A_10] : memref<1x1x16xf32, #tpu.memory_space<vmem>>, vector<1x1x16xf32>
    %get3A_12 = vector.shape_cast %get3A_11 : vector<1x1x16xf32> to vector<1x16xf32>
    %reduce_sum3A_13 = vector.shape_cast %get3A_12 : vector<1x16xf32> to vector<1x1x16xf32>
    %reduce_sum3A_14 = arith.constant dense<0.000000e+00> : vector<1xf32>
    %reduce_sum3A_15 = vector.multi_reduction <add>, %reduce_sum3A_13, %reduce_sum3A_14 [1, 2] : vector<1x1x16xf32> to vector<1xf32>
    %reduce_sum3A_16 = vector.shape_cast %reduce_sum3A_15 : vector<1xf32> to vector<1x1x1xf32>
    %reduce_sum3A_17 = vector.extract %reduce_sum3A_16[0, 0, 0] : f32 from vector<1x1x1xf32>
    %add3A = arith.addf %reduce_sum3A_7, %reduce_sum3A_17 : f32
    %get3A_18 = arith.constant 0 : index
    %get3A_19 = arith.constant 0 : index
    %get3A_20 = arith.constant 0 : index
    %get3A_21 = vector.load %arg7[%get3A_18, %get3A_19, %get3A_20] : memref<1x1x128xf32, #tpu.memory_space<vmem>>, vector<1x1x128xf32>
    %get3A_22 = vector.shape_cast %get3A_21 : vector<1x1x128xf32> to vector<1x128xf32>
    %reduce_sum3A_23 = vector.shape_cast %get3A_22 : vector<1x128xf32> to vector<1x1x128xf32>
    %reduce_sum3A_24 = arith.constant dense<0.000000e+00> : vector<1xf32>
    %reduce_sum3A_25 = vector.multi_reduction <add>, %reduce_sum3A_23, %reduce_sum3A_24 [1, 2] : vector<1x1x128xf32> to vector<1xf32>
    %reduce_sum3A_26 = vector.shape_cast %reduce_sum3A_25 : vector<1xf32> to vector<1x1x1xf32>
    %reduce_sum3A_27 = vector.extract %reduce_sum3A_26[0, 0, 0] : f32 from vector<1x1x1xf32>
    %get3A_28 = arith.constant 0 : index
    %get3A_29 = arith.constant 0 : index
    %get3A_30 = arith.constant 0 : index
    %get3A_31 = vector.load %arg9[%get3A_28, %get3A_29, %get3A_30] : memref<1x1x16xf32, #tpu.memory_space<vmem>>, vector<1x1x16xf32>
    %get3A_32 = vector.shape_cast %get3A_31 : vector<1x1x16xf32> to vector<1x16xf32>
    %reduce_sum3A_33 = vector.shape_cast %get3A_32 : vector<1x16xf32> to vector<1x1x16xf32>
    %reduce_sum3A_34 = arith.constant dense<0.000000e+00> : vector<1xf32>
    %reduce_sum3A_35 = vector.multi_reduction <add>, %reduce_sum3A_33, %reduce_sum3A_34 [1, 2] : vector<1x1x16xf32> to vector<1xf32>
    %reduce_sum3A_36 = vector.shape_cast %reduce_sum3A_35 : vector<1xf32> to vector<1x1x1xf32>
    %reduce_sum3A_37 = vector.extract %reduce_sum3A_36[0, 0, 0] : f32 from vector<1x1x1xf32>
    %add3A_38 = arith.addf %reduce_sum3A_27, %reduce_sum3A_37 : f32
    %mul3A = arith.mulf %add3A, %add3A : f32
    %div3A = arith.constant 0x4A830000 : f32
    %div3A_39 = arith.divf %mul3A, %div3A : f32
    %sub3A = arith.subf %add3A_38, %div3A_39 : f32
    %sub3A_40 = arith.constant 0x4A830000 : f32
    %sub3A_41 = arith.constant 1.000000e+00 : f32
    %sub3A_42 = arith.subf %sub3A_40, %sub3A_41 : f32
    %div3A_43 = arith.divf %sub3A, %sub3A_42 : f32
    %sqrt3A = math.sqrt %div3A_43 : f32
    %add3A_44 = arith.constant 9.99999974E-6 : f32
    %add3A_45 = arith.addf %sqrt3A, %add3A_44 : f32
    %div3A_46 = arith.constant 1.000000e+00 : f32
    %div3A_47 = arith.divf %div3A_46, %add3A_45 : f32
    %get3A_48 = arith.constant 0 : index
    %get3A_49 = arith.constant 0 : index
    %get3A_50 = arith.constant 0 : index
    %get3A_51 = vector.load %arg4[%get3A_48, %get3A_49, %get3A_50] : memref<1x32x128xf32, #tpu.memory_space<vmem>>, vector<1x32x128xf32>
    %get3A_52 = vector.shape_cast %get3A_51 : vector<1x32x128xf32> to vector<32x128xf32>
    %broadcast_in_dim3A = vector.shape_cast %get3A_52 : vector<32x128xf32> to vector<32x1x128xf32>
    %get3A_53 = arith.constant 0 : index
    %get3A_54 = arith.constant 0 : index
    %get3A_55 = arith.constant 0 : index
    %get3A_56 = arith.constant 0 : index
    %get3A_57 = vector.load %arg2[%get3A_53, %get3A_54, %get3A_55, %get3A_56] : memref<1x32x32x128xf32, #tpu.memory_space<vmem>>, vector<1x32x32x128xf32>
    %get3A_58 = vector.shape_cast %get3A_57 : vector<1x32x32x128xf32> to vector<32x32x128xf32>
    %sub3A_59 = vector.broadcast %broadcast_in_dim3A : vector<32x1x128xf32> to vector<32x32x128xf32>
    %sub3A_60 = arith.subf %get3A_58, %sub3A_59 : vector<32x32x128xf32>
    %mul3A_61 = vector.broadcast %div3A_47 : f32 to vector<32x32x128xf32>
    %mul3A_62 = arith.mulf %sub3A_60, %mul3A_61 : vector<32x32x128xf32>
    %get3A_63 = arith.constant 0 : index
    %get3A_64 = arith.constant 0 : index
    %get3A_65 = vector.load %arg10[%get3A_63, %get3A_64] : memref<1x128xf32, #tpu.memory_space<vmem>>, vector<1x128xf32>
    %get3A_66 = vector.shape_cast %get3A_65 : vector<1x128xf32> to vector<128xf32>
    %broadcast_in_dim3A_67 = vector.shape_cast %get3A_66 : vector<128xf32> to vector<1x1x128xf32>
    %mul3A_68 = vector.broadcast %broadcast_in_dim3A_67 : vector<1x1x128xf32> to vector<32x32x128xf32>
    %mul3A_69 = arith.mulf %mul3A_68, %mul3A_62 : vector<32x32x128xf32>
    %get3A_70 = arith.constant 0 : index
    %get3A_71 = arith.constant 0 : index
    %get3A_72 = vector.load %arg12[%get3A_70, %get3A_71] : memref<1x128xf32, #tpu.memory_space<vmem>>, vector<1x128xf32>
    %get3A_73 = vector.shape_cast %get3A_72 : vector<1x128xf32> to vector<128xf32>
    %broadcast_in_dim3A_74 = vector.shape_cast %get3A_73 : vector<128xf32> to vector<1x1x128xf32>
    %add3A_75 = vector.broadcast %broadcast_in_dim3A_74 : vector<1x1x128xf32> to vector<32x32x128xf32>
    %add3A_76 = arith.addf %mul3A_69, %add3A_75 : vector<32x32x128xf32>
    %get3A_77 = arith.constant 0 : index
    %get3A_78 = arith.constant 0 : index
    %get3A_79 = arith.constant 0 : index
    %get3A_80 = arith.constant 0 : index
    %get3A_81 = vector.load %arg3[%get3A_77, %get3A_78, %get3A_79, %get3A_80] : memref<1x32x32x16xf32, #tpu.memory_space<vmem>>, vector<1x32x32x16xf32>
    %get3A_82 = vector.shape_cast %get3A_81 : vector<1x32x32x16xf32> to vector<32x32x16xf32>
    %get3A_83 = arith.constant 0 : index
    %get3A_84 = arith.constant 0 : index
    %get3A_85 = arith.constant 0 : index
    %get3A_86 = vector.load %arg5[%get3A_83, %get3A_84, %get3A_85] : memref<1x32x16xf32, #tpu.memory_space<vmem>>, vector<1x32x16xf32>
    %get3A_87 = vector.shape_cast %get3A_86 : vector<1x32x16xf32> to vector<32x16xf32>
    %broadcast_in_dim3A_88 = vector.shape_cast %get3A_87 : vector<32x16xf32> to vector<32x1x16xf32>
    %sub3A_89 = vector.broadcast %broadcast_in_dim3A_88 : vector<32x1x16xf32> to vector<32x32x16xf32>
    %sub3A_90 = arith.subf %get3A_82, %sub3A_89 : vector<32x32x16xf32>
    %mul3A_91 = vector.broadcast %div3A_47 : f32 to vector<32x32x16xf32>
    %mul3A_92 = arith.mulf %sub3A_90, %mul3A_91 : vector<32x32x16xf32>
    %get3A_93 = arith.constant 0 : index
    %get3A_94 = arith.constant 0 : index
    %get3A_95 = vector.load %arg11[%get3A_93, %get3A_94] : memref<1x16xf32, #tpu.memory_space<vmem>>, vector<1x16xf32>
    %get3A_96 = vector.shape_cast %get3A_95 : vector<1x16xf32> to vector<16xf32>
    %broadcast_in_dim3A_97 = vector.shape_cast %get3A_96 : vector<16xf32> to vector<1x1x16xf32>
    %mul3A_98 = vector.broadcast %broadcast_in_dim3A_97 : vector<1x1x16xf32> to vector<32x32x16xf32>
    %mul3A_99 = arith.mulf %mul3A_98, %mul3A_92 : vector<32x32x16xf32>
    %get3A_100 = arith.constant 0 : index
    %get3A_101 = arith.constant 0 : index
    %get3A_102 = vector.load %arg13[%get3A_100, %get3A_101] : memref<1x16xf32, #tpu.memory_space<vmem>>, vector<1x16xf32>
    %get3A_103 = vector.shape_cast %get3A_102 : vector<1x16xf32> to vector<16xf32>
    %broadcast_in_dim3A_104 = vector.shape_cast %get3A_103 : vector<16xf32> to vector<1x1x16xf32>
    %add3A_105 = vector.broadcast %broadcast_in_dim3A_104 : vector<1x1x16xf32> to vector<32x32x16xf32>
    %add3A_106 = arith.addf %mul3A_99, %add3A_105 : vector<32x32x16xf32>
    %broadcast_in_dim3A_107 = vector.shape_cast %broadcast_in_dim3A : vector<32x1x128xf32> to vector<32x1x128xf32>
    %broadcast_in_dim3A_108 = vector.broadcast %broadcast_in_dim3A_107 : vector<32x1x128xf32> to vector<32x32x128xf32>
    %slice3A = vector.extract_strided_slice %add3A_106 {offsets = [0, 0, 0], sizes = [32, 32, 3], strides = [1, 1, 1]} : vector<32x32x16xf32> to vector<32x32x3xf32>
    %concatenate3A = tpu.concatenate %add3A_76, %slice3A, %broadcast_in_dim3A_108 in 2 : vector<32x32x128xf32>, vector<32x32x3xf32>, vector<32x32x128xf32> -> vector<32x32x259xf32>
    %swap3A = arith.constant 0 : index
    %swap3A_109 = arith.constant 0 : index
    %swap3A_110 = arith.constant 0 : index
    %swap3A_111 = arith.constant 0 : index
    %swap3A_112 = vector.load %arg14[%swap3A, %swap3A_109, %swap3A_110, %swap3A_111] : memref<1x32x32x259xf32, #tpu.memory_space<vmem>>, vector<1x32x32x259xf32>
    %swap3A_113 = vector.shape_cast %swap3A_112 : vector<1x32x32x259xf32> to vector<32x32x259xf32>
    %swap3A_114 = vector.shape_cast %concatenate3A : vector<32x32x259xf32> to vector<1x32x32x259xf32>
    tpu.vector_store %arg14[%swap3A, %swap3A_109, %swap3A_110, %swap3A_111], %swap3A_114 {strides = array<i32>} : memref<1x32x32x259xf32, #tpu.memory_space<vmem>>, vector<1x32x32x259xf32>,
    return
  }
  func.func @transform_0(%arg0: i32, %arg1: i32) -> (i32, i32, i32, i32) {
    %c0_i32 = arith.constant 0 : i32
    %c0_i32_0 = arith.constant 0 : i32
    %c0_i32_1 = arith.constant 0 : i32
    return %arg0, %arg1, %c0_i32, %c0_i32_0 : i32, i32, i32, i32
  }
  func.func @transform_1(%arg0: i32, %arg1: i32) -> (i32, i32, i32, i32) {
    %c0_i32 = arith.constant 0 : i32
    %c0_i32_0 = arith.constant 0 : i32
    %c0_i32_1 = arith.constant 0 : i32
    return %arg0, %arg1, %c0_i32, %c0_i32_0 : i32, i32, i32, i32
  }
  func.func @transform_2(%arg0: i32, %arg1: i32) -> (i32, i32, i32) {
    %c0_i32 = arith.constant 0 : i32
    %c0_i32_0 = arith.constant 0 : i32
    return %arg0, %arg1, %c0_i32 : i32, i32, i32
  }
  func.func @transform_3(%arg0: i32, %arg1: i32) -> (i32, i32, i32) {
    %c0_i32 = arith.constant 0 : i32
    %c0_i32_0 = arith.constant 0 : i32
    return %arg0, %arg1, %c0_i32 : i32, i32, i32
  }
  func.func @transform_4(%arg0: i32, %arg1: i32) -> (i32, i32, i32) {
    %c0_i32 = arith.constant 0 : i32
    %c0_i32_0 = arith.constant 0 : i32
    %c0_i32_1 = arith.constant 0 : i32
    return %arg0, %c0_i32, %c0_i32_0 : i32, i32, i32
  }
  func.func @transform_5(%arg0: i32, %arg1: i32) -> (i32, i32, i32) {
    %c0_i32 = arith.constant 0 : i32
    %c0_i32_0 = arith.constant 0 : i32
    %c0_i32_1 = arith.constant 0 : i32
    return %arg0, %c0_i32, %c0_i32_0 : i32, i32, i32
  }
  func.func @transform_6(%arg0: i32, %arg1: i32) -> (i32, i32, i32) {
    %c0_i32 = arith.constant 0 : i32
    %c0_i32_0 = arith.constant 0 : i32
    %c0_i32_1 = arith.constant 0 : i32
    return %arg0, %c0_i32, %c0_i32_0 : i32, i32, i32
  }
  func.func @transform_7(%arg0: i32, %arg1: i32) -> (i32, i32, i32) {
    %c0_i32 = arith.constant 0 : i32
    %c0_i32_0 = arith.constant 0 : i32
    %c0_i32_1 = arith.constant 0 : i32
    return %arg0, %c0_i32, %c0_i32_0 : i32, i32, i32
  }
  func.func @transform_8(%arg0: i32, %arg1: i32) -> (i32, i32) {
    %c0_i32 = arith.constant 0 : i32
    %c0_i32_0 = arith.constant 0 : i32
    %c0_i32_1 = arith.constant 0 : i32
    return %c0_i32, %c0_i32_0 : i32, i32
  }
  func.func @transform_9(%arg0: i32, %arg1: i32) -> (i32, i32) {
    %c0_i32 = arith.constant 0 : i32
    %c0_i32_0 = arith.constant 0 : i32
    %c0_i32_1 = arith.constant 0 : i32
    return %c0_i32, %c0_i32_0 : i32, i32
  }
  func.func @transform_10(%arg0: i32, %arg1: i32) -> (i32, i32) {
    %c0_i32 = arith.constant 0 : i32
    %c0_i32_0 = arith.constant 0 : i32
    %c0_i32_1 = arith.constant 0 : i32
    return %c0_i32, %c0_i32_0 : i32, i32
  }
  func.func @transform_11(%arg0: i32, %arg1: i32) -> (i32, i32) {
    %c0_i32 = arith.constant 0 : i32
    %c0_i32_0 = arith.constant 0 : i32
    %c0_i32_1 = arith.constant 0 : i32
    return %c0_i32, %c0_i32_0 : i32, i32
  }
  func.func @transform_12(%arg0: i32, %arg1: i32) -> (i32, i32, i32, i32) {
    %c0_i32 = arith.constant 0 : i32
    %c0_i32_0 = arith.constant 0 : i32
    %c0_i32_1 = arith.constant 0 : i32
    return %arg0, %arg1, %c0_i32, %c0_i32_0 : i32, i32, i32, i32
  }
}

</mosaic_0001>

<sc_bundles>
// kernel: kernel.7.cloned.1.call-start
scs
__scs_entry_jumppad:
0x0: {  	(pc) =	sbr.rel $0x88, $3  }
0x1: {  	(tag) =	ssettag $0x0;
	lr =	simm.s32 $0x1  }
0x2: {  	[smem:$0x3F9D] =	sst lr;
	_ =	strace $0xD0000000  }
0x3: {  	_ = 	snop  }
0x4: {  	_ = 	snop  }
0x5: {  	_ = 	snop  }
0x6: {  	_ = 	snop  }
0x7: {  	_ = 	snop  }
__scs_overlays_trampoline_lowered:
0x8: {  	[smem:$0x3FAC] =	sst s0  }
0x9: {  	[smem:$0x3FAD] =	sst s1  }
0xa: {  	[smem:$0x3FAE] =	sst s2  }
0xb: {  	[smem:$0x3FAF] =	sst s3  }
0xc: {  	[smem:$0x3FB0] =	sst s4  }
0xd: {  	[smem:$0x3FB1] =	sst s5  }
0xe: {  	[smem:$0x3FB2] =	sst s6  }
0xf: {  	[smem:$0x3FB3] =	sst s7  }
0x10: {  	[smem:$0x3FB4] =	sst s8  }
0x11: {  	[smem:$0x3FB5] =	sst s9;
	s0 =	simm.s32 @!p0 $0x0  }
0x12: {  	s1 =	sld [smem:$0x3F9B];
	s0 =	simm.s32 @p0 $0x1  }
0x13: {  	[smem:$0x3FB6] =	sst s0;
	s0 =	simm.s32 @!p1 $0x0  }
0x14: {  	s2 =	sld [smem:$0x3F9A];
	s0 =	simm.s32 @p1 $0x1  }
0x15: {  	[smem:$0x3FB7] =	sst s0;
	s0 =	simm.s32 @!p2 $0x0  }
0x16: {  	s3 =	sld [smem:$0x3FDB];
	s0 =	simm.s32 @p2 $0x1  }
0x17: {  	s4 =	simm.s32 $0x1BF5;
	[smem:$0x3FB9] =	sst s0  }
0x18: {  	s0 =	sld [smem:$0x3F9C];
	_ =	swait.ge [sflag:s4], $0x0  }
0x19: {  	s7 =	sld [smem:$0x3F9D]  }
0x1a: {  	s8 =	sadd.s32 $0xFFFFE003, lr  }
0x1b: {  	s9 =	sadd.s32 $0xFFFFFEF7, lr;
	s5 =	simm.s32 $0xFFFFFFFF;
	p2 =	slt.u32 s8, $0xFFFFF086  }
0x1c: {  	p1 =	slt.u32 s9, $0xF7A;
	s5 =	simm.s32 @!p2 $0x0  }
0x1d: {  	s5 =	simm.s32 @p1 $0x1;
	p0 =	seq.s32 s7, s2  }
0x1e: {  	s7 =	smul.u32 @!p0 $0xF7A, s2;
	p2 =	seq.s32 @!p0 s5, $0x0  }
0x1f: {  	s9 =	smul.u32 $0xF7A, s1;
	s8 =	simm.s32 @!p0 $0x1BF5;
	p2 =	por !p2, p0  }
0x20: {  	[sflag:s8] =	ssyncset.s32 @!p0 $0xFFFFF086;
	s6 =	sadd.s32 @!p0 s3, s7;
	s7 =	simm.s32 @!p0 $0x108  }
0x21: {  	s3 =	sadd.s32 s3, s9;
	s6 =	sadd.s32 @!p0 $0x88, s6;
	s7 =	simm.s32 @p2 $0x1082  }
0x22: {  	[simem:s7], [sflag:s8] =	dma.local @!p0 [hbm:s6], $0xF7A  }
0x23: {  	s9 =	sor.u32 $0xD0000000, s2;
	s6 =	simm.s32 $0x108;
	_ =	swait.ge @!p0 [sflag:s8], $0x0  }
0x24: {  	s3 =	sadd.s32 $0x88, s3;
	s6 =	simm.s32 @!p1 $0x1082;
	[sflag:s4] =	ssyncset.s32 $0xFFFFF086  }
0x25: {  	[simem:s6], [sflag:s4] =	dma.local [hbm:s3], $0xF7A  }
0x26: {  	[smem:$0x3F9D] =	sst s1;
	(tag) =	ssettag s2;
	_ =	strace s9  }
0x27: {  	s1 =	sld [smem:$0x3FAD]  }
0x28: {  	s2 =	sld [smem:$0x3FAE]  }
0x29: {  	s4 =	sld [smem:$0x3FB0]  }
0x2a: {  	p0 =	seq.s32 s5, $0x0;
	s5 =	sld [smem:$0x3FB1]  }
0x2b: {  	s6 =	sld [smem:$0x3FB2]  }
0x2c: {  	s7 =	sld [smem:$0x3FB3]  }
0x2d: {  	s3 =	simm.s32 $0x108;
	s8 =	sld [smem:$0x3FB4]  }
0x2e: {  	s3 =	simm.s32 @!p0 $0x1082;
	s9 =	sld [smem:$0x3FB5]  }
0x2f: {  	lr =	sadd.s32 s0, s3;
	s0 =	sld [smem:$0x3FAC]  }
0x30: {  	s3 =	sld [smem:$0x3FAF]  }
0x31: {  	[smem:$0x3FB8] =	sst s10  }
0x32: {  	s10 =	sld [smem:$0x3FB6];
	_ =	sdelay $0x3  }
0x33: {  	p0 =	seq.s32 s10, $0x1;
	s10 =	sld [smem:$0x3FB8];
	_ =	sdelay $0x3  }
0x34: {  	[smem:$0x3FB8] =	sst s10  }
0x35: {  	s10 =	sld [smem:$0x3FB7];
	_ =	sdelay $0x3  }
0x36: {  	p1 =	seq.s32 s10, $0x1;
	s10 =	sld [smem:$0x3FB8];
	_ =	sdelay $0x3  }
0x37: {  	[smem:$0x3FB8] =	sst s10  }
0x38: {  	s10 =	sld [smem:$0x3FB9]  }
0x39: {  	_ = 	snop;
	(pc) =	sbr.ind lr, $3  }
0x3a: {  	_ = 	snop  }
0x3b: {  	_ = 	snop  }
0x3c: {  	p2 =	seq.s32 s10, $0x1;
	s10 =	sld [smem:$0x3FB8]  }
0x3d: {  	_ =	shalt  }
0x3e: {  	_ =	shalt  }
0x3f: {  	_ =	shalt  }
0x40: {  	_ =	shalt  }
0x41: {  	_ =	shalt  }
0x42: {  	_ =	shalt  }
0x43: {  	_ =	shalt  }
0x44: {  	_ =	shalt  }
0x45: {  	_ =	shalt  }
0x46: {  	_ =	shalt  }
0x47: {  	_ =	shalt  }
0x48: {  	_ =	shalt  }
0x49: {  	_ =	shalt  }
0x4a: {  	_ =	shalt  }
0x4b: {  	_ =	shalt  }
0x4c: {  	_ =	shalt  }
0x4d: {  	_ =	shalt  }
0x4e: {  	_ =	shalt  }
0x4f: {  	_ =	shalt  }
0x50: {  	_ =	shalt  }
0x51: {  	_ =	shalt  }
0x52: {  	_ =	shalt  }
0x53: {  	_ =	shalt  }
0x54: {  	_ =	shalt  }
0x55: {  	_ =	shalt  }
0x56: {  	_ =	shalt  }
0x57: {  	_ =	shalt  }
0x58: {  	_ =	shalt  }
0x59: {  	_ =	shalt  }
0x5a: {  	_ =	shalt  }
0x5b: {  	_ =	shalt  }
0x5c: {  	_ =	shalt  }
0x5d: {  	_ =	shalt  }
0x5e: {  	_ =	shalt  }
0x5f: {  	_ =	shalt  }
0x60: {  	_ =	shalt  }
0x61: {  	_ =	shalt  }
0x62: {  	_ =	shalt  }
0x63: {  	_ =	shalt  }
0x64: {  	_ =	shalt  }
0x65: {  	_ =	shalt  }
0x66: {  	_ =	shalt  }
0x67: {  	_ =	shalt  }
0x68: {  	_ =	shalt  }
0x69: {  	_ =	shalt  }
0x6a: {  	_ =	shalt  }
0x6b: {  	_ =	shalt  }
0x6c: {  	_ =	shalt  }
0x6d: {  	_ =	shalt  }
0x6e: {  	_ =	shalt  }
0x6f: {  	_ =	shalt  }
0x70: {  	_ =	shalt  }
0x71: {  	_ =	shalt  }
0x72: {  	_ =	shalt  }
0x73: {  	_ =	shalt  }
0x74: {  	_ =	shalt  }
0x75: {  	_ =	shalt  }
0x76: {  	_ =	shalt  }
0x77: {  	_ =	shalt  }
0x78: {  	_ =	shalt  }
0x79: {  	_ =	shalt  }
0x7a: {  	_ =	shalt  }
0x7b: {  	_ =	shalt  }
0x7c: {  	_ =	shalt  }
0x7d: {  	_ =	shalt  }
0x7e: {  	_ =	shalt  }
0x7f: {  	_ =	shalt  }
0x80: {  	_ =	shalt  }
0x81: {  	_ =	shalt  }
0x82: {  	_ =	shalt  }
0x83: {  	_ =	shalt  }
0x84: {  	_ =	shalt  }
0x85: {  	_ =	shalt  }
0x86: {  	_ =	shalt  }
0x87: {  	_ =	shalt  }
.Lfunc_end0:
.L_simem_size_0:
called_computation_lowered:
.L_overlay_start_0:
0x88: {  	s2 =	sld [smem:$0x3FD9]  }
0x89: {  	s3 =	sld [smem:$0x3FFE];
	_ =	sdelay $0x1  }
0x8a: {  	s1 =	srdreg.scid  }
0x8b: {  	s0 =	sand.u32 $0x1, s1  }
0x8c: {  	s14 =	sshll.u32 s0, $0xA;
	s2 =	sadd.s32 s3, s2  }
0x8d: {  	s2 =	sadd.s32 s2, s14  }
0x8e: {  	[smem:$0x3FC4] =	sst s2  }
0x8f: {  	_ = 	snop  }
0x90: {  	s2 =	sld [smem:$0x3FD0];
	_ =	sdelay $0x2  }
0x91: {  	s4 =	simm.s32 $0xA;
	s5 =	simm.s32 $0x10;
	s15 =	sld [smem:$0x3FC8]  }
0x92: {  	[smem:s5], [sflag:s4] =	dma.local [hbm:s2], $0x1  }
0x93: {  	_ =	swait.eq [sflag:s4], $0x1  }
0x94: {  	[sflag:s4] =	ssyncset.done $0x0  }
0x95: {  	[sflag:s4] =	ssyncadd.s32 $0xFFFFFFFF  }
0x96: {  	s16 =	sld [smem:$0x11];
	(tm) =	ssettm $0x1  }
0x97: {  	s17 =	sld [smem:$0x3FFB];
	_ =	sdelay $0x3  }
0x98: {  	_ =	strace s17  }
0x99: {  	s4 =	sld [smem:$0x3FFC];
	_ =	sdelay $0x3  }
0x9a: {  	_ =	strace s4  }
0x9b: {  	s4 =	sld [smem:$0x3FFD];
	_ =	sdelay $0x3  }
0x9c: {  	_ =	strace s4  }
0x9d: {  	_ =	strace $0x8FFFFFFF  }
0x9e: {  	s18 =	sld [smem:$0x3FDB];
	_ =	sdelay $0x1  }
0x9f: {  	s19 =	simm.s32 $_scs_section_size  }
0xa0: {  	s6 =	simm.s32 $_size__tile_overlayer_lowered;
	s7 =	simm.s32 $_tile_overlayer_lowered  }
0xa1: {  	s22 =	simm.s32 $0x1BFF;
	s21 =	sshll.u32 s7, $0x1;
	s4 =	sadd.s32 s19, s18  }
0xa2: {  	s8 =	simm.s32 $0x0;
	s20 =	sshll.u32 s6, $0x1;
	s6 =	sadd.s32 s21, s4  }
0xa3: {  	[timem:s8], [sflag:s22] =	dma.local [hbm:s6], s20  }
0xa4: {  	_ =	swait.ge [sflag:s22], s20  }
0xa5: {  	s5 =	ssub.s32 $0x0, s20;
	[sflag:s22] =	ssyncset.done $0x0  }
0xa6: {  	[sflag:s22] =	ssyncadd.s32 s5;
	_ =	sdelay $0x1  }
0xa7: {  	s23 =	simm.s32 $0x1B8B  }
0xa8: {  	_ =	swait.ge [sflag:s23], $0x1  }
0xa9: {  	[sflag:s23] =	ssyncset.done $0x0  }
0xaa: {  	s25 =	simm.s32 $0x1B8E;
	s24 =	sld [smem:$0x3FFE];
	[sflag:s23] =	ssyncadd.s32 $0xFFFFFFFF  }
0xab: {  	s26 =	simm.s32 $execute0_lowered;
	[smem:$0x3FD2] =	sst s25  }
0xac: {  	s6 =	sshll.u32 s26, $0x1;
	_ =	strace $0x80000046;
	[dreg:$0x1] =	wrdreg $0xFFFFFFFF  }
0xad: {  	s28 =	simm.s32 $_size_execute0_lowered;
	s4 =	sadd.s32 s4, s6;
	[dreg:$0x0] =	wrdreg $0x0  }
0xae: {  	s6 =	sshll.u32 s28, $0x1;
	[dreg:$0x2] =	wrdreg s4  }
0xaf: {  	[dreg:$0x3] =	wrdreg s6  }
0xb0: {  	[dreg:$0x4] =	wrdreg $0xC0  }
0xb1: {  	_ =	task [dreg:s8], $0x5FFFF  }
0xb2: {  	[dreg:$0x1] =	wrdreg $0xFFFFFFFF  }
0xb3: {  	[dreg:$0x0] =	wrdreg $0x60  }
0xb4: {  	[dreg:$0x2] =	wrdreg s15  }
0xb5: {  	[dreg:$0x3] =	wrdreg s16  }
0xb6: {  	[dreg:$0x4] =	wrdreg s24  }
0xb7: {  	[dreg:$0x5] =	wrdreg $0x9  }
0xb8: {  	_ =	task.clear_ibuf [dreg:s8], $0x6FFFF;
	_ =	strace $0x90000046  }
0xb9: {  	s29 =	simm.s32 $0x9;
	_ =	strace $0x80000048  }
0xba: {  	_ =	swait.ge [sflag:s29], $0x1  }
0xbb: {  	[sflag:s29] =	ssyncadd.s32 $0xFFFFFFFF  }
0xbc: {  	_ =	strace $0x90000048  }
0xbd: {  	_ =	sfence  }
0xbe: {  	s30 =	sld [smem:$0x0];
	_ =	sdelay $0x2  }
0xbf: {  	s31 =	sshll.u32 s1, $0xD;
	s1 =	sshrl.u32 s1, $0x2  }
0xc0: {  	s3 =	sand.u32 $0x4000, s31;
	s1 =	sadd.s32 s1, s30  }
0xc1: {  	s0 =	sor.u32 s3, s0;
	s1 =	sshll.u32 s1, $0x11  }
0xc2: {  	s0 =	sor.u32 s1, s0  }
0xc3: {  	s0 =	sadd.s32 $0x8F2B, s0  }
0xc4: {  	[sflag:s0] =	ssyncadd.remote.s32 $0x1  }
0xc5: {  	_ =	sfence.sel $0xFFFF  }
0xc6: {  	[dreg:$0x0] =	wrdreg $0xFFFFFFFF;
	(pc) =	sbr.abs _section_cstart, $3  }
0xc7: {  	[dreg:$0x1] =	wrdreg $0xFFFFFFFF  }
0xc8: {  	_ =	task.clear_ibuf [dreg:s8], $0x2FFFF;
	_ =	strace $0x9FFFFFFF  }
0xc9: {  	(tm) =	ssettm $0x7FFFFFFF  }
tec
execute0_lowered:
.L_overlay_start_1:
0x0: {  	(tag) =	ssettag $0x1  }
0x1: {  	s1 =	rddreg [dreg:$0x0];
	s15 =	stileid.u32  }
0x2: {  	s3 =	rddreg [dreg:$0x1];
	s0 =	srdreg.scid  }
0x3: {  	s4 =	rddreg [dreg:$0x2];
	s29 =	simm.s32 $0x10100;
	s30 =	simm.s32 $0x3  }
0x4: {  	s31 =	simm.s32 $0x5;
	s2 =	sshll.u32 s15, $0x1;
	s5 =	sand.u32 $0x1, s0  }
0x5: {  	s6 =	sshrl.u32 s15, $0x1;
	s18 =	sadd.s32 $0xADE00, s4;
	s26 =	sand.u32 $0x1, s15  }
0x6: {  	s14 =	sand.u32 $0x2, s2;
	s2 =	simm.s32 $0x0;
	s7 =	sshll.u32 s6, $0xA  }
0x7: {  	s8 =	sshll.u32 s6, $0xC;
	s10 =	sshll.u32 s6, $0xE;
	s11 =	ssub.s32 $0x2, s5  }
0x8: {  	s12 =	sshll.u32 s6, $0xB;
	s21 =	sshll.u32 s6, $0x13;
	s22 =	sshll.u32 s6, $0x10  }
0x9: {  	s23 =	sshll.u32 s6, $0xD;
	s15 =	sshll.u32 s5, $0x11;
	s9 =	sor.u32 s5, s14  }
0xa: {  	[smem:$0x7FF] =	sst s2;
	s16 =	sadd.s32 s8, s4;
	s10 =	sadd.s32 s10, s4  }
0xb: {  	s13 =	sshrl.u32 s11, $0x1;
	s8 =	sadd.s32 s3, s23;
	s0 =	sshll.u32 s9, $0x8  }
0xc: {  	_ =	strace $0x80000047;
	[dreg:$0x4] =	wrdreg s18;
	s14 =	sshll.u32 s9, $0xA  }
0xd: {  	s11 =	ssub.s32 s11, s13;
	s24 =	sshll.u32 s9, $0xC;
	s25 =	sshll.u32 s9, $0x9  }
0xe: {  	s13 =	sshll.u32 s26, $0x12;
	s0 =	sor.u32 s7, s0;
	s7 =	sadd.s32 s14, s16  }
0xf: {  	s14 =	sor.u32 s13, s21;
	s16 =	sshll.u32 s6, $0x16;
	s0 =	sshrl.u32 s0, $0x3  }
0x10: {  	s7 =	sadd.s32 $0x1E00, s7;
	s17 =	sadd.s32 s0, s4;
	s0 =	sadd.s32 $0xDE00, s4  }
0x11: {  	[dreg:$0x5] =	wrdreg s7;
	s7 =	sadd.s32 s1, s22;
	s19 =	sadd.s32 $0x1A00, s17  }
0x12: {  	s1 =	sadd.s32 s24, s10;
	s20 =	sadd.s32 $0x1A10, s17;
	[dreg:$0x6] =	wrdreg s19  }
0x13: {  	s4 =	sadd.s32 s12, s4;
	s1 =	sadd.s32 $0x8DE00, s1;
	[dreg:$0x7] =	wrdreg s20  }
0x14: {  	s10 =	sadd.s32 s25, s4;
	s17 =	sshll.u32 s26, $0x15;
	[dreg:$0x8] =	wrdreg s1  }
0x15: {  	s1 =	sadd.s32 $0x9E00, s10;
	s3 =	sor.u32 s17, s16;
	s19 =	sshll.u32 s5, $0x14  }
0x16: {  	s20 =	smax.u32 s11, $0x1;
	s5 =	simm.s32 $0x20;
	[dreg:$0x9] =	wrdreg s1  }
0x17: {  	s1 =	sor.u32 s15, s14;
	[dreg:$0xa] =	wrdreg s20;
	s3 =	sor.u32 s19, s3  }
0x18: {  	s18 =	sor.u32 $0x800, s1;
	s23 =	sor.u32 $0x4000, s3;
	s24 =	sor.u32 $0xA00, s1  }
0x19: {  	s26 =	sor.u32 $0x5000, s3;
	s9 =	sor.u32 $0xC00, s1;
	s10 =	sor.u32 $0x6000, s3  }
0x1a: {  	s11 =	sor.u32 $0xE00, s1;
	s14 =	sor.u32 $0x7000, s3;
	s15 =	sor.u32 $0x200, s1  }
0x1b: {  	s17 =	sor.u32 $0x400, s1;
	s28 =	sshrl.u32 s3, $0x3;
	s21 =	sshrl.u32 s18, $0x3  }
0x1c: {  	s4 =	sshrl.u32 s23, $0x3;
	s25 =	sshrl.u32 s24, $0x3;
	s6 =	sshrl.u32 s26, $0x3  }
0x1d: {  	s12 =	sshrl.u32 s10, $0x3;
	s13 =	sshrl.u32 s11, $0x3;
	s19 =	sshrl.u32 s14, $0x3  }
0x1e: {  	s16 =	sshrl.u32 s15, $0x3;
	s24 =	sor.u32 $0x1000, s3;
	s26 =	sor.u32 $0x3000, s3  }
0x1f: {  	s10 =	simm.s32 $0x13D00;
	s11 =	simm.s32 $0x12100;
	[dreg:$0xc] =	wrdreg s4  }
0x20: {  	s22 =	sadd.s32 s21, s0;
	s4 =	sadd.s32 s25, s0;
	[dreg:$0xe] =	wrdreg s6  }
0x21: {  	[dreg:$0x10] =	wrdreg s12;
	s18 =	sadd.s32 s13, s0;
	s20 =	sadd.s32 s16, s0  }
0x22: {  	s21 =	sshrl.u32 s17, $0x3;
	s24 =	sshrl.u32 s24, $0x3;
	s25 =	sor.u32 $0x2000, s3  }
0x23: {  	s26 =	sshrl.u32 s26, $0x3;
	s6 =	simm.s32 $0x13B00;
	[dreg:$0xb] =	wrdreg s22  }
0x24: {  	s3 =	simm.s32 $0x13F00;
	s13 =	simm.s32 $0x0;
	[dreg:$0xd] =	wrdreg s4  }
.Ltmp0:
0x25: {  	s4 =	sshrl.u32 s9, $0x3;
	s22 =	sor.u32 $0x600, s1;
	(pc) =	sbr.rel .LBB2_1-.Ltmp0, $4  }
0x26: {  	s21 =	sadd.s32 s21, s0;
	s1 =	sshrl.u32 s1, $0x3;
	s25 =	sshrl.u32 s25, $0x3  }
0x27: {  	s9 =	simm.s32 $0x11100;
	s4 =	sadd.s32 s4, s0;
	s23 =	sshrl.u32 s22, $0x3  }
0x28: {  	[dreg:$0xf] =	wrdreg s4;
	s22 =	sadd.s32 s23, s0;
	s23 =	sadd.s32 s1, s0  }
0x29: {  	s1 =	simm.s32 $0xF100;
	s4 =	simm.s32 $0x13900;
	s0 =	simm.s32 $0x2  }
.LBB2_4:
0x2a: {  	s12 =	simm.s32 $0x4  }
0x2b: {  	_ =	swait.ge [sflag:s12], $0x1000  }
0x2c: {  	[sflag:s12] =	ssyncset.done $0x0  }
0x2d: {  	[sflag:s12] =	ssyncadd.s32 $0xFFFFF000  }
0x2e: {  	_ =	swait.ge [sflag:s12], $0x200  }
0x2f: {  	[sflag:s12] =	ssyncset.done $0x0  }
0x30: {  	[sflag:s12] =	ssyncadd.s32 $0xFFFFFE00  }
0x31: {  	_ =	swait.ge [sflag:s12], $0x1000  }
0x32: {  	[sflag:s12] =	ssyncset.done $0x0  }
0x33: {  	[sflag:s12] =	ssyncadd.s32 $0xFFFFF000  }
0x34: {  	_ =	swait.ge [sflag:s12], $0x200  }
0x35: {  	[sflag:s12] =	ssyncset.done $0x0  }
0x36: {  	[sflag:s12] =	ssyncadd.s32 $0xFFFFFE00  }
0x37: {  	_ =	swait.ge [sflag:s12], $0x1000  }
0x38: {  	[sflag:s12] =	ssyncset.done $0x0  }
0x39: {  	[sflag:s12] =	ssyncadd.s32 $0xFFFFF000  }
0x3a: {  	_ =	swait.ge [sflag:s12], $0x200  }
0x3b: {  	[sflag:s12] =	ssyncset.done $0x0  }
0x3c: {  	[sflag:s12] =	ssyncadd.s32 $0xFFFFFE00  }
0x3d: {  	_ =	swait.ge [sflag:s12], $0x1000  }
0x3e: {  	[sflag:s12] =	ssyncset.done $0x0  }
0x3f: {  	[sflag:s12] =	ssyncadd.s32 $0xFFFFF000  }
0x40: {  	_ =	swait.ge [sflag:s12], $0x200  }
0x41: {  	[sflag:s12] =	ssyncset.done $0x0  }
0x42: {  	[sflag:s12] =	ssyncadd.s32 $0xFFFFFE00  }
0x43: {  	_ =	swait.ge [sflag:s31], $0x1000  }
0x44: {  	[sflag:s31] =	ssyncset.done $0x0  }
0x45: {  	[sflag:s31] =	ssyncadd.s32 $0xFFFFF000  }
0x46: {  	_ =	swait.ge [sflag:s31], $0x200  }
0x47: {  	[sflag:s31] =	ssyncset.done $0x0  }
0x48: {  	[sflag:s31] =	ssyncadd.s32 $0xFFFFFE00  }
0x49: {  	_ =	swait.ge [sflag:s31], $0x1000  }
0x4a: {  	[sflag:s31] =	ssyncset.done $0x0  }
0x4b: {  	[sflag:s31] =	ssyncadd.s32 $0xFFFFF000  }
0x4c: {  	_ =	swait.ge [sflag:s31], $0x200  }
0x4d: {  	[sflag:s31] =	ssyncset.done $0x0  }
0x4e: {  	[sflag:s31] =	ssyncadd.s32 $0xFFFFFE00  }
0x4f: {  	_ =	swait.ge [sflag:s31], $0x1000  }
0x50: {  	[sflag:s31] =	ssyncset.done $0x0  }
0x51: {  	[sflag:s31] =	ssyncadd.s32 $0xFFFFF000  }
0x52: {  	_ =	swait.ge [sflag:s31], $0x200  }
0x53: {  	[sflag:s31] =	ssyncset.done $0x0  }
0x54: {  	[sflag:s31] =	ssyncadd.s32 $0xFFFFFE00  }
0x55: {  	_ =	swait.ge [sflag:s31], $0x1000  }
0x56: {  	[sflag:s31] =	ssyncset.done $0x0  }
0x57: {  	[sflag:s31] =	ssyncadd.s32 $0xFFFFF000  }
0x58: {  	_ =	swait.ge [sflag:s31], $0x200  }
0x59: {  	s13 =	rddreg [dreg:$0x11]  }
0x5a: {  	s17 =	rddreg [dreg:$0xa];
	s13 =	sadd.s32 $0x1, s13  }
0x5b: {  	p0 =	sne.s32 s13, s17  }
.Ltmp1:
0x5c: {  	_ = 	snop;
	(pc) =	sbr.rel @!p0 .LBB2_5-.Ltmp1, $3  }
0x5d: {  	_ =	sdelay $0x1  }
0x5e: {  	[sflag:s31] =	ssyncset.done $0x0  }
0x5f: {  	[sflag:s31] =	ssyncadd.s32 $0xFFFFFE00  }
.LBB2_1:
0x60: {  	[dreg:$0x11] =	wrdreg s13  }
0x61: {  	s12 =	rddreg [dreg:$0x5];
	s13 =	simm.s32 $0x6  }
0x62: {  	[tilespmem:s2], [sflag:$0x6] =	stream.linear.gather [hbm4b:s12+s2], $0x2000, $0x38;
	[tilespmem:$0x14100] =	vst v63  }
0x63: {  	_ =	swait.ge [sflag:s13], $0x2000  }
0x64: {  	[sflag:s13] =	ssyncset.done $0x0  }
0x65: {  	s14 =	simm.s32 $0x2000;
	s16 =	rddreg [dreg:$0x6];
	[sflag:s13] =	ssyncadd.s32 $0xFFFFE000  }
0x66: {  	[tilespmem:s14], [sflag:$0x6] =	stream.linear.gather [hbm4b:s16+s2], $0x80, $0x38;
	[tilespmem:$0x14100] =	vst v63  }
0x67: {  	_ =	swait.ge [sflag:s13], $0x80  }
0x68: {  	[sflag:s13] =	ssyncset.done $0x0  }
0x69: {  	s15 =	simm.s32 $0x2080;
	s17 =	rddreg [dreg:$0x7];
	[sflag:s13] =	ssyncadd.s32 $0xFFFFFF80  }
0x6a: {  	[tilespmem:s15], [sflag:$0x6] =	stream.linear.gather [hbm4b:s17+s2], $0x80, $0x38;
	[tilespmem:$0x14100] =	vst v63  }
0x6b: {  	_ =	swait.ge [sflag:s13], $0x80  }
0x6c: {  	[sflag:s13] =	ssyncset.done $0x0  }
0x6d: {  	s16 =	simm.s32 $0x80;
	s17 =	simm.s32 $0x2100;
	[sflag:s13] =	ssyncadd.s32 $0xFFFFFF80  }
0x6e: {  	[tilespmem:s17], [sflag:$0x1] =	stream.indirect.gather [hbm4b:s7+s16], $0x80, s14, s16, $0xb8;
	[tilespmem:$0x14100] =	vst v63  }
0x6f: {  	s12 =	simm.s32 $0xA100  }
0x70: {  	[tilespmem:s12], [sflag:$0x1] =	stream.indirect.gather [hbm4b:s8+s16], $0x10, s14, s16, $0xb8;
	[tilespmem:$0x14100] =	vst v63  }
0x71: {  	s12 =	simm.s32 $0x6100  }
0x72: {  	[tilespmem:s12], [sflag:$0x1] =	stream.indirect.gather [hbm4b:s7+s16], $0x80, s15, s16, $0xb8;
	[tilespmem:$0x14100] =	vst v63  }
0x73: {  	s12 =	simm.s32 $0xA900  }
0x74: {  	[tilespmem:s12], [sflag:$0x1] =	stream.indirect.gather [hbm4b:s8+s16], $0x10, s15, s16, $0xb8;
	[tilespmem:$0x14100] =	vst v63  }
0x75: {  	s15 =	simm.s32 $0x1  }
0x76: {  	_ =	swait.ge [sflag:s15], $0x4000  }
0x77: {  	[sflag:s15] =	ssyncset.done $0x0  }
0x78: {  	[sflag:s15] =	ssyncadd.s32 $0xFFFFC000  }
0x79: {  	_ =	swait.ge [sflag:s15], $0x800  }
0x7a: {  	[sflag:s15] =	ssyncset.done $0x0  }
0x7b: {  	[sflag:s15] =	ssyncadd.s32 $0xFFFFF800  }
0x7c: {  	_ =	swait.ge [sflag:s15], $0x4000  }
0x7d: {  	[sflag:s15] =	ssyncset.done $0x0  }
0x7e: {  	[sflag:s15] =	ssyncadd.s32 $0xFFFFC000  }
0x7f: {  	_ =	swait.ge [sflag:s15], $0x800  }
0x80: {  	[sflag:s15] =	ssyncset.done $0x0  }
0x81: {  	[sflag:s15] =	ssyncadd.s32 $0xFFFFF800;
	s15 =	rddreg [dreg:$0x8]  }
0x82: {  	[hbm4b:s15+s2] =	stream.linear.scatter [tilespmem:s17], [sflag:$0x6], $0x8000, $0x38;
	[tilespmem:$0x14100] =	vst v63  }
0x83: {  	_ =	swait.ge [sflag:s13], $0x8000  }
0x84: {  	[sflag:s13] =	ssyncset.done $0x0  }
0x85: {  	s14 =	simm.s32 $0xA100;
	s17 =	rddreg [dreg:$0x9];
	[sflag:s13] =	ssyncadd.s32 $0xFFFF8000  }
0x86: {  	[hbm4b:s17+s2] =	stream.linear.scatter [tilespmem:s14], [sflag:$0x6], $0x1000, $0x38;
	[tilespmem:$0x14100] =	vst v63  }
0x87: {  	_ =	swait.ge [sflag:s13], $0x1000  }
0x88: {  	[sflag:s13] =	ssyncset.done $0x0  }
0x89: {  	s15 =	simm.s32 $0xB100;
	[sflag:s13] =	ssyncadd.s32 $0xFFFFF000  }
0x8a: {  	[tilespmem:s15], [sflag:$0x2] =	stream.indirect.gather [hbm4b:s7+s5], $0x80, s2, s5, $0xb8;
	[tilespmem:$0x14100] =	vst v63  }
0x8b: {  	s17 =	simm.s32 $0x13100  }
0x8c: {  	[tilespmem:s17], [sflag:$0x2] =	stream.indirect.gather [hbm4b:s8+s5], $0x10, s2, s5, $0xb8;
	[tilespmem:$0x14100] =	vst v63  }
0x8d: {  	s13 =	simm.s32 $0xC100  }
0x8e: {  	[tilespmem:s13], [sflag:$0x2] =	stream.indirect.gather [hbm4b:s7+s5], $0x80, s5, s5, $0xb8;
	[tilespmem:$0x14100] =	vst v63  }
0x8f: {  	s14 =	simm.s32 $0x13300  }
0x90: {  	[tilespmem:s14], [sflag:$0x2] =	stream.indirect.gather [hbm4b:s8+s5], $0x10, s5, s5, $0xb8;
	[tilespmem:$0x14100] =	vst v63  }
0x91: {  	s15 =	simm.s32 $0x40;
	s17 =	simm.s32 $0xD100  }
0x92: {  	[tilespmem:s17], [sflag:$0x2] =	stream.indirect.gather [hbm4b:s7+s5], $0x80, s15, s5, $0xb8;
	[tilespmem:$0x14100] =	vst v63  }
0x93: {  	s14 =	simm.s32 $0x13500  }
0x94: {  	[tilespmem:s14], [sflag:$0x2] =	stream.indirect.gather [hbm4b:s8+s5], $0x10, s15, s5, $0xb8;
	[tilespmem:$0x14100] =	vst v63  }
0x95: {  	s17 =	simm.s32 $0xE100;
	s15 =	simm.s32 $0x60  }
0x96: {  	[tilespmem:s17], [sflag:$0x2] =	stream.indirect.gather [hbm4b:s7+s5], $0x80, s15, s5, $0xb8;
	[tilespmem:$0x14100] =	vst v63  }
0x97: {  	s14 =	simm.s32 $0x13700  }
0x98: {  	[tilespmem:s14], [sflag:$0x2] =	stream.indirect.gather [hbm4b:s8+s5], $0x10, s15, s5, $0xb8;
	[tilespmem:$0x14100] =	vst v63  }
0x99: {  	_ = 	snop  }
0x9a: {  	[tilespmem:s1], [sflag:$0x3] =	stream.indirect.gather [hbm4b:s7+s5], $0x80, s16, s5, $0xb8;
	[tilespmem:$0x14100] =	vst v63  }
0x9b: {  	_ = 	snop  }
0x9c: {  	[tilespmem:s4], [sflag:$0x3] =	stream.indirect.gather [hbm4b:s8+s5], $0x10, s16, s5, $0xb8;
	[tilespmem:$0x14100] =	vst v63  }
0x9d: {  	s15 =	simm.s32 $0xA0  }
0x9e: {  	[tilespmem:s29], [sflag:$0x3] =	stream.indirect.gather [hbm4b:s7+s5], $0x80, s15, s5, $0xb8;
	[tilespmem:$0x14100] =	vst v63  }
0x9f: {  	_ = 	snop  }
0xa0: {  	[tilespmem:s6], [sflag:$0x3] =	stream.indirect.gather [hbm4b:s8+s5], $0x10, s15, s5, $0xb8;
	[tilespmem:$0x14100] =	vst v63  }
0xa1: {  	s16 =	simm.s32 $0xC0  }
0xa2: {  	[tilespmem:s9], [sflag:$0x3] =	stream.indirect.gather [hbm4b:s7+s5], $0x80, s16, s5, $0xb8;
	[tilespmem:$0x14100] =	vst v63  }
0xa3: {  	_ = 	snop  }
0xa4: {  	[tilespmem:s10], [sflag:$0x3] =	stream.indirect.gather [hbm4b:s8+s5], $0x10, s16, s5, $0xb8;
	[tilespmem:$0x14100] =	vst v63  }
0xa5: {  	s17 =	simm.s32 $0xE0  }
0xa6: {  	[tilespmem:s11], [sflag:$0x3] =	stream.indirect.gather [hbm4b:s7+s5], $0x80, s17, s5, $0xb8;
	[tilespmem:$0x14100] =	vst v63  }
0xa7: {  	s12 =	simm.s32 $0x100;
	s13 =	rddreg [dreg:$0x4];
	s14 =	simm.s32 $0x0  }
0xa8: {  	[tilespmem:s3], [sflag:$0x3] =	stream.indirect.gather [hbm4b:s8+s5], $0x10, s17, s5, $0xb8;
	[tilespmem:$0x14100] =	vst v63  }
.LBB2_2:
0xa9: {  	_ =	swait.ge [sflag:s0], $0x1000  }
0xaa: {  	[sflag:s0] =	ssyncset.done $0x0  }
0xab: {  	[sflag:s0] =	ssyncadd.s32 $0xFFFFF000  }
0xac: {  	_ =	swait.ge [sflag:s0], $0x200  }
0xad: {  	[sflag:s0] =	ssyncset.done $0x0  }
0xae: {  	[sflag:s0] =	ssyncadd.s32 $0xFFFFFE00  }
0xaf: {  	_ =	swait.ge [sflag:s0], $0x1000  }
0xb0: {  	[sflag:s0] =	ssyncset.done $0x0  }
0xb1: {  	[sflag:s0] =	ssyncadd.s32 $0xFFFFF000  }
0xb2: {  	_ =	swait.ge [sflag:s0], $0x200  }
0xb3: {  	[sflag:s0] =	ssyncset.done $0x0  }
0xb4: {  	[sflag:s0] =	ssyncadd.s32 $0xFFFFFE00  }
0xb5: {  	_ =	swait.ge [sflag:s0], $0x1000  }
0xb6: {  	[sflag:s0] =	ssyncset.done $0x0  }
0xb7: {  	[sflag:s0] =	ssyncadd.s32 $0xFFFFF000  }
0xb8: {  	_ =	swait.ge [sflag:s0], $0x200  }
0xb9: {  	[sflag:s0] =	ssyncset.done $0x0  }
0xba: {  	[sflag:s0] =	ssyncadd.s32 $0xFFFFFE00  }
0xbb: {  	_ =	swait.ge [sflag:s0], $0x1000  }
0xbc: {  	[sflag:s0] =	ssyncset.done $0x0  }
0xbd: {  	[sflag:s0] =	ssyncadd.s32 $0xFFFFF000  }
0xbe: {  	_ =	swait.ge [sflag:s0], $0x200  }
0xbf: {  	[sflag:s0] =	ssyncset.done $0x0  }
0xc0: {  	s15 =	sadd.s32 s13, s28;
	s16 =	simm.s32 $0xB100;
	[sflag:s0] =	ssyncadd.s32 $0xFFFFFE00  }
0xc1: {  	[hbm4b:s15+s2] =	stream.linear.scatter [tilespmem:s16], [sflag:$0x4], $0x1000, $0x38;
	[tilespmem:$0x14100] =	vst v63  }
0xc2: {  	s17 =	simm.s32 $0x13100;
	s16 =	sadd.s32 s14, s23  }
0xc3: {  	[hbm4b:s16+s2] =	stream.linear.scatter [tilespmem:s17], [sflag:$0x4], $0x200, $0x38;
	[tilespmem:$0x14100] =	vst v63  }
0xc4: {  	s16 =	sadd.s32 s13, s24;
	s17 =	simm.s32 $0xC100  }
0xc5: {  	[hbm4b:s16+s2] =	stream.linear.scatter [tilespmem:s17], [sflag:$0x4], $0x1000, $0x38;
	[tilespmem:$0x14100] =	vst v63  }
0xc6: {  	s16 =	sadd.s32 s14, s20;
	s17 =	simm.s32 $0x13300  }
0xc7: {  	[hbm4b:s16+s2] =	stream.linear.scatter [tilespmem:s17], [sflag:$0x4], $0x200, $0x38;
	[tilespmem:$0x14100] =	vst v63  }
0xc8: {  	s16 =	sadd.s32 s13, s25;
	s17 =	simm.s32 $0xD100  }
0xc9: {  	[hbm4b:s16+s2] =	stream.linear.scatter [tilespmem:s17], [sflag:$0x4], $0x1000, $0x38;
	[tilespmem:$0x14100] =	vst v63  }
0xca: {  	s16 =	sadd.s32 s14, s21;
	s17 =	simm.s32 $0x13500  }
0xcb: {  	[hbm4b:s16+s2] =	stream.linear.scatter [tilespmem:s17], [sflag:$0x4], $0x200, $0x38;
	[tilespmem:$0x14100] =	vst v63  }
0xcc: {  	p0 =	seq.s32 s14, $0x3E00;
	s16 =	sadd.s32 s13, s26;
	s17 =	simm.s32 $0xE100  }
0xcd: {  	[hbm4b:s16+s2] =	stream.linear.scatter [tilespmem:s17], [sflag:$0x4], $0x1000, $0x38;
	[tilespmem:$0x14100] =	vst v63  }
0xce: {  	s15 =	simm.s32 @!p0 $0x4;
	s16 =	sadd.s32 s14, s22;
	s17 =	simm.s32 $0x13700  }
0xcf: {  	[hbm4b:s16+s2] =	stream.linear.scatter [tilespmem:s17], [sflag:$0x4], $0x200, $0x38;
	[tilespmem:$0x14100] =	vst v63  }
0xd0: {  	_ =	swait.ge @!p0 [sflag:s15], $0x1000  }
0xd1: {  	[sflag:s15] =	ssyncset.done @!p0 $0x0  }
0xd2: {  	[sflag:s15] =	ssyncadd.s32 @!p0 $0xFFFFF000  }
0xd3: {  	_ =	swait.ge @!p0 [sflag:s15], $0x200  }
0xd4: {  	[sflag:s15] =	ssyncset.done @!p0 $0x0  }
0xd5: {  	[sflag:s15] =	ssyncadd.s32 @!p0 $0xFFFFFE00  }
0xd6: {  	_ =	swait.ge @!p0 [sflag:s15], $0x1000  }
0xd7: {  	[sflag:s15] =	ssyncset.done @!p0 $0x0  }
0xd8: {  	[sflag:s15] =	ssyncadd.s32 @!p0 $0xFFFFF000  }
0xd9: {  	_ =	swait.ge @!p0 [sflag:s15], $0x200  }
0xda: {  	[sflag:s15] =	ssyncset.done @!p0 $0x0  }
0xdb: {  	[sflag:s15] =	ssyncadd.s32 @!p0 $0xFFFFFE00  }
0xdc: {  	_ =	swait.ge @!p0 [sflag:s15], $0x1000  }
0xdd: {  	[sflag:s15] =	ssyncset.done @!p0 $0x0  }
0xde: {  	[sflag:s15] =	ssyncadd.s32 @!p0 $0xFFFFF000  }
0xdf: {  	_ =	swait.ge @!p0 [sflag:s15], $0x200  }
0xe0: {  	[sflag:s15] =	ssyncset.done @!p0 $0x0  }
0xe1: {  	[sflag:s15] =	ssyncadd.s32 @!p0 $0xFFFFFE00  }
0xe2: {  	_ =	swait.ge @!p0 [sflag:s15], $0x1000  }
0xe3: {  	[sflag:s15] =	ssyncset.done @!p0 $0x0  }
0xe4: {  	[sflag:s15] =	ssyncadd.s32 @!p0 $0xFFFFF000  }
0xe5: {  	_ =	swait.ge @!p0 [sflag:s15], $0x200  }
0xe6: {  	[sflag:s15] =	ssyncset.done @!p0 $0x0  }
0xe7: {  	s16 =	simm.s32 @!p0 $0xB100;
	[sflag:s15] =	ssyncadd.s32 @!p0 $0xFFFFFE00;
	s15 =	simm.s32 @!p0 $0x20  }
0xe8: {  	[tilespmem:s16], [sflag:$0x2] =	stream.indirect.gather @!p0 [hbm4b:s7+s15], $0x80, s12, s15, $0xb8;
	[tilespmem:$0x14100] =	vst v63  }
0xe9: {  	s16 =	simm.s32 @!p0 $0x13100  }
0xea: {  	[tilespmem:s16], [sflag:$0x2] =	stream.indirect.gather @!p0 [hbm4b:s8+s15], $0x10, s12, s15, $0xb8;
	[tilespmem:$0x14100] =	vst v63  }
0xeb: {  	s17 =	simm.s32 @!p0 $0xC100;
	s16 =	sadd.s32 @!p0 $0x20, s12  }
0xec: {  	[tilespmem:s17], [sflag:$0x2] =	stream.indirect.gather @!p0 [hbm4b:s7+s15], $0x80, s16, s15, $0xb8;
	[tilespmem:$0x14100] =	vst v63  }
0xed: {  	s17 =	simm.s32 @!p0 $0x13300  }
0xee: {  	[tilespmem:s17], [sflag:$0x2] =	stream.indirect.gather @!p0 [hbm4b:s8+s15], $0x10, s16, s15, $0xb8;
	[tilespmem:$0x14100] =	vst v63  }
0xef: {  	s16 =	sadd.s32 @!p0 $0x40, s12;
	s17 =	simm.s32 @!p0 $0xD100  }
0xf0: {  	[tilespmem:s17], [sflag:$0x2] =	stream.indirect.gather @!p0 [hbm4b:s7+s15], $0x80, s16, s15, $0xb8;
	[tilespmem:$0x14100] =	vst v63  }
0xf1: {  	s17 =	simm.s32 @!p0 $0x13500  }
0xf2: {  	[tilespmem:s17], [sflag:$0x2] =	stream.indirect.gather @!p0 [hbm4b:s8+s15], $0x10, s16, s15, $0xb8;
	[tilespmem:$0x14100] =	vst v63  }
0xf3: {  	s16 =	sadd.s32 @!p0 $0x60, s12;
	s17 =	simm.s32 @!p0 $0xE100  }
0xf4: {  	[tilespmem:s17], [sflag:$0x2] =	stream.indirect.gather @!p0 [hbm4b:s7+s15], $0x80, s16, s15, $0xb8;
	[tilespmem:$0x14100] =	vst v63  }
0xf5: {  	s17 =	simm.s32 @!p0 $0x13700  }
0xf6: {  	[tilespmem:s17], [sflag:$0x2] =	stream.indirect.gather @!p0 [hbm4b:s8+s15], $0x10, s16, s15, $0xb8;
	[tilespmem:$0x14100] =	vst v63  }
0xf7: {  	_ =	swait.ge [sflag:s30], $0x1000  }
0xf8: {  	[sflag:s30] =	ssyncset.done $0x0  }
0xf9: {  	[sflag:s30] =	ssyncadd.s32 $0xFFFFF000  }
0xfa: {  	_ =	swait.ge [sflag:s30], $0x200  }
0xfb: {  	[sflag:s30] =	ssyncset.done $0x0  }
0xfc: {  	[sflag:s30] =	ssyncadd.s32 $0xFFFFFE00  }
0xfd: {  	_ =	swait.ge [sflag:s30], $0x1000  }
0xfe: {  	[sflag:s30] =	ssyncset.done $0x0  }
0xff: {  	[sflag:s30] =	ssyncadd.s32 $0xFFFFF000  }
0x100: {  	_ =	swait.ge [sflag:s30], $0x200  }
0x101: {  	[sflag:s30] =	ssyncset.done $0x0  }
0x102: {  	[sflag:s30] =	ssyncadd.s32 $0xFFFFFE00  }
0x103: {  	_ =	swait.ge [sflag:s30], $0x1000  }
0x104: {  	[sflag:s30] =	ssyncset.done $0x0  }
0x105: {  	[sflag:s30] =	ssyncadd.s32 $0xFFFFF000  }
0x106: {  	_ =	swait.ge [sflag:s30], $0x200  }
0x107: {  	[sflag:s30] =	ssyncset.done $0x0  }
0x108: {  	[sflag:s30] =	ssyncadd.s32 $0xFFFFFE00  }
0x109: {  	_ =	swait.ge [sflag:s30], $0x1000  }
0x10a: {  	[sflag:s30] =	ssyncset.done $0x0  }
0x10b: {  	[sflag:s30] =	ssyncadd.s32 $0xFFFFF000  }
0x10c: {  	_ =	swait.ge [sflag:s30], $0x200  }
0x10d: {  	[sflag:s30] =	ssyncset.done $0x0;
	s16 =	rddreg [dreg:$0xc]  }
0x10e: {  	s17 =	rddreg [dreg:$0xb];
	[sflag:s30] =	ssyncadd.s32 $0xFFFFFE00;
	s15 =	sadd.s32 s13, s16  }
0x10f: {  	[hbm4b:s15+s2] =	stream.linear.scatter [tilespmem:s1], [sflag:$0x5], $0x1000, $0x38;
	[tilespmem:$0x14100] =	vst v63  }
0x110: {  	s16 =	rddreg [dreg:$0xe];
	s15 =	sadd.s32 s14, s17  }
0x111: {  	[hbm4b:s15+s2] =	stream.linear.scatter [tilespmem:s4], [sflag:$0x5], $0x200, $0x38;
	[tilespmem:$0x14100] =	vst v63  }
0x112: {  	s17 =	rddreg [dreg:$0xd];
	s15 =	sadd.s32 s13, s16  }
0x113: {  	[hbm4b:s15+s2] =	stream.linear.scatter [tilespmem:s29], [sflag:$0x5], $0x1000, $0x38;
	[tilespmem:$0x14100] =	vst v63  }
0x114: {  	s16 =	rddreg [dreg:$0x10];
	s15 =	sadd.s32 s14, s17  }
0x115: {  	[hbm4b:s15+s2] =	stream.linear.scatter [tilespmem:s6], [sflag:$0x5], $0x200, $0x38;
	[tilespmem:$0x14100] =	vst v63  }
0x116: {  	s17 =	rddreg [dreg:$0xf];
	s15 =	sadd.s32 s13, s16  }
0x117: {  	[hbm4b:s15+s2] =	stream.linear.scatter [tilespmem:s9], [sflag:$0x5], $0x1000, $0x38;
	[tilespmem:$0x14100] =	vst v63  }
0x118: {  	s15 =	sadd.s32 s14, s17  }
0x119: {  	[hbm4b:s15+s2] =	stream.linear.scatter [tilespmem:s10], [sflag:$0x5], $0x200, $0x38;
	[tilespmem:$0x14100] =	vst v63  }
.Ltmp2:
0x11a: {  	_ = 	snop;
	(pc) =	sbr.rel @p0 .LBB2_4-.Ltmp2, $4  }
0x11b: {  	s16 =	sadd.s32 s13, s19  }
0x11c: {  	[hbm4b:s16+s2] =	stream.linear.scatter [tilespmem:s11], [sflag:$0x5], $0x1000, $0x38;
	[tilespmem:$0x14100] =	vst v63  }
0x11d: {  	s17 =	sadd.s32 s14, s18  }
0x11e: {  	[hbm4b:s17+s2] =	stream.linear.scatter [tilespmem:s3], [sflag:$0x5], $0x200, $0x38;
	[tilespmem:$0x14100] =	vst v63  }
0x11f: {  	_ =	swait.ge [sflag:s31], $0x1000  }
0x120: {  	[sflag:s31] =	ssyncset.done $0x0  }
0x121: {  	[sflag:s31] =	ssyncadd.s32 $0xFFFFF000  }
0x122: {  	_ =	swait.ge [sflag:s31], $0x200  }
0x123: {  	[sflag:s31] =	ssyncset.done $0x0  }
0x124: {  	[sflag:s31] =	ssyncadd.s32 $0xFFFFFE00  }
0x125: {  	_ =	swait.ge [sflag:s31], $0x1000  }
0x126: {  	[sflag:s31] =	ssyncset.done $0x0  }
0x127: {  	[sflag:s31] =	ssyncadd.s32 $0xFFFFF000  }
0x128: {  	_ =	swait.ge [sflag:s31], $0x200  }
0x129: {  	[sflag:s31] =	ssyncset.done $0x0  }
0x12a: {  	[sflag:s31] =	ssyncadd.s32 $0xFFFFFE00  }
0x12b: {  	_ =	swait.ge [sflag:s31], $0x1000  }
0x12c: {  	[sflag:s31] =	ssyncset.done $0x0  }
0x12d: {  	[sflag:s31] =	ssyncadd.s32 $0xFFFFF000  }
0x12e: {  	_ =	swait.ge [sflag:s31], $0x200  }
0x12f: {  	[sflag:s31] =	ssyncset.done $0x0  }
0x130: {  	[sflag:s31] =	ssyncadd.s32 $0xFFFFFE00  }
0x131: {  	_ =	swait.ge [sflag:s31], $0x1000  }
0x132: {  	[sflag:s31] =	ssyncset.done $0x0  }
0x133: {  	[sflag:s31] =	ssyncadd.s32 $0xFFFFF000  }
0x134: {  	_ =	swait.ge [sflag:s31], $0x200  }
0x135: {  	[sflag:s31] =	ssyncset.done $0x0  }
0x136: {  	s15 =	sadd.s32 $0x80, s12;
	[sflag:s31] =	ssyncadd.s32 $0xFFFFFE00  }
0x137: {  	[tilespmem:s1], [sflag:$0x3] =	stream.indirect.gather [hbm4b:s7+s5], $0x80, s15, s5, $0xb8;
	[tilespmem:$0x14100] =	vst v63  }
0x138: {  	_ = 	snop  }
0x139: {  	[tilespmem:s4], [sflag:$0x3] =	stream.indirect.gather [hbm4b:s8+s5], $0x10, s15, s5, $0xb8;
	[tilespmem:$0x14100] =	vst v63  }
0x13a: {  	s17 =	sadd.s32 $0xA0, s12  }
0x13b: {  	[tilespmem:s29], [sflag:$0x3] =	stream.indirect.gather [hbm4b:s7+s5], $0x80, s17, s5, $0xb8;
	[tilespmem:$0x14100] =	vst v63  }
0x13c: {  	_ = 	snop  }
0x13d: {  	[tilespmem:s6], [sflag:$0x3] =	stream.indirect.gather [hbm4b:s8+s5], $0x10, s17, s5, $0xb8;
	[tilespmem:$0x14100] =	vst v63  }
0x13e: {  	s16 =	sadd.s32 $0xC0, s12  }
0x13f: {  	[tilespmem:s9], [sflag:$0x3] =	stream.indirect.gather [hbm4b:s7+s5], $0x80, s16, s5, $0xb8;
	[tilespmem:$0x14100] =	vst v63  }
0x140: {  	_ = 	snop  }
0x141: {  	[tilespmem:s10], [sflag:$0x3] =	stream.indirect.gather [hbm4b:s8+s5], $0x10, s16, s5, $0xb8;
	[tilespmem:$0x14100] =	vst v63  }
.Ltmp3:
0x142: {  	_ = 	snop;
	(pc) =	sbr.rel .LBB2_2-.Ltmp3, $4  }
0x143: {  	s17 =	sadd.s32 $0xE0, s12  }
0x144: {  	[tilespmem:s11], [sflag:$0x3] =	stream.indirect.gather [hbm4b:s7+s5], $0x80, s17, s5, $0xb8;
	[tilespmem:$0x14100] =	vst v63  }
0x145: {  	s14 =	sadd.s32 $0x200, s14;
	s13 =	sadd.s32 $0x1000, s13;
	s12 =	sadd.s32 $0x100, s12  }
0x146: {  	[tilespmem:s3], [sflag:$0x3] =	stream.indirect.gather [hbm4b:s8+s5], $0x10, s17, s5, $0xb8;
	[tilespmem:$0x14100] =	vst v63  }
.LBB2_5:
0x147: {  	_ =	sfence.sel $0x180000  }
0x148: {  	[bflag:$0x0] =	sbarrier.arrive $0xFFFF  }
0x149: {  	_ =	strace $0x90000047  }
0x14a: {  	s0 =	stileid.u32;
	[bflag:$0x2] =	sbarrier.arrive $0xFFFF  }
0x14b: {  	p0 =	sne.s32 s0, $0x0;
	s0 =	rddreg [dreg:$0x3]  }
0x14c: {  	s0 =	sadd.s32 @!p0 $0x100000, s0  }
0x14d: {  	[sflag:s0] =	ssyncadd.tile.s32 @!p0 $0x1;
	_ =	shalt  }
.Lfunc_end2:
_tile_overlayer_lowered:
.L_overlay_start_2:
0x14e: {  	(tag) =	ssettag $0x2  }
0x14f: {  	s0 =	rddreg [dreg:$0x0];
	s2 =	stileid.u32  }
0x150: {  	s1 =	rddreg [dreg:$0x1];
	p0 =	sne.s32 s2, $0x0  }
0x151: {  	s3 =	rddreg [dreg:$0x2];
	[bflag:$0x3] =	sbarrier.arrive $0xFFFF;
	s2 =	simm.s32 @!p0 $0x1C06  }
0x152: {  	[timem:s3], [sflag:s2] =	dma.local @!p0 [hbm:s0], s1  }
0x153: {  	s0 =	simm.s32 @!p0 $0x6  }
0x154: {  	_ =	swait.ge @!p0 [sflag:s0], s1  }
0x155: {  	s1 =	ssub.s32 @!p0 $0x0, s1;
	[sflag:s0] =	ssyncset.done @!p0 $0x0  }
0x156: {  	[sflag:s0] =	ssyncadd.s32 @!p0 s1  }
0x157: {  	[bflag:$0x3] =	sbarrier.arrive $0xFFFF  }
0x158: {  	_ =	shalt  }

</sc_bundles>
